<compile_context>
chip_gen: v7x
topology: tpu7x:2x2x1
jax: 0.10.2.dev20260603
libtpu: 0.0.44.dev20260713+nightly
codegen_flags: <defaults>
</compile_context>

<pallas_src>
import functools

import jax
import jax.numpy as jnp
from jax import lax
from jax.experimental import pallas as pl
from jax.experimental.pallas import tpu as pltpu
from jax.experimental.pallas import tpu_sc as plsc

N = 10000
E = 160000
HID = 128
D = 64
DW = 128

NSC = 2
NTEC = 16
LW = 128
EP = 163840
CPW = EP // (NSC * NTEC * LW)
NPAD = 10240
STRIPE = NPAD // NTEC

EPH = EP // 2
CPWH = CPW // 2

EB = 1024
NB = 1280
HB = 6400

_mesh = plsc.VectorSubcoreMesh(core_axis_name="c", subcore_axis_name="s")



def _node0_body(x_ref, w_ref, b_ref, o_ref):
    o_ref[...] = jax.nn.relu(
        jnp.dot(x_ref[...], w_ref[...], preferred_element_type=jnp.float32)
        + b_ref[...]
    )


def _hid_body(ea_ref, w_ref, b_ref, o_ref):
    o_ref[...] = jax.nn.relu(
        jnp.dot(ea_ref[...], w_ref[...], preferred_element_type=jnp.float32)
        + b_ref[...]
    )


def _msg_body(hid_ref, xj_ref, et_ref, bmat_ref, o_ref):
    hbT = hid_ref[...].T.astype(jnp.bfloat16)
    wft = jnp.dot(et_ref[...], hbT, preferred_element_type=jnp.float32)
    xjT = xj_ref[...].T
    acc = xjT[0:1, :] * wft[0:D, :]
    for i in range(1, D):
        acc = acc + xjT[i:i + 1, :] * wft[i * D:(i + 1) * D, :]
    msg64 = acc.T
    o_ref[...] = jnp.concatenate(
        [msg64, jnp.zeros_like(msg64)], axis=1
    ) + jnp.dot(xj_ref[...], bmat_ref[...], preferred_element_type=jnp.float32)


def _update_body(agg_ref, aggb_ref, cnt_ref, h_ref, whh_ref, bh_ref, wtop_ref,
                 wbot_ref, bhm_ref, cb_ref, out_ref, hn_ref, outr_ref):
    agg = (agg_ref[0] + agg_ref[1]) + (aggb_ref[0] + aggb_ref[1])
    cnt = cnt_ref[0, :, :1] + cnt_ref[1, :, :1]
    denom = jnp.maximum(cnt, 1.0)
    m = jax.nn.relu(agg / denom + cb_ref[...])
    hn = jax.nn.relu(
        jnp.dot(h_ref[...], whh_ref[...], preferred_element_type=jnp.float32)
        + bh_ref[...]
    )
    o = jax.nn.relu(
        jnp.dot(hn, wtop_ref[...], preferred_element_type=jnp.float32)
        + jnp.dot(m, wbot_ref[...], preferred_element_type=jnp.float32)
        + bhm_ref[...]
    ) + h_ref[...]
    out_ref[...] = o
    hn_ref[...] = hn
    outr_ref[...] = jax.nn.relu(o)


def _node0(x, w, b):
    return pl.pallas_call(
        _node0_body,
        grid=(N // 1000,),
        in_specs=[
            pl.BlockSpec((1000, HID), lambda i: (i, 0)),
            pl.BlockSpec((HID, DW), lambda i: (0, 0)),
            pl.BlockSpec((1, DW), lambda i: (0, 0)),
        ],
        out_specs=pl.BlockSpec((1000, DW), lambda i: (i, 0)),
        out_shape=jax.ShapeDtypeStruct((NPAD, DW), jnp.float32),
    )(x, w, b)


def _hid(ea, w, b):
    ca = ea.shape[1]
    return pl.pallas_call(
        _hid_body,
        grid=(E // HB,),
        in_specs=[
            pl.BlockSpec((HB, ca), lambda i: (i, 0)),
            pl.BlockSpec((ca, D), lambda i: (0, 0)),
            pl.BlockSpec((1, D), lambda i: (0, 0)),
        ],
        out_specs=pl.BlockSpec((HB, D), lambda i: (i, 0)),
        out_shape=jax.ShapeDtypeStruct((EP, D), jnp.float32),
    )(ea, w, b)


def _msg_half(half):
    off = half * (EPH // EB)

    def call(hid, xj, et_bf, bmat_p):
        return pl.pallas_call(
            _msg_body,
            grid=(EPH // EB,),
            in_specs=[
                pl.BlockSpec((EB, D), lambda i: (i + off, 0)),
                pl.BlockSpec((EB, DW), lambda i: (i, 0)),
                pl.BlockSpec((D * D, D), lambda i: (0, 0)),
                pl.BlockSpec((DW, DW), lambda i: (0, 0)),
            ],
            out_specs=pl.BlockSpec((EB, DW), lambda i: (i, 0)),
            out_shape=jax.ShapeDtypeStruct((EPH, DW), jnp.float32),
        )(hid, xj, et_bf, bmat_p)

    return call


def _update(agg2, agg2b, cnt2, h, whh, bh, wtop, wbot, bhm, cb):
    return pl.pallas_call(
        _update_body,
        grid=(NPAD // NB,),
        in_specs=[
            pl.BlockSpec((2, NB, DW), lambda i: (0, i, 0)),
            pl.BlockSpec((2, NB, DW), lambda i: (0, i, 0)),
            pl.BlockSpec((2, NB, DW), lambda i: (0, i, 0)),
            pl.BlockSpec((NB, DW), lambda i: (i, 0)),
            pl.BlockSpec((DW, DW), lambda i: (0, 0)),
            pl.BlockSpec((1, DW), lambda i: (0, 0)),
            pl.BlockSpec((DW, DW), lambda i: (0, 0)),
            pl.BlockSpec((DW, DW), lambda i: (0, 0)),
            pl.BlockSpec((1, DW), lambda i: (0, 0)),
            pl.BlockSpec((1, DW), lambda i: (0, 0)),
        ],
        out_specs=[
            pl.BlockSpec((NB, DW), lambda i: (i, 0)),
            pl.BlockSpec((NB, DW), lambda i: (i, 0)),
            pl.BlockSpec((NB, DW), lambda i: (i, 0)),
        ],
        out_shape=[
            jax.ShapeDtypeStruct((NPAD, DW), jnp.float32),
            jax.ShapeDtypeStruct((NPAD, DW), jnp.float32),
            jax.ShapeDtypeStruct((NPAD, DW), jnp.float32),
        ],
    )(agg2, agg2b, cnt2, h, whh, bh, wtop, wbot, bhm, cb)



def _make_gather(cpw):
    @functools.partial(
        pl.kernel,
        mesh=_mesh,
        out_type=jax.ShapeDtypeStruct((cpw * 32 * LW, DW), jnp.float32),
        scratch_types=[
            pltpu.VMEM((cpw * LW,), jnp.int32),
            pltpu.VMEM((2, LW, DW), jnp.float32),
            pltpu.SemaphoreType.DMA,
            pltpu.SemaphoreType.DMA,
        ],
    )
    def gather(table_hbm, idx_hbm, out_hbm, idx_v, rows_v, sem0, sem1):
        w = lax.axis_index("c") * NTEC + lax.axis_index("s")
        base = w * cpw
        sems = (sem0, sem1)
        pltpu.sync_copy(idx_hbm.at[pl.ds(base * LW, cpw * LW)], idx_v)
        for b in range(2):
            pltpu.async_copy(
                table_hbm.at[idx_v.at[pl.ds(b * LW, LW)]], rows_v.at[b],
                sems[b])

        def body(i, _):
            def one(j, b):
                pltpu.make_async_copy(
                    table_hbm.at[pl.ds(0, LW)], rows_v.at[b], sems[b]).wait()
                pltpu.sync_copy(rows_v.at[b],
                                out_hbm.at[pl.ds((base + j) * LW, LW)])

                @pl.when(j + 2 < cpw)
                def _():
                    pltpu.async_copy(
                        table_hbm.at[idx_v.at[pl.ds((j + 2) * LW, LW)]],
                        rows_v.at[b], sems[b])

            one(2 * i, 0)
            one(2 * i + 1, 1)
            return ()

        lax.fori_loop(0, cpw // 2, body, (), unroll=False)

    return gather


def _make_scatter(cpw):
    @functools.partial(
        pl.kernel,
        mesh=_mesh,
        out_type=jax.ShapeDtypeStruct((NSC, NPAD, DW), jnp.float32),
        scratch_types=[
            pltpu.VMEM((cpw, LW), jnp.int32),
            pltpu.VMEM((LW, DW), jnp.float32),
            pltpu.VMEM_SHARED((NPAD, DW), jnp.float32),
        ],
    )
    def scatter(msg_hbm, idx_hbm, zeros_hbm, out_hbm, idx_v, row_v, agg_sh):
        c = lax.axis_index("c")
        s = lax.axis_index("s")
        base = (c * NTEC + s) * cpw
        pltpu.sync_copy(zeros_hbm.at[pl.ds(s * STRIPE, STRIPE)],
                        agg_sh.at[pl.ds(s * STRIPE, STRIPE)])

        def load_idx(i, _):
            pltpu.sync_copy(idx_hbm.at[pl.ds((base + i) * LW, LW)],
                            idx_v.at[i])
            return ()

        lax.fori_loop(0, cpw, load_idx, (), unroll=False)
        plsc.subcore_barrier()

        def body(i, _):
            pltpu.sync_copy(msg_hbm.at[pl.ds((base + i) * LW, LW)], row_v)
            pltpu.sync_copy(row_v, agg_sh.at[idx_v.at[i]], add=True)
            return ()

        lax.fori_loop(0, cpw, body, (), unroll=False)
        plsc.subcore_barrier()
        pltpu.sync_copy(agg_sh.at[pl.ds(s * STRIPE, STRIPE)],
                        out_hbm.at[c, pl.ds(s * STRIPE, STRIPE)])

    return scatter


_gather_h = _make_gather(CPWH)
_scatter_h = _make_scatter(CPWH)
_msg_a = _msg_half(0)
_msg_b = _msg_half(1)


@functools.partial(
    pl.kernel,
    mesh=_mesh,
    out_type=jax.ShapeDtypeStruct((NSC, NPAD, DW), jnp.float32),
    scratch_types=[
        pltpu.VMEM((CPW, LW), jnp.int32),
        pltpu.VMEM((LW, DW), jnp.float32),
        pltpu.VMEM_SHARED((NPAD, DW), jnp.float32),
    ],
)
def _count_sc(ones_hbm, idx_hbm, zeros_hbm, out_hbm, idx_v, ones_v, cnt_sh):
    c = lax.axis_index("c")
    s = lax.axis_index("s")
    base = (c * NTEC + s) * CPW
    pltpu.sync_copy(zeros_hbm.at[pl.ds(s * STRIPE, STRIPE)],
                    cnt_sh.at[pl.ds(s * STRIPE, STRIPE)])
    pltpu.sync_copy(ones_hbm, ones_v)

    def load_idx(i, _):
        pltpu.sync_copy(idx_hbm.at[pl.ds((base + i) * LW, LW)], idx_v.at[i])
        return ()

    lax.fori_loop(0, CPW, load_idx, (), unroll=False)
    plsc.subcore_barrier()

    def body(i, _):
        pltpu.sync_copy(ones_v, cnt_sh.at[idx_v.at[i]], add=True)
        return ()

    lax.fori_loop(0, CPW, body, (), unroll=False)
    plsc.subcore_barrier()
    pltpu.sync_copy(cnt_sh.at[pl.ds(s * STRIPE, STRIPE)],
                    out_hbm.at[c, pl.ds(s * STRIPE, STRIPE)])


def kernel(x, edge_index, edge_attr, lin0_w, lin0_b, lin_h_w, lin_h_b,
           lin_hm_w, lin_hm_b, en1_w, en1_b, en2_w, en2_b, conv_b):
    src = edge_index[0]
    dst = edge_index[1]

    src_p = jnp.pad(src, (0, EP - E))
    dst_p = jnp.pad(dst, (0, EP - E), constant_values=N)
    pw = ((0, 0), (0, DW - D))
    pio = ((0, DW - D), (0, DW - D))
    lin0_w_p = jnp.pad(lin0_w, pw)
    lin0_b_p = jnp.pad(lin0_b, (0, DW - D))[None, :]
    whh_p = jnp.pad(lin_h_w, pio)
    bh_p = jnp.pad(lin_h_b, (0, DW - D))[None, :]
    wtop_p = jnp.pad(lin_hm_w[:D], pio)
    wbot_p = jnp.pad(lin_hm_w[D:], pio)
    bhm_p = jnp.pad(lin_hm_b, (0, DW - D))[None, :]
    cb_p = jnp.pad(conv_b, (0, DW - D))[None, :]
    et_bf = en2_w.T.astype(jnp.bfloat16)
    bmat_p = jnp.pad(en2_b.reshape(D, D), pio)
    zeros_nd = jnp.zeros((NPAD, DW), jnp.float32)
    ones_rows = jnp.ones((LW, DW), jnp.float32)

    hid = _hid(edge_attr, en1_w, en1_b[None, :])
    out = _node0(x, lin0_w_p, lin0_b_p)
    cnt2 = _count_sc(ones_rows, dst_p, zeros_nd)

    src_a, src_b = src_p[:EPH], src_p[EPH:]
    dst_a, dst_b = dst_p[:EPH], dst_p[EPH:]
    h = out
    for _ in range(2):
        xja = _gather_h(out, src_a)
        msga = _msg_a(hid, xja, et_bf, bmat_p)
        xjb = _gather_h(out, src_b)
        msgb = _msg_b(hid, xjb, et_bf, bmat_p)
        agga = _scatter_h(msga, dst_a, zeros_nd)
        aggb = _scatter_h(msgb, dst_b, zeros_nd)
        out, h, outr = _update(agga, aggb, cnt2, h, whh_p, bh_p, wtop_p,
                               wbot_p, bhm_p, cb_p)
    return outr[:N, :D]

# --- scband reference (transcript-rebuilt; emitter-appended) ---
"""Pipeline reference for scband-encoder-39213051412927 (READ-ONLY COPY).

The authoritative reference and input builder live on the scoring server;
editing this copy changes nothing except your own understanding.
"""

import jax, jax.numpy as jnp
import numpy as np

N = 10000
E = 160000
HID = 128
D = 64
EA = 21 + D  # 85, edge_network input dim


def setup_inputs(seed: int = 0) -> dict:
    key = jax.random.key(seed)
    ks = jax.random.split(key, 16)
    inp = {}
    inp["x"] = jax.random.normal(ks[0], (N, HID), dtype=jnp.float32)
    inp["edge_index"] = jax.random.randint(ks[1], (2, E), 0, N)
    inp["edge_attr"] = jax.random.uniform(ks[2], (E, EA), dtype=jnp.float32)
    # learned parameters (torch Linear stored as [in, out] so y = x @ W + b)
    inp["lin0_w"] = jax.random.normal(ks[3], (HID, D), dtype=jnp.float32) * 0.05
    inp["lin0_b"] = jnp.zeros((D,), dtype=jnp.float32)
    inp["lin_h_w"] = jax.random.normal(ks[4], (D, D), dtype=jnp.float32) * 0.05
    inp["lin_h_b"] = jnp.zeros((D,), dtype=jnp.float32)
    inp["lin_hm_w"] = jax.random.normal(ks[5], (2 * D, D), dtype=jnp.float32) * 0.05
    inp["lin_hm_b"] = jnp.zeros((D,), dtype=jnp.float32)
    inp["en1_w"] = jax.random.normal(ks[6], (EA, D), dtype=jnp.float32) * 0.05
    inp["en1_b"] = jnp.zeros((D,), dtype=jnp.float32)
    inp["en2_w"] = jax.random.normal(ks[7], (D, D * D), dtype=jnp.float32) * 0.05
    inp["en2_b"] = jnp.zeros((D * D,), dtype=jnp.float32)
    inp["conv_b"] = jnp.zeros((D,), dtype=jnp.float32)
    return inp


def reference(x, edge_index, edge_attr, lin0_w, lin0_b, lin_h_w, lin_h_b,
              lin_hm_w, lin_hm_b, en1_w, en1_b, en2_w, en2_b, conv_b):
    n = x.shape[0]
    d = lin0_w.shape[1]
    src = edge_index[0]  # x_j (source, PyG flow source_to_target)
    dst = edge_index[1]  # aggregation target i
    # edge_network applied to edge_attr is loop-invariant -> compute once
    hid = jax.nn.relu(edge_attr @ en1_w + en1_b)
    W = (hid @ en2_w + en2_b).reshape(-1, d, d)  # [E, D, D]
    # mean-aggregation denominator (0-in-degree nodes give 0 like PyG scatter mean)
    ones = jnp.ones((src.shape[0],), dtype=jnp.float32)
    cnt = jax.ops.segment_sum(ones, dst, num_segments=n)
    denom = jnp.maximum(cnt, 1.0)[:, None]
    out = jax.nn.relu(x @ lin0_w + lin0_b)  # [N, D]
    h = out[None, :, :]  # [1, N, D]
    for _ in range(2):  # num_step_message_passing
        prev = h
        # NNConv(aggr='mean', root_weight=False): m_i = mean_j x_j @ W_e + bias
        xj = out[src]  # gather [E, D]
        msg = jnp.einsum('ei,eio->eo', xj, W)  # [E, D]
        agg = jax.ops.segment_sum(msg, dst, num_segments=n) / denom
        m = jax.nn.relu(agg + conv_b)
        h = jax.nn.relu(h @ lin_h_w + lin_h_b)  # [1, N, D]
        out = jax.nn.relu(jnp.concatenate([h[0], m], axis=1) @ lin_hm_w + lin_hm_b) + prev  # broadcast -> [1,N,D]
        out = out[0]
    return jax.nn.relu(out)

if __name__ == "__main__":
    import jax
    _d = setup_inputs()
    print(jax.jit(kernel)(*tuple(_d.values())))

</pallas_src>

<mosaic_0001>
#map = affine_map<(d0, d1) -> (0, 0)>
#map1 = affine_map<(d0, d1) -> (0)>
module attributes {stable_mosaic.version = 14 : i64} {
  func.func @gather(%arg0: i32, %arg1: i32, %arg2: memref<10240x128xf32, #tpu.memory_space<hbm>>, %arg3: memref<81920xi32, #tpu.memory_space<hbm>>, %arg4: memref<81920x128xf32, #tpu.memory_space<hbm>>, %arg5: memref<2560xi32, #tpu.memory_space<vmem>>, %arg6: memref<2x128x128xf32, #tpu.memory_space<vmem>>, %arg7: memref<!tpu.dma_semaphore, #tpu.memory_space<semaphore_mem>>, %arg8: memref<!tpu.dma_semaphore, #tpu.memory_space<semaphore_mem>>) attributes {dimension_semantics = [#tpu.dimension_semantics<core_parallel>, #tpu.dimension_semantics<subcore_parallel>], iteration_bounds = array<i64: 2, 16>, scalar_prefetch = 0 : i64, scratch_operands = 4 : i64, tpu.core_type = #tpu.core_type<sc_vector_subcore>, window_params = [{transform_indices = #map}, {transform_indices = #map1}, {transform_indices = #map}]} {
    %mul3A = arith.constant 16 : i32
    %mul3A_0 = arith.muli %arg0, %mul3A : i32
    %add3A = arith.addi %mul3A_0, %arg1 : i32
    %mul3A_1 = arith.constant 20 : i32
    %mul3A_2 = arith.muli %add3A, %mul3A_1 : i32
    %mul3A_3 = arith.constant 128 : i32
    %mul3A_4 = arith.muli %mul3A_2, %mul3A_3 : i32
    "tpu.region"() ({
      %run_scoped3A = tpu.sem_alloc : memref<!tpu.dma_semaphore, #tpu.memory_space<semaphore_mem>>
      %dma_start3A_28 = tpu.memref_slice %arg3[%mul3A_4] : memref<81920xi32, #tpu.memory_space<hbm>> -> memref<2560xi32, #tpu.memory_space<hbm>>
      %dma_start3A_29 = tpu.memref_slice %arg3[%mul3A_4] : memref<81920xi32, #tpu.memory_space<hbm>> -> memref<2560xi32, #tpu.memory_space<hbm>>
      tpu.enqueue_dma source(%dma_start3A_29 : memref<2560xi32, #tpu.memory_space<hbm>>) target(%arg5 : memref<2560xi32, #tpu.memory_space<vmem>>) target_semaphore(%run_scoped3A : memref<!tpu.dma_semaphore, #tpu.memory_space<semaphore_mem>>)
      %dma_wait3A = tpu.memref_slice %arg3[%mul3A_4] : memref<81920xi32, #tpu.memory_space<hbm>> -> memref<2560xi32, #tpu.memory_space<hbm>>
      %dma_wait3A_30 = tpu.memref_slice %arg3[%mul3A_4] : memref<81920xi32, #tpu.memory_space<hbm>> -> memref<2560xi32, #tpu.memory_space<hbm>>
      tpu.wait_dma2 semaphore(%run_scoped3A : memref<!tpu.dma_semaphore, #tpu.memory_space<semaphore_mem>>) src(%dma_wait3A_30 : memref<2560xi32, #tpu.memory_space<hbm>>) dst(%arg5 : memref<2560xi32, #tpu.memory_space<vmem>>)
      tpu.yield
    }) : () -> ()
    %dma_start3A = arith.constant 0 : i32
    %dma_start3A_5 = arith.constant 0 : i32
    %dma_start3A_6 = arith.constant 0 : i32
    %dma_start3A_7 = tpu.memref_slice %arg6[%dma_start3A, %dma_start3A_5, %dma_start3A_6] : memref<2x128x128xf32, #tpu.memory_space<vmem>> -> memref<1x128x128xf32, #tpu.memory_space<vmem>>
    %dma_start3A_8 = tpu.memref_squeeze %dma_start3A_7 : memref<1x128x128xf32, #tpu.memory_space<vmem>> -> memref<128x128xf32, #tpu.memory_space<vmem>>
    %dma_start3A_9 = arith.constant 0 : i32
    %dma_start3A_10 = tpu.memref_slice %arg5[%dma_start3A_9] : memref<2560xi32, #tpu.memory_space<vmem>> -> memref<128xi32, #tpu.memory_space<vmem>>
    %dma_start3A_11 = arith.constant 0 : i32
    %dma_start3A_12 = arith.constant 0 : i32
    %dma_start3A_13 = tpu.memref_slice %arg2[%dma_start3A_11, %dma_start3A_12] : memref<10240x128xf32, #tpu.memory_space<hbm>> -> memref<10240x128xf32, #tpu.memory_space<hbm>>
    tpu.enqueue_indirect_dma source(%dma_start3A_13 : memref<10240x128xf32, #tpu.memory_space<hbm>>) target(%dma_start3A_8 : memref<128x128xf32, #tpu.memory_space<vmem>>) offsets(%dma_start3A_10 : memref<128xi32, #tpu.memory_space<vmem>>) semaphore(%arg7 : memref<!tpu.dma_semaphore, #tpu.memory_space<semaphore_mem>>)
    %dma_start3A_14 = arith.constant 1 : i32
    %dma_start3A_15 = arith.constant 0 : i32
    %dma_start3A_16 = arith.constant 0 : i32
    %dma_start3A_17 = tpu.memref_slice %arg6[%dma_start3A_14, %dma_start3A_15, %dma_start3A_16] : memref<2x128x128xf32, #tpu.memory_space<vmem>> -> memref<1x128x128xf32, #tpu.memory_space<vmem>>
    %dma_start3A_18 = tpu.memref_squeeze %dma_start3A_17 : memref<1x128x128xf32, #tpu.memory_space<vmem>> -> memref<128x128xf32, #tpu.memory_space<vmem>>
    %dma_start3A_19 = arith.constant 128 : i32
    %dma_start3A_20 = tpu.memref_slice %arg5[%dma_start3A_19] : memref<2560xi32, #tpu.memory_space<vmem>> -> memref<128xi32, #tpu.memory_space<vmem>>
    %dma_start3A_21 = arith.constant 0 : i32
    %dma_start3A_22 = arith.constant 0 : i32
    %dma_start3A_23 = tpu.memref_slice %arg2[%dma_start3A_21, %dma_start3A_22] : memref<10240x128xf32, #tpu.memory_space<hbm>> -> memref<10240x128xf32, #tpu.memory_space<hbm>>
    tpu.enqueue_indirect_dma source(%dma_start3A_23 : memref<10240x128xf32, #tpu.memory_space<hbm>>) target(%dma_start3A_18 : memref<128x128xf32, #tpu.memory_space<vmem>>) offsets(%dma_start3A_20 : memref<128xi32, #tpu.memory_space<vmem>>) semaphore(%arg8 : memref<!tpu.dma_semaphore, #tpu.memory_space<semaphore_mem>>)
    %scan3A = arith.constant 0 : i32
    %scan3A_24 = arith.constant 10 : i32
    %scan3A_25 = arith.addi %scan3A, %scan3A_24 : i32
    %scan3A_26 = arith.constant 1 : i32
    scf.for %scan3A_28 = %scan3A to %scan3A_25 step %scan3A_26  : i32 {
      %mul3A_29 = arith.constant 2 : i32
      %mul3A_30 = arith.muli %mul3A_29, %scan3A_28 : i32
      %dma_wait3A = arith.constant 0 : i32
      %dma_wait3A_31 = arith.constant 0 : i32
      %dma_wait3A_32 = arith.constant 0 : i32
      %dma_wait3A_33 = tpu.memref_slice %arg6[%dma_wait3A, %dma_wait3A_31, %dma_wait3A_32] : memref<2x128x128xf32, #tpu.memory_space<vmem>> -> memref<1x128x128xf32, #tpu.memory_space<vmem>>
      %dma_wait3A_34 = tpu.memref_squeeze %dma_wait3A_33 : memref<1x128x128xf32, #tpu.memory_space<vmem>> -> memref<128x128xf32, #tpu.memory_space<vmem>>
      %dma_wait3A_35 = arith.constant 0 : i32
      %dma_wait3A_36 = arith.constant 0 : i32
      %dma_wait3A_37 = tpu.memref_slice %arg2[%dma_wait3A_35, %dma_wait3A_36] : memref<10240x128xf32, #tpu.memory_space<hbm>> -> memref<128x128xf32, #tpu.memory_space<hbm>>
      %dma_wait3A_38 = arith.constant 0 : i32
      %dma_wait3A_39 = arith.constant 0 : i32
      %dma_wait3A_40 = tpu.memref_slice %arg6[%dma_wait3A, %dma_wait3A_38, %dma_wait3A_39] : memref<2x128x128xf32, #tpu.memory_space<vmem>> -> memref<1x128x128xf32, #tpu.memory_space<vmem>>
      %dma_wait3A_41 = tpu.memref_squeeze %dma_wait3A_40 : memref<1x128x128xf32, #tpu.memory_space<vmem>> -> memref<128x128xf32, #tpu.memory_space<vmem>>
      %dma_wait3A_42 = arith.constant 0 : i32
      %dma_wait3A_43 = arith.constant 0 : i32
      %dma_wait3A_44 = tpu.memref_slice %arg2[%dma_wait3A_42, %dma_wait3A_43] : memref<10240x128xf32, #tpu.memory_space<hbm>> -> memref<128x128xf32, #tpu.memory_space<hbm>>
      tpu.wait_dma2 semaphore(%arg7 : memref<!tpu.dma_semaphore, #tpu.memory_space<semaphore_mem>>) src(%dma_wait3A_44 : memref<128x128xf32, #tpu.memory_space<hbm>>) dst(%dma_wait3A_41 : memref<128x128xf32, #tpu.memory_space<vmem>>)
      %add3A_45 = arith.addi %mul3A_2, %mul3A_30 : i32
      %mul3A_46 = arith.constant 128 : i32
      %mul3A_47 = arith.muli %add3A_45, %mul3A_46 : i32
      %run_scoped3A = arith.constant 0 : i32
      "tpu.region"() ({
        %run_scoped3A_82 = tpu.sem_alloc : memref<!tpu.dma_semaphore, #tpu.memory_space<semaphore_mem>>
        %dma_start3A_83 = arith.constant 0 : i32
        %dma_start3A_84 = arith.constant 0 : i32
        %dma_start3A_85 = tpu.memref_slice %arg6[%run_scoped3A, %dma_start3A_83, %dma_start3A_84] : memref<2x128x128xf32, #tpu.memory_space<vmem>> -> memref<1x128x128xf32, #tpu.memory_space<vmem>>
        %dma_start3A_86 = tpu.memref_squeeze %dma_start3A_85 : memref<1x128x128xf32, #tpu.memory_space<vmem>> -> memref<128x128xf32, #tpu.memory_space<vmem>>
        %dma_start3A_87 = arith.constant 0 : i32
        %dma_start3A_88 = tpu.memref_slice %arg4[%mul3A_47, %dma_start3A_87] : memref<81920x128xf32, #tpu.memory_space<hbm>> -> memref<128x128xf32, #tpu.memory_space<hbm>>
        %dma_start3A_89 = arith.constant 0 : i32
        %dma_start3A_90 = tpu.memref_slice %arg4[%mul3A_47, %dma_start3A_89] : memref<81920x128xf32, #tpu.memory_space<hbm>> -> memref<128x128xf32, #tpu.memory_space<hbm>>
        %dma_start3A_91 = arith.constant 0 : i32
        %dma_start3A_92 = arith.constant 0 : i32
        %dma_start3A_93 = tpu.memref_slice %arg6[%run_scoped3A, %dma_start3A_91, %dma_start3A_92] : memref<2x128x128xf32, #tpu.memory_space<vmem>> -> memref<1x128x128xf32, #tpu.memory_space<vmem>>
        %dma_start3A_94 = tpu.memref_squeeze %dma_start3A_93 : memref<1x128x128xf32, #tpu.memory_space<vmem>> -> memref<128x128xf32, #tpu.memory_space<vmem>>
        tpu.enqueue_dma source(%dma_start3A_94 : memref<128x128xf32, #tpu.memory_space<vmem>>) target(%dma_start3A_90 : memref<128x128xf32, #tpu.memory_space<hbm>>) target_semaphore(%run_scoped3A_82 : memref<!tpu.dma_semaphore, #tpu.memory_space<semaphore_mem>>)
        %dma_wait3A_95 = arith.constant 0 : i32
        %dma_wait3A_96 = arith.constant 0 : i32
        %dma_wait3A_97 = tpu.memref_slice %arg6[%run_scoped3A, %dma_wait3A_95, %dma_wait3A_96] : memref<2x128x128xf32, #tpu.memory_space<vmem>> -> memref<1x128x128xf32, #tpu.memory_space<vmem>>
        %dma_wait3A_98 = tpu.memref_squeeze %dma_wait3A_97 : memref<1x128x128xf32, #tpu.memory_space<vmem>> -> memref<128x128xf32, #tpu.memory_space<vmem>>
        %dma_wait3A_99 = arith.constant 0 : i32
        %dma_wait3A_100 = tpu.memref_slice %arg4[%mul3A_47, %dma_wait3A_99] : memref<81920x128xf32, #tpu.memory_space<hbm>> -> memref<128x128xf32, #tpu.memory_space<hbm>>
        %dma_wait3A_101 = arith.constant 0 : i32
        %dma_wait3A_102 = tpu.memref_slice %arg4[%mul3A_47, %dma_wait3A_101] : memref<81920x128xf32, #tpu.memory_space<hbm>> -> memref<128x128xf32, #tpu.memory_space<hbm>>
        %dma_wait3A_103 = arith.constant 0 : i32
        %dma_wait3A_104 = arith.constant 0 : i32
        %dma_wait3A_105 = tpu.memref_slice %arg6[%run_scoped3A, %dma_wait3A_103, %dma_wait3A_104] : memref<2x128x128xf32, #tpu.memory_space<vmem>> -> memref<1x128x128xf32, #tpu.memory_space<vmem>>
        %dma_wait3A_106 = tpu.memref_squeeze %dma_wait3A_105 : memref<1x128x128xf32, #tpu.memory_space<vmem>> -> memref<128x128xf32, #tpu.memory_space<vmem>>
        tpu.wait_dma2 semaphore(%run_scoped3A_82 : memref<!tpu.dma_semaphore, #tpu.memory_space<semaphore_mem>>) src(%dma_wait3A_106 : memref<128x128xf32, #tpu.memory_space<vmem>>) dst(%dma_wait3A_102 : memref<128x128xf32, #tpu.memory_space<hbm>>)
        tpu.yield
      }) : () -> ()
      %add3A_48 = arith.constant 2 : i32
      %add3A_49 = arith.addi %mul3A_30, %add3A_48 : i32
      %lt3A = arith.constant 20 : i32
      %lt3A_50 = arith.cmpi slt, %add3A_49, %lt3A : i32
      %convert_element_type3A = arith.extui %lt3A_50 : i1 to i32
      %cond3A = arith.constant 0 : i32
      %cond3A_51 = arith.cmpi ne, %convert_element_type3A, %cond3A : i32
      scf.if %cond3A_51 {
        %add3A_82 = arith.constant 2 : i32
        %add3A_83 = arith.addi %mul3A_30, %add3A_82 : i32
        %mul3A_84 = arith.constant 128 : i32
        %mul3A_85 = arith.muli %add3A_83, %mul3A_84 : i32
        %dma_start3A_86 = arith.constant 0 : i32
        %dma_start3A_87 = arith.constant 0 : i32
        %dma_start3A_88 = arith.constant 0 : i32
        %dma_start3A_89 = tpu.memref_slice %arg6[%dma_start3A_86, %dma_start3A_87, %dma_start3A_88] : memref<2x128x128xf32, #tpu.memory_space<vmem>> -> memref<1x128x128xf32, #tpu.memory_space<vmem>>
        %dma_start3A_90 = tpu.memref_squeeze %dma_start3A_89 : memref<1x128x128xf32, #tpu.memory_space<vmem>> -> memref<128x128xf32, #tpu.memory_space<vmem>>
        %dma_start3A_91 = tpu.memref_slice %arg5[%mul3A_85] : memref<2560xi32, #tpu.memory_space<vmem>> -> memref<128xi32, #tpu.memory_space<vmem>>
        %dma_start3A_92 = arith.constant 0 : i32
        %dma_start3A_93 = arith.constant 0 : i32
        %dma_start3A_94 = tpu.memref_slice %arg2[%dma_start3A_92, %dma_start3A_93] : memref<10240x128xf32, #tpu.memory_space<hbm>> -> memref<10240x128xf32, #tpu.memory_space<hbm>>
        tpu.enqueue_indirect_dma source(%dma_start3A_94 : memref<10240x128xf32, #tpu.memory_space<hbm>>) target(%dma_start3A_90 : memref<128x128xf32, #tpu.memory_space<vmem>>) offsets(%dma_start3A_91 : memref<128xi32, #tpu.memory_space<vmem>>) semaphore(%arg7 : memref<!tpu.dma_semaphore, #tpu.memory_space<semaphore_mem>>)
      } else {
      }
      %mul3A_52 = arith.constant 2 : i32
      %mul3A_53 = arith.muli %mul3A_52, %scan3A_28 : i32
      %add3A_54 = arith.constant 1 : i32
      %add3A_55 = arith.addi %mul3A_53, %add3A_54 : i32
      %dma_wait3A_56 = arith.constant 1 : i32
      %dma_wait3A_57 = arith.constant 0 : i32
      %dma_wait3A_58 = arith.constant 0 : i32
      %dma_wait3A_59 = tpu.memref_slice %arg6[%dma_wait3A_56, %dma_wait3A_57, %dma_wait3A_58] : memref<2x128x128xf32, #tpu.memory_space<vmem>> -> memref<1x128x128xf32, #tpu.memory_space<vmem>>
      %dma_wait3A_60 = tpu.memref_squeeze %dma_wait3A_59 : memref<1x128x128xf32, #tpu.memory_space<vmem>> -> memref<128x128xf32, #tpu.memory_space<vmem>>
      %dma_wait3A_61 = arith.constant 0 : i32
      %dma_wait3A_62 = arith.constant 0 : i32
      %dma_wait3A_63 = tpu.memref_slice %arg2[%dma_wait3A_61, %dma_wait3A_62] : memref<10240x128xf32, #tpu.memory_space<hbm>> -> memref<128x128xf32, #tpu.memory_space<hbm>>
      %dma_wait3A_64 = arith.constant 0 : i32
      %dma_wait3A_65 = arith.constant 0 : i32
      %dma_wait3A_66 = tpu.memref_slice %arg6[%dma_wait3A_56, %dma_wait3A_64, %dma_wait3A_65] : memref<2x128x128xf32, #tpu.memory_space<vmem>> -> memref<1x128x128xf32, #tpu.memory_space<vmem>>
      %dma_wait3A_67 = tpu.memref_squeeze %dma_wait3A_66 : memref<1x128x128xf32, #tpu.memory_space<vmem>> -> memref<128x128xf32, #tpu.memory_space<vmem>>
      %dma_wait3A_68 = arith.constant 0 : i32
      %dma_wait3A_69 = arith.constant 0 : i32
      %dma_wait3A_70 = tpu.memref_slice %arg2[%dma_wait3A_68, %dma_wait3A_69] : memref<10240x128xf32, #tpu.memory_space<hbm>> -> memref<128x128xf32, #tpu.memory_space<hbm>>
      tpu.wait_dma2 semaphore(%arg8 : memref<!tpu.dma_semaphore, #tpu.memory_space<semaphore_mem>>) src(%dma_wait3A_70 : memref<128x128xf32, #tpu.memory_space<hbm>>) dst(%dma_wait3A_67 : memref<128x128xf32, #tpu.memory_space<vmem>>)
      %add3A_71 = arith.addi %mul3A_2, %add3A_55 : i32
      %mul3A_72 = arith.constant 128 : i32
      %mul3A_73 = arith.muli %add3A_71, %mul3A_72 : i32
      %run_scoped3A_74 = arith.constant 1 : i32
      "tpu.region"() ({
        %run_scoped3A_82 = tpu.sem_alloc : memref<!tpu.dma_semaphore, #tpu.memory_space<semaphore_mem>>
        %dma_start3A_83 = arith.constant 0 : i32
        %dma_start3A_84 = arith.constant 0 : i32
        %dma_start3A_85 = tpu.memref_slice %arg6[%run_scoped3A_74, %dma_start3A_83, %dma_start3A_84] : memref<2x128x128xf32, #tpu.memory_space<vmem>> -> memref<1x128x128xf32, #tpu.memory_space<vmem>>
        %dma_start3A_86 = tpu.memref_squeeze %dma_start3A_85 : memref<1x128x128xf32, #tpu.memory_space<vmem>> -> memref<128x128xf32, #tpu.memory_space<vmem>>
        %dma_start3A_87 = arith.constant 0 : i32
        %dma_start3A_88 = tpu.memref_slice %arg4[%mul3A_73, %dma_start3A_87] : memref<81920x128xf32, #tpu.memory_space<hbm>> -> memref<128x128xf32, #tpu.memory_space<hbm>>
        %dma_start3A_89 = arith.constant 0 : i32
        %dma_start3A_90 = tpu.memref_slice %arg4[%mul3A_73, %dma_start3A_89] : memref<81920x128xf32, #tpu.memory_space<hbm>> -> memref<128x128xf32, #tpu.memory_space<hbm>>
        %dma_start3A_91 = arith.constant 0 : i32
        %dma_start3A_92 = arith.constant 0 : i32
        %dma_start3A_93 = tpu.memref_slice %arg6[%run_scoped3A_74, %dma_start3A_91, %dma_start3A_92] : memref<2x128x128xf32, #tpu.memory_space<vmem>> -> memref<1x128x128xf32, #tpu.memory_space<vmem>>
        %dma_start3A_94 = tpu.memref_squeeze %dma_start3A_93 : memref<1x128x128xf32, #tpu.memory_space<vmem>> -> memref<128x128xf32, #tpu.memory_space<vmem>>
        tpu.enqueue_dma source(%dma_start3A_94 : memref<128x128xf32, #tpu.memory_space<vmem>>) target(%dma_start3A_90 : memref<128x128xf32, #tpu.memory_space<hbm>>) target_semaphore(%run_scoped3A_82 : memref<!tpu.dma_semaphore, #tpu.memory_space<semaphore_mem>>)
        %dma_wait3A_95 = arith.constant 0 : i32
        %dma_wait3A_96 = arith.constant 0 : i32
        %dma_wait3A_97 = tpu.memref_slice %arg6[%run_scoped3A_74, %dma_wait3A_95, %dma_wait3A_96] : memref<2x128x128xf32, #tpu.memory_space<vmem>> -> memref<1x128x128xf32, #tpu.memory_space<vmem>>
        %dma_wait3A_98 = tpu.memref_squeeze %dma_wait3A_97 : memref<1x128x128xf32, #tpu.memory_space<vmem>> -> memref<128x128xf32, #tpu.memory_space<vmem>>
        %dma_wait3A_99 = arith.constant 0 : i32
        %dma_wait3A_100 = tpu.memref_slice %arg4[%mul3A_73, %dma_wait3A_99] : memref<81920x128xf32, #tpu.memory_space<hbm>> -> memref<128x128xf32, #tpu.memory_space<hbm>>
        %dma_wait3A_101 = arith.constant 0 : i32
        %dma_wait3A_102 = tpu.memref_slice %arg4[%mul3A_73, %dma_wait3A_101] : memref<81920x128xf32, #tpu.memory_space<hbm>> -> memref<128x128xf32, #tpu.memory_space<hbm>>
        %dma_wait3A_103 = arith.constant 0 : i32
        %dma_wait3A_104 = arith.constant 0 : i32
        %dma_wait3A_105 = tpu.memref_slice %arg6[%run_scoped3A_74, %dma_wait3A_103, %dma_wait3A_104] : memref<2x128x128xf32, #tpu.memory_space<vmem>> -> memref<1x128x128xf32, #tpu.memory_space<vmem>>
        %dma_wait3A_106 = tpu.memref_squeeze %dma_wait3A_105 : memref<1x128x128xf32, #tpu.memory_space<vmem>> -> memref<128x128xf32, #tpu.memory_space<vmem>>
        tpu.wait_dma2 semaphore(%run_scoped3A_82 : memref<!tpu.dma_semaphore, #tpu.memory_space<semaphore_mem>>) src(%dma_wait3A_106 : memref<128x128xf32, #tpu.memory_space<vmem>>) dst(%dma_wait3A_102 : memref<128x128xf32, #tpu.memory_space<hbm>>)
        tpu.yield
      }) : () -> ()
      %add3A_75 = arith.constant 2 : i32
      %add3A_76 = arith.addi %add3A_55, %add3A_75 : i32
      %lt3A_77 = arith.constant 20 : i32
      %lt3A_78 = arith.cmpi slt, %add3A_76, %lt3A_77 : i32
      %convert_element_type3A_79 = arith.extui %lt3A_78 : i1 to i32
      %cond3A_80 = arith.constant 0 : i32
      %cond3A_81 = arith.cmpi ne, %convert_element_type3A_79, %cond3A_80 : i32
      scf.if %cond3A_81 {
        %add3A_82 = arith.constant 2 : i32
        %add3A_83 = arith.addi %add3A_55, %add3A_82 : i32
        %mul3A_84 = arith.constant 128 : i32
        %mul3A_85 = arith.muli %add3A_83, %mul3A_84 : i32
        %dma_start3A_86 = arith.constant 1 : i32
        %dma_start3A_87 = arith.constant 0 : i32
        %dma_start3A_88 = arith.constant 0 : i32
        %dma_start3A_89 = tpu.memref_slice %arg6[%dma_start3A_86, %dma_start3A_87, %dma_start3A_88] : memref<2x128x128xf32, #tpu.memory_space<vmem>> -> memref<1x128x128xf32, #tpu.memory_space<vmem>>
        %dma_start3A_90 = tpu.memref_squeeze %dma_start3A_89 : memref<1x128x128xf32, #tpu.memory_space<vmem>> -> memref<128x128xf32, #tpu.memory_space<vmem>>
        %dma_start3A_91 = tpu.memref_slice %arg5[%mul3A_85] : memref<2560xi32, #tpu.memory_space<vmem>> -> memref<128xi32, #tpu.memory_space<vmem>>
        %dma_start3A_92 = arith.constant 0 : i32
        %dma_start3A_93 = arith.constant 0 : i32
        %dma_start3A_94 = tpu.memref_slice %arg2[%dma_start3A_92, %dma_start3A_93] : memref<10240x128xf32, #tpu.memory_space<hbm>> -> memref<10240x128xf32, #tpu.memory_space<hbm>>
        tpu.enqueue_indirect_dma source(%dma_start3A_94 : memref<10240x128xf32, #tpu.memory_space<hbm>>) target(%dma_start3A_90 : memref<128x128xf32, #tpu.memory_space<vmem>>) offsets(%dma_start3A_91 : memref<128xi32, #tpu.memory_space<vmem>>) semaphore(%arg8 : memref<!tpu.dma_semaphore, #tpu.memory_space<semaphore_mem>>)
      } else {
      }
    }
    %scan3A_27 = arith.constant 10 : i32
    return
  }
}

#map = affine_map<(d0, d1) -> (0, 0)>
#map1 = affine_map<(d0, d1) -> (0)>
#map2 = affine_map<(d0, d1) -> (0, 0, 0)>
module attributes {stable_mosaic.version = 14 : i64} {
  func.func @_count_sc(%arg0: i32, %arg1: i32, %arg2: memref<128x128xf32, #tpu.memory_space<hbm>>, %arg3: memref<163840xi32, #tpu.memory_space<hbm>>, %arg4: memref<10240x128xf32, #tpu.memory_space<hbm>>, %arg5: memref<2x10240x128xf32, #tpu.memory_space<hbm>>, %arg6: memref<40x128xi32, #tpu.memory_space<vmem>>, %arg7: memref<128x128xf32, #tpu.memory_space<vmem>>, %arg8: memref<10240x128xf32, #tpu.memory_space<vmem_shared>>) attributes {dimension_semantics = [#tpu.dimension_semantics<core_parallel>, #tpu.dimension_semantics<subcore_parallel>], iteration_bounds = array<i64: 2, 16>, scalar_prefetch = 0 : i64, scratch_operands = 3 : i64, tpu.core_type = #tpu.core_type<sc_vector_subcore>, window_params = [{transform_indices = #map}, {transform_indices = #map1}, {transform_indices = #map}, {transform_indices = #map2}]} {
    %mul3A = arith.constant 16 : i32
    %mul3A_0 = arith.muli %arg0, %mul3A : i32
    %add3A = arith.addi %mul3A_0, %arg1 : i32
    %mul3A_1 = arith.constant 40 : i32
    %mul3A_2 = arith.muli %add3A, %mul3A_1 : i32
    %mul3A_3 = arith.constant 640 : i32
    %mul3A_4 = arith.muli %arg1, %mul3A_3 : i32
    %mul3A_5 = arith.constant 640 : i32
    %mul3A_6 = arith.muli %arg1, %mul3A_5 : i32
    "tpu.region"() ({
      %run_scoped3A = tpu.sem_alloc : memref<!tpu.dma_semaphore, #tpu.memory_space<semaphore_mem>>
      %dma_start3A = arith.constant 0 : i32
      %dma_start3A_21 = tpu.memref_slice %arg8[%mul3A_6, %dma_start3A] : memref<10240x128xf32, #tpu.memory_space<vmem_shared>> -> memref<640x128xf32, #tpu.memory_space<vmem_shared>>
      %dma_start3A_22 = arith.constant 0 : i32
      %dma_start3A_23 = tpu.memref_slice %arg4[%mul3A_4, %dma_start3A_22] : memref<10240x128xf32, #tpu.memory_space<hbm>> -> memref<640x128xf32, #tpu.memory_space<hbm>>
      tpu.enqueue_dma source(%dma_start3A_23 : memref<640x128xf32, #tpu.memory_space<hbm>>) target(%dma_start3A_21 : memref<640x128xf32, #tpu.memory_space<vmem_shared>>) target_semaphore(%run_scoped3A : memref<!tpu.dma_semaphore, #tpu.memory_space<semaphore_mem>>)
      %dma_wait3A = arith.constant 0 : i32
      %dma_wait3A_24 = tpu.memref_slice %arg8[%mul3A_6, %dma_wait3A] : memref<10240x128xf32, #tpu.memory_space<vmem_shared>> -> memref<640x128xf32, #tpu.memory_space<vmem_shared>>
      %dma_wait3A_25 = arith.constant 0 : i32
      %dma_wait3A_26 = tpu.memref_slice %arg4[%mul3A_4, %dma_wait3A_25] : memref<10240x128xf32, #tpu.memory_space<hbm>> -> memref<640x128xf32, #tpu.memory_space<hbm>>
      tpu.wait_dma2 semaphore(%run_scoped3A : memref<!tpu.dma_semaphore, #tpu.memory_space<semaphore_mem>>) src(%dma_wait3A_26 : memref<640x128xf32, #tpu.memory_space<hbm>>) dst(%dma_wait3A_24 : memref<640x128xf32, #tpu.memory_space<vmem_shared>>)
      tpu.yield
    }) : () -> ()
    "tpu.region"() ({
      %run_scoped3A = tpu.sem_alloc : memref<!tpu.dma_semaphore, #tpu.memory_space<semaphore_mem>>
      tpu.enqueue_dma source(%arg2 : memref<128x128xf32, #tpu.memory_space<hbm>>) target(%arg7 : memref<128x128xf32, #tpu.memory_space<vmem>>) target_semaphore(%run_scoped3A : memref<!tpu.dma_semaphore, #tpu.memory_space<semaphore_mem>>)
      tpu.wait_dma2 semaphore(%run_scoped3A : memref<!tpu.dma_semaphore, #tpu.memory_space<semaphore_mem>>) src(%arg2 : memref<128x128xf32, #tpu.memory_space<hbm>>) dst(%arg7 : memref<128x128xf32, #tpu.memory_space<vmem>>)
      tpu.yield
    }) : () -> ()
    %scan3A = arith.constant 0 : i32
    %scan3A_7 = arith.constant 40 : i32
    %scan3A_8 = arith.addi %scan3A, %scan3A_7 : i32
    %scan3A_9 = arith.constant 1 : i32
    scf.for %scan3A_21 = %scan3A to %scan3A_8 step %scan3A_9  : i32 {
      %add3A_22 = arith.addi %mul3A_2, %scan3A_21 : i32
      %mul3A_23 = arith.constant 128 : i32
      %mul3A_24 = arith.muli %add3A_22, %mul3A_23 : i32
      "tpu.region"() ({
        %run_scoped3A = tpu.sem_alloc : memref<!tpu.dma_semaphore, #tpu.memory_space<semaphore_mem>>
        %dma_start3A = arith.constant 0 : i32
        %dma_start3A_25 = tpu.memref_slice %arg6[%scan3A_21, %dma_start3A] : memref<40x128xi32, #tpu.memory_space<vmem>> -> memref<1x128xi32, #tpu.memory_space<vmem>>
        %dma_start3A_26 = tpu.memref_squeeze %dma_start3A_25 : memref<1x128xi32, #tpu.memory_space<vmem>> -> memref<128xi32, #tpu.memory_space<vmem>>
        %dma_start3A_27 = tpu.memref_slice %arg3[%mul3A_24] : memref<163840xi32, #tpu.memory_space<hbm>> -> memref<128xi32, #tpu.memory_space<hbm>>
        %dma_start3A_28 = arith.constant 0 : i32
        %dma_start3A_29 = tpu.memref_slice %arg6[%scan3A_21, %dma_start3A_28] : memref<40x128xi32, #tpu.memory_space<vmem>> -> memref<1x128xi32, #tpu.memory_space<vmem>>
        %dma_start3A_30 = tpu.memref_squeeze %dma_start3A_29 : memref<1x128xi32, #tpu.memory_space<vmem>> -> memref<128xi32, #tpu.memory_space<vmem>>
        %dma_start3A_31 = tpu.memref_slice %arg3[%mul3A_24] : memref<163840xi32, #tpu.memory_space<hbm>> -> memref<128xi32, #tpu.memory_space<hbm>>
        tpu.enqueue_dma source(%dma_start3A_31 : memref<128xi32, #tpu.memory_space<hbm>>) target(%dma_start3A_30 : memref<128xi32, #tpu.memory_space<vmem>>) target_semaphore(%run_scoped3A : memref<!tpu.dma_semaphore, #tpu.memory_space<semaphore_mem>>)
        %dma_wait3A = arith.constant 0 : i32
        %dma_wait3A_32 = tpu.memref_slice %arg6[%scan3A_21, %dma_wait3A] : memref<40x128xi32, #tpu.memory_space<vmem>> -> memref<1x128xi32, #tpu.memory_space<vmem>>
        %dma_wait3A_33 = tpu.memref_squeeze %dma_wait3A_32 : memref<1x128xi32, #tpu.memory_space<vmem>> -> memref<128xi32, #tpu.memory_space<vmem>>
        %dma_wait3A_34 = tpu.memref_slice %arg3[%mul3A_24] : memref<163840xi32, #tpu.memory_space<hbm>> -> memref<128xi32, #tpu.memory_space<hbm>>
        %dma_wait3A_35 = arith.constant 0 : i32
        %dma_wait3A_36 = tpu.memref_slice %arg6[%scan3A_21, %dma_wait3A_35] : memref<40x128xi32, #tpu.memory_space<vmem>> -> memref<1x128xi32, #tpu.memory_space<vmem>>
        %dma_wait3A_37 = tpu.memref_squeeze %dma_wait3A_36 : memref<1x128xi32, #tpu.memory_space<vmem>> -> memref<128xi32, #tpu.memory_space<vmem>>
        %dma_wait3A_38 = tpu.memref_slice %arg3[%mul3A_24] : memref<163840xi32, #tpu.memory_space<hbm>> -> memref<128xi32, #tpu.memory_space<hbm>>
        tpu.wait_dma2 semaphore(%run_scoped3A : memref<!tpu.dma_semaphore, #tpu.memory_space<semaphore_mem>>) src(%dma_wait3A_38 : memref<128xi32, #tpu.memory_space<hbm>>) dst(%dma_wait3A_37 : memref<128xi32, #tpu.memory_space<vmem>>)
        tpu.yield
      }) : () -> ()
    }
    %scan3A_10 = arith.constant 40 : i32
    %barrier3A = arith.constant 0 : index
    tpu.barrier barrier_id(%barrier3A)
    %scan3A_11 = arith.constant 0 : i32
    %scan3A_12 = arith.constant 40 : i32
    %scan3A_13 = arith.addi %scan3A_11, %scan3A_12 : i32
    %scan3A_14 = arith.constant 1 : i32
    scf.for %scan3A_21 = %scan3A_11 to %scan3A_13 step %scan3A_14  : i32 {
      "tpu.region"() ({
        %run_scoped3A = tpu.sem_alloc : memref<!tpu.dma_semaphore, #tpu.memory_space<semaphore_mem>>
        %dma_start3A = arith.constant 0 : i32
        %dma_start3A_22 = tpu.memref_slice %arg6[%scan3A_21, %dma_start3A] : memref<40x128xi32, #tpu.memory_space<vmem>> -> memref<1x128xi32, #tpu.memory_space<vmem>>
        %dma_start3A_23 = tpu.memref_squeeze %dma_start3A_22 : memref<1x128xi32, #tpu.memory_space<vmem>> -> memref<128xi32, #tpu.memory_space<vmem>>
        %dma_start3A_24 = arith.constant 0 : i32
        %dma_start3A_25 = arith.constant 0 : i32
        %dma_start3A_26 = tpu.memref_slice %arg8[%dma_start3A_24, %dma_start3A_25] : memref<10240x128xf32, #tpu.memory_space<vmem_shared>> -> memref<10240x128xf32, #tpu.memory_space<vmem_shared>>
        tpu.enqueue_indirect_dma source(%arg7 : memref<128x128xf32, #tpu.memory_space<vmem>>) target(%dma_start3A_26 : memref<10240x128xf32, #tpu.memory_space<vmem_shared>>) offsets(%dma_start3A_23 : memref<128xi32, #tpu.memory_space<vmem>>) semaphore(%run_scoped3A : memref<!tpu.dma_semaphore, #tpu.memory_space<semaphore_mem>>) {add = true}
        %dma_wait3A = arith.constant 0 : i32
        %dma_wait3A_27 = tpu.memref_slice %arg6[%scan3A_21, %dma_wait3A] : memref<40x128xi32, #tpu.memory_space<vmem>> -> memref<1x128xi32, #tpu.memory_space<vmem>>
        %dma_wait3A_28 = tpu.memref_squeeze %dma_wait3A_27 : memref<1x128xi32, #tpu.memory_space<vmem>> -> memref<128xi32, #tpu.memory_space<vmem>>
        %dma_wait3A_29 = arith.constant 0 : i32
        %dma_wait3A_30 = arith.constant 0 : i32
        %dma_wait3A_31 = tpu.memref_slice %arg8[%dma_wait3A_29, %dma_wait3A_30] : memref<10240x128xf32, #tpu.memory_space<vmem_shared>> -> memref<10240x128xf32, #tpu.memory_space<vmem_shared>>
        tpu.wait_indirect_dma semaphore(%run_scoped3A : memref<!tpu.dma_semaphore, #tpu.memory_space<semaphore_mem>>) src(%arg7 : memref<128x128xf32, #tpu.memory_space<vmem>>) dst(%dma_wait3A_31 : memref<10240x128xf32, #tpu.memory_space<vmem_shared>>)
        tpu.yield
      }) : () -> ()
    }
    %scan3A_15 = arith.constant 40 : i32
    %barrier3A_16 = arith.constant 0 : index
    tpu.barrier barrier_id(%barrier3A_16)
    %mul3A_17 = arith.constant 640 : i32
    %mul3A_18 = arith.muli %arg1, %mul3A_17 : i32
    %mul3A_19 = arith.constant 640 : i32
    %mul3A_20 = arith.muli %arg1, %mul3A_19 : i32
    "tpu.region"() ({
      %run_scoped3A = tpu.sem_alloc : memref<!tpu.dma_semaphore, #tpu.memory_space<semaphore_mem>>
      %dma_start3A = arith.constant 0 : i32
      %dma_start3A_21 = tpu.memref_slice %arg5[%arg0, %mul3A_20, %dma_start3A] : memref<2x10240x128xf32, #tpu.memory_space<hbm>> -> memref<1x640x128xf32, #tpu.memory_space<hbm>>
      %dma_start3A_22 = tpu.memref_squeeze %dma_start3A_21 : memref<1x640x128xf32, #tpu.memory_space<hbm>> -> memref<640x128xf32, #tpu.memory_space<hbm>>
      %dma_start3A_23 = arith.constant 0 : i32
      %dma_start3A_24 = tpu.memref_slice %arg8[%mul3A_18, %dma_start3A_23] : memref<10240x128xf32, #tpu.memory_space<vmem_shared>> -> memref<640x128xf32, #tpu.memory_space<vmem_shared>>
      tpu.enqueue_dma source(%dma_start3A_24 : memref<640x128xf32, #tpu.memory_space<vmem_shared>>) target(%dma_start3A_22 : memref<640x128xf32, #tpu.memory_space<hbm>>) target_semaphore(%run_scoped3A : memref<!tpu.dma_semaphore, #tpu.memory_space<semaphore_mem>>)
      %dma_wait3A = arith.constant 0 : i32
      %dma_wait3A_25 = tpu.memref_slice %arg5[%arg0, %mul3A_20, %dma_wait3A] : memref<2x10240x128xf32, #tpu.memory_space<hbm>> -> memref<1x640x128xf32, #tpu.memory_space<hbm>>
      %dma_wait3A_26 = tpu.memref_squeeze %dma_wait3A_25 : memref<1x640x128xf32, #tpu.memory_space<hbm>> -> memref<640x128xf32, #tpu.memory_space<hbm>>
      %dma_wait3A_27 = arith.constant 0 : i32
      %dma_wait3A_28 = tpu.memref_slice %arg8[%mul3A_18, %dma_wait3A_27] : memref<10240x128xf32, #tpu.memory_space<vmem_shared>> -> memref<640x128xf32, #tpu.memory_space<vmem_shared>>
      tpu.wait_dma2 semaphore(%run_scoped3A : memref<!tpu.dma_semaphore, #tpu.memory_space<semaphore_mem>>) src(%dma_wait3A_28 : memref<640x128xf32, #tpu.memory_space<vmem_shared>>) dst(%dma_wait3A_26 : memref<640x128xf32, #tpu.memory_space<hbm>>)
      tpu.yield
    }) : () -> ()
    return
  }
}

#map = affine_map<(d0, d1) -> (0, 0)>
#map1 = affine_map<(d0, d1) -> (0)>
#map2 = affine_map<(d0, d1) -> (0, 0, 0)>
module attributes {stable_mosaic.version = 14 : i64} {
  func.func @scatter(%arg0: i32, %arg1: i32, %arg2: memref<81920x128xf32, #tpu.memory_space<hbm>>, %arg3: memref<81920xi32, #tpu.memory_space<hbm>>, %arg4: memref<10240x128xf32, #tpu.memory_space<hbm>>, %arg5: memref<2x10240x128xf32, #tpu.memory_space<hbm>>, %arg6: memref<20x128xi32, #tpu.memory_space<vmem>>, %arg7: memref<128x128xf32, #tpu.memory_space<vmem>>, %arg8: memref<10240x128xf32, #tpu.memory_space<vmem_shared>>) attributes {dimension_semantics = [#tpu.dimension_semantics<core_parallel>, #tpu.dimension_semantics<subcore_parallel>], iteration_bounds = array<i64: 2, 16>, scalar_prefetch = 0 : i64, scratch_operands = 3 : i64, tpu.core_type = #tpu.core_type<sc_vector_subcore>, window_params = [{transform_indices = #map}, {transform_indices = #map1}, {transform_indices = #map}, {transform_indices = #map2}]} {
    %mul3A = arith.constant 16 : i32
    %mul3A_0 = arith.muli %arg0, %mul3A : i32
    %add3A = arith.addi %mul3A_0, %arg1 : i32
    %mul3A_1 = arith.constant 20 : i32
    %mul3A_2 = arith.muli %add3A, %mul3A_1 : i32
    %mul3A_3 = arith.constant 640 : i32
    %mul3A_4 = arith.muli %arg1, %mul3A_3 : i32
    %mul3A_5 = arith.constant 640 : i32
    %mul3A_6 = arith.muli %arg1, %mul3A_5 : i32
    "tpu.region"() ({
      %run_scoped3A = tpu.sem_alloc : memref<!tpu.dma_semaphore, #tpu.memory_space<semaphore_mem>>
      %dma_start3A = arith.constant 0 : i32
      %dma_start3A_21 = tpu.memref_slice %arg8[%mul3A_6, %dma_start3A] : memref<10240x128xf32, #tpu.memory_space<vmem_shared>> -> memref<640x128xf32, #tpu.memory_space<vmem_shared>>
      %dma_start3A_22 = arith.constant 0 : i32
      %dma_start3A_23 = tpu.memref_slice %arg4[%mul3A_4, %dma_start3A_22] : memref<10240x128xf32, #tpu.memory_space<hbm>> -> memref<640x128xf32, #tpu.memory_space<hbm>>
      tpu.enqueue_dma source(%dma_start3A_23 : memref<640x128xf32, #tpu.memory_space<hbm>>) target(%dma_start3A_21 : memref<640x128xf32, #tpu.memory_space<vmem_shared>>) target_semaphore(%run_scoped3A : memref<!tpu.dma_semaphore, #tpu.memory_space<semaphore_mem>>)
      %dma_wait3A = arith.constant 0 : i32
      %dma_wait3A_24 = tpu.memref_slice %arg8[%mul3A_6, %dma_wait3A] : memref<10240x128xf32, #tpu.memory_space<vmem_shared>> -> memref<640x128xf32, #tpu.memory_space<vmem_shared>>
      %dma_wait3A_25 = arith.constant 0 : i32
      %dma_wait3A_26 = tpu.memref_slice %arg4[%mul3A_4, %dma_wait3A_25] : memref<10240x128xf32, #tpu.memory_space<hbm>> -> memref<640x128xf32, #tpu.memory_space<hbm>>
      tpu.wait_dma2 semaphore(%run_scoped3A : memref<!tpu.dma_semaphore, #tpu.memory_space<semaphore_mem>>) src(%dma_wait3A_26 : memref<640x128xf32, #tpu.memory_space<hbm>>) dst(%dma_wait3A_24 : memref<640x128xf32, #tpu.memory_space<vmem_shared>>)
      tpu.yield
    }) : () -> ()
    %scan3A = arith.constant 0 : i32
    %scan3A_7 = arith.constant 20 : i32
    %scan3A_8 = arith.addi %scan3A, %scan3A_7 : i32
    %scan3A_9 = arith.constant 1 : i32
    scf.for %scan3A_21 = %scan3A to %scan3A_8 step %scan3A_9  : i32 {
      %add3A_22 = arith.addi %mul3A_2, %scan3A_21 : i32
      %mul3A_23 = arith.constant 128 : i32
      %mul3A_24 = arith.muli %add3A_22, %mul3A_23 : i32
      "tpu.region"() ({
        %run_scoped3A = tpu.sem_alloc : memref<!tpu.dma_semaphore, #tpu.memory_space<semaphore_mem>>
        %dma_start3A = arith.constant 0 : i32
        %dma_start3A_25 = tpu.memref_slice %arg6[%scan3A_21, %dma_start3A] : memref<20x128xi32, #tpu.memory_space<vmem>> -> memref<1x128xi32, #tpu.memory_space<vmem>>
        %dma_start3A_26 = tpu.memref_squeeze %dma_start3A_25 : memref<1x128xi32, #tpu.memory_space<vmem>> -> memref<128xi32, #tpu.memory_space<vmem>>
        %dma_start3A_27 = tpu.memref_slice %arg3[%mul3A_24] : memref<81920xi32, #tpu.memory_space<hbm>> -> memref<128xi32, #tpu.memory_space<hbm>>
        %dma_start3A_28 = arith.constant 0 : i32
        %dma_start3A_29 = tpu.memref_slice %arg6[%scan3A_21, %dma_start3A_28] : memref<20x128xi32, #tpu.memory_space<vmem>> -> memref<1x128xi32, #tpu.memory_space<vmem>>
        %dma_start3A_30 = tpu.memref_squeeze %dma_start3A_29 : memref<1x128xi32, #tpu.memory_space<vmem>> -> memref<128xi32, #tpu.memory_space<vmem>>
        %dma_start3A_31 = tpu.memref_slice %arg3[%mul3A_24] : memref<81920xi32, #tpu.memory_space<hbm>> -> memref<128xi32, #tpu.memory_space<hbm>>
        tpu.enqueue_dma source(%dma_start3A_31 : memref<128xi32, #tpu.memory_space<hbm>>) target(%dma_start3A_30 : memref<128xi32, #tpu.memory_space<vmem>>) target_semaphore(%run_scoped3A : memref<!tpu.dma_semaphore, #tpu.memory_space<semaphore_mem>>)
        %dma_wait3A = arith.constant 0 : i32
        %dma_wait3A_32 = tpu.memref_slice %arg6[%scan3A_21, %dma_wait3A] : memref<20x128xi32, #tpu.memory_space<vmem>> -> memref<1x128xi32, #tpu.memory_space<vmem>>
        %dma_wait3A_33 = tpu.memref_squeeze %dma_wait3A_32 : memref<1x128xi32, #tpu.memory_space<vmem>> -> memref<128xi32, #tpu.memory_space<vmem>>
        %dma_wait3A_34 = tpu.memref_slice %arg3[%mul3A_24] : memref<81920xi32, #tpu.memory_space<hbm>> -> memref<128xi32, #tpu.memory_space<hbm>>
        %dma_wait3A_35 = arith.constant 0 : i32
        %dma_wait3A_36 = tpu.memref_slice %arg6[%scan3A_21, %dma_wait3A_35] : memref<20x128xi32, #tpu.memory_space<vmem>> -> memref<1x128xi32, #tpu.memory_space<vmem>>
        %dma_wait3A_37 = tpu.memref_squeeze %dma_wait3A_36 : memref<1x128xi32, #tpu.memory_space<vmem>> -> memref<128xi32, #tpu.memory_space<vmem>>
        %dma_wait3A_38 = tpu.memref_slice %arg3[%mul3A_24] : memref<81920xi32, #tpu.memory_space<hbm>> -> memref<128xi32, #tpu.memory_space<hbm>>
        tpu.wait_dma2 semaphore(%run_scoped3A : memref<!tpu.dma_semaphore, #tpu.memory_space<semaphore_mem>>) src(%dma_wait3A_38 : memref<128xi32, #tpu.memory_space<hbm>>) dst(%dma_wait3A_37 : memref<128xi32, #tpu.memory_space<vmem>>)
        tpu.yield
      }) : () -> ()
    }
    %scan3A_10 = arith.constant 20 : i32
    %barrier3A = arith.constant 0 : index
    tpu.barrier barrier_id(%barrier3A)
    %scan3A_11 = arith.constant 0 : i32
    %scan3A_12 = arith.constant 20 : i32
    %scan3A_13 = arith.addi %scan3A_11, %scan3A_12 : i32
    %scan3A_14 = arith.constant 1 : i32
    scf.for %scan3A_21 = %scan3A_11 to %scan3A_13 step %scan3A_14  : i32 {
      %add3A_22 = arith.addi %mul3A_2, %scan3A_21 : i32
      %mul3A_23 = arith.constant 128 : i32
      %mul3A_24 = arith.muli %add3A_22, %mul3A_23 : i32
      "tpu.region"() ({
        %run_scoped3A = tpu.sem_alloc : memref<!tpu.dma_semaphore, #tpu.memory_space<semaphore_mem>>
        %dma_start3A = arith.constant 0 : i32
        %dma_start3A_25 = tpu.memref_slice %arg2[%mul3A_24, %dma_start3A] : memref<81920x128xf32, #tpu.memory_space<hbm>> -> memref<128x128xf32, #tpu.memory_space<hbm>>
        %dma_start3A_26 = arith.constant 0 : i32
        %dma_start3A_27 = tpu.memref_slice %arg2[%mul3A_24, %dma_start3A_26] : memref<81920x128xf32, #tpu.memory_space<hbm>> -> memref<128x128xf32, #tpu.memory_space<hbm>>
        tpu.enqueue_dma source(%dma_start3A_27 : memref<128x128xf32, #tpu.memory_space<hbm>>) target(%arg7 : memref<128x128xf32, #tpu.memory_space<vmem>>) target_semaphore(%run_scoped3A : memref<!tpu.dma_semaphore, #tpu.memory_space<semaphore_mem>>)
        %dma_wait3A = arith.constant 0 : i32
        %dma_wait3A_28 = tpu.memref_slice %arg2[%mul3A_24, %dma_wait3A] : memref<81920x128xf32, #tpu.memory_space<hbm>> -> memref<128x128xf32, #tpu.memory_space<hbm>>
        %dma_wait3A_29 = arith.constant 0 : i32
        %dma_wait3A_30 = tpu.memref_slice %arg2[%mul3A_24, %dma_wait3A_29] : memref<81920x128xf32, #tpu.memory_space<hbm>> -> memref<128x128xf32, #tpu.memory_space<hbm>>
        tpu.wait_dma2 semaphore(%run_scoped3A : memref<!tpu.dma_semaphore, #tpu.memory_space<semaphore_mem>>) src(%dma_wait3A_30 : memref<128x128xf32, #tpu.memory_space<hbm>>) dst(%arg7 : memref<128x128xf32, #tpu.memory_space<vmem>>)
        tpu.yield
      }) : () -> ()
      "tpu.region"() ({
        %run_scoped3A = tpu.sem_alloc : memref<!tpu.dma_semaphore, #tpu.memory_space<semaphore_mem>>
        %dma_start3A = arith.constant 0 : i32
        %dma_start3A_25 = tpu.memref_slice %arg6[%scan3A_21, %dma_start3A] : memref<20x128xi32, #tpu.memory_space<vmem>> -> memref<1x128xi32, #tpu.memory_space<vmem>>
        %dma_start3A_26 = tpu.memref_squeeze %dma_start3A_25 : memref<1x128xi32, #tpu.memory_space<vmem>> -> memref<128xi32, #tpu.memory_space<vmem>>
        %dma_start3A_27 = arith.constant 0 : i32
        %dma_start3A_28 = arith.constant 0 : i32
        %dma_start3A_29 = tpu.memref_slice %arg8[%dma_start3A_27, %dma_start3A_28] : memref<10240x128xf32, #tpu.memory_space<vmem_shared>> -> memref<10240x128xf32, #tpu.memory_space<vmem_shared>>
        tpu.enqueue_indirect_dma source(%arg7 : memref<128x128xf32, #tpu.memory_space<vmem>>) target(%dma_start3A_29 : memref<10240x128xf32, #tpu.memory_space<vmem_shared>>) offsets(%dma_start3A_26 : memref<128xi32, #tpu.memory_space<vmem>>) semaphore(%run_scoped3A : memref<!tpu.dma_semaphore, #tpu.memory_space<semaphore_mem>>) {add = true}
        %dma_wait3A = arith.constant 0 : i32
        %dma_wait3A_30 = tpu.memref_slice %arg6[%scan3A_21, %dma_wait3A] : memref<20x128xi32, #tpu.memory_space<vmem>> -> memref<1x128xi32, #tpu.memory_space<vmem>>
        %dma_wait3A_31 = tpu.memref_squeeze %dma_wait3A_30 : memref<1x128xi32, #tpu.memory_space<vmem>> -> memref<128xi32, #tpu.memory_space<vmem>>
        %dma_wait3A_32 = arith.constant 0 : i32
        %dma_wait3A_33 = arith.constant 0 : i32
        %dma_wait3A_34 = tpu.memref_slice %arg8[%dma_wait3A_32, %dma_wait3A_33] : memref<10240x128xf32, #tpu.memory_space<vmem_shared>> -> memref<10240x128xf32, #tpu.memory_space<vmem_shared>>
        tpu.wait_indirect_dma semaphore(%run_scoped3A : memref<!tpu.dma_semaphore, #tpu.memory_space<semaphore_mem>>) src(%arg7 : memref<128x128xf32, #tpu.memory_space<vmem>>) dst(%dma_wait3A_34 : memref<10240x128xf32, #tpu.memory_space<vmem_shared>>)
        tpu.yield
      }) : () -> ()
    }
    %scan3A_15 = arith.constant 20 : i32
    %barrier3A_16 = arith.constant 0 : index
    tpu.barrier barrier_id(%barrier3A_16)
    %mul3A_17 = arith.constant 640 : i32
    %mul3A_18 = arith.muli %arg1, %mul3A_17 : i32
    %mul3A_19 = arith.constant 640 : i32
    %mul3A_20 = arith.muli %arg1, %mul3A_19 : i32
    "tpu.region"() ({
      %run_scoped3A = tpu.sem_alloc : memref<!tpu.dma_semaphore, #tpu.memory_space<semaphore_mem>>
      %dma_start3A = arith.constant 0 : i32
      %dma_start3A_21 = tpu.memref_slice %arg5[%arg0, %mul3A_20, %dma_start3A] : memref<2x10240x128xf32, #tpu.memory_space<hbm>> -> memref<1x640x128xf32, #tpu.memory_space<hbm>>
      %dma_start3A_22 = tpu.memref_squeeze %dma_start3A_21 : memref<1x640x128xf32, #tpu.memory_space<hbm>> -> memref<640x128xf32, #tpu.memory_space<hbm>>
      %dma_start3A_23 = arith.constant 0 : i32
      %dma_start3A_24 = tpu.memref_slice %arg8[%mul3A_18, %dma_start3A_23] : memref<10240x128xf32, #tpu.memory_space<vmem_shared>> -> memref<640x128xf32, #tpu.memory_space<vmem_shared>>
      tpu.enqueue_dma source(%dma_start3A_24 : memref<640x128xf32, #tpu.memory_space<vmem_shared>>) target(%dma_start3A_22 : memref<640x128xf32, #tpu.memory_space<hbm>>) target_semaphore(%run_scoped3A : memref<!tpu.dma_semaphore, #tpu.memory_space<semaphore_mem>>)
      %dma_wait3A = arith.constant 0 : i32
      %dma_wait3A_25 = tpu.memref_slice %arg5[%arg0, %mul3A_20, %dma_wait3A] : memref<2x10240x128xf32, #tpu.memory_space<hbm>> -> memref<1x640x128xf32, #tpu.memory_space<hbm>>
      %dma_wait3A_26 = tpu.memref_squeeze %dma_wait3A_25 : memref<1x640x128xf32, #tpu.memory_space<hbm>> -> memref<640x128xf32, #tpu.memory_space<hbm>>
      %dma_wait3A_27 = arith.constant 0 : i32
      %dma_wait3A_28 = tpu.memref_slice %arg8[%mul3A_18, %dma_wait3A_27] : memref<10240x128xf32, #tpu.memory_space<vmem_shared>> -> memref<640x128xf32, #tpu.memory_space<vmem_shared>>
      tpu.wait_dma2 semaphore(%run_scoped3A : memref<!tpu.dma_semaphore, #tpu.memory_space<semaphore_mem>>) src(%dma_wait3A_28 : memref<640x128xf32, #tpu.memory_space<vmem_shared>>) dst(%dma_wait3A_26 : memref<640x128xf32, #tpu.memory_space<hbm>>)
      tpu.yield
    }) : () -> ()
    return
  }
}

#map = affine_map<(d0, d1) -> (0, 0)>
#map1 = affine_map<(d0, d1) -> (0)>
module attributes {stable_mosaic.version = 14 : i64} {
  func.func @gather(%arg0: i32, %arg1: i32, %arg2: memref<10240x128xf32, #tpu.memory_space<hbm>>, %arg3: memref<81920xi32, #tpu.memory_space<hbm>>, %arg4: memref<81920x128xf32, #tpu.memory_space<hbm>>, %arg5: memref<2560xi32, #tpu.memory_space<vmem>>, %arg6: memref<2x128x128xf32, #tpu.memory_space<vmem>>, %arg7: memref<!tpu.dma_semaphore, #tpu.memory_space<semaphore_mem>>, %arg8: memref<!tpu.dma_semaphore, #tpu.memory_space<semaphore_mem>>) attributes {dimension_semantics = [#tpu.dimension_semantics<core_parallel>, #tpu.dimension_semantics<subcore_parallel>], iteration_bounds = array<i64: 2, 16>, scalar_prefetch = 0 : i64, scratch_operands = 4 : i64, tpu.core_type = #tpu.core_type<sc_vector_subcore>, window_params = [{transform_indices = #map}, {transform_indices = #map1}, {transform_indices = #map}]} {
    %mul3A = arith.constant 16 : i32
    %mul3A_0 = arith.muli %arg0, %mul3A : i32
    %add3A = arith.addi %mul3A_0, %arg1 : i32
    %mul3A_1 = arith.constant 20 : i32
    %mul3A_2 = arith.muli %add3A, %mul3A_1 : i32
    %mul3A_3 = arith.constant 128 : i32
    %mul3A_4 = arith.muli %mul3A_2, %mul3A_3 : i32
    "tpu.region"() ({
      %run_scoped3A = tpu.sem_alloc : memref<!tpu.dma_semaphore, #tpu.memory_space<semaphore_mem>>
      %dma_start3A_28 = tpu.memref_slice %arg3[%mul3A_4] : memref<81920xi32, #tpu.memory_space<hbm>> -> memref<2560xi32, #tpu.memory_space<hbm>>
      %dma_start3A_29 = tpu.memref_slice %arg3[%mul3A_4] : memref<81920xi32, #tpu.memory_space<hbm>> -> memref<2560xi32, #tpu.memory_space<hbm>>
      tpu.enqueue_dma source(%dma_start3A_29 : memref<2560xi32, #tpu.memory_space<hbm>>) target(%arg5 : memref<2560xi32, #tpu.memory_space<vmem>>) target_semaphore(%run_scoped3A : memref<!tpu.dma_semaphore, #tpu.memory_space<semaphore_mem>>)
      %dma_wait3A = tpu.memref_slice %arg3[%mul3A_4] : memref<81920xi32, #tpu.memory_space<hbm>> -> memref<2560xi32, #tpu.memory_space<hbm>>
      %dma_wait3A_30 = tpu.memref_slice %arg3[%mul3A_4] : memref<81920xi32, #tpu.memory_space<hbm>> -> memref<2560xi32, #tpu.memory_space<hbm>>
      tpu.wait_dma2 semaphore(%run_scoped3A : memref<!tpu.dma_semaphore, #tpu.memory_space<semaphore_mem>>) src(%dma_wait3A_30 : memref<2560xi32, #tpu.memory_space<hbm>>) dst(%arg5 : memref<2560xi32, #tpu.memory_space<vmem>>)
      tpu.yield
    }) : () -> ()
    %dma_start3A = arith.constant 0 : i32
    %dma_start3A_5 = arith.constant 0 : i32
    %dma_start3A_6 = arith.constant 0 : i32
    %dma_start3A_7 = tpu.memref_slice %arg6[%dma_start3A, %dma_start3A_5, %dma_start3A_6] : memref<2x128x128xf32, #tpu.memory_space<vmem>> -> memref<1x128x128xf32, #tpu.memory_space<vmem>>
    %dma_start3A_8 = tpu.memref_squeeze %dma_start3A_7 : memref<1x128x128xf32, #tpu.memory_space<vmem>> -> memref<128x128xf32, #tpu.memory_space<vmem>>
    %dma_start3A_9 = arith.constant 0 : i32
    %dma_start3A_10 = tpu.memref_slice %arg5[%dma_start3A_9] : memref<2560xi32, #tpu.memory_space<vmem>> -> memref<128xi32, #tpu.memory_space<vmem>>
    %dma_start3A_11 = arith.constant 0 : i32
    %dma_start3A_12 = arith.constant 0 : i32
    %dma_start3A_13 = tpu.memref_slice %arg2[%dma_start3A_11, %dma_start3A_12] : memref<10240x128xf32, #tpu.memory_space<hbm>> -> memref<10240x128xf32, #tpu.memory_space<hbm>>
    tpu.enqueue_indirect_dma source(%dma_start3A_13 : memref<10240x128xf32, #tpu.memory_space<hbm>>) target(%dma_start3A_8 : memref<128x128xf32, #tpu.memory_space<vmem>>) offsets(%dma_start3A_10 : memref<128xi32, #tpu.memory_space<vmem>>) semaphore(%arg7 : memref<!tpu.dma_semaphore, #tpu.memory_space<semaphore_mem>>)
    %dma_start3A_14 = arith.constant 1 : i32
    %dma_start3A_15 = arith.constant 0 : i32
    %dma_start3A_16 = arith.constant 0 : i32
    %dma_start3A_17 = tpu.memref_slice %arg6[%dma_start3A_14, %dma_start3A_15, %dma_start3A_16] : memref<2x128x128xf32, #tpu.memory_space<vmem>> -> memref<1x128x128xf32, #tpu.memory_space<vmem>>
    %dma_start3A_18 = tpu.memref_squeeze %dma_start3A_17 : memref<1x128x128xf32, #tpu.memory_space<vmem>> -> memref<128x128xf32, #tpu.memory_space<vmem>>
    %dma_start3A_19 = arith.constant 128 : i32
    %dma_start3A_20 = tpu.memref_slice %arg5[%dma_start3A_19] : memref<2560xi32, #tpu.memory_space<vmem>> -> memref<128xi32, #tpu.memory_space<vmem>>
    %dma_start3A_21 = arith.constant 0 : i32
    %dma_start3A_22 = arith.constant 0 : i32
    %dma_start3A_23 = tpu.memref_slice %arg2[%dma_start3A_21, %dma_start3A_22] : memref<10240x128xf32, #tpu.memory_space<hbm>> -> memref<10240x128xf32, #tpu.memory_space<hbm>>
    tpu.enqueue_indirect_dma source(%dma_start3A_23 : memref<10240x128xf32, #tpu.memory_space<hbm>>) target(%dma_start3A_18 : memref<128x128xf32, #tpu.memory_space<vmem>>) offsets(%dma_start3A_20 : memref<128xi32, #tpu.memory_space<vmem>>) semaphore(%arg8 : memref<!tpu.dma_semaphore, #tpu.memory_space<semaphore_mem>>)
    %scan3A = arith.constant 0 : i32
    %scan3A_24 = arith.constant 10 : i32
    %scan3A_25 = arith.addi %scan3A, %scan3A_24 : i32
    %scan3A_26 = arith.constant 1 : i32
    scf.for %scan3A_28 = %scan3A to %scan3A_25 step %scan3A_26  : i32 {
      %mul3A_29 = arith.constant 2 : i32
      %mul3A_30 = arith.muli %mul3A_29, %scan3A_28 : i32
      %dma_wait3A = arith.constant 0 : i32
      %dma_wait3A_31 = arith.constant 0 : i32
      %dma_wait3A_32 = arith.constant 0 : i32
      %dma_wait3A_33 = tpu.memref_slice %arg6[%dma_wait3A, %dma_wait3A_31, %dma_wait3A_32] : memref<2x128x128xf32, #tpu.memory_space<vmem>> -> memref<1x128x128xf32, #tpu.memory_space<vmem>>
      %dma_wait3A_34 = tpu.memref_squeeze %dma_wait3A_33 : memref<1x128x128xf32, #tpu.memory_space<vmem>> -> memref<128x128xf32, #tpu.memory_space<vmem>>
      %dma_wait3A_35 = arith.constant 0 : i32
      %dma_wait3A_36 = arith.constant 0 : i32
      %dma_wait3A_37 = tpu.memref_slice %arg2[%dma_wait3A_35, %dma_wait3A_36] : memref<10240x128xf32, #tpu.memory_space<hbm>> -> memref<128x128xf32, #tpu.memory_space<hbm>>
      %dma_wait3A_38 = arith.constant 0 : i32
      %dma_wait3A_39 = arith.constant 0 : i32
      %dma_wait3A_40 = tpu.memref_slice %arg6[%dma_wait3A, %dma_wait3A_38, %dma_wait3A_39] : memref<2x128x128xf32, #tpu.memory_space<vmem>> -> memref<1x128x128xf32, #tpu.memory_space<vmem>>
      %dma_wait3A_41 = tpu.memref_squeeze %dma_wait3A_40 : memref<1x128x128xf32, #tpu.memory_space<vmem>> -> memref<128x128xf32, #tpu.memory_space<vmem>>
      %dma_wait3A_42 = arith.constant 0 : i32
      %dma_wait3A_43 = arith.constant 0 : i32
      %dma_wait3A_44 = tpu.memref_slice %arg2[%dma_wait3A_42, %dma_wait3A_43] : memref<10240x128xf32, #tpu.memory_space<hbm>> -> memref<128x128xf32, #tpu.memory_space<hbm>>
      tpu.wait_dma2 semaphore(%arg7 : memref<!tpu.dma_semaphore, #tpu.memory_space<semaphore_mem>>) src(%dma_wait3A_44 : memref<128x128xf32, #tpu.memory_space<hbm>>) dst(%dma_wait3A_41 : memref<128x128xf32, #tpu.memory_space<vmem>>)
      %add3A_45 = arith.addi %mul3A_2, %mul3A_30 : i32
      %mul3A_46 = arith.constant 128 : i32
      %mul3A_47 = arith.muli %add3A_45, %mul3A_46 : i32
      %run_scoped3A = arith.constant 0 : i32
      "tpu.region"() ({
        %run_scoped3A_82 = tpu.sem_alloc : memref<!tpu.dma_semaphore, #tpu.memory_space<semaphore_mem>>
        %dma_start3A_83 = arith.constant 0 : i32
        %dma_start3A_84 = arith.constant 0 : i32
        %dma_start3A_85 = tpu.memref_slice %arg6[%run_scoped3A, %dma_start3A_83, %dma_start3A_84] : memref<2x128x128xf32, #tpu.memory_space<vmem>> -> memref<1x128x128xf32, #tpu.memory_space<vmem>>
        %dma_start3A_86 = tpu.memref_squeeze %dma_start3A_85 : memref<1x128x128xf32, #tpu.memory_space<vmem>> -> memref<128x128xf32, #tpu.memory_space<vmem>>
        %dma_start3A_87 = arith.constant 0 : i32
        %dma_start3A_88 = tpu.memref_slice %arg4[%mul3A_47, %dma_start3A_87] : memref<81920x128xf32, #tpu.memory_space<hbm>> -> memref<128x128xf32, #tpu.memory_space<hbm>>
        %dma_start3A_89 = arith.constant 0 : i32
        %dma_start3A_90 = tpu.memref_slice %arg4[%mul3A_47, %dma_start3A_89] : memref<81920x128xf32, #tpu.memory_space<hbm>> -> memref<128x128xf32, #tpu.memory_space<hbm>>
        %dma_start3A_91 = arith.constant 0 : i32
        %dma_start3A_92 = arith.constant 0 : i32
        %dma_start3A_93 = tpu.memref_slice %arg6[%run_scoped3A, %dma_start3A_91, %dma_start3A_92] : memref<2x128x128xf32, #tpu.memory_space<vmem>> -> memref<1x128x128xf32, #tpu.memory_space<vmem>>
        %dma_start3A_94 = tpu.memref_squeeze %dma_start3A_93 : memref<1x128x128xf32, #tpu.memory_space<vmem>> -> memref<128x128xf32, #tpu.memory_space<vmem>>
        tpu.enqueue_dma source(%dma_start3A_94 : memref<128x128xf32, #tpu.memory_space<vmem>>) target(%dma_start3A_90 : memref<128x128xf32, #tpu.memory_space<hbm>>) target_semaphore(%run_scoped3A_82 : memref<!tpu.dma_semaphore, #tpu.memory_space<semaphore_mem>>)
        %dma_wait3A_95 = arith.constant 0 : i32
        %dma_wait3A_96 = arith.constant 0 : i32
        %dma_wait3A_97 = tpu.memref_slice %arg6[%run_scoped3A, %dma_wait3A_95, %dma_wait3A_96] : memref<2x128x128xf32, #tpu.memory_space<vmem>> -> memref<1x128x128xf32, #tpu.memory_space<vmem>>
        %dma_wait3A_98 = tpu.memref_squeeze %dma_wait3A_97 : memref<1x128x128xf32, #tpu.memory_space<vmem>> -> memref<128x128xf32, #tpu.memory_space<vmem>>
        %dma_wait3A_99 = arith.constant 0 : i32
        %dma_wait3A_100 = tpu.memref_slice %arg4[%mul3A_47, %dma_wait3A_99] : memref<81920x128xf32, #tpu.memory_space<hbm>> -> memref<128x128xf32, #tpu.memory_space<hbm>>
        %dma_wait3A_101 = arith.constant 0 : i32
        %dma_wait3A_102 = tpu.memref_slice %arg4[%mul3A_47, %dma_wait3A_101] : memref<81920x128xf32, #tpu.memory_space<hbm>> -> memref<128x128xf32, #tpu.memory_space<hbm>>
        %dma_wait3A_103 = arith.constant 0 : i32
        %dma_wait3A_104 = arith.constant 0 : i32
        %dma_wait3A_105 = tpu.memref_slice %arg6[%run_scoped3A, %dma_wait3A_103, %dma_wait3A_104] : memref<2x128x128xf32, #tpu.memory_space<vmem>> -> memref<1x128x128xf32, #tpu.memory_space<vmem>>
        %dma_wait3A_106 = tpu.memref_squeeze %dma_wait3A_105 : memref<1x128x128xf32, #tpu.memory_space<vmem>> -> memref<128x128xf32, #tpu.memory_space<vmem>>
        tpu.wait_dma2 semaphore(%run_scoped3A_82 : memref<!tpu.dma_semaphore, #tpu.memory_space<semaphore_mem>>) src(%dma_wait3A_106 : memref<128x128xf32, #tpu.memory_space<vmem>>) dst(%dma_wait3A_102 : memref<128x128xf32, #tpu.memory_space<hbm>>)
        tpu.yield
      }) : () -> ()
      %add3A_48 = arith.constant 2 : i32
      %add3A_49 = arith.addi %mul3A_30, %add3A_48 : i32
      %lt3A = arith.constant 20 : i32
      %lt3A_50 = arith.cmpi slt, %add3A_49, %lt3A : i32
      %convert_element_type3A = arith.extui %lt3A_50 : i1 to i32
      %cond3A = arith.constant 0 : i32
      %cond3A_51 = arith.cmpi ne, %convert_element_type3A, %cond3A : i32
      scf.if %cond3A_51 {
        %add3A_82 = arith.constant 2 : i32
        %add3A_83 = arith.addi %mul3A_30, %add3A_82 : i32
        %mul3A_84 = arith.constant 128 : i32
        %mul3A_85 = arith.muli %add3A_83, %mul3A_84 : i32
        %dma_start3A_86 = arith.constant 0 : i32
        %dma_start3A_87 = arith.constant 0 : i32
        %dma_start3A_88 = arith.constant 0 : i32
        %dma_start3A_89 = tpu.memref_slice %arg6[%dma_start3A_86, %dma_start3A_87, %dma_start3A_88] : memref<2x128x128xf32, #tpu.memory_space<vmem>> -> memref<1x128x128xf32, #tpu.memory_space<vmem>>
        %dma_start3A_90 = tpu.memref_squeeze %dma_start3A_89 : memref<1x128x128xf32, #tpu.memory_space<vmem>> -> memref<128x128xf32, #tpu.memory_space<vmem>>
        %dma_start3A_91 = tpu.memref_slice %arg5[%mul3A_85] : memref<2560xi32, #tpu.memory_space<vmem>> -> memref<128xi32, #tpu.memory_space<vmem>>
        %dma_start3A_92 = arith.constant 0 : i32
        %dma_start3A_93 = arith.constant 0 : i32
        %dma_start3A_94 = tpu.memref_slice %arg2[%dma_start3A_92, %dma_start3A_93] : memref<10240x128xf32, #tpu.memory_space<hbm>> -> memref<10240x128xf32, #tpu.memory_space<hbm>>
        tpu.enqueue_indirect_dma source(%dma_start3A_94 : memref<10240x128xf32, #tpu.memory_space<hbm>>) target(%dma_start3A_90 : memref<128x128xf32, #tpu.memory_space<vmem>>) offsets(%dma_start3A_91 : memref<128xi32, #tpu.memory_space<vmem>>) semaphore(%arg7 : memref<!tpu.dma_semaphore, #tpu.memory_space<semaphore_mem>>)
      } else {
      }
      %mul3A_52 = arith.constant 2 : i32
      %mul3A_53 = arith.muli %mul3A_52, %scan3A_28 : i32
      %add3A_54 = arith.constant 1 : i32
      %add3A_55 = arith.addi %mul3A_53, %add3A_54 : i32
      %dma_wait3A_56 = arith.constant 1 : i32
      %dma_wait3A_57 = arith.constant 0 : i32
      %dma_wait3A_58 = arith.constant 0 : i32
      %dma_wait3A_59 = tpu.memref_slice %arg6[%dma_wait3A_56, %dma_wait3A_57, %dma_wait3A_58] : memref<2x128x128xf32, #tpu.memory_space<vmem>> -> memref<1x128x128xf32, #tpu.memory_space<vmem>>
      %dma_wait3A_60 = tpu.memref_squeeze %dma_wait3A_59 : memref<1x128x128xf32, #tpu.memory_space<vmem>> -> memref<128x128xf32, #tpu.memory_space<vmem>>
      %dma_wait3A_61 = arith.constant 0 : i32
      %dma_wait3A_62 = arith.constant 0 : i32
      %dma_wait3A_63 = tpu.memref_slice %arg2[%dma_wait3A_61, %dma_wait3A_62] : memref<10240x128xf32, #tpu.memory_space<hbm>> -> memref<128x128xf32, #tpu.memory_space<hbm>>
      %dma_wait3A_64 = arith.constant 0 : i32
      %dma_wait3A_65 = arith.constant 0 : i32
      %dma_wait3A_66 = tpu.memref_slice %arg6[%dma_wait3A_56, %dma_wait3A_64, %dma_wait3A_65] : memref<2x128x128xf32, #tpu.memory_space<vmem>> -> memref<1x128x128xf32, #tpu.memory_space<vmem>>
      %dma_wait3A_67 = tpu.memref_squeeze %dma_wait3A_66 : memref<1x128x128xf32, #tpu.memory_space<vmem>> -> memref<128x128xf32, #tpu.memory_space<vmem>>
      %dma_wait3A_68 = arith.constant 0 : i32
      %dma_wait3A_69 = arith.constant 0 : i32
      %dma_wait3A_70 = tpu.memref_slice %arg2[%dma_wait3A_68, %dma_wait3A_69] : memref<10240x128xf32, #tpu.memory_space<hbm>> -> memref<128x128xf32, #tpu.memory_space<hbm>>
      tpu.wait_dma2 semaphore(%arg8 : memref<!tpu.dma_semaphore, #tpu.memory_space<semaphore_mem>>) src(%dma_wait3A_70 : memref<128x128xf32, #tpu.memory_space<hbm>>) dst(%dma_wait3A_67 : memref<128x128xf32, #tpu.memory_space<vmem>>)
      %add3A_71 = arith.addi %mul3A_2, %add3A_55 : i32
      %mul3A_72 = arith.constant 128 : i32
      %mul3A_73 = arith.muli %add3A_71, %mul3A_72 : i32
      %run_scoped3A_74 = arith.constant 1 : i32
      "tpu.region"() ({
        %run_scoped3A_82 = tpu.sem_alloc : memref<!tpu.dma_semaphore, #tpu.memory_space<semaphore_mem>>
        %dma_start3A_83 = arith.constant 0 : i32
        %dma_start3A_84 = arith.constant 0 : i32
        %dma_start3A_85 = tpu.memref_slice %arg6[%run_scoped3A_74, %dma_start3A_83, %dma_start3A_84] : memref<2x128x128xf32, #tpu.memory_space<vmem>> -> memref<1x128x128xf32, #tpu.memory_space<vmem>>
        %dma_start3A_86 = tpu.memref_squeeze %dma_start3A_85 : memref<1x128x128xf32, #tpu.memory_space<vmem>> -> memref<128x128xf32, #tpu.memory_space<vmem>>
        %dma_start3A_87 = arith.constant 0 : i32
        %dma_start3A_88 = tpu.memref_slice %arg4[%mul3A_73, %dma_start3A_87] : memref<81920x128xf32, #tpu.memory_space<hbm>> -> memref<128x128xf32, #tpu.memory_space<hbm>>
        %dma_start3A_89 = arith.constant 0 : i32
        %dma_start3A_90 = tpu.memref_slice %arg4[%mul3A_73, %dma_start3A_89] : memref<81920x128xf32, #tpu.memory_space<hbm>> -> memref<128x128xf32, #tpu.memory_space<hbm>>
        %dma_start3A_91 = arith.constant 0 : i32
        %dma_start3A_92 = arith.constant 0 : i32
        %dma_start3A_93 = tpu.memref_slice %arg6[%run_scoped3A_74, %dma_start3A_91, %dma_start3A_92] : memref<2x128x128xf32, #tpu.memory_space<vmem>> -> memref<1x128x128xf32, #tpu.memory_space<vmem>>
        %dma_start3A_94 = tpu.memref_squeeze %dma_start3A_93 : memref<1x128x128xf32, #tpu.memory_space<vmem>> -> memref<128x128xf32, #tpu.memory_space<vmem>>
        tpu.enqueue_dma source(%dma_start3A_94 : memref<128x128xf32, #tpu.memory_space<vmem>>) target(%dma_start3A_90 : memref<128x128xf32, #tpu.memory_space<hbm>>) target_semaphore(%run_scoped3A_82 : memref<!tpu.dma_semaphore, #tpu.memory_space<semaphore_mem>>)
        %dma_wait3A_95 = arith.constant 0 : i32
        %dma_wait3A_96 = arith.constant 0 : i32
        %dma_wait3A_97 = tpu.memref_slice %arg6[%run_scoped3A_74, %dma_wait3A_95, %dma_wait3A_96] : memref<2x128x128xf32, #tpu.memory_space<vmem>> -> memref<1x128x128xf32, #tpu.memory_space<vmem>>
        %dma_wait3A_98 = tpu.memref_squeeze %dma_wait3A_97 : memref<1x128x128xf32, #tpu.memory_space<vmem>> -> memref<128x128xf32, #tpu.memory_space<vmem>>
        %dma_wait3A_99 = arith.constant 0 : i32
        %dma_wait3A_100 = tpu.memref_slice %arg4[%mul3A_73, %dma_wait3A_99] : memref<81920x128xf32, #tpu.memory_space<hbm>> -> memref<128x128xf32, #tpu.memory_space<hbm>>
        %dma_wait3A_101 = arith.constant 0 : i32
        %dma_wait3A_102 = tpu.memref_slice %arg4[%mul3A_73, %dma_wait3A_101] : memref<81920x128xf32, #tpu.memory_space<hbm>> -> memref<128x128xf32, #tpu.memory_space<hbm>>
        %dma_wait3A_103 = arith.constant 0 : i32
        %dma_wait3A_104 = arith.constant 0 : i32
        %dma_wait3A_105 = tpu.memref_slice %arg6[%run_scoped3A_74, %dma_wait3A_103, %dma_wait3A_104] : memref<2x128x128xf32, #tpu.memory_space<vmem>> -> memref<1x128x128xf32, #tpu.memory_space<vmem>>
        %dma_wait3A_106 = tpu.memref_squeeze %dma_wait3A_105 : memref<1x128x128xf32, #tpu.memory_space<vmem>> -> memref<128x128xf32, #tpu.memory_space<vmem>>
        tpu.wait_dma2 semaphore(%run_scoped3A_82 : memref<!tpu.dma_semaphore, #tpu.memory_space<semaphore_mem>>) src(%dma_wait3A_106 : memref<128x128xf32, #tpu.memory_space<vmem>>) dst(%dma_wait3A_102 : memref<128x128xf32, #tpu.memory_space<hbm>>)
        tpu.yield
      }) : () -> ()
      %add3A_75 = arith.constant 2 : i32
      %add3A_76 = arith.addi %add3A_55, %add3A_75 : i32
      %lt3A_77 = arith.constant 20 : i32
      %lt3A_78 = arith.cmpi slt, %add3A_76, %lt3A_77 : i32
      %convert_element_type3A_79 = arith.extui %lt3A_78 : i1 to i32
      %cond3A_80 = arith.constant 0 : i32
      %cond3A_81 = arith.cmpi ne, %convert_element_type3A_79, %cond3A_80 : i32
      scf.if %cond3A_81 {
        %add3A_82 = arith.constant 2 : i32
        %add3A_83 = arith.addi %add3A_55, %add3A_82 : i32
        %mul3A_84 = arith.constant 128 : i32
        %mul3A_85 = arith.muli %add3A_83, %mul3A_84 : i32
        %dma_start3A_86 = arith.constant 1 : i32
        %dma_start3A_87 = arith.constant 0 : i32
        %dma_start3A_88 = arith.constant 0 : i32
        %dma_start3A_89 = tpu.memref_slice %arg6[%dma_start3A_86, %dma_start3A_87, %dma_start3A_88] : memref<2x128x128xf32, #tpu.memory_space<vmem>> -> memref<1x128x128xf32, #tpu.memory_space<vmem>>
        %dma_start3A_90 = tpu.memref_squeeze %dma_start3A_89 : memref<1x128x128xf32, #tpu.memory_space<vmem>> -> memref<128x128xf32, #tpu.memory_space<vmem>>
        %dma_start3A_91 = tpu.memref_slice %arg5[%mul3A_85] : memref<2560xi32, #tpu.memory_space<vmem>> -> memref<128xi32, #tpu.memory_space<vmem>>
        %dma_start3A_92 = arith.constant 0 : i32
        %dma_start3A_93 = arith.constant 0 : i32
        %dma_start3A_94 = tpu.memref_slice %arg2[%dma_start3A_92, %dma_start3A_93] : memref<10240x128xf32, #tpu.memory_space<hbm>> -> memref<10240x128xf32, #tpu.memory_space<hbm>>
        tpu.enqueue_indirect_dma source(%dma_start3A_94 : memref<10240x128xf32, #tpu.memory_space<hbm>>) target(%dma_start3A_90 : memref<128x128xf32, #tpu.memory_space<vmem>>) offsets(%dma_start3A_91 : memref<128xi32, #tpu.memory_space<vmem>>) semaphore(%arg8 : memref<!tpu.dma_semaphore, #tpu.memory_space<semaphore_mem>>)
      } else {
      }
    }
    %scan3A_27 = arith.constant 10 : i32
    return
  }
}

#map = affine_map<(d0, d1) -> (0, 0)>
#map1 = affine_map<(d0, d1) -> (0)>
#map2 = affine_map<(d0, d1) -> (0, 0, 0)>
module attributes {stable_mosaic.version = 14 : i64} {
  func.func @scatter(%arg0: i32, %arg1: i32, %arg2: memref<81920x128xf32, #tpu.memory_space<hbm>>, %arg3: memref<81920xi32, #tpu.memory_space<hbm>>, %arg4: memref<10240x128xf32, #tpu.memory_space<hbm>>, %arg5: memref<2x10240x128xf32, #tpu.memory_space<hbm>>, %arg6: memref<20x128xi32, #tpu.memory_space<vmem>>, %arg7: memref<128x128xf32, #tpu.memory_space<vmem>>, %arg8: memref<10240x128xf32, #tpu.memory_space<vmem_shared>>) attributes {dimension_semantics = [#tpu.dimension_semantics<core_parallel>, #tpu.dimension_semantics<subcore_parallel>], iteration_bounds = array<i64: 2, 16>, scalar_prefetch = 0 : i64, scratch_operands = 3 : i64, tpu.core_type = #tpu.core_type<sc_vector_subcore>, window_params = [{transform_indices = #map}, {transform_indices = #map1}, {transform_indices = #map}, {transform_indices = #map2}]} {
    %mul3A = arith.constant 16 : i32
    %mul3A_0 = arith.muli %arg0, %mul3A : i32
    %add3A = arith.addi %mul3A_0, %arg1 : i32
    %mul3A_1 = arith.constant 20 : i32
    %mul3A_2 = arith.muli %add3A, %mul3A_1 : i32
    %mul3A_3 = arith.constant 640 : i32
    %mul3A_4 = arith.muli %arg1, %mul3A_3 : i32
    %mul3A_5 = arith.constant 640 : i32
    %mul3A_6 = arith.muli %arg1, %mul3A_5 : i32
    "tpu.region"() ({
      %run_scoped3A = tpu.sem_alloc : memref<!tpu.dma_semaphore, #tpu.memory_space<semaphore_mem>>
      %dma_start3A = arith.constant 0 : i32
      %dma_start3A_21 = tpu.memref_slice %arg8[%mul3A_6, %dma_start3A] : memref<10240x128xf32, #tpu.memory_space<vmem_shared>> -> memref<640x128xf32, #tpu.memory_space<vmem_shared>>
      %dma_start3A_22 = arith.constant 0 : i32
      %dma_start3A_23 = tpu.memref_slice %arg4[%mul3A_4, %dma_start3A_22] : memref<10240x128xf32, #tpu.memory_space<hbm>> -> memref<640x128xf32, #tpu.memory_space<hbm>>
      tpu.enqueue_dma source(%dma_start3A_23 : memref<640x128xf32, #tpu.memory_space<hbm>>) target(%dma_start3A_21 : memref<640x128xf32, #tpu.memory_space<vmem_shared>>) target_semaphore(%run_scoped3A : memref<!tpu.dma_semaphore, #tpu.memory_space<semaphore_mem>>)
      %dma_wait3A = arith.constant 0 : i32
      %dma_wait3A_24 = tpu.memref_slice %arg8[%mul3A_6, %dma_wait3A] : memref<10240x128xf32, #tpu.memory_space<vmem_shared>> -> memref<640x128xf32, #tpu.memory_space<vmem_shared>>
      %dma_wait3A_25 = arith.constant 0 : i32
      %dma_wait3A_26 = tpu.memref_slice %arg4[%mul3A_4, %dma_wait3A_25] : memref<10240x128xf32, #tpu.memory_space<hbm>> -> memref<640x128xf32, #tpu.memory_space<hbm>>
      tpu.wait_dma2 semaphore(%run_scoped3A : memref<!tpu.dma_semaphore, #tpu.memory_space<semaphore_mem>>) src(%dma_wait3A_26 : memref<640x128xf32, #tpu.memory_space<hbm>>) dst(%dma_wait3A_24 : memref<640x128xf32, #tpu.memory_space<vmem_shared>>)
      tpu.yield
    }) : () -> ()
    %scan3A = arith.constant 0 : i32
    %scan3A_7 = arith.constant 20 : i32
    %scan3A_8 = arith.addi %scan3A, %scan3A_7 : i32
    %scan3A_9 = arith.constant 1 : i32
    scf.for %scan3A_21 = %scan3A to %scan3A_8 step %scan3A_9  : i32 {
      %add3A_22 = arith.addi %mul3A_2, %scan3A_21 : i32
      %mul3A_23 = arith.constant 128 : i32
      %mul3A_24 = arith.muli %add3A_22, %mul3A_23 : i32
      "tpu.region"() ({
        %run_scoped3A = tpu.sem_alloc : memref<!tpu.dma_semaphore, #tpu.memory_space<semaphore_mem>>
        %dma_start3A = arith.constant 0 : i32
        %dma_start3A_25 = tpu.memref_slice %arg6[%scan3A_21, %dma_start3A] : memref<20x128xi32, #tpu.memory_space<vmem>> -> memref<1x128xi32, #tpu.memory_space<vmem>>
        %dma_start3A_26 = tpu.memref_squeeze %dma_start3A_25 : memref<1x128xi32, #tpu.memory_space<vmem>> -> memref<128xi32, #tpu.memory_space<vmem>>
        %dma_start3A_27 = tpu.memref_slice %arg3[%mul3A_24] : memref<81920xi32, #tpu.memory_space<hbm>> -> memref<128xi32, #tpu.memory_space<hbm>>
        %dma_start3A_28 = arith.constant 0 : i32
        %dma_start3A_29 = tpu.memref_slice %arg6[%scan3A_21, %dma_start3A_28] : memref<20x128xi32, #tpu.memory_space<vmem>> -> memref<1x128xi32, #tpu.memory_space<vmem>>
        %dma_start3A_30 = tpu.memref_squeeze %dma_start3A_29 : memref<1x128xi32, #tpu.memory_space<vmem>> -> memref<128xi32, #tpu.memory_space<vmem>>
        %dma_start3A_31 = tpu.memref_slice %arg3[%mul3A_24] : memref<81920xi32, #tpu.memory_space<hbm>> -> memref<128xi32, #tpu.memory_space<hbm>>
        tpu.enqueue_dma source(%dma_start3A_31 : memref<128xi32, #tpu.memory_space<hbm>>) target(%dma_start3A_30 : memref<128xi32, #tpu.memory_space<vmem>>) target_semaphore(%run_scoped3A : memref<!tpu.dma_semaphore, #tpu.memory_space<semaphore_mem>>)
        %dma_wait3A = arith.constant 0 : i32
        %dma_wait3A_32 = tpu.memref_slice %arg6[%scan3A_21, %dma_wait3A] : memref<20x128xi32, #tpu.memory_space<vmem>> -> memref<1x128xi32, #tpu.memory_space<vmem>>
        %dma_wait3A_33 = tpu.memref_squeeze %dma_wait3A_32 : memref<1x128xi32, #tpu.memory_space<vmem>> -> memref<128xi32, #tpu.memory_space<vmem>>
        %dma_wait3A_34 = tpu.memref_slice %arg3[%mul3A_24] : memref<81920xi32, #tpu.memory_space<hbm>> -> memref<128xi32, #tpu.memory_space<hbm>>
        %dma_wait3A_35 = arith.constant 0 : i32
        %dma_wait3A_36 = tpu.memref_slice %arg6[%scan3A_21, %dma_wait3A_35] : memref<20x128xi32, #tpu.memory_space<vmem>> -> memref<1x128xi32, #tpu.memory_space<vmem>>
        %dma_wait3A_37 = tpu.memref_squeeze %dma_wait3A_36 : memref<1x128xi32, #tpu.memory_space<vmem>> -> memref<128xi32, #tpu.memory_space<vmem>>
        %dma_wait3A_38 = tpu.memref_slice %arg3[%mul3A_24] : memref<81920xi32, #tpu.memory_space<hbm>> -> memref<128xi32, #tpu.memory_space<hbm>>
        tpu.wait_dma2 semaphore(%run_scoped3A : memref<!tpu.dma_semaphore, #tpu.memory_space<semaphore_mem>>) src(%dma_wait3A_38 : memref<128xi32, #tpu.memory_space<hbm>>) dst(%dma_wait3A_37 : memref<128xi32, #tpu.memory_space<vmem>>)
        tpu.yield
      }) : () -> ()
    }
    %scan3A_10 = arith.constant 20 : i32
    %barrier3A = arith.constant 0 : index
    tpu.barrier barrier_id(%barrier3A)
    %scan3A_11 = arith.constant 0 : i32
    %scan3A_12 = arith.constant 20 : i32
    %scan3A_13 = arith.addi %scan3A_11, %scan3A_12 : i32
    %scan3A_14 = arith.constant 1 : i32
    scf.for %scan3A_21 = %scan3A_11 to %scan3A_13 step %scan3A_14  : i32 {
      %add3A_22 = arith.addi %mul3A_2, %scan3A_21 : i32
      %mul3A_23 = arith.constant 128 : i32
      %mul3A_24 = arith.muli %add3A_22, %mul3A_23 : i32
      "tpu.region"() ({
        %run_scoped3A = tpu.sem_alloc : memref<!tpu.dma_semaphore, #tpu.memory_space<semaphore_mem>>
        %dma_start3A = arith.constant 0 : i32
        %dma_start3A_25 = tpu.memref_slice %arg2[%mul3A_24, %dma_start3A] : memref<81920x128xf32, #tpu.memory_space<hbm>> -> memref<128x128xf32, #tpu.memory_space<hbm>>
        %dma_start3A_26 = arith.constant 0 : i32
        %dma_start3A_27 = tpu.memref_slice %arg2[%mul3A_24, %dma_start3A_26] : memref<81920x128xf32, #tpu.memory_space<hbm>> -> memref<128x128xf32, #tpu.memory_space<hbm>>
        tpu.enqueue_dma source(%dma_start3A_27 : memref<128x128xf32, #tpu.memory_space<hbm>>) target(%arg7 : memref<128x128xf32, #tpu.memory_space<vmem>>) target_semaphore(%run_scoped3A : memref<!tpu.dma_semaphore, #tpu.memory_space<semaphore_mem>>)
        %dma_wait3A = arith.constant 0 : i32
        %dma_wait3A_28 = tpu.memref_slice %arg2[%mul3A_24, %dma_wait3A] : memref<81920x128xf32, #tpu.memory_space<hbm>> -> memref<128x128xf32, #tpu.memory_space<hbm>>
        %dma_wait3A_29 = arith.constant 0 : i32
        %dma_wait3A_30 = tpu.memref_slice %arg2[%mul3A_24, %dma_wait3A_29] : memref<81920x128xf32, #tpu.memory_space<hbm>> -> memref<128x128xf32, #tpu.memory_space<hbm>>
        tpu.wait_dma2 semaphore(%run_scoped3A : memref<!tpu.dma_semaphore, #tpu.memory_space<semaphore_mem>>) src(%dma_wait3A_30 : memref<128x128xf32, #tpu.memory_space<hbm>>) dst(%arg7 : memref<128x128xf32, #tpu.memory_space<vmem>>)
        tpu.yield
      }) : () -> ()
      "tpu.region"() ({
        %run_scoped3A = tpu.sem_alloc : memref<!tpu.dma_semaphore, #tpu.memory_space<semaphore_mem>>
        %dma_start3A = arith.constant 0 : i32
        %dma_start3A_25 = tpu.memref_slice %arg6[%scan3A_21, %dma_start3A] : memref<20x128xi32, #tpu.memory_space<vmem>> -> memref<1x128xi32, #tpu.memory_space<vmem>>
        %dma_start3A_26 = tpu.memref_squeeze %dma_start3A_25 : memref<1x128xi32, #tpu.memory_space<vmem>> -> memref<128xi32, #tpu.memory_space<vmem>>
        %dma_start3A_27 = arith.constant 0 : i32
        %dma_start3A_28 = arith.constant 0 : i32
        %dma_start3A_29 = tpu.memref_slice %arg8[%dma_start3A_27, %dma_start3A_28] : memref<10240x128xf32, #tpu.memory_space<vmem_shared>> -> memref<10240x128xf32, #tpu.memory_space<vmem_shared>>
        tpu.enqueue_indirect_dma source(%arg7 : memref<128x128xf32, #tpu.memory_space<vmem>>) target(%dma_start3A_29 : memref<10240x128xf32, #tpu.memory_space<vmem_shared>>) offsets(%dma_start3A_26 : memref<128xi32, #tpu.memory_space<vmem>>) semaphore(%run_scoped3A : memref<!tpu.dma_semaphore, #tpu.memory_space<semaphore_mem>>) {add = true}
        %dma_wait3A = arith.constant 0 : i32
        %dma_wait3A_30 = tpu.memref_slice %arg6[%scan3A_21, %dma_wait3A] : memref<20x128xi32, #tpu.memory_space<vmem>> -> memref<1x128xi32, #tpu.memory_space<vmem>>
        %dma_wait3A_31 = tpu.memref_squeeze %dma_wait3A_30 : memref<1x128xi32, #tpu.memory_space<vmem>> -> memref<128xi32, #tpu.memory_space<vmem>>
        %dma_wait3A_32 = arith.constant 0 : i32
        %dma_wait3A_33 = arith.constant 0 : i32
        %dma_wait3A_34 = tpu.memref_slice %arg8[%dma_wait3A_32, %dma_wait3A_33] : memref<10240x128xf32, #tpu.memory_space<vmem_shared>> -> memref<10240x128xf32, #tpu.memory_space<vmem_shared>>
        tpu.wait_indirect_dma semaphore(%run_scoped3A : memref<!tpu.dma_semaphore, #tpu.memory_space<semaphore_mem>>) src(%arg7 : memref<128x128xf32, #tpu.memory_space<vmem>>) dst(%dma_wait3A_34 : memref<10240x128xf32, #tpu.memory_space<vmem_shared>>)
        tpu.yield
      }) : () -> ()
    }
    %scan3A_15 = arith.constant 20 : i32
    %barrier3A_16 = arith.constant 0 : index
    tpu.barrier barrier_id(%barrier3A_16)
    %mul3A_17 = arith.constant 640 : i32
    %mul3A_18 = arith.muli %arg1, %mul3A_17 : i32
    %mul3A_19 = arith.constant 640 : i32
    %mul3A_20 = arith.muli %arg1, %mul3A_19 : i32
    "tpu.region"() ({
      %run_scoped3A = tpu.sem_alloc : memref<!tpu.dma_semaphore, #tpu.memory_space<semaphore_mem>>
      %dma_start3A = arith.constant 0 : i32
      %dma_start3A_21 = tpu.memref_slice %arg5[%arg0, %mul3A_20, %dma_start3A] : memref<2x10240x128xf32, #tpu.memory_space<hbm>> -> memref<1x640x128xf32, #tpu.memory_space<hbm>>
      %dma_start3A_22 = tpu.memref_squeeze %dma_start3A_21 : memref<1x640x128xf32, #tpu.memory_space<hbm>> -> memref<640x128xf32, #tpu.memory_space<hbm>>
      %dma_start3A_23 = arith.constant 0 : i32
      %dma_start3A_24 = tpu.memref_slice %arg8[%mul3A_18, %dma_start3A_23] : memref<10240x128xf32, #tpu.memory_space<vmem_shared>> -> memref<640x128xf32, #tpu.memory_space<vmem_shared>>
      tpu.enqueue_dma source(%dma_start3A_24 : memref<640x128xf32, #tpu.memory_space<vmem_shared>>) target(%dma_start3A_22 : memref<640x128xf32, #tpu.memory_space<hbm>>) target_semaphore(%run_scoped3A : memref<!tpu.dma_semaphore, #tpu.memory_space<semaphore_mem>>)
      %dma_wait3A = arith.constant 0 : i32
      %dma_wait3A_25 = tpu.memref_slice %arg5[%arg0, %mul3A_20, %dma_wait3A] : memref<2x10240x128xf32, #tpu.memory_space<hbm>> -> memref<1x640x128xf32, #tpu.memory_space<hbm>>
      %dma_wait3A_26 = tpu.memref_squeeze %dma_wait3A_25 : memref<1x640x128xf32, #tpu.memory_space<hbm>> -> memref<640x128xf32, #tpu.memory_space<hbm>>
      %dma_wait3A_27 = arith.constant 0 : i32
      %dma_wait3A_28 = tpu.memref_slice %arg8[%mul3A_18, %dma_wait3A_27] : memref<10240x128xf32, #tpu.memory_space<vmem_shared>> -> memref<640x128xf32, #tpu.memory_space<vmem_shared>>
      tpu.wait_dma2 semaphore(%run_scoped3A : memref<!tpu.dma_semaphore, #tpu.memory_space<semaphore_mem>>) src(%dma_wait3A_28 : memref<640x128xf32, #tpu.memory_space<vmem_shared>>) dst(%dma_wait3A_26 : memref<640x128xf32, #tpu.memory_space<hbm>>)
      tpu.yield
    }) : () -> ()
    return
  }
}

#map = affine_map<(d0, d1) -> (0, 0)>
#map1 = affine_map<(d0, d1) -> (0)>
module attributes {stable_mosaic.version = 14 : i64} {
  func.func @gather(%arg0: i32, %arg1: i32, %arg2: memref<10240x128xf32, #tpu.memory_space<hbm>>, %arg3: memref<81920xi32, #tpu.memory_space<hbm>>, %arg4: memref<81920x128xf32, #tpu.memory_space<hbm>>, %arg5: memref<2560xi32, #tpu.memory_space<vmem>>, %arg6: memref<2x128x128xf32, #tpu.memory_space<vmem>>, %arg7: memref<!tpu.dma_semaphore, #tpu.memory_space<semaphore_mem>>, %arg8: memref<!tpu.dma_semaphore, #tpu.memory_space<semaphore_mem>>) attributes {dimension_semantics = [#tpu.dimension_semantics<core_parallel>, #tpu.dimension_semantics<subcore_parallel>], iteration_bounds = array<i64: 2, 16>, scalar_prefetch = 0 : i64, scratch_operands = 4 : i64, tpu.core_type = #tpu.core_type<sc_vector_subcore>, window_params = [{transform_indices = #map}, {transform_indices = #map1}, {transform_indices = #map}]} {
    %mul3A = arith.constant 16 : i32
    %mul3A_0 = arith.muli %arg0, %mul3A : i32
    %add3A = arith.addi %mul3A_0, %arg1 : i32
    %mul3A_1 = arith.constant 20 : i32
    %mul3A_2 = arith.muli %add3A, %mul3A_1 : i32
    %mul3A_3 = arith.constant 128 : i32
    %mul3A_4 = arith.muli %mul3A_2, %mul3A_3 : i32
    "tpu.region"() ({
      %run_scoped3A = tpu.sem_alloc : memref<!tpu.dma_semaphore, #tpu.memory_space<semaphore_mem>>
      %dma_start3A_28 = tpu.memref_slice %arg3[%mul3A_4] : memref<81920xi32, #tpu.memory_space<hbm>> -> memref<2560xi32, #tpu.memory_space<hbm>>
      %dma_start3A_29 = tpu.memref_slice %arg3[%mul3A_4] : memref<81920xi32, #tpu.memory_space<hbm>> -> memref<2560xi32, #tpu.memory_space<hbm>>
      tpu.enqueue_dma source(%dma_start3A_29 : memref<2560xi32, #tpu.memory_space<hbm>>) target(%arg5 : memref<2560xi32, #tpu.memory_space<vmem>>) target_semaphore(%run_scoped3A : memref<!tpu.dma_semaphore, #tpu.memory_space<semaphore_mem>>)
      %dma_wait3A = tpu.memref_slice %arg3[%mul3A_4] : memref<81920xi32, #tpu.memory_space<hbm>> -> memref<2560xi32, #tpu.memory_space<hbm>>
      %dma_wait3A_30 = tpu.memref_slice %arg3[%mul3A_4] : memref<81920xi32, #tpu.memory_space<hbm>> -> memref<2560xi32, #tpu.memory_space<hbm>>
      tpu.wait_dma2 semaphore(%run_scoped3A : memref<!tpu.dma_semaphore, #tpu.memory_space<semaphore_mem>>) src(%dma_wait3A_30 : memref<2560xi32, #tpu.memory_space<hbm>>) dst(%arg5 : memref<2560xi32, #tpu.memory_space<vmem>>)
      tpu.yield
    }) : () -> ()
    %dma_start3A = arith.constant 0 : i32
    %dma_start3A_5 = arith.constant 0 : i32
    %dma_start3A_6 = arith.constant 0 : i32
    %dma_start3A_7 = tpu.memref_slice %arg6[%dma_start3A, %dma_start3A_5, %dma_start3A_6] : memref<2x128x128xf32, #tpu.memory_space<vmem>> -> memref<1x128x128xf32, #tpu.memory_space<vmem>>
    %dma_start3A_8 = tpu.memref_squeeze %dma_start3A_7 : memref<1x128x128xf32, #tpu.memory_space<vmem>> -> memref<128x128xf32, #tpu.memory_space<vmem>>
    %dma_start3A_9 = arith.constant 0 : i32
    %dma_start3A_10 = tpu.memref_slice %arg5[%dma_start3A_9] : memref<2560xi32, #tpu.memory_space<vmem>> -> memref<128xi32, #tpu.memory_space<vmem>>
    %dma_start3A_11 = arith.constant 0 : i32
    %dma_start3A_12 = arith.constant 0 : i32
    %dma_start3A_13 = tpu.memref_slice %arg2[%dma_start3A_11, %dma_start3A_12] : memref<10240x128xf32, #tpu.memory_space<hbm>> -> memref<10240x128xf32, #tpu.memory_space<hbm>>
    tpu.enqueue_indirect_dma source(%dma_start3A_13 : memref<10240x128xf32, #tpu.memory_space<hbm>>) target(%dma_start3A_8 : memref<128x128xf32, #tpu.memory_space<vmem>>) offsets(%dma_start3A_10 : memref<128xi32, #tpu.memory_space<vmem>>) semaphore(%arg7 : memref<!tpu.dma_semaphore, #tpu.memory_space<semaphore_mem>>)
    %dma_start3A_14 = arith.constant 1 : i32
    %dma_start3A_15 = arith.constant 0 : i32
    %dma_start3A_16 = arith.constant 0 : i32
    %dma_start3A_17 = tpu.memref_slice %arg6[%dma_start3A_14, %dma_start3A_15, %dma_start3A_16] : memref<2x128x128xf32, #tpu.memory_space<vmem>> -> memref<1x128x128xf32, #tpu.memory_space<vmem>>
    %dma_start3A_18 = tpu.memref_squeeze %dma_start3A_17 : memref<1x128x128xf32, #tpu.memory_space<vmem>> -> memref<128x128xf32, #tpu.memory_space<vmem>>
    %dma_start3A_19 = arith.constant 128 : i32
    %dma_start3A_20 = tpu.memref_slice %arg5[%dma_start3A_19] : memref<2560xi32, #tpu.memory_space<vmem>> -> memref<128xi32, #tpu.memory_space<vmem>>
    %dma_start3A_21 = arith.constant 0 : i32
    %dma_start3A_22 = arith.constant 0 : i32
    %dma_start3A_23 = tpu.memref_slice %arg2[%dma_start3A_21, %dma_start3A_22] : memref<10240x128xf32, #tpu.memory_space<hbm>> -> memref<10240x128xf32, #tpu.memory_space<hbm>>
    tpu.enqueue_indirect_dma source(%dma_start3A_23 : memref<10240x128xf32, #tpu.memory_space<hbm>>) target(%dma_start3A_18 : memref<128x128xf32, #tpu.memory_space<vmem>>) offsets(%dma_start3A_20 : memref<128xi32, #tpu.memory_space<vmem>>) semaphore(%arg8 : memref<!tpu.dma_semaphore, #tpu.memory_space<semaphore_mem>>)
    %scan3A = arith.constant 0 : i32
    %scan3A_24 = arith.constant 10 : i32
    %scan3A_25 = arith.addi %scan3A, %scan3A_24 : i32
    %scan3A_26 = arith.constant 1 : i32
    scf.for %scan3A_28 = %scan3A to %scan3A_25 step %scan3A_26  : i32 {
      %mul3A_29 = arith.constant 2 : i32
      %mul3A_30 = arith.muli %mul3A_29, %scan3A_28 : i32
      %dma_wait3A = arith.constant 0 : i32
      %dma_wait3A_31 = arith.constant 0 : i32
      %dma_wait3A_32 = arith.constant 0 : i32
      %dma_wait3A_33 = tpu.memref_slice %arg6[%dma_wait3A, %dma_wait3A_31, %dma_wait3A_32] : memref<2x128x128xf32, #tpu.memory_space<vmem>> -> memref<1x128x128xf32, #tpu.memory_space<vmem>>
      %dma_wait3A_34 = tpu.memref_squeeze %dma_wait3A_33 : memref<1x128x128xf32, #tpu.memory_space<vmem>> -> memref<128x128xf32, #tpu.memory_space<vmem>>
      %dma_wait3A_35 = arith.constant 0 : i32
      %dma_wait3A_36 = arith.constant 0 : i32
      %dma_wait3A_37 = tpu.memref_slice %arg2[%dma_wait3A_35, %dma_wait3A_36] : memref<10240x128xf32, #tpu.memory_space<hbm>> -> memref<128x128xf32, #tpu.memory_space<hbm>>
      %dma_wait3A_38 = arith.constant 0 : i32
      %dma_wait3A_39 = arith.constant 0 : i32
      %dma_wait3A_40 = tpu.memref_slice %arg6[%dma_wait3A, %dma_wait3A_38, %dma_wait3A_39] : memref<2x128x128xf32, #tpu.memory_space<vmem>> -> memref<1x128x128xf32, #tpu.memory_space<vmem>>
      %dma_wait3A_41 = tpu.memref_squeeze %dma_wait3A_40 : memref<1x128x128xf32, #tpu.memory_space<vmem>> -> memref<128x128xf32, #tpu.memory_space<vmem>>
      %dma_wait3A_42 = arith.constant 0 : i32
      %dma_wait3A_43 = arith.constant 0 : i32
      %dma_wait3A_44 = tpu.memref_slice %arg2[%dma_wait3A_42, %dma_wait3A_43] : memref<10240x128xf32, #tpu.memory_space<hbm>> -> memref<128x128xf32, #tpu.memory_space<hbm>>
      tpu.wait_dma2 semaphore(%arg7 : memref<!tpu.dma_semaphore, #tpu.memory_space<semaphore_mem>>) src(%dma_wait3A_44 : memref<128x128xf32, #tpu.memory_space<hbm>>) dst(%dma_wait3A_41 : memref<128x128xf32, #tpu.memory_space<vmem>>)
      %add3A_45 = arith.addi %mul3A_2, %mul3A_30 : i32
      %mul3A_46 = arith.constant 128 : i32
      %mul3A_47 = arith.muli %add3A_45, %mul3A_46 : i32
      %run_scoped3A = arith.constant 0 : i32
      "tpu.region"() ({
        %run_scoped3A_82 = tpu.sem_alloc : memref<!tpu.dma_semaphore, #tpu.memory_space<semaphore_mem>>
        %dma_start3A_83 = arith.constant 0 : i32
        %dma_start3A_84 = arith.constant 0 : i32
        %dma_start3A_85 = tpu.memref_slice %arg6[%run_scoped3A, %dma_start3A_83, %dma_start3A_84] : memref<2x128x128xf32, #tpu.memory_space<vmem>> -> memref<1x128x128xf32, #tpu.memory_space<vmem>>
        %dma_start3A_86 = tpu.memref_squeeze %dma_start3A_85 : memref<1x128x128xf32, #tpu.memory_space<vmem>> -> memref<128x128xf32, #tpu.memory_space<vmem>>
        %dma_start3A_87 = arith.constant 0 : i32
        %dma_start3A_88 = tpu.memref_slice %arg4[%mul3A_47, %dma_start3A_87] : memref<81920x128xf32, #tpu.memory_space<hbm>> -> memref<128x128xf32, #tpu.memory_space<hbm>>
        %dma_start3A_89 = arith.constant 0 : i32
        %dma_start3A_90 = tpu.memref_slice %arg4[%mul3A_47, %dma_start3A_89] : memref<81920x128xf32, #tpu.memory_space<hbm>> -> memref<128x128xf32, #tpu.memory_space<hbm>>
        %dma_start3A_91 = arith.constant 0 : i32
        %dma_start3A_92 = arith.constant 0 : i32
        %dma_start3A_93 = tpu.memref_slice %arg6[%run_scoped3A, %dma_start3A_91, %dma_start3A_92] : memref<2x128x128xf32, #tpu.memory_space<vmem>> -> memref<1x128x128xf32, #tpu.memory_space<vmem>>
        %dma_start3A_94 = tpu.memref_squeeze %dma_start3A_93 : memref<1x128x128xf32, #tpu.memory_space<vmem>> -> memref<128x128xf32, #tpu.memory_space<vmem>>
        tpu.enqueue_dma source(%dma_start3A_94 : memref<128x128xf32, #tpu.memory_space<vmem>>) target(%dma_start3A_90 : memref<128x128xf32, #tpu.memory_space<hbm>>) target_semaphore(%run_scoped3A_82 : memref<!tpu.dma_semaphore, #tpu.memory_space<semaphore_mem>>)
        %dma_wait3A_95 = arith.constant 0 : i32
        %dma_wait3A_96 = arith.constant 0 : i32
        %dma_wait3A_97 = tpu.memref_slice %arg6[%run_scoped3A, %dma_wait3A_95, %dma_wait3A_96] : memref<2x128x128xf32, #tpu.memory_space<vmem>> -> memref<1x128x128xf32, #tpu.memory_space<vmem>>
        %dma_wait3A_98 = tpu.memref_squeeze %dma_wait3A_97 : memref<1x128x128xf32, #tpu.memory_space<vmem>> -> memref<128x128xf32, #tpu.memory_space<vmem>>
        %dma_wait3A_99 = arith.constant 0 : i32
        %dma_wait3A_100 = tpu.memref_slice %arg4[%mul3A_47, %dma_wait3A_99] : memref<81920x128xf32, #tpu.memory_space<hbm>> -> memref<128x128xf32, #tpu.memory_space<hbm>>
        %dma_wait3A_101 = arith.constant 0 : i32
        %dma_wait3A_102 = tpu.memref_slice %arg4[%mul3A_47, %dma_wait3A_101] : memref<81920x128xf32, #tpu.memory_space<hbm>> -> memref<128x128xf32, #tpu.memory_space<hbm>>
        %dma_wait3A_103 = arith.constant 0 : i32
        %dma_wait3A_104 = arith.constant 0 : i32
        %dma_wait3A_105 = tpu.memref_slice %arg6[%run_scoped3A, %dma_wait3A_103, %dma_wait3A_104] : memref<2x128x128xf32, #tpu.memory_space<vmem>> -> memref<1x128x128xf32, #tpu.memory_space<vmem>>
        %dma_wait3A_106 = tpu.memref_squeeze %dma_wait3A_105 : memref<1x128x128xf32, #tpu.memory_space<vmem>> -> memref<128x128xf32, #tpu.memory_space<vmem>>
        tpu.wait_dma2 semaphore(%run_scoped3A_82 : memref<!tpu.dma_semaphore, #tpu.memory_space<semaphore_mem>>) src(%dma_wait3A_106 : memref<128x128xf32, #tpu.memory_space<vmem>>) dst(%dma_wait3A_102 : memref<128x128xf32, #tpu.memory_space<hbm>>)
        tpu.yield
      }) : () -> ()
      %add3A_48 = arith.constant 2 : i32
      %add3A_49 = arith.addi %mul3A_30, %add3A_48 : i32
      %lt3A = arith.constant 20 : i32
      %lt3A_50 = arith.cmpi slt, %add3A_49, %lt3A : i32
      %convert_element_type3A = arith.extui %lt3A_50 : i1 to i32
      %cond3A = arith.constant 0 : i32
      %cond3A_51 = arith.cmpi ne, %convert_element_type3A, %cond3A : i32
      scf.if %cond3A_51 {
        %add3A_82 = arith.constant 2 : i32
        %add3A_83 = arith.addi %mul3A_30, %add3A_82 : i32
        %mul3A_84 = arith.constant 128 : i32
        %mul3A_85 = arith.muli %add3A_83, %mul3A_84 : i32
        %dma_start3A_86 = arith.constant 0 : i32
        %dma_start3A_87 = arith.constant 0 : i32
        %dma_start3A_88 = arith.constant 0 : i32
        %dma_start3A_89 = tpu.memref_slice %arg6[%dma_start3A_86, %dma_start3A_87, %dma_start3A_88] : memref<2x128x128xf32, #tpu.memory_space<vmem>> -> memref<1x128x128xf32, #tpu.memory_space<vmem>>
        %dma_start3A_90 = tpu.memref_squeeze %dma_start3A_89 : memref<1x128x128xf32, #tpu.memory_space<vmem>> -> memref<128x128xf32, #tpu.memory_space<vmem>>
        %dma_start3A_91 = tpu.memref_slice %arg5[%mul3A_85] : memref<2560xi32, #tpu.memory_space<vmem>> -> memref<128xi32, #tpu.memory_space<vmem>>
        %dma_start3A_92 = arith.constant 0 : i32
        %dma_start3A_93 = arith.constant 0 : i32
        %dma_start3A_94 = tpu.memref_slice %arg2[%dma_start3A_92, %dma_start3A_93] : memref<10240x128xf32, #tpu.memory_space<hbm>> -> memref<10240x128xf32, #tpu.memory_space<hbm>>
        tpu.enqueue_indirect_dma source(%dma_start3A_94 : memref<10240x128xf32, #tpu.memory_space<hbm>>) target(%dma_start3A_90 : memref<128x128xf32, #tpu.memory_space<vmem>>) offsets(%dma_start3A_91 : memref<128xi32, #tpu.memory_space<vmem>>) semaphore(%arg7 : memref<!tpu.dma_semaphore, #tpu.memory_space<semaphore_mem>>)
      } else {
      }
      %mul3A_52 = arith.constant 2 : i32
      %mul3A_53 = arith.muli %mul3A_52, %scan3A_28 : i32
      %add3A_54 = arith.constant 1 : i32
      %add3A_55 = arith.addi %mul3A_53, %add3A_54 : i32
      %dma_wait3A_56 = arith.constant 1 : i32
      %dma_wait3A_57 = arith.constant 0 : i32
      %dma_wait3A_58 = arith.constant 0 : i32
      %dma_wait3A_59 = tpu.memref_slice %arg6[%dma_wait3A_56, %dma_wait3A_57, %dma_wait3A_58] : memref<2x128x128xf32, #tpu.memory_space<vmem>> -> memref<1x128x128xf32, #tpu.memory_space<vmem>>
      %dma_wait3A_60 = tpu.memref_squeeze %dma_wait3A_59 : memref<1x128x128xf32, #tpu.memory_space<vmem>> -> memref<128x128xf32, #tpu.memory_space<vmem>>
      %dma_wait3A_61 = arith.constant 0 : i32
      %dma_wait3A_62 = arith.constant 0 : i32
      %dma_wait3A_63 = tpu.memref_slice %arg2[%dma_wait3A_61, %dma_wait3A_62] : memref<10240x128xf32, #tpu.memory_space<hbm>> -> memref<128x128xf32, #tpu.memory_space<hbm>>
      %dma_wait3A_64 = arith.constant 0 : i32
      %dma_wait3A_65 = arith.constant 0 : i32
      %dma_wait3A_66 = tpu.memref_slice %arg6[%dma_wait3A_56, %dma_wait3A_64, %dma_wait3A_65] : memref<2x128x128xf32, #tpu.memory_space<vmem>> -> memref<1x128x128xf32, #tpu.memory_space<vmem>>
      %dma_wait3A_67 = tpu.memref_squeeze %dma_wait3A_66 : memref<1x128x128xf32, #tpu.memory_space<vmem>> -> memref<128x128xf32, #tpu.memory_space<vmem>>
      %dma_wait3A_68 = arith.constant 0 : i32
      %dma_wait3A_69 = arith.constant 0 : i32
      %dma_wait3A_70 = tpu.memref_slice %arg2[%dma_wait3A_68, %dma_wait3A_69] : memref<10240x128xf32, #tpu.memory_space<hbm>> -> memref<128x128xf32, #tpu.memory_space<hbm>>
      tpu.wait_dma2 semaphore(%arg8 : memref<!tpu.dma_semaphore, #tpu.memory_space<semaphore_mem>>) src(%dma_wait3A_70 : memref<128x128xf32, #tpu.memory_space<hbm>>) dst(%dma_wait3A_67 : memref<128x128xf32, #tpu.memory_space<vmem>>)
      %add3A_71 = arith.addi %mul3A_2, %add3A_55 : i32
      %mul3A_72 = arith.constant 128 : i32
      %mul3A_73 = arith.muli %add3A_71, %mul3A_72 : i32
      %run_scoped3A_74 = arith.constant 1 : i32
      "tpu.region"() ({
        %run_scoped3A_82 = tpu.sem_alloc : memref<!tpu.dma_semaphore, #tpu.memory_space<semaphore_mem>>
        %dma_start3A_83 = arith.constant 0 : i32
        %dma_start3A_84 = arith.constant 0 : i32
        %dma_start3A_85 = tpu.memref_slice %arg6[%run_scoped3A_74, %dma_start3A_83, %dma_start3A_84] : memref<2x128x128xf32, #tpu.memory_space<vmem>> -> memref<1x128x128xf32, #tpu.memory_space<vmem>>
        %dma_start3A_86 = tpu.memref_squeeze %dma_start3A_85 : memref<1x128x128xf32, #tpu.memory_space<vmem>> -> memref<128x128xf32, #tpu.memory_space<vmem>>
        %dma_start3A_87 = arith.constant 0 : i32
        %dma_start3A_88 = tpu.memref_slice %arg4[%mul3A_73, %dma_start3A_87] : memref<81920x128xf32, #tpu.memory_space<hbm>> -> memref<128x128xf32, #tpu.memory_space<hbm>>
        %dma_start3A_89 = arith.constant 0 : i32
        %dma_start3A_90 = tpu.memref_slice %arg4[%mul3A_73, %dma_start3A_89] : memref<81920x128xf32, #tpu.memory_space<hbm>> -> memref<128x128xf32, #tpu.memory_space<hbm>>
        %dma_start3A_91 = arith.constant 0 : i32
        %dma_start3A_92 = arith.constant 0 : i32
        %dma_start3A_93 = tpu.memref_slice %arg6[%run_scoped3A_74, %dma_start3A_91, %dma_start3A_92] : memref<2x128x128xf32, #tpu.memory_space<vmem>> -> memref<1x128x128xf32, #tpu.memory_space<vmem>>
        %dma_start3A_94 = tpu.memref_squeeze %dma_start3A_93 : memref<1x128x128xf32, #tpu.memory_space<vmem>> -> memref<128x128xf32, #tpu.memory_space<vmem>>
        tpu.enqueue_dma source(%dma_start3A_94 : memref<128x128xf32, #tpu.memory_space<vmem>>) target(%dma_start3A_90 : memref<128x128xf32, #tpu.memory_space<hbm>>) target_semaphore(%run_scoped3A_82 : memref<!tpu.dma_semaphore, #tpu.memory_space<semaphore_mem>>)
        %dma_wait3A_95 = arith.constant 0 : i32
        %dma_wait3A_96 = arith.constant 0 : i32
        %dma_wait3A_97 = tpu.memref_slice %arg6[%run_scoped3A_74, %dma_wait3A_95, %dma_wait3A_96] : memref<2x128x128xf32, #tpu.memory_space<vmem>> -> memref<1x128x128xf32, #tpu.memory_space<vmem>>
        %dma_wait3A_98 = tpu.memref_squeeze %dma_wait3A_97 : memref<1x128x128xf32, #tpu.memory_space<vmem>> -> memref<128x128xf32, #tpu.memory_space<vmem>>
        %dma_wait3A_99 = arith.constant 0 : i32
        %dma_wait3A_100 = tpu.memref_slice %arg4[%mul3A_73, %dma_wait3A_99] : memref<81920x128xf32, #tpu.memory_space<hbm>> -> memref<128x128xf32, #tpu.memory_space<hbm>>
        %dma_wait3A_101 = arith.constant 0 : i32
        %dma_wait3A_102 = tpu.memref_slice %arg4[%mul3A_73, %dma_wait3A_101] : memref<81920x128xf32, #tpu.memory_space<hbm>> -> memref<128x128xf32, #tpu.memory_space<hbm>>
        %dma_wait3A_103 = arith.constant 0 : i32
        %dma_wait3A_104 = arith.constant 0 : i32
        %dma_wait3A_105 = tpu.memref_slice %arg6[%run_scoped3A_74, %dma_wait3A_103, %dma_wait3A_104] : memref<2x128x128xf32, #tpu.memory_space<vmem>> -> memref<1x128x128xf32, #tpu.memory_space<vmem>>
        %dma_wait3A_106 = tpu.memref_squeeze %dma_wait3A_105 : memref<1x128x128xf32, #tpu.memory_space<vmem>> -> memref<128x128xf32, #tpu.memory_space<vmem>>
        tpu.wait_dma2 semaphore(%run_scoped3A_82 : memref<!tpu.dma_semaphore, #tpu.memory_space<semaphore_mem>>) src(%dma_wait3A_106 : memref<128x128xf32, #tpu.memory_space<vmem>>) dst(%dma_wait3A_102 : memref<128x128xf32, #tpu.memory_space<hbm>>)
        tpu.yield
      }) : () -> ()
      %add3A_75 = arith.constant 2 : i32
      %add3A_76 = arith.addi %add3A_55, %add3A_75 : i32
      %lt3A_77 = arith.constant 20 : i32
      %lt3A_78 = arith.cmpi slt, %add3A_76, %lt3A_77 : i32
      %convert_element_type3A_79 = arith.extui %lt3A_78 : i1 to i32
      %cond3A_80 = arith.constant 0 : i32
      %cond3A_81 = arith.cmpi ne, %convert_element_type3A_79, %cond3A_80 : i32
      scf.if %cond3A_81 {
        %add3A_82 = arith.constant 2 : i32
        %add3A_83 = arith.addi %add3A_55, %add3A_82 : i32
        %mul3A_84 = arith.constant 128 : i32
        %mul3A_85 = arith.muli %add3A_83, %mul3A_84 : i32
        %dma_start3A_86 = arith.constant 1 : i32
        %dma_start3A_87 = arith.constant 0 : i32
        %dma_start3A_88 = arith.constant 0 : i32
        %dma_start3A_89 = tpu.memref_slice %arg6[%dma_start3A_86, %dma_start3A_87, %dma_start3A_88] : memref<2x128x128xf32, #tpu.memory_space<vmem>> -> memref<1x128x128xf32, #tpu.memory_space<vmem>>
        %dma_start3A_90 = tpu.memref_squeeze %dma_start3A_89 : memref<1x128x128xf32, #tpu.memory_space<vmem>> -> memref<128x128xf32, #tpu.memory_space<vmem>>
        %dma_start3A_91 = tpu.memref_slice %arg5[%mul3A_85] : memref<2560xi32, #tpu.memory_space<vmem>> -> memref<128xi32, #tpu.memory_space<vmem>>
        %dma_start3A_92 = arith.constant 0 : i32
        %dma_start3A_93 = arith.constant 0 : i32
        %dma_start3A_94 = tpu.memref_slice %arg2[%dma_start3A_92, %dma_start3A_93] : memref<10240x128xf32, #tpu.memory_space<hbm>> -> memref<10240x128xf32, #tpu.memory_space<hbm>>
        tpu.enqueue_indirect_dma source(%dma_start3A_94 : memref<10240x128xf32, #tpu.memory_space<hbm>>) target(%dma_start3A_90 : memref<128x128xf32, #tpu.memory_space<vmem>>) offsets(%dma_start3A_91 : memref<128xi32, #tpu.memory_space<vmem>>) semaphore(%arg8 : memref<!tpu.dma_semaphore, #tpu.memory_space<semaphore_mem>>)
      } else {
      }
    }
    %scan3A_27 = arith.constant 10 : i32
    return
  }
}

#map = affine_map<(d0, d1) -> (0, 0)>
#map1 = affine_map<(d0, d1) -> (0)>
module attributes {stable_mosaic.version = 14 : i64} {
  func.func @gather(%arg0: i32, %arg1: i32, %arg2: memref<10240x128xf32, #tpu.memory_space<hbm>>, %arg3: memref<81920xi32, #tpu.memory_space<hbm>>, %arg4: memref<81920x128xf32, #tpu.memory_space<hbm>>, %arg5: memref<2560xi32, #tpu.memory_space<vmem>>, %arg6: memref<2x128x128xf32, #tpu.memory_space<vmem>>, %arg7: memref<!tpu.dma_semaphore, #tpu.memory_space<semaphore_mem>>, %arg8: memref<!tpu.dma_semaphore, #tpu.memory_space<semaphore_mem>>) attributes {dimension_semantics = [#tpu.dimension_semantics<core_parallel>, #tpu.dimension_semantics<subcore_parallel>], iteration_bounds = array<i64: 2, 16>, scalar_prefetch = 0 : i64, scratch_operands = 4 : i64, tpu.core_type = #tpu.core_type<sc_vector_subcore>, window_params = [{transform_indices = #map}, {transform_indices = #map1}, {transform_indices = #map}]} {
    %mul3A = arith.constant 16 : i32
    %mul3A_0 = arith.muli %arg0, %mul3A : i32
    %add3A = arith.addi %mul3A_0, %arg1 : i32
    %mul3A_1 = arith.constant 20 : i32
    %mul3A_2 = arith.muli %add3A, %mul3A_1 : i32
    %mul3A_3 = arith.constant 128 : i32
    %mul3A_4 = arith.muli %mul3A_2, %mul3A_3 : i32
    "tpu.region"() ({
      %run_scoped3A = tpu.sem_alloc : memref<!tpu.dma_semaphore, #tpu.memory_space<semaphore_mem>>
      %dma_start3A_28 = tpu.memref_slice %arg3[%mul3A_4] : memref<81920xi32, #tpu.memory_space<hbm>> -> memref<2560xi32, #tpu.memory_space<hbm>>
      %dma_start3A_29 = tpu.memref_slice %arg3[%mul3A_4] : memref<81920xi32, #tpu.memory_space<hbm>> -> memref<2560xi32, #tpu.memory_space<hbm>>
      tpu.enqueue_dma source(%dma_start3A_29 : memref<2560xi32, #tpu.memory_space<hbm>>) target(%arg5 : memref<2560xi32, #tpu.memory_space<vmem>>) target_semaphore(%run_scoped3A : memref<!tpu.dma_semaphore, #tpu.memory_space<semaphore_mem>>)
      %dma_wait3A = tpu.memref_slice %arg3[%mul3A_4] : memref<81920xi32, #tpu.memory_space<hbm>> -> memref<2560xi32, #tpu.memory_space<hbm>>
      %dma_wait3A_30 = tpu.memref_slice %arg3[%mul3A_4] : memref<81920xi32, #tpu.memory_space<hbm>> -> memref<2560xi32, #tpu.memory_space<hbm>>
      tpu.wait_dma2 semaphore(%run_scoped3A : memref<!tpu.dma_semaphore, #tpu.memory_space<semaphore_mem>>) src(%dma_wait3A_30 : memref<2560xi32, #tpu.memory_space<hbm>>) dst(%arg5 : memref<2560xi32, #tpu.memory_space<vmem>>)
      tpu.yield
    }) : () -> ()
    %dma_start3A = arith.constant 0 : i32
    %dma_start3A_5 = arith.constant 0 : i32
    %dma_start3A_6 = arith.constant 0 : i32
    %dma_start3A_7 = tpu.memref_slice %arg6[%dma_start3A, %dma_start3A_5, %dma_start3A_6] : memref<2x128x128xf32, #tpu.memory_space<vmem>> -> memref<1x128x128xf32, #tpu.memory_space<vmem>>
    %dma_start3A_8 = tpu.memref_squeeze %dma_start3A_7 : memref<1x128x128xf32, #tpu.memory_space<vmem>> -> memref<128x128xf32, #tpu.memory_space<vmem>>
    %dma_start3A_9 = arith.constant 0 : i32
    %dma_start3A_10 = tpu.memref_slice %arg5[%dma_start3A_9] : memref<2560xi32, #tpu.memory_space<vmem>> -> memref<128xi32, #tpu.memory_space<vmem>>
    %dma_start3A_11 = arith.constant 0 : i32
    %dma_start3A_12 = arith.constant 0 : i32
    %dma_start3A_13 = tpu.memref_slice %arg2[%dma_start3A_11, %dma_start3A_12] : memref<10240x128xf32, #tpu.memory_space<hbm>> -> memref<10240x128xf32, #tpu.memory_space<hbm>>
    tpu.enqueue_indirect_dma source(%dma_start3A_13 : memref<10240x128xf32, #tpu.memory_space<hbm>>) target(%dma_start3A_8 : memref<128x128xf32, #tpu.memory_space<vmem>>) offsets(%dma_start3A_10 : memref<128xi32, #tpu.memory_space<vmem>>) semaphore(%arg7 : memref<!tpu.dma_semaphore, #tpu.memory_space<semaphore_mem>>)
    %dma_start3A_14 = arith.constant 1 : i32
    %dma_start3A_15 = arith.constant 0 : i32
    %dma_start3A_16 = arith.constant 0 : i32
    %dma_start3A_17 = tpu.memref_slice %arg6[%dma_start3A_14, %dma_start3A_15, %dma_start3A_16] : memref<2x128x128xf32, #tpu.memory_space<vmem>> -> memref<1x128x128xf32, #tpu.memory_space<vmem>>
    %dma_start3A_18 = tpu.memref_squeeze %dma_start3A_17 : memref<1x128x128xf32, #tpu.memory_space<vmem>> -> memref<128x128xf32, #tpu.memory_space<vmem>>
    %dma_start3A_19 = arith.constant 128 : i32
    %dma_start3A_20 = tpu.memref_slice %arg5[%dma_start3A_19] : memref<2560xi32, #tpu.memory_space<vmem>> -> memref<128xi32, #tpu.memory_space<vmem>>
    %dma_start3A_21 = arith.constant 0 : i32
    %dma_start3A_22 = arith.constant 0 : i32
    %dma_start3A_23 = tpu.memref_slice %arg2[%dma_start3A_21, %dma_start3A_22] : memref<10240x128xf32, #tpu.memory_space<hbm>> -> memref<10240x128xf32, #tpu.memory_space<hbm>>
    tpu.enqueue_indirect_dma source(%dma_start3A_23 : memref<10240x128xf32, #tpu.memory_space<hbm>>) target(%dma_start3A_18 : memref<128x128xf32, #tpu.memory_space<vmem>>) offsets(%dma_start3A_20 : memref<128xi32, #tpu.memory_space<vmem>>) semaphore(%arg8 : memref<!tpu.dma_semaphore, #tpu.memory_space<semaphore_mem>>)
    %scan3A = arith.constant 0 : i32
    %scan3A_24 = arith.constant 10 : i32
    %scan3A_25 = arith.addi %scan3A, %scan3A_24 : i32
    %scan3A_26 = arith.constant 1 : i32
    scf.for %scan3A_28 = %scan3A to %scan3A_25 step %scan3A_26  : i32 {
      %mul3A_29 = arith.constant 2 : i32
      %mul3A_30 = arith.muli %mul3A_29, %scan3A_28 : i32
      %dma_wait3A = arith.constant 0 : i32
      %dma_wait3A_31 = arith.constant 0 : i32
      %dma_wait3A_32 = arith.constant 0 : i32
      %dma_wait3A_33 = tpu.memref_slice %arg6[%dma_wait3A, %dma_wait3A_31, %dma_wait3A_32] : memref<2x128x128xf32, #tpu.memory_space<vmem>> -> memref<1x128x128xf32, #tpu.memory_space<vmem>>
      %dma_wait3A_34 = tpu.memref_squeeze %dma_wait3A_33 : memref<1x128x128xf32, #tpu.memory_space<vmem>> -> memref<128x128xf32, #tpu.memory_space<vmem>>
      %dma_wait3A_35 = arith.constant 0 : i32
      %dma_wait3A_36 = arith.constant 0 : i32
      %dma_wait3A_37 = tpu.memref_slice %arg2[%dma_wait3A_35, %dma_wait3A_36] : memref<10240x128xf32, #tpu.memory_space<hbm>> -> memref<128x128xf32, #tpu.memory_space<hbm>>
      %dma_wait3A_38 = arith.constant 0 : i32
      %dma_wait3A_39 = arith.constant 0 : i32
      %dma_wait3A_40 = tpu.memref_slice %arg6[%dma_wait3A, %dma_wait3A_38, %dma_wait3A_39] : memref<2x128x128xf32, #tpu.memory_space<vmem>> -> memref<1x128x128xf32, #tpu.memory_space<vmem>>
      %dma_wait3A_41 = tpu.memref_squeeze %dma_wait3A_40 : memref<1x128x128xf32, #tpu.memory_space<vmem>> -> memref<128x128xf32, #tpu.memory_space<vmem>>
      %dma_wait3A_42 = arith.constant 0 : i32
      %dma_wait3A_43 = arith.constant 0 : i32
      %dma_wait3A_44 = tpu.memref_slice %arg2[%dma_wait3A_42, %dma_wait3A_43] : memref<10240x128xf32, #tpu.memory_space<hbm>> -> memref<128x128xf32, #tpu.memory_space<hbm>>
      tpu.wait_dma2 semaphore(%arg7 : memref<!tpu.dma_semaphore, #tpu.memory_space<semaphore_mem>>) src(%dma_wait3A_44 : memref<128x128xf32, #tpu.memory_space<hbm>>) dst(%dma_wait3A_41 : memref<128x128xf32, #tpu.memory_space<vmem>>)
      %add3A_45 = arith.addi %mul3A_2, %mul3A_30 : i32
      %mul3A_46 = arith.constant 128 : i32
      %mul3A_47 = arith.muli %add3A_45, %mul3A_46 : i32
      %run_scoped3A = arith.constant 0 : i32
      "tpu.region"() ({
        %run_scoped3A_82 = tpu.sem_alloc : memref<!tpu.dma_semaphore, #tpu.memory_space<semaphore_mem>>
        %dma_start3A_83 = arith.constant 0 : i32
        %dma_start3A_84 = arith.constant 0 : i32
        %dma_start3A_85 = tpu.memref_slice %arg6[%run_scoped3A, %dma_start3A_83, %dma_start3A_84] : memref<2x128x128xf32, #tpu.memory_space<vmem>> -> memref<1x128x128xf32, #tpu.memory_space<vmem>>
        %dma_start3A_86 = tpu.memref_squeeze %dma_start3A_85 : memref<1x128x128xf32, #tpu.memory_space<vmem>> -> memref<128x128xf32, #tpu.memory_space<vmem>>
        %dma_start3A_87 = arith.constant 0 : i32
        %dma_start3A_88 = tpu.memref_slice %arg4[%mul3A_47, %dma_start3A_87] : memref<81920x128xf32, #tpu.memory_space<hbm>> -> memref<128x128xf32, #tpu.memory_space<hbm>>
        %dma_start3A_89 = arith.constant 0 : i32
        %dma_start3A_90 = tpu.memref_slice %arg4[%mul3A_47, %dma_start3A_89] : memref<81920x128xf32, #tpu.memory_space<hbm>> -> memref<128x128xf32, #tpu.memory_space<hbm>>
        %dma_start3A_91 = arith.constant 0 : i32
        %dma_start3A_92 = arith.constant 0 : i32
        %dma_start3A_93 = tpu.memref_slice %arg6[%run_scoped3A, %dma_start3A_91, %dma_start3A_92] : memref<2x128x128xf32, #tpu.memory_space<vmem>> -> memref<1x128x128xf32, #tpu.memory_space<vmem>>
        %dma_start3A_94 = tpu.memref_squeeze %dma_start3A_93 : memref<1x128x128xf32, #tpu.memory_space<vmem>> -> memref<128x128xf32, #tpu.memory_space<vmem>>
        tpu.enqueue_dma source(%dma_start3A_94 : memref<128x128xf32, #tpu.memory_space<vmem>>) target(%dma_start3A_90 : memref<128x128xf32, #tpu.memory_space<hbm>>) target_semaphore(%run_scoped3A_82 : memref<!tpu.dma_semaphore, #tpu.memory_space<semaphore_mem>>)
        %dma_wait3A_95 = arith.constant 0 : i32
        %dma_wait3A_96 = arith.constant 0 : i32
        %dma_wait3A_97 = tpu.memref_slice %arg6[%run_scoped3A, %dma_wait3A_95, %dma_wait3A_96] : memref<2x128x128xf32, #tpu.memory_space<vmem>> -> memref<1x128x128xf32, #tpu.memory_space<vmem>>
        %dma_wait3A_98 = tpu.memref_squeeze %dma_wait3A_97 : memref<1x128x128xf32, #tpu.memory_space<vmem>> -> memref<128x128xf32, #tpu.memory_space<vmem>>
        %dma_wait3A_99 = arith.constant 0 : i32
        %dma_wait3A_100 = tpu.memref_slice %arg4[%mul3A_47, %dma_wait3A_99] : memref<81920x128xf32, #tpu.memory_space<hbm>> -> memref<128x128xf32, #tpu.memory_space<hbm>>
        %dma_wait3A_101 = arith.constant 0 : i32
        %dma_wait3A_102 = tpu.memref_slice %arg4[%mul3A_47, %dma_wait3A_101] : memref<81920x128xf32, #tpu.memory_space<hbm>> -> memref<128x128xf32, #tpu.memory_space<hbm>>
        %dma_wait3A_103 = arith.constant 0 : i32
        %dma_wait3A_104 = arith.constant 0 : i32
        %dma_wait3A_105 = tpu.memref_slice %arg6[%run_scoped3A, %dma_wait3A_103, %dma_wait3A_104] : memref<2x128x128xf32, #tpu.memory_space<vmem>> -> memref<1x128x128xf32, #tpu.memory_space<vmem>>
        %dma_wait3A_106 = tpu.memref_squeeze %dma_wait3A_105 : memref<1x128x128xf32, #tpu.memory_space<vmem>> -> memref<128x128xf32, #tpu.memory_space<vmem>>
        tpu.wait_dma2 semaphore(%run_scoped3A_82 : memref<!tpu.dma_semaphore, #tpu.memory_space<semaphore_mem>>) src(%dma_wait3A_106 : memref<128x128xf32, #tpu.memory_space<vmem>>) dst(%dma_wait3A_102 : memref<128x128xf32, #tpu.memory_space<hbm>>)
        tpu.yield
      }) : () -> ()
      %add3A_48 = arith.constant 2 : i32
      %add3A_49 = arith.addi %mul3A_30, %add3A_48 : i32
      %lt3A = arith.constant 20 : i32
      %lt3A_50 = arith.cmpi slt, %add3A_49, %lt3A : i32
      %convert_element_type3A = arith.extui %lt3A_50 : i1 to i32
      %cond3A = arith.constant 0 : i32
      %cond3A_51 = arith.cmpi ne, %convert_element_type3A, %cond3A : i32
      scf.if %cond3A_51 {
        %add3A_82 = arith.constant 2 : i32
        %add3A_83 = arith.addi %mul3A_30, %add3A_82 : i32
        %mul3A_84 = arith.constant 128 : i32
        %mul3A_85 = arith.muli %add3A_83, %mul3A_84 : i32
        %dma_start3A_86 = arith.constant 0 : i32
        %dma_start3A_87 = arith.constant 0 : i32
        %dma_start3A_88 = arith.constant 0 : i32
        %dma_start3A_89 = tpu.memref_slice %arg6[%dma_start3A_86, %dma_start3A_87, %dma_start3A_88] : memref<2x128x128xf32, #tpu.memory_space<vmem>> -> memref<1x128x128xf32, #tpu.memory_space<vmem>>
        %dma_start3A_90 = tpu.memref_squeeze %dma_start3A_89 : memref<1x128x128xf32, #tpu.memory_space<vmem>> -> memref<128x128xf32, #tpu.memory_space<vmem>>
        %dma_start3A_91 = tpu.memref_slice %arg5[%mul3A_85] : memref<2560xi32, #tpu.memory_space<vmem>> -> memref<128xi32, #tpu.memory_space<vmem>>
        %dma_start3A_92 = arith.constant 0 : i32
        %dma_start3A_93 = arith.constant 0 : i32
        %dma_start3A_94 = tpu.memref_slice %arg2[%dma_start3A_92, %dma_start3A_93] : memref<10240x128xf32, #tpu.memory_space<hbm>> -> memref<10240x128xf32, #tpu.memory_space<hbm>>
        tpu.enqueue_indirect_dma source(%dma_start3A_94 : memref<10240x128xf32, #tpu.memory_space<hbm>>) target(%dma_start3A_90 : memref<128x128xf32, #tpu.memory_space<vmem>>) offsets(%dma_start3A_91 : memref<128xi32, #tpu.memory_space<vmem>>) semaphore(%arg7 : memref<!tpu.dma_semaphore, #tpu.memory_space<semaphore_mem>>)
      } else {
      }
      %mul3A_52 = arith.constant 2 : i32
      %mul3A_53 = arith.muli %mul3A_52, %scan3A_28 : i32
      %add3A_54 = arith.constant 1 : i32
      %add3A_55 = arith.addi %mul3A_53, %add3A_54 : i32
      %dma_wait3A_56 = arith.constant 1 : i32
      %dma_wait3A_57 = arith.constant 0 : i32
      %dma_wait3A_58 = arith.constant 0 : i32
      %dma_wait3A_59 = tpu.memref_slice %arg6[%dma_wait3A_56, %dma_wait3A_57, %dma_wait3A_58] : memref<2x128x128xf32, #tpu.memory_space<vmem>> -> memref<1x128x128xf32, #tpu.memory_space<vmem>>
      %dma_wait3A_60 = tpu.memref_squeeze %dma_wait3A_59 : memref<1x128x128xf32, #tpu.memory_space<vmem>> -> memref<128x128xf32, #tpu.memory_space<vmem>>
      %dma_wait3A_61 = arith.constant 0 : i32
      %dma_wait3A_62 = arith.constant 0 : i32
      %dma_wait3A_63 = tpu.memref_slice %arg2[%dma_wait3A_61, %dma_wait3A_62] : memref<10240x128xf32, #tpu.memory_space<hbm>> -> memref<128x128xf32, #tpu.memory_space<hbm>>
      %dma_wait3A_64 = arith.constant 0 : i32
      %dma_wait3A_65 = arith.constant 0 : i32
      %dma_wait3A_66 = tpu.memref_slice %arg6[%dma_wait3A_56, %dma_wait3A_64, %dma_wait3A_65] : memref<2x128x128xf32, #tpu.memory_space<vmem>> -> memref<1x128x128xf32, #tpu.memory_space<vmem>>
      %dma_wait3A_67 = tpu.memref_squeeze %dma_wait3A_66 : memref<1x128x128xf32, #tpu.memory_space<vmem>> -> memref<128x128xf32, #tpu.memory_space<vmem>>
      %dma_wait3A_68 = arith.constant 0 : i32
      %dma_wait3A_69 = arith.constant 0 : i32
      %dma_wait3A_70 = tpu.memref_slice %arg2[%dma_wait3A_68, %dma_wait3A_69] : memref<10240x128xf32, #tpu.memory_space<hbm>> -> memref<128x128xf32, #tpu.memory_space<hbm>>
      tpu.wait_dma2 semaphore(%arg8 : memref<!tpu.dma_semaphore, #tpu.memory_space<semaphore_mem>>) src(%dma_wait3A_70 : memref<128x128xf32, #tpu.memory_space<hbm>>) dst(%dma_wait3A_67 : memref<128x128xf32, #tpu.memory_space<vmem>>)
      %add3A_71 = arith.addi %mul3A_2, %add3A_55 : i32
      %mul3A_72 = arith.constant 128 : i32
      %mul3A_73 = arith.muli %add3A_71, %mul3A_72 : i32
      %run_scoped3A_74 = arith.constant 1 : i32
      "tpu.region"() ({
        %run_scoped3A_82 = tpu.sem_alloc : memref<!tpu.dma_semaphore, #tpu.memory_space<semaphore_mem>>
        %dma_start3A_83 = arith.constant 0 : i32
        %dma_start3A_84 = arith.constant 0 : i32
        %dma_start3A_85 = tpu.memref_slice %arg6[%run_scoped3A_74, %dma_start3A_83, %dma_start3A_84] : memref<2x128x128xf32, #tpu.memory_space<vmem>> -> memref<1x128x128xf32, #tpu.memory_space<vmem>>
        %dma_start3A_86 = tpu.memref_squeeze %dma_start3A_85 : memref<1x128x128xf32, #tpu.memory_space<vmem>> -> memref<128x128xf32, #tpu.memory_space<vmem>>
        %dma_start3A_87 = arith.constant 0 : i32
        %dma_start3A_88 = tpu.memref_slice %arg4[%mul3A_73, %dma_start3A_87] : memref<81920x128xf32, #tpu.memory_space<hbm>> -> memref<128x128xf32, #tpu.memory_space<hbm>>
        %dma_start3A_89 = arith.constant 0 : i32
        %dma_start3A_90 = tpu.memref_slice %arg4[%mul3A_73, %dma_start3A_89] : memref<81920x128xf32, #tpu.memory_space<hbm>> -> memref<128x128xf32, #tpu.memory_space<hbm>>
        %dma_start3A_91 = arith.constant 0 : i32
        %dma_start3A_92 = arith.constant 0 : i32
        %dma_start3A_93 = tpu.memref_slice %arg6[%run_scoped3A_74, %dma_start3A_91, %dma_start3A_92] : memref<2x128x128xf32, #tpu.memory_space<vmem>> -> memref<1x128x128xf32, #tpu.memory_space<vmem>>
        %dma_start3A_94 = tpu.memref_squeeze %dma_start3A_93 : memref<1x128x128xf32, #tpu.memory_space<vmem>> -> memref<128x128xf32, #tpu.memory_space<vmem>>
        tpu.enqueue_dma source(%dma_start3A_94 : memref<128x128xf32, #tpu.memory_space<vmem>>) target(%dma_start3A_90 : memref<128x128xf32, #tpu.memory_space<hbm>>) target_semaphore(%run_scoped3A_82 : memref<!tpu.dma_semaphore, #tpu.memory_space<semaphore_mem>>)
        %dma_wait3A_95 = arith.constant 0 : i32
        %dma_wait3A_96 = arith.constant 0 : i32
        %dma_wait3A_97 = tpu.memref_slice %arg6[%run_scoped3A_74, %dma_wait3A_95, %dma_wait3A_96] : memref<2x128x128xf32, #tpu.memory_space<vmem>> -> memref<1x128x128xf32, #tpu.memory_space<vmem>>
        %dma_wait3A_98 = tpu.memref_squeeze %dma_wait3A_97 : memref<1x128x128xf32, #tpu.memory_space<vmem>> -> memref<128x128xf32, #tpu.memory_space<vmem>>
        %dma_wait3A_99 = arith.constant 0 : i32
        %dma_wait3A_100 = tpu.memref_slice %arg4[%mul3A_73, %dma_wait3A_99] : memref<81920x128xf32, #tpu.memory_space<hbm>> -> memref<128x128xf32, #tpu.memory_space<hbm>>
        %dma_wait3A_101 = arith.constant 0 : i32
        %dma_wait3A_102 = tpu.memref_slice %arg4[%mul3A_73, %dma_wait3A_101] : memref<81920x128xf32, #tpu.memory_space<hbm>> -> memref<128x128xf32, #tpu.memory_space<hbm>>
        %dma_wait3A_103 = arith.constant 0 : i32
        %dma_wait3A_104 = arith.constant 0 : i32
        %dma_wait3A_105 = tpu.memref_slice %arg6[%run_scoped3A_74, %dma_wait3A_103, %dma_wait3A_104] : memref<2x128x128xf32, #tpu.memory_space<vmem>> -> memref<1x128x128xf32, #tpu.memory_space<vmem>>
        %dma_wait3A_106 = tpu.memref_squeeze %dma_wait3A_105 : memref<1x128x128xf32, #tpu.memory_space<vmem>> -> memref<128x128xf32, #tpu.memory_space<vmem>>
        tpu.wait_dma2 semaphore(%run_scoped3A_82 : memref<!tpu.dma_semaphore, #tpu.memory_space<semaphore_mem>>) src(%dma_wait3A_106 : memref<128x128xf32, #tpu.memory_space<vmem>>) dst(%dma_wait3A_102 : memref<128x128xf32, #tpu.memory_space<hbm>>)
        tpu.yield
      }) : () -> ()
      %add3A_75 = arith.constant 2 : i32
      %add3A_76 = arith.addi %add3A_55, %add3A_75 : i32
      %lt3A_77 = arith.constant 20 : i32
      %lt3A_78 = arith.cmpi slt, %add3A_76, %lt3A_77 : i32
      %convert_element_type3A_79 = arith.extui %lt3A_78 : i1 to i32
      %cond3A_80 = arith.constant 0 : i32
      %cond3A_81 = arith.cmpi ne, %convert_element_type3A_79, %cond3A_80 : i32
      scf.if %cond3A_81 {
        %add3A_82 = arith.constant 2 : i32
        %add3A_83 = arith.addi %add3A_55, %add3A_82 : i32
        %mul3A_84 = arith.constant 128 : i32
        %mul3A_85 = arith.muli %add3A_83, %mul3A_84 : i32
        %dma_start3A_86 = arith.constant 1 : i32
        %dma_start3A_87 = arith.constant 0 : i32
        %dma_start3A_88 = arith.constant 0 : i32
        %dma_start3A_89 = tpu.memref_slice %arg6[%dma_start3A_86, %dma_start3A_87, %dma_start3A_88] : memref<2x128x128xf32, #tpu.memory_space<vmem>> -> memref<1x128x128xf32, #tpu.memory_space<vmem>>
        %dma_start3A_90 = tpu.memref_squeeze %dma_start3A_89 : memref<1x128x128xf32, #tpu.memory_space<vmem>> -> memref<128x128xf32, #tpu.memory_space<vmem>>
        %dma_start3A_91 = tpu.memref_slice %arg5[%mul3A_85] : memref<2560xi32, #tpu.memory_space<vmem>> -> memref<128xi32, #tpu.memory_space<vmem>>
        %dma_start3A_92 = arith.constant 0 : i32
        %dma_start3A_93 = arith.constant 0 : i32
        %dma_start3A_94 = tpu.memref_slice %arg2[%dma_start3A_92, %dma_start3A_93] : memref<10240x128xf32, #tpu.memory_space<hbm>> -> memref<10240x128xf32, #tpu.memory_space<hbm>>
        tpu.enqueue_indirect_dma source(%dma_start3A_94 : memref<10240x128xf32, #tpu.memory_space<hbm>>) target(%dma_start3A_90 : memref<128x128xf32, #tpu.memory_space<vmem>>) offsets(%dma_start3A_91 : memref<128xi32, #tpu.memory_space<vmem>>) semaphore(%arg8 : memref<!tpu.dma_semaphore, #tpu.memory_space<semaphore_mem>>)
      } else {
      }
    }
    %scan3A_27 = arith.constant 10 : i32
    return
  }
}

#map = affine_map<(d0, d1) -> (0, 0)>
#map1 = affine_map<(d0, d1) -> (0)>
#map2 = affine_map<(d0, d1) -> (0, 0, 0)>
module attributes {stable_mosaic.version = 14 : i64} {
  func.func @scatter(%arg0: i32, %arg1: i32, %arg2: memref<81920x128xf32, #tpu.memory_space<hbm>>, %arg3: memref<81920xi32, #tpu.memory_space<hbm>>, %arg4: memref<10240x128xf32, #tpu.memory_space<hbm>>, %arg5: memref<2x10240x128xf32, #tpu.memory_space<hbm>>, %arg6: memref<20x128xi32, #tpu.memory_space<vmem>>, %arg7: memref<128x128xf32, #tpu.memory_space<vmem>>, %arg8: memref<10240x128xf32, #tpu.memory_space<vmem_shared>>) attributes {dimension_semantics = [#tpu.dimension_semantics<core_parallel>, #tpu.dimension_semantics<subcore_parallel>], iteration_bounds = array<i64: 2, 16>, scalar_prefetch = 0 : i64, scratch_operands = 3 : i64, tpu.core_type = #tpu.core_type<sc_vector_subcore>, window_params = [{transform_indices = #map}, {transform_indices = #map1}, {transform_indices = #map}, {transform_indices = #map2}]} {
    %mul3A = arith.constant 16 : i32
    %mul3A_0 = arith.muli %arg0, %mul3A : i32
    %add3A = arith.addi %mul3A_0, %arg1 : i32
    %mul3A_1 = arith.constant 20 : i32
    %mul3A_2 = arith.muli %add3A, %mul3A_1 : i32
    %mul3A_3 = arith.constant 640 : i32
    %mul3A_4 = arith.muli %arg1, %mul3A_3 : i32
    %mul3A_5 = arith.constant 640 : i32
    %mul3A_6 = arith.muli %arg1, %mul3A_5 : i32
    "tpu.region"() ({
      %run_scoped3A = tpu.sem_alloc : memref<!tpu.dma_semaphore, #tpu.memory_space<semaphore_mem>>
      %dma_start3A = arith.constant 0 : i32
      %dma_start3A_21 = tpu.memref_slice %arg8[%mul3A_6, %dma_start3A] : memref<10240x128xf32, #tpu.memory_space<vmem_shared>> -> memref<640x128xf32, #tpu.memory_space<vmem_shared>>
      %dma_start3A_22 = arith.constant 0 : i32
      %dma_start3A_23 = tpu.memref_slice %arg4[%mul3A_4, %dma_start3A_22] : memref<10240x128xf32, #tpu.memory_space<hbm>> -> memref<640x128xf32, #tpu.memory_space<hbm>>
      tpu.enqueue_dma source(%dma_start3A_23 : memref<640x128xf32, #tpu.memory_space<hbm>>) target(%dma_start3A_21 : memref<640x128xf32, #tpu.memory_space<vmem_shared>>) target_semaphore(%run_scoped3A : memref<!tpu.dma_semaphore, #tpu.memory_space<semaphore_mem>>)
      %dma_wait3A = arith.constant 0 : i32
      %dma_wait3A_24 = tpu.memref_slice %arg8[%mul3A_6, %dma_wait3A] : memref<10240x128xf32, #tpu.memory_space<vmem_shared>> -> memref<640x128xf32, #tpu.memory_space<vmem_shared>>
      %dma_wait3A_25 = arith.constant 0 : i32
      %dma_wait3A_26 = tpu.memref_slice %arg4[%mul3A_4, %dma_wait3A_25] : memref<10240x128xf32, #tpu.memory_space<hbm>> -> memref<640x128xf32, #tpu.memory_space<hbm>>
      tpu.wait_dma2 semaphore(%run_scoped3A : memref<!tpu.dma_semaphore, #tpu.memory_space<semaphore_mem>>) src(%dma_wait3A_26 : memref<640x128xf32, #tpu.memory_space<hbm>>) dst(%dma_wait3A_24 : memref<640x128xf32, #tpu.memory_space<vmem_shared>>)
      tpu.yield
    }) : () -> ()
    %scan3A = arith.constant 0 : i32
    %scan3A_7 = arith.constant 20 : i32
    %scan3A_8 = arith.addi %scan3A, %scan3A_7 : i32
    %scan3A_9 = arith.constant 1 : i32
    scf.for %scan3A_21 = %scan3A to %scan3A_8 step %scan3A_9  : i32 {
      %add3A_22 = arith.addi %mul3A_2, %scan3A_21 : i32
      %mul3A_23 = arith.constant 128 : i32
      %mul3A_24 = arith.muli %add3A_22, %mul3A_23 : i32
      "tpu.region"() ({
        %run_scoped3A = tpu.sem_alloc : memref<!tpu.dma_semaphore, #tpu.memory_space<semaphore_mem>>
        %dma_start3A = arith.constant 0 : i32
        %dma_start3A_25 = tpu.memref_slice %arg6[%scan3A_21, %dma_start3A] : memref<20x128xi32, #tpu.memory_space<vmem>> -> memref<1x128xi32, #tpu.memory_space<vmem>>
        %dma_start3A_26 = tpu.memref_squeeze %dma_start3A_25 : memref<1x128xi32, #tpu.memory_space<vmem>> -> memref<128xi32, #tpu.memory_space<vmem>>
        %dma_start3A_27 = tpu.memref_slice %arg3[%mul3A_24] : memref<81920xi32, #tpu.memory_space<hbm>> -> memref<128xi32, #tpu.memory_space<hbm>>
        %dma_start3A_28 = arith.constant 0 : i32
        %dma_start3A_29 = tpu.memref_slice %arg6[%scan3A_21, %dma_start3A_28] : memref<20x128xi32, #tpu.memory_space<vmem>> -> memref<1x128xi32, #tpu.memory_space<vmem>>
        %dma_start3A_30 = tpu.memref_squeeze %dma_start3A_29 : memref<1x128xi32, #tpu.memory_space<vmem>> -> memref<128xi32, #tpu.memory_space<vmem>>
        %dma_start3A_31 = tpu.memref_slice %arg3[%mul3A_24] : memref<81920xi32, #tpu.memory_space<hbm>> -> memref<128xi32, #tpu.memory_space<hbm>>
        tpu.enqueue_dma source(%dma_start3A_31 : memref<128xi32, #tpu.memory_space<hbm>>) target(%dma_start3A_30 : memref<128xi32, #tpu.memory_space<vmem>>) target_semaphore(%run_scoped3A : memref<!tpu.dma_semaphore, #tpu.memory_space<semaphore_mem>>)
        %dma_wait3A = arith.constant 0 : i32
        %dma_wait3A_32 = tpu.memref_slice %arg6[%scan3A_21, %dma_wait3A] : memref<20x128xi32, #tpu.memory_space<vmem>> -> memref<1x128xi32, #tpu.memory_space<vmem>>
        %dma_wait3A_33 = tpu.memref_squeeze %dma_wait3A_32 : memref<1x128xi32, #tpu.memory_space<vmem>> -> memref<128xi32, #tpu.memory_space<vmem>>
        %dma_wait3A_34 = tpu.memref_slice %arg3[%mul3A_24] : memref<81920xi32, #tpu.memory_space<hbm>> -> memref<128xi32, #tpu.memory_space<hbm>>
        %dma_wait3A_35 = arith.constant 0 : i32
        %dma_wait3A_36 = tpu.memref_slice %arg6[%scan3A_21, %dma_wait3A_35] : memref<20x128xi32, #tpu.memory_space<vmem>> -> memref<1x128xi32, #tpu.memory_space<vmem>>
        %dma_wait3A_37 = tpu.memref_squeeze %dma_wait3A_36 : memref<1x128xi32, #tpu.memory_space<vmem>> -> memref<128xi32, #tpu.memory_space<vmem>>
        %dma_wait3A_38 = tpu.memref_slice %arg3[%mul3A_24] : memref<81920xi32, #tpu.memory_space<hbm>> -> memref<128xi32, #tpu.memory_space<hbm>>
        tpu.wait_dma2 semaphore(%run_scoped3A : memref<!tpu.dma_semaphore, #tpu.memory_space<semaphore_mem>>) src(%dma_wait3A_38 : memref<128xi32, #tpu.memory_space<hbm>>) dst(%dma_wait3A_37 : memref<128xi32, #tpu.memory_space<vmem>>)
        tpu.yield
      }) : () -> ()
    }
    %scan3A_10 = arith.constant 20 : i32
    %barrier3A = arith.constant 0 : index
    tpu.barrier barrier_id(%barrier3A)
    %scan3A_11 = arith.constant 0 : i32
    %scan3A_12 = arith.constant 20 : i32
    %scan3A_13 = arith.addi %scan3A_11, %scan3A_12 : i32
    %scan3A_14 = arith.constant 1 : i32
    scf.for %scan3A_21 = %scan3A_11 to %scan3A_13 step %scan3A_14  : i32 {
      %add3A_22 = arith.addi %mul3A_2, %scan3A_21 : i32
      %mul3A_23 = arith.constant 128 : i32
      %mul3A_24 = arith.muli %add3A_22, %mul3A_23 : i32
      "tpu.region"() ({
        %run_scoped3A = tpu.sem_alloc : memref<!tpu.dma_semaphore, #tpu.memory_space<semaphore_mem>>
        %dma_start3A = arith.constant 0 : i32
        %dma_start3A_25 = tpu.memref_slice %arg2[%mul3A_24, %dma_start3A] : memref<81920x128xf32, #tpu.memory_space<hbm>> -> memref<128x128xf32, #tpu.memory_space<hbm>>
        %dma_start3A_26 = arith.constant 0 : i32
        %dma_start3A_27 = tpu.memref_slice %arg2[%mul3A_24, %dma_start3A_26] : memref<81920x128xf32, #tpu.memory_space<hbm>> -> memref<128x128xf32, #tpu.memory_space<hbm>>
        tpu.enqueue_dma source(%dma_start3A_27 : memref<128x128xf32, #tpu.memory_space<hbm>>) target(%arg7 : memref<128x128xf32, #tpu.memory_space<vmem>>) target_semaphore(%run_scoped3A : memref<!tpu.dma_semaphore, #tpu.memory_space<semaphore_mem>>)
        %dma_wait3A = arith.constant 0 : i32
        %dma_wait3A_28 = tpu.memref_slice %arg2[%mul3A_24, %dma_wait3A] : memref<81920x128xf32, #tpu.memory_space<hbm>> -> memref<128x128xf32, #tpu.memory_space<hbm>>
        %dma_wait3A_29 = arith.constant 0 : i32
        %dma_wait3A_30 = tpu.memref_slice %arg2[%mul3A_24, %dma_wait3A_29] : memref<81920x128xf32, #tpu.memory_space<hbm>> -> memref<128x128xf32, #tpu.memory_space<hbm>>
        tpu.wait_dma2 semaphore(%run_scoped3A : memref<!tpu.dma_semaphore, #tpu.memory_space<semaphore_mem>>) src(%dma_wait3A_30 : memref<128x128xf32, #tpu.memory_space<hbm>>) dst(%arg7 : memref<128x128xf32, #tpu.memory_space<vmem>>)
        tpu.yield
      }) : () -> ()
      "tpu.region"() ({
        %run_scoped3A = tpu.sem_alloc : memref<!tpu.dma_semaphore, #tpu.memory_space<semaphore_mem>>
        %dma_start3A = arith.constant 0 : i32
        %dma_start3A_25 = tpu.memref_slice %arg6[%scan3A_21, %dma_start3A] : memref<20x128xi32, #tpu.memory_space<vmem>> -> memref<1x128xi32, #tpu.memory_space<vmem>>
        %dma_start3A_26 = tpu.memref_squeeze %dma_start3A_25 : memref<1x128xi32, #tpu.memory_space<vmem>> -> memref<128xi32, #tpu.memory_space<vmem>>
        %dma_start3A_27 = arith.constant 0 : i32
        %dma_start3A_28 = arith.constant 0 : i32
        %dma_start3A_29 = tpu.memref_slice %arg8[%dma_start3A_27, %dma_start3A_28] : memref<10240x128xf32, #tpu.memory_space<vmem_shared>> -> memref<10240x128xf32, #tpu.memory_space<vmem_shared>>
        tpu.enqueue_indirect_dma source(%arg7 : memref<128x128xf32, #tpu.memory_space<vmem>>) target(%dma_start3A_29 : memref<10240x128xf32, #tpu.memory_space<vmem_shared>>) offsets(%dma_start3A_26 : memref<128xi32, #tpu.memory_space<vmem>>) semaphore(%run_scoped3A : memref<!tpu.dma_semaphore, #tpu.memory_space<semaphore_mem>>) {add = true}
        %dma_wait3A = arith.constant 0 : i32
        %dma_wait3A_30 = tpu.memref_slice %arg6[%scan3A_21, %dma_wait3A] : memref<20x128xi32, #tpu.memory_space<vmem>> -> memref<1x128xi32, #tpu.memory_space<vmem>>
        %dma_wait3A_31 = tpu.memref_squeeze %dma_wait3A_30 : memref<1x128xi32, #tpu.memory_space<vmem>> -> memref<128xi32, #tpu.memory_space<vmem>>
        %dma_wait3A_32 = arith.constant 0 : i32
        %dma_wait3A_33 = arith.constant 0 : i32
        %dma_wait3A_34 = tpu.memref_slice %arg8[%dma_wait3A_32, %dma_wait3A_33] : memref<10240x128xf32, #tpu.memory_space<vmem_shared>> -> memref<10240x128xf32, #tpu.memory_space<vmem_shared>>
        tpu.wait_indirect_dma semaphore(%run_scoped3A : memref<!tpu.dma_semaphore, #tpu.memory_space<semaphore_mem>>) src(%arg7 : memref<128x128xf32, #tpu.memory_space<vmem>>) dst(%dma_wait3A_34 : memref<10240x128xf32, #tpu.memory_space<vmem_shared>>)
        tpu.yield
      }) : () -> ()
    }
    %scan3A_15 = arith.constant 20 : i32
    %barrier3A_16 = arith.constant 0 : index
    tpu.barrier barrier_id(%barrier3A_16)
    %mul3A_17 = arith.constant 640 : i32
    %mul3A_18 = arith.muli %arg1, %mul3A_17 : i32
    %mul3A_19 = arith.constant 640 : i32
    %mul3A_20 = arith.muli %arg1, %mul3A_19 : i32
    "tpu.region"() ({
      %run_scoped3A = tpu.sem_alloc : memref<!tpu.dma_semaphore, #tpu.memory_space<semaphore_mem>>
      %dma_start3A = arith.constant 0 : i32
      %dma_start3A_21 = tpu.memref_slice %arg5[%arg0, %mul3A_20, %dma_start3A] : memref<2x10240x128xf32, #tpu.memory_space<hbm>> -> memref<1x640x128xf32, #tpu.memory_space<hbm>>
      %dma_start3A_22 = tpu.memref_squeeze %dma_start3A_21 : memref<1x640x128xf32, #tpu.memory_space<hbm>> -> memref<640x128xf32, #tpu.memory_space<hbm>>
      %dma_start3A_23 = arith.constant 0 : i32
      %dma_start3A_24 = tpu.memref_slice %arg8[%mul3A_18, %dma_start3A_23] : memref<10240x128xf32, #tpu.memory_space<vmem_shared>> -> memref<640x128xf32, #tpu.memory_space<vmem_shared>>
      tpu.enqueue_dma source(%dma_start3A_24 : memref<640x128xf32, #tpu.memory_space<vmem_shared>>) target(%dma_start3A_22 : memref<640x128xf32, #tpu.memory_space<hbm>>) target_semaphore(%run_scoped3A : memref<!tpu.dma_semaphore, #tpu.memory_space<semaphore_mem>>)
      %dma_wait3A = arith.constant 0 : i32
      %dma_wait3A_25 = tpu.memref_slice %arg5[%arg0, %mul3A_20, %dma_wait3A] : memref<2x10240x128xf32, #tpu.memory_space<hbm>> -> memref<1x640x128xf32, #tpu.memory_space<hbm>>
      %dma_wait3A_26 = tpu.memref_squeeze %dma_wait3A_25 : memref<1x640x128xf32, #tpu.memory_space<hbm>> -> memref<640x128xf32, #tpu.memory_space<hbm>>
      %dma_wait3A_27 = arith.constant 0 : i32
      %dma_wait3A_28 = tpu.memref_slice %arg8[%mul3A_18, %dma_wait3A_27] : memref<10240x128xf32, #tpu.memory_space<vmem_shared>> -> memref<640x128xf32, #tpu.memory_space<vmem_shared>>
      tpu.wait_dma2 semaphore(%run_scoped3A : memref<!tpu.dma_semaphore, #tpu.memory_space<semaphore_mem>>) src(%dma_wait3A_28 : memref<640x128xf32, #tpu.memory_space<vmem_shared>>) dst(%dma_wait3A_26 : memref<640x128xf32, #tpu.memory_space<hbm>>)
      tpu.yield
    }) : () -> ()
    return
  }
}

#map = affine_map<(d0, d1) -> (0, 0)>
#map1 = affine_map<(d0, d1) -> (0)>
#map2 = affine_map<(d0, d1) -> (0, 0, 0)>
module attributes {stable_mosaic.version = 14 : i64} {
  func.func @scatter(%arg0: i32, %arg1: i32, %arg2: memref<81920x128xf32, #tpu.memory_space<hbm>>, %arg3: memref<81920xi32, #tpu.memory_space<hbm>>, %arg4: memref<10240x128xf32, #tpu.memory_space<hbm>>, %arg5: memref<2x10240x128xf32, #tpu.memory_space<hbm>>, %arg6: memref<20x128xi32, #tpu.memory_space<vmem>>, %arg7: memref<128x128xf32, #tpu.memory_space<vmem>>, %arg8: memref<10240x128xf32, #tpu.memory_space<vmem_shared>>) attributes {dimension_semantics = [#tpu.dimension_semantics<core_parallel>, #tpu.dimension_semantics<subcore_parallel>], iteration_bounds = array<i64: 2, 16>, scalar_prefetch = 0 : i64, scratch_operands = 3 : i64, tpu.core_type = #tpu.core_type<sc_vector_subcore>, window_params = [{transform_indices = #map}, {transform_indices = #map1}, {transform_indices = #map}, {transform_indices = #map2}]} {
    %mul3A = arith.constant 16 : i32
    %mul3A_0 = arith.muli %arg0, %mul3A : i32
    %add3A = arith.addi %mul3A_0, %arg1 : i32
    %mul3A_1 = arith.constant 20 : i32
    %mul3A_2 = arith.muli %add3A, %mul3A_1 : i32
    %mul3A_3 = arith.constant 640 : i32
    %mul3A_4 = arith.muli %arg1, %mul3A_3 : i32
    %mul3A_5 = arith.constant 640 : i32
    %mul3A_6 = arith.muli %arg1, %mul3A_5 : i32
    "tpu.region"() ({
      %run_scoped3A = tpu.sem_alloc : memref<!tpu.dma_semaphore, #tpu.memory_space<semaphore_mem>>
      %dma_start3A = arith.constant 0 : i32
      %dma_start3A_21 = tpu.memref_slice %arg8[%mul3A_6, %dma_start3A] : memref<10240x128xf32, #tpu.memory_space<vmem_shared>> -> memref<640x128xf32, #tpu.memory_space<vmem_shared>>
      %dma_start3A_22 = arith.constant 0 : i32
      %dma_start3A_23 = tpu.memref_slice %arg4[%mul3A_4, %dma_start3A_22] : memref<10240x128xf32, #tpu.memory_space<hbm>> -> memref<640x128xf32, #tpu.memory_space<hbm>>
      tpu.enqueue_dma source(%dma_start3A_23 : memref<640x128xf32, #tpu.memory_space<hbm>>) target(%dma_start3A_21 : memref<640x128xf32, #tpu.memory_space<vmem_shared>>) target_semaphore(%run_scoped3A : memref<!tpu.dma_semaphore, #tpu.memory_space<semaphore_mem>>)
      %dma_wait3A = arith.constant 0 : i32
      %dma_wait3A_24 = tpu.memref_slice %arg8[%mul3A_6, %dma_wait3A] : memref<10240x128xf32, #tpu.memory_space<vmem_shared>> -> memref<640x128xf32, #tpu.memory_space<vmem_shared>>
      %dma_wait3A_25 = arith.constant 0 : i32
      %dma_wait3A_26 = tpu.memref_slice %arg4[%mul3A_4, %dma_wait3A_25] : memref<10240x128xf32, #tpu.memory_space<hbm>> -> memref<640x128xf32, #tpu.memory_space<hbm>>
      tpu.wait_dma2 semaphore(%run_scoped3A : memref<!tpu.dma_semaphore, #tpu.memory_space<semaphore_mem>>) src(%dma_wait3A_26 : memref<640x128xf32, #tpu.memory_space<hbm>>) dst(%dma_wait3A_24 : memref<640x128xf32, #tpu.memory_space<vmem_shared>>)
      tpu.yield
    }) : () -> ()
    %scan3A = arith.constant 0 : i32
    %scan3A_7 = arith.constant 20 : i32
    %scan3A_8 = arith.addi %scan3A, %scan3A_7 : i32
    %scan3A_9 = arith.constant 1 : i32
    scf.for %scan3A_21 = %scan3A to %scan3A_8 step %scan3A_9  : i32 {
      %add3A_22 = arith.addi %mul3A_2, %scan3A_21 : i32
      %mul3A_23 = arith.constant 128 : i32
      %mul3A_24 = arith.muli %add3A_22, %mul3A_23 : i32
      "tpu.region"() ({
        %run_scoped3A = tpu.sem_alloc : memref<!tpu.dma_semaphore, #tpu.memory_space<semaphore_mem>>
        %dma_start3A = arith.constant 0 : i32
        %dma_start3A_25 = tpu.memref_slice %arg6[%scan3A_21, %dma_start3A] : memref<20x128xi32, #tpu.memory_space<vmem>> -> memref<1x128xi32, #tpu.memory_space<vmem>>
        %dma_start3A_26 = tpu.memref_squeeze %dma_start3A_25 : memref<1x128xi32, #tpu.memory_space<vmem>> -> memref<128xi32, #tpu.memory_space<vmem>>
        %dma_start3A_27 = tpu.memref_slice %arg3[%mul3A_24] : memref<81920xi32, #tpu.memory_space<hbm>> -> memref<128xi32, #tpu.memory_space<hbm>>
        %dma_start3A_28 = arith.constant 0 : i32
        %dma_start3A_29 = tpu.memref_slice %arg6[%scan3A_21, %dma_start3A_28] : memref<20x128xi32, #tpu.memory_space<vmem>> -> memref<1x128xi32, #tpu.memory_space<vmem>>
        %dma_start3A_30 = tpu.memref_squeeze %dma_start3A_29 : memref<1x128xi32, #tpu.memory_space<vmem>> -> memref<128xi32, #tpu.memory_space<vmem>>
        %dma_start3A_31 = tpu.memref_slice %arg3[%mul3A_24] : memref<81920xi32, #tpu.memory_space<hbm>> -> memref<128xi32, #tpu.memory_space<hbm>>
        tpu.enqueue_dma source(%dma_start3A_31 : memref<128xi32, #tpu.memory_space<hbm>>) target(%dma_start3A_30 : memref<128xi32, #tpu.memory_space<vmem>>) target_semaphore(%run_scoped3A : memref<!tpu.dma_semaphore, #tpu.memory_space<semaphore_mem>>)
        %dma_wait3A = arith.constant 0 : i32
        %dma_wait3A_32 = tpu.memref_slice %arg6[%scan3A_21, %dma_wait3A] : memref<20x128xi32, #tpu.memory_space<vmem>> -> memref<1x128xi32, #tpu.memory_space<vmem>>
        %dma_wait3A_33 = tpu.memref_squeeze %dma_wait3A_32 : memref<1x128xi32, #tpu.memory_space<vmem>> -> memref<128xi32, #tpu.memory_space<vmem>>
        %dma_wait3A_34 = tpu.memref_slice %arg3[%mul3A_24] : memref<81920xi32, #tpu.memory_space<hbm>> -> memref<128xi32, #tpu.memory_space<hbm>>
        %dma_wait3A_35 = arith.constant 0 : i32
        %dma_wait3A_36 = tpu.memref_slice %arg6[%scan3A_21, %dma_wait3A_35] : memref<20x128xi32, #tpu.memory_space<vmem>> -> memref<1x128xi32, #tpu.memory_space<vmem>>
        %dma_wait3A_37 = tpu.memref_squeeze %dma_wait3A_36 : memref<1x128xi32, #tpu.memory_space<vmem>> -> memref<128xi32, #tpu.memory_space<vmem>>
        %dma_wait3A_38 = tpu.memref_slice %arg3[%mul3A_24] : memref<81920xi32, #tpu.memory_space<hbm>> -> memref<128xi32, #tpu.memory_space<hbm>>
        tpu.wait_dma2 semaphore(%run_scoped3A : memref<!tpu.dma_semaphore, #tpu.memory_space<semaphore_mem>>) src(%dma_wait3A_38 : memref<128xi32, #tpu.memory_space<hbm>>) dst(%dma_wait3A_37 : memref<128xi32, #tpu.memory_space<vmem>>)
        tpu.yield
      }) : () -> ()
    }
    %scan3A_10 = arith.constant 20 : i32
    %barrier3A = arith.constant 0 : index
    tpu.barrier barrier_id(%barrier3A)
    %scan3A_11 = arith.constant 0 : i32
    %scan3A_12 = arith.constant 20 : i32
    %scan3A_13 = arith.addi %scan3A_11, %scan3A_12 : i32
    %scan3A_14 = arith.constant 1 : i32
    scf.for %scan3A_21 = %scan3A_11 to %scan3A_13 step %scan3A_14  : i32 {
      %add3A_22 = arith.addi %mul3A_2, %scan3A_21 : i32
      %mul3A_23 = arith.constant 128 : i32
      %mul3A_24 = arith.muli %add3A_22, %mul3A_23 : i32
      "tpu.region"() ({
        %run_scoped3A = tpu.sem_alloc : memref<!tpu.dma_semaphore, #tpu.memory_space<semaphore_mem>>
        %dma_start3A = arith.constant 0 : i32
        %dma_start3A_25 = tpu.memref_slice %arg2[%mul3A_24, %dma_start3A] : memref<81920x128xf32, #tpu.memory_space<hbm>> -> memref<128x128xf32, #tpu.memory_space<hbm>>
        %dma_start3A_26 = arith.constant 0 : i32
        %dma_start3A_27 = tpu.memref_slice %arg2[%mul3A_24, %dma_start3A_26] : memref<81920x128xf32, #tpu.memory_space<hbm>> -> memref<128x128xf32, #tpu.memory_space<hbm>>
        tpu.enqueue_dma source(%dma_start3A_27 : memref<128x128xf32, #tpu.memory_space<hbm>>) target(%arg7 : memref<128x128xf32, #tpu.memory_space<vmem>>) target_semaphore(%run_scoped3A : memref<!tpu.dma_semaphore, #tpu.memory_space<semaphore_mem>>)
        %dma_wait3A = arith.constant 0 : i32
        %dma_wait3A_28 = tpu.memref_slice %arg2[%mul3A_24, %dma_wait3A] : memref<81920x128xf32, #tpu.memory_space<hbm>> -> memref<128x128xf32, #tpu.memory_space<hbm>>
        %dma_wait3A_29 = arith.constant 0 : i32
        %dma_wait3A_30 = tpu.memref_slice %arg2[%mul3A_24, %dma_wait3A_29] : memref<81920x128xf32, #tpu.memory_space<hbm>> -> memref<128x128xf32, #tpu.memory_space<hbm>>
        tpu.wait_dma2 semaphore(%run_scoped3A : memref<!tpu.dma_semaphore, #tpu.memory_space<semaphore_mem>>) src(%dma_wait3A_30 : memref<128x128xf32, #tpu.memory_space<hbm>>) dst(%arg7 : memref<128x128xf32, #tpu.memory_space<vmem>>)
        tpu.yield
      }) : () -> ()
      "tpu.region"() ({
        %run_scoped3A = tpu.sem_alloc : memref<!tpu.dma_semaphore, #tpu.memory_space<semaphore_mem>>
        %dma_start3A = arith.constant 0 : i32
        %dma_start3A_25 = tpu.memref_slice %arg6[%scan3A_21, %dma_start3A] : memref<20x128xi32, #tpu.memory_space<vmem>> -> memref<1x128xi32, #tpu.memory_space<vmem>>
        %dma_start3A_26 = tpu.memref_squeeze %dma_start3A_25 : memref<1x128xi32, #tpu.memory_space<vmem>> -> memref<128xi32, #tpu.memory_space<vmem>>
        %dma_start3A_27 = arith.constant 0 : i32
        %dma_start3A_28 = arith.constant 0 : i32
        %dma_start3A_29 = tpu.memref_slice %arg8[%dma_start3A_27, %dma_start3A_28] : memref<10240x128xf32, #tpu.memory_space<vmem_shared>> -> memref<10240x128xf32, #tpu.memory_space<vmem_shared>>
        tpu.enqueue_indirect_dma source(%arg7 : memref<128x128xf32, #tpu.memory_space<vmem>>) target(%dma_start3A_29 : memref<10240x128xf32, #tpu.memory_space<vmem_shared>>) offsets(%dma_start3A_26 : memref<128xi32, #tpu.memory_space<vmem>>) semaphore(%run_scoped3A : memref<!tpu.dma_semaphore, #tpu.memory_space<semaphore_mem>>) {add = true}
        %dma_wait3A = arith.constant 0 : i32
        %dma_wait3A_30 = tpu.memref_slice %arg6[%scan3A_21, %dma_wait3A] : memref<20x128xi32, #tpu.memory_space<vmem>> -> memref<1x128xi32, #tpu.memory_space<vmem>>
        %dma_wait3A_31 = tpu.memref_squeeze %dma_wait3A_30 : memref<1x128xi32, #tpu.memory_space<vmem>> -> memref<128xi32, #tpu.memory_space<vmem>>
        %dma_wait3A_32 = arith.constant 0 : i32
        %dma_wait3A_33 = arith.constant 0 : i32
        %dma_wait3A_34 = tpu.memref_slice %arg8[%dma_wait3A_32, %dma_wait3A_33] : memref<10240x128xf32, #tpu.memory_space<vmem_shared>> -> memref<10240x128xf32, #tpu.memory_space<vmem_shared>>
        tpu.wait_indirect_dma semaphore(%run_scoped3A : memref<!tpu.dma_semaphore, #tpu.memory_space<semaphore_mem>>) src(%arg7 : memref<128x128xf32, #tpu.memory_space<vmem>>) dst(%dma_wait3A_34 : memref<10240x128xf32, #tpu.memory_space<vmem_shared>>)
        tpu.yield
      }) : () -> ()
    }
    %scan3A_15 = arith.constant 20 : i32
    %barrier3A_16 = arith.constant 0 : index
    tpu.barrier barrier_id(%barrier3A_16)
    %mul3A_17 = arith.constant 640 : i32
    %mul3A_18 = arith.muli %arg1, %mul3A_17 : i32
    %mul3A_19 = arith.constant 640 : i32
    %mul3A_20 = arith.muli %arg1, %mul3A_19 : i32
    "tpu.region"() ({
      %run_scoped3A = tpu.sem_alloc : memref<!tpu.dma_semaphore, #tpu.memory_space<semaphore_mem>>
      %dma_start3A = arith.constant 0 : i32
      %dma_start3A_21 = tpu.memref_slice %arg5[%arg0, %mul3A_20, %dma_start3A] : memref<2x10240x128xf32, #tpu.memory_space<hbm>> -> memref<1x640x128xf32, #tpu.memory_space<hbm>>
      %dma_start3A_22 = tpu.memref_squeeze %dma_start3A_21 : memref<1x640x128xf32, #tpu.memory_space<hbm>> -> memref<640x128xf32, #tpu.memory_space<hbm>>
      %dma_start3A_23 = arith.constant 0 : i32
      %dma_start3A_24 = tpu.memref_slice %arg8[%mul3A_18, %dma_start3A_23] : memref<10240x128xf32, #tpu.memory_space<vmem_shared>> -> memref<640x128xf32, #tpu.memory_space<vmem_shared>>
      tpu.enqueue_dma source(%dma_start3A_24 : memref<640x128xf32, #tpu.memory_space<vmem_shared>>) target(%dma_start3A_22 : memref<640x128xf32, #tpu.memory_space<hbm>>) target_semaphore(%run_scoped3A : memref<!tpu.dma_semaphore, #tpu.memory_space<semaphore_mem>>)
      %dma_wait3A = arith.constant 0 : i32
      %dma_wait3A_25 = tpu.memref_slice %arg5[%arg0, %mul3A_20, %dma_wait3A] : memref<2x10240x128xf32, #tpu.memory_space<hbm>> -> memref<1x640x128xf32, #tpu.memory_space<hbm>>
      %dma_wait3A_26 = tpu.memref_squeeze %dma_wait3A_25 : memref<1x640x128xf32, #tpu.memory_space<hbm>> -> memref<640x128xf32, #tpu.memory_space<hbm>>
      %dma_wait3A_27 = arith.constant 0 : i32
      %dma_wait3A_28 = tpu.memref_slice %arg8[%mul3A_18, %dma_wait3A_27] : memref<10240x128xf32, #tpu.memory_space<vmem_shared>> -> memref<640x128xf32, #tpu.memory_space<vmem_shared>>
      tpu.wait_dma2 semaphore(%run_scoped3A : memref<!tpu.dma_semaphore, #tpu.memory_space<semaphore_mem>>) src(%dma_wait3A_28 : memref<640x128xf32, #tpu.memory_space<vmem_shared>>) dst(%dma_wait3A_26 : memref<640x128xf32, #tpu.memory_space<hbm>>)
      tpu.yield
    }) : () -> ()
    return
  }
}

module attributes {stable_mosaic.version = 14 : i64} {
  func.func @_node0_body(%arg0: i32, %arg1: memref<1000x128xf32, #tpu.memory_space<vmem>>, %arg2: memref<128x128xf32, #tpu.memory_space<vmem>>, %arg3: memref<1x128xf32, #tpu.memory_space<vmem>>, %arg4: memref<1000x128xf32, #tpu.memory_space<vmem>>) attributes {dimension_semantics = [#tpu.dimension_semantics<arbitrary>], iteration_bounds = array<i64: 10>, scalar_prefetch = 0 : i64, scratch_operands = 0 : i64, tpu.core_type = #tpu.core_type<tc>, window_params = [{transform_indices = @transform_0, window_bounds = array<i64: 1000, 128>}, {pipeline_mode = #tpu.pipeline_mode<synchronous>, transform_indices = @transform_1, window_bounds = array<i64: 128, 128>}, {pipeline_mode = #tpu.pipeline_mode<synchronous>, transform_indices = @transform_2, window_bounds = array<i64: 1, 128>}, {transform_indices = @transform_3, window_bounds = array<i64: 1000, 128>}]} {
    %get3A = arith.constant 0 : index
    %get3A_0 = arith.constant 0 : index
    %get3A_1 = vector.load %arg1[%get3A, %get3A_0] : memref<1000x128xf32, #tpu.memory_space<vmem>>, vector<1000x128xf32>
    %get3A_2 = arith.constant 0 : index
    %get3A_3 = arith.constant 0 : index
    %get3A_4 = vector.load %arg2[%get3A_2, %get3A_3] : memref<128x128xf32, #tpu.memory_space<vmem>>, vector<128x128xf32>
    %dot_general3A = arith.constant dense<0.000000e+00> : vector<1000x128xf32>
    %dot_general3A_5 = tpu.matmul %get3A_1, %get3A_4, %dot_general3A {dimension_numbers = #tpu.dot_dimension_numbers<[1], [0], [0], [1], [0, 0, 1, 1], [], []>, transpose_lhs_hint = false} : vector<1000x128xf32>, vector<128x128xf32>, vector<1000x128xf32> -> vector<1000x128xf32>
    %get3A_6 = arith.constant 0 : index
    %get3A_7 = arith.constant 0 : index
    %get3A_8 = vector.load %arg3[%get3A_6, %get3A_7] : memref<1x128xf32, #tpu.memory_space<vmem>>, vector<1x128xf32>
    %add3A = vector.broadcast %get3A_8 : vector<1x128xf32> to vector<1000x128xf32>
    %add3A_9 = arith.addf %dot_general3A_5, %add3A : vector<1000x128xf32>
    %max3A = arith.constant 0.000000e+00 : f32
    %max3A_10 = vector.broadcast %max3A : f32 to vector<1000x128xf32>
    %max3A_11 = arith.maximumf %add3A_9, %max3A_10 : vector<1000x128xf32>
    %swap3A = arith.constant 0 : index
    %swap3A_12 = arith.constant 0 : index
    %swap3A_13 = vector.load %arg4[%swap3A, %swap3A_12] : memref<1000x128xf32, #tpu.memory_space<vmem>>, vector<1000x128xf32>
    tpu.vector_store %arg4[%swap3A, %swap3A_12], %max3A_11 {strides = array<i32>} : memref<1000x128xf32, #tpu.memory_space<vmem>>, vector<1000x128xf32>,
    return
  }
  func.func @transform_0(%arg0: i32) -> (i32, i32) {
    %c0_i32 = arith.constant 0 : i32
    %c0_i32_0 = arith.constant 0 : i32
    return %arg0, %c0_i32 : i32, i32
  }
  func.func @transform_1(%arg0: i32) -> (i32, i32) {
    %c0_i32 = arith.constant 0 : i32
    %c0_i32_0 = arith.constant 0 : i32
    %c0_i32_1 = arith.constant 0 : i32
    return %c0_i32, %c0_i32_0 : i32, i32
  }
  func.func @transform_2(%arg0: i32) -> (i32, i32) {
    %c0_i32 = arith.constant 0 : i32
    %c0_i32_0 = arith.constant 0 : i32
    %c0_i32_1 = arith.constant 0 : i32
    return %c0_i32, %c0_i32_0 : i32, i32
  }
  func.func @transform_3(%arg0: i32) -> (i32, i32) {
    %c0_i32 = arith.constant 0 : i32
    %c0_i32_0 = arith.constant 0 : i32
    return %arg0, %c0_i32 : i32, i32
  }
}

module attributes {stable_mosaic.version = 14 : i64} {
  func.func @_hid_body(%arg0: i32, %arg1: memref<6400x85xf32, #tpu.memory_space<vmem>>, %arg2: memref<85x64xf32, #tpu.memory_space<vmem>>, %arg3: memref<1x64xf32, #tpu.memory_space<vmem>>, %arg4: memref<6400x64xf32, #tpu.memory_space<vmem>>) attributes {dimension_semantics = [#tpu.dimension_semantics<arbitrary>], iteration_bounds = array<i64: 25>, scalar_prefetch = 0 : i64, scratch_operands = 0 : i64, tpu.core_type = #tpu.core_type<tc>, window_params = [{transform_indices = @transform_0, window_bounds = array<i64: 6400, 85>}, {pipeline_mode = #tpu.pipeline_mode<synchronous>, transform_indices = @transform_1, window_bounds = array<i64: 85, 64>}, {pipeline_mode = #tpu.pipeline_mode<synchronous>, transform_indices = @transform_2, window_bounds = array<i64: 1, 64>}, {transform_indices = @transform_3, window_bounds = array<i64: 6400, 64>}]} {
    %get3A = arith.constant 0 : index
    %get3A_0 = arith.constant 0 : index
    %get3A_1 = vector.load %arg1[%get3A, %get3A_0] : memref<6400x85xf32, #tpu.memory_space<vmem>>, vector<6400x85xf32>
    %get3A_2 = arith.constant 0 : index
    %get3A_3 = arith.constant 0 : index
    %get3A_4 = vector.load %arg2[%get3A_2, %get3A_3] : memref<85x64xf32, #tpu.memory_space<vmem>>, vector<85x64xf32>
    %dot_general3A = arith.constant dense<0.000000e+00> : vector<6400x64xf32>
    %dot_general3A_5 = tpu.matmul %get3A_1, %get3A_4, %dot_general3A {dimension_numbers = #tpu.dot_dimension_numbers<[1], [0], [0], [1], [0, 0, 1, 1], [], []>, transpose_lhs_hint = false} : vector<6400x85xf32>, vector<85x64xf32>, vector<6400x64xf32> -> vector<6400x64xf32>
    %get3A_6 = arith.constant 0 : index
    %get3A_7 = arith.constant 0 : index
    %get3A_8 = vector.load %arg3[%get3A_6, %get3A_7] : memref<1x64xf32, #tpu.memory_space<vmem>>, vector<1x64xf32>
    %add3A = vector.broadcast %get3A_8 : vector<1x64xf32> to vector<6400x64xf32>
    %add3A_9 = arith.addf %dot_general3A_5, %add3A : vector<6400x64xf32>
    %max3A = arith.constant 0.000000e+00 : f32
    %max3A_10 = vector.broadcast %max3A : f32 to vector<6400x64xf32>
    %max3A_11 = arith.maximumf %add3A_9, %max3A_10 : vector<6400x64xf32>
    %swap3A = arith.constant 0 : index
    %swap3A_12 = arith.constant 0 : index
    %swap3A_13 = vector.load %arg4[%swap3A, %swap3A_12] : memref<6400x64xf32, #tpu.memory_space<vmem>>, vector<6400x64xf32>
    tpu.vector_store %arg4[%swap3A, %swap3A_12], %max3A_11 {strides = array<i32>} : memref<6400x64xf32, #tpu.memory_space<vmem>>, vector<6400x64xf32>,
    return
  }
  func.func @transform_0(%arg0: i32) -> (i32, i32) {
    %c0_i32 = arith.constant 0 : i32
    %c0_i32_0 = arith.constant 0 : i32
    return %arg0, %c0_i32 : i32, i32
  }
  func.func @transform_1(%arg0: i32) -> (i32, i32) {
    %c0_i32 = arith.constant 0 : i32
    %c0_i32_0 = arith.constant 0 : i32
    %c0_i32_1 = arith.constant 0 : i32
    return %c0_i32, %c0_i32_0 : i32, i32
  }
  func.func @transform_2(%arg0: i32) -> (i32, i32) {
    %c0_i32 = arith.constant 0 : i32
    %c0_i32_0 = arith.constant 0 : i32
    %c0_i32_1 = arith.constant 0 : i32
    return %c0_i32, %c0_i32_0 : i32, i32
  }
  func.func @transform_3(%arg0: i32) -> (i32, i32) {
    %c0_i32 = arith.constant 0 : i32
    %c0_i32_0 = arith.constant 0 : i32
    return %arg0, %c0_i32 : i32, i32
  }
}

module attributes {stable_mosaic.version = 14 : i64} {
  func.func @_msg_body(%arg0: i32, %arg1: memref<1024x64xf32, #tpu.memory_space<vmem>>, %arg2: memref<1024x128xf32, #tpu.memory_space<vmem>>, %arg3: memref<4096x64xbf16, #tpu.memory_space<vmem>>, %arg4: memref<128x128xf32, #tpu.memory_space<vmem>>, %arg5: memref<1024x128xf32, #tpu.memory_space<vmem>>) attributes {dimension_semantics = [#tpu.dimension_semantics<arbitrary>], iteration_bounds = array<i64: 80>, scalar_prefetch = 0 : i64, scratch_operands = 0 : i64, tpu.core_type = #tpu.core_type<tc>, window_params = [{transform_indices = @transform_0, window_bounds = array<i64: 1024, 64>}, {transform_indices = @transform_1, window_bounds = array<i64: 1024, 128>}, {pipeline_mode = #tpu.pipeline_mode<synchronous>, transform_indices = @transform_2, window_bounds = array<i64: 4096, 64>}, {pipeline_mode = #tpu.pipeline_mode<synchronous>, transform_indices = @transform_3, window_bounds = array<i64: 128, 128>}, {transform_indices = @transform_4, window_bounds = array<i64: 1024, 128>}]} {
    %get3A = arith.constant 0 : index
    %get3A_0 = arith.constant 0 : index
    %get3A_1 = vector.load %arg1[%get3A, %get3A_0] : memref<1024x64xf32, #tpu.memory_space<vmem>>, vector<1024x64xf32>
    %transpose3A = tpu.transpose %get3A_1, [1, 0] : vector<1024x64xf32> -> vector<64x1024xf32>
    %convert_element_type3A = arith.truncf %transpose3A : vector<64x1024xf32> to vector<64x1024xbf16>
    %get3A_2 = arith.constant 0 : index
    %get3A_3 = arith.constant 0 : index
    %get3A_4 = vector.load %arg3[%get3A_2, %get3A_3] : memref<4096x64xbf16, #tpu.memory_space<vmem>>, vector<4096x64xbf16>
    %dot_general3A = arith.constant dense<0.000000e+00> : vector<4096x1024xf32>
    %dot_general3A_5 = tpu.matmul %get3A_4, %convert_element_type3A, %dot_general3A {dimension_numbers = #tpu.dot_dimension_numbers<[1], [0], [0], [1], [0, 0, 1, 1], [], []>, transpose_lhs_hint = false} : vector<4096x64xbf16>, vector<64x1024xbf16>, vector<4096x1024xf32> -> vector<4096x1024xf32>
    %get3A_6 = arith.constant 0 : index
    %get3A_7 = arith.constant 0 : index
    %get3A_8 = vector.load %arg2[%get3A_6, %get3A_7] : memref<1024x128xf32, #tpu.memory_space<vmem>>, vector<1024x128xf32>
    %transpose3A_9 = tpu.transpose %get3A_8, [1, 0] : vector<1024x128xf32> -> vector<128x1024xf32>
    %slice3A = vector.extract_strided_slice %transpose3A_9 {offsets = [0, 0], sizes = [1, 1024], strides = [1, 1]} : vector<128x1024xf32> to vector<1x1024xf32>
    %slice3A_10 = vector.extract_strided_slice %dot_general3A_5 {offsets = [0, 0], sizes = [64, 1024], strides = [1, 1]} : vector<4096x1024xf32> to vector<64x1024xf32>
    %mul3A = vector.broadcast %slice3A : vector<1x1024xf32> to vector<64x1024xf32>
    %mul3A_11 = arith.mulf %mul3A, %slice3A_10 : vector<64x1024xf32>
    %slice3A_12 = vector.extract_strided_slice %transpose3A_9 {offsets = [1, 0], sizes = [1, 1024], strides = [1, 1]} : vector<128x1024xf32> to vector<1x1024xf32>
    %slice3A_13 = vector.extract_strided_slice %dot_general3A_5 {offsets = [64, 0], sizes = [64, 1024], strides = [1, 1]} : vector<4096x1024xf32> to vector<64x1024xf32>
    %mul3A_14 = vector.broadcast %slice3A_12 : vector<1x1024xf32> to vector<64x1024xf32>
    %mul3A_15 = arith.mulf %mul3A_14, %slice3A_13 : vector<64x1024xf32>
    %add3A = arith.addf %mul3A_11, %mul3A_15 : vector<64x1024xf32>
    %slice3A_16 = vector.extract_strided_slice %transpose3A_9 {offsets = [2, 0], sizes = [1, 1024], strides = [1, 1]} : vector<128x1024xf32> to vector<1x1024xf32>
    %slice3A_17 = vector.extract_strided_slice %dot_general3A_5 {offsets = [128, 0], sizes = [64, 1024], strides = [1, 1]} : vector<4096x1024xf32> to vector<64x1024xf32>
    %mul3A_18 = vector.broadcast %slice3A_16 : vector<1x1024xf32> to vector<64x1024xf32>
    %mul3A_19 = arith.mulf %mul3A_18, %slice3A_17 : vector<64x1024xf32>
    %add3A_20 = arith.addf %add3A, %mul3A_19 : vector<64x1024xf32>
    %slice3A_21 = vector.extract_strided_slice %transpose3A_9 {offsets = [3, 0], sizes = [1, 1024], strides = [1, 1]} : vector<128x1024xf32> to vector<1x1024xf32>
    %slice3A_22 = vector.extract_strided_slice %dot_general3A_5 {offsets = [192, 0], sizes = [64, 1024], strides = [1, 1]} : vector<4096x1024xf32> to vector<64x1024xf32>
    %mul3A_23 = vector.broadcast %slice3A_21 : vector<1x1024xf32> to vector<64x1024xf32>
    %mul3A_24 = arith.mulf %mul3A_23, %slice3A_22 : vector<64x1024xf32>
    %add3A_25 = arith.addf %add3A_20, %mul3A_24 : vector<64x1024xf32>
    %slice3A_26 = vector.extract_strided_slice %transpose3A_9 {offsets = [4, 0], sizes = [1, 1024], strides = [1, 1]} : vector<128x1024xf32> to vector<1x1024xf32>
    %slice3A_27 = vector.extract_strided_slice %dot_general3A_5 {offsets = [256, 0], sizes = [64, 1024], strides = [1, 1]} : vector<4096x1024xf32> to vector<64x1024xf32>
    %mul3A_28 = vector.broadcast %slice3A_26 : vector<1x1024xf32> to vector<64x1024xf32>
    %mul3A_29 = arith.mulf %mul3A_28, %slice3A_27 : vector<64x1024xf32>
    %add3A_30 = arith.addf %add3A_25, %mul3A_29 : vector<64x1024xf32>
    %slice3A_31 = vector.extract_strided_slice %transpose3A_9 {offsets = [5, 0], sizes = [1, 1024], strides = [1, 1]} : vector<128x1024xf32> to vector<1x1024xf32>
    %slice3A_32 = vector.extract_strided_slice %dot_general3A_5 {offsets = [320, 0], sizes = [64, 1024], strides = [1, 1]} : vector<4096x1024xf32> to vector<64x1024xf32>
    %mul3A_33 = vector.broadcast %slice3A_31 : vector<1x1024xf32> to vector<64x1024xf32>
    %mul3A_34 = arith.mulf %mul3A_33, %slice3A_32 : vector<64x1024xf32>
    %add3A_35 = arith.addf %add3A_30, %mul3A_34 : vector<64x1024xf32>
    %slice3A_36 = vector.extract_strided_slice %transpose3A_9 {offsets = [6, 0], sizes = [1, 1024], strides = [1, 1]} : vector<128x1024xf32> to vector<1x1024xf32>
    %slice3A_37 = vector.extract_strided_slice %dot_general3A_5 {offsets = [384, 0], sizes = [64, 1024], strides = [1, 1]} : vector<4096x1024xf32> to vector<64x1024xf32>
    %mul3A_38 = vector.broadcast %slice3A_36 : vector<1x1024xf32> to vector<64x1024xf32>
    %mul3A_39 = arith.mulf %mul3A_38, %slice3A_37 : vector<64x1024xf32>
    %add3A_40 = arith.addf %add3A_35, %mul3A_39 : vector<64x1024xf32>
    %slice3A_41 = vector.extract_strided_slice %transpose3A_9 {offsets = [7, 0], sizes = [1, 1024], strides = [1, 1]} : vector<128x1024xf32> to vector<1x1024xf32>
    %slice3A_42 = vector.extract_strided_slice %dot_general3A_5 {offsets = [448, 0], sizes = [64, 1024], strides = [1, 1]} : vector<4096x1024xf32> to vector<64x1024xf32>
    %mul3A_43 = vector.broadcast %slice3A_41 : vector<1x1024xf32> to vector<64x1024xf32>
    %mul3A_44 = arith.mulf %mul3A_43, %slice3A_42 : vector<64x1024xf32>
    %add3A_45 = arith.addf %add3A_40, %mul3A_44 : vector<64x1024xf32>
    %slice3A_46 = vector.extract_strided_slice %transpose3A_9 {offsets = [8, 0], sizes = [1, 1024], strides = [1, 1]} : vector<128x1024xf32> to vector<1x1024xf32>
    %slice3A_47 = vector.extract_strided_slice %dot_general3A_5 {offsets = [512, 0], sizes = [64, 1024], strides = [1, 1]} : vector<4096x1024xf32> to vector<64x1024xf32>
    %mul3A_48 = vector.broadcast %slice3A_46 : vector<1x1024xf32> to vector<64x1024xf32>
    %mul3A_49 = arith.mulf %mul3A_48, %slice3A_47 : vector<64x1024xf32>
    %add3A_50 = arith.addf %add3A_45, %mul3A_49 : vector<64x1024xf32>
    %slice3A_51 = vector.extract_strided_slice %transpose3A_9 {offsets = [9, 0], sizes = [1, 1024], strides = [1, 1]} : vector<128x1024xf32> to vector<1x1024xf32>
    %slice3A_52 = vector.extract_strided_slice %dot_general3A_5 {offsets = [576, 0], sizes = [64, 1024], strides = [1, 1]} : vector<4096x1024xf32> to vector<64x1024xf32>
    %mul3A_53 = vector.broadcast %slice3A_51 : vector<1x1024xf32> to vector<64x1024xf32>
    %mul3A_54 = arith.mulf %mul3A_53, %slice3A_52 : vector<64x1024xf32>
    %add3A_55 = arith.addf %add3A_50, %mul3A_54 : vector<64x1024xf32>
    %slice3A_56 = vector.extract_strided_slice %transpose3A_9 {offsets = [10, 0], sizes = [1, 1024], strides = [1, 1]} : vector<128x1024xf32> to vector<1x1024xf32>
    %slice3A_57 = vector.extract_strided_slice %dot_general3A_5 {offsets = [640, 0], sizes = [64, 1024], strides = [1, 1]} : vector<4096x1024xf32> to vector<64x1024xf32>
    %mul3A_58 = vector.broadcast %slice3A_56 : vector<1x1024xf32> to vector<64x1024xf32>
    %mul3A_59 = arith.mulf %mul3A_58, %slice3A_57 : vector<64x1024xf32>
    %add3A_60 = arith.addf %add3A_55, %mul3A_59 : vector<64x1024xf32>
    %slice3A_61 = vector.extract_strided_slice %transpose3A_9 {offsets = [11, 0], sizes = [1, 1024], strides = [1, 1]} : vector<128x1024xf32> to vector<1x1024xf32>
    %slice3A_62 = vector.extract_strided_slice %dot_general3A_5 {offsets = [704, 0], sizes = [64, 1024], strides = [1, 1]} : vector<4096x1024xf32> to vector<64x1024xf32>
    %mul3A_63 = vector.broadcast %slice3A_61 : vector<1x1024xf32> to vector<64x1024xf32>
    %mul3A_64 = arith.mulf %mul3A_63, %slice3A_62 : vector<64x1024xf32>
    %add3A_65 = arith.addf %add3A_60, %mul3A_64 : vector<64x1024xf32>
    %slice3A_66 = vector.extract_strided_slice %transpose3A_9 {offsets = [12, 0], sizes = [1, 1024], strides = [1, 1]} : vector<128x1024xf32> to vector<1x1024xf32>
    %slice3A_67 = vector.extract_strided_slice %dot_general3A_5 {offsets = [768, 0], sizes = [64, 1024], strides = [1, 1]} : vector<4096x1024xf32> to vector<64x1024xf32>
    %mul3A_68 = vector.broadcast %slice3A_66 : vector<1x1024xf32> to vector<64x1024xf32>
    %mul3A_69 = arith.mulf %mul3A_68, %slice3A_67 : vector<64x1024xf32>
    %add3A_70 = arith.addf %add3A_65, %mul3A_69 : vector<64x1024xf32>
    %slice3A_71 = vector.extract_strided_slice %transpose3A_9 {offsets = [13, 0], sizes = [1, 1024], strides = [1, 1]} : vector<128x1024xf32> to vector<1x1024xf32>
    %slice3A_72 = vector.extract_strided_slice %dot_general3A_5 {offsets = [832, 0], sizes = [64, 1024], strides = [1, 1]} : vector<4096x1024xf32> to vector<64x1024xf32>
    %mul3A_73 = vector.broadcast %slice3A_71 : vector<1x1024xf32> to vector<64x1024xf32>
    %mul3A_74 = arith.mulf %mul3A_73, %slice3A_72 : vector<64x1024xf32>
    %add3A_75 = arith.addf %add3A_70, %mul3A_74 : vector<64x1024xf32>
    %slice3A_76 = vector.extract_strided_slice %transpose3A_9 {offsets = [14, 0], sizes = [1, 1024], strides = [1, 1]} : vector<128x1024xf32> to vector<1x1024xf32>
    %slice3A_77 = vector.extract_strided_slice %dot_general3A_5 {offsets = [896, 0], sizes = [64, 1024], strides = [1, 1]} : vector<4096x1024xf32> to vector<64x1024xf32>
    %mul3A_78 = vector.broadcast %slice3A_76 : vector<1x1024xf32> to vector<64x1024xf32>
    %mul3A_79 = arith.mulf %mul3A_78, %slice3A_77 : vector<64x1024xf32>
    %add3A_80 = arith.addf %add3A_75, %mul3A_79 : vector<64x1024xf32>
    %slice3A_81 = vector.extract_strided_slice %transpose3A_9 {offsets = [15, 0], sizes = [1, 1024], strides = [1, 1]} : vector<128x1024xf32> to vector<1x1024xf32>
    %slice3A_82 = vector.extract_strided_slice %dot_general3A_5 {offsets = [960, 0], sizes = [64, 1024], strides = [1, 1]} : vector<4096x1024xf32> to vector<64x1024xf32>
    %mul3A_83 = vector.broadcast %slice3A_81 : vector<1x1024xf32> to vector<64x1024xf32>
    %mul3A_84 = arith.mulf %mul3A_83, %slice3A_82 : vector<64x1024xf32>
    %add3A_85 = arith.addf %add3A_80, %mul3A_84 : vector<64x1024xf32>
    %slice3A_86 = vector.extract_strided_slice %transpose3A_9 {offsets = [16, 0], sizes = [1, 1024], strides = [1, 1]} : vector<128x1024xf32> to vector<1x1024xf32>
    %slice3A_87 = vector.extract_strided_slice %dot_general3A_5 {offsets = [1024, 0], sizes = [64, 1024], strides = [1, 1]} : vector<4096x1024xf32> to vector<64x1024xf32>
    %mul3A_88 = vector.broadcast %slice3A_86 : vector<1x1024xf32> to vector<64x1024xf32>
    %mul3A_89 = arith.mulf %mul3A_88, %slice3A_87 : vector<64x1024xf32>
    %add3A_90 = arith.addf %add3A_85, %mul3A_89 : vector<64x1024xf32>
    %slice3A_91 = vector.extract_strided_slice %transpose3A_9 {offsets = [17, 0], sizes = [1, 1024], strides = [1, 1]} : vector<128x1024xf32> to vector<1x1024xf32>
    %slice3A_92 = vector.extract_strided_slice %dot_general3A_5 {offsets = [1088, 0], sizes = [64, 1024], strides = [1, 1]} : vector<4096x1024xf32> to vector<64x1024xf32>
    %mul3A_93 = vector.broadcast %slice3A_91 : vector<1x1024xf32> to vector<64x1024xf32>
    %mul3A_94 = arith.mulf %mul3A_93, %slice3A_92 : vector<64x1024xf32>
    %add3A_95 = arith.addf %add3A_90, %mul3A_94 : vector<64x1024xf32>
    %slice3A_96 = vector.extract_strided_slice %transpose3A_9 {offsets = [18, 0], sizes = [1, 1024], strides = [1, 1]} : vector<128x1024xf32> to vector<1x1024xf32>
    %slice3A_97 = vector.extract_strided_slice %dot_general3A_5 {offsets = [1152, 0], sizes = [64, 1024], strides = [1, 1]} : vector<4096x1024xf32> to vector<64x1024xf32>
    %mul3A_98 = vector.broadcast %slice3A_96 : vector<1x1024xf32> to vector<64x1024xf32>
    %mul3A_99 = arith.mulf %mul3A_98, %slice3A_97 : vector<64x1024xf32>
    %add3A_100 = arith.addf %add3A_95, %mul3A_99 : vector<64x1024xf32>
    %slice3A_101 = vector.extract_strided_slice %transpose3A_9 {offsets = [19, 0], sizes = [1, 1024], strides = [1, 1]} : vector<128x1024xf32> to vector<1x1024xf32>
    %slice3A_102 = vector.extract_strided_slice %dot_general3A_5 {offsets = [1216, 0], sizes = [64, 1024], strides = [1, 1]} : vector<4096x1024xf32> to vector<64x1024xf32>
    %mul3A_103 = vector.broadcast %slice3A_101 : vector<1x1024xf32> to vector<64x1024xf32>
    %mul3A_104 = arith.mulf %mul3A_103, %slice3A_102 : vector<64x1024xf32>
    %add3A_105 = arith.addf %add3A_100, %mul3A_104 : vector<64x1024xf32>
    %slice3A_106 = vector.extract_strided_slice %transpose3A_9 {offsets = [20, 0], sizes = [1, 1024], strides = [1, 1]} : vector<128x1024xf32> to vector<1x1024xf32>
    %slice3A_107 = vector.extract_strided_slice %dot_general3A_5 {offsets = [1280, 0], sizes = [64, 1024], strides = [1, 1]} : vector<4096x1024xf32> to vector<64x1024xf32>
    %mul3A_108 = vector.broadcast %slice3A_106 : vector<1x1024xf32> to vector<64x1024xf32>
    %mul3A_109 = arith.mulf %mul3A_108, %slice3A_107 : vector<64x1024xf32>
    %add3A_110 = arith.addf %add3A_105, %mul3A_109 : vector<64x1024xf32>
    %slice3A_111 = vector.extract_strided_slice %transpose3A_9 {offsets = [21, 0], sizes = [1, 1024], strides = [1, 1]} : vector<128x1024xf32> to vector<1x1024xf32>
    %slice3A_112 = vector.extract_strided_slice %dot_general3A_5 {offsets = [1344, 0], sizes = [64, 1024], strides = [1, 1]} : vector<4096x1024xf32> to vector<64x1024xf32>
    %mul3A_113 = vector.broadcast %slice3A_111 : vector<1x1024xf32> to vector<64x1024xf32>
    %mul3A_114 = arith.mulf %mul3A_113, %slice3A_112 : vector<64x1024xf32>
    %add3A_115 = arith.addf %add3A_110, %mul3A_114 : vector<64x1024xf32>
    %slice3A_116 = vector.extract_strided_slice %transpose3A_9 {offsets = [22, 0], sizes = [1, 1024], strides = [1, 1]} : vector<128x1024xf32> to vector<1x1024xf32>
    %slice3A_117 = vector.extract_strided_slice %dot_general3A_5 {offsets = [1408, 0], sizes = [64, 1024], strides = [1, 1]} : vector<4096x1024xf32> to vector<64x1024xf32>
    %mul3A_118 = vector.broadcast %slice3A_116 : vector<1x1024xf32> to vector<64x1024xf32>
    %mul3A_119 = arith.mulf %mul3A_118, %slice3A_117 : vector<64x1024xf32>
    %add3A_120 = arith.addf %add3A_115, %mul3A_119 : vector<64x1024xf32>
    %slice3A_121 = vector.extract_strided_slice %transpose3A_9 {offsets = [23, 0], sizes = [1, 1024], strides = [1, 1]} : vector<128x1024xf32> to vector<1x1024xf32>
    %slice3A_122 = vector.extract_strided_slice %dot_general3A_5 {offsets = [1472, 0], sizes = [64, 1024], strides = [1, 1]} : vector<4096x1024xf32> to vector<64x1024xf32>
    %mul3A_123 = vector.broadcast %slice3A_121 : vector<1x1024xf32> to vector<64x1024xf32>
    %mul3A_124 = arith.mulf %mul3A_123, %slice3A_122 : vector<64x1024xf32>
    %add3A_125 = arith.addf %add3A_120, %mul3A_124 : vector<64x1024xf32>
    %slice3A_126 = vector.extract_strided_slice %transpose3A_9 {offsets = [24, 0], sizes = [1, 1024], strides = [1, 1]} : vector<128x1024xf32> to vector<1x1024xf32>
    %slice3A_127 = vector.extract_strided_slice %dot_general3A_5 {offsets = [1536, 0], sizes = [64, 1024], strides = [1, 1]} : vector<4096x1024xf32> to vector<64x1024xf32>
    %mul3A_128 = vector.broadcast %slice3A_126 : vector<1x1024xf32> to vector<64x1024xf32>
    %mul3A_129 = arith.mulf %mul3A_128, %slice3A_127 : vector<64x1024xf32>
    %add3A_130 = arith.addf %add3A_125, %mul3A_129 : vector<64x1024xf32>
    %slice3A_131 = vector.extract_strided_slice %transpose3A_9 {offsets = [25, 0], sizes = [1, 1024], strides = [1, 1]} : vector<128x1024xf32> to vector<1x1024xf32>
    %slice3A_132 = vector.extract_strided_slice %dot_general3A_5 {offsets = [1600, 0], sizes = [64, 1024], strides = [1, 1]} : vector<4096x1024xf32> to vector<64x1024xf32>
    %mul3A_133 = vector.broadcast %slice3A_131 : vector<1x1024xf32> to vector<64x1024xf32>
    %mul3A_134 = arith.mulf %mul3A_133, %slice3A_132 : vector<64x1024xf32>
    %add3A_135 = arith.addf %add3A_130, %mul3A_134 : vector<64x1024xf32>
    %slice3A_136 = vector.extract_strided_slice %transpose3A_9 {offsets = [26, 0], sizes = [1, 1024], strides = [1, 1]} : vector<128x1024xf32> to vector<1x1024xf32>
    %slice3A_137 = vector.extract_strided_slice %dot_general3A_5 {offsets = [1664, 0], sizes = [64, 1024], strides = [1, 1]} : vector<4096x1024xf32> to vector<64x1024xf32>
    %mul3A_138 = vector.broadcast %slice3A_136 : vector<1x1024xf32> to vector<64x1024xf32>
    %mul3A_139 = arith.mulf %mul3A_138, %slice3A_137 : vector<64x1024xf32>
    %add3A_140 = arith.addf %add3A_135, %mul3A_139 : vector<64x1024xf32>
    %slice3A_141 = vector.extract_strided_slice %transpose3A_9 {offsets = [27, 0], sizes = [1, 1024], strides = [1, 1]} : vector<128x1024xf32> to vector<1x1024xf32>
    %slice3A_142 = vector.extract_strided_slice %dot_general3A_5 {offsets = [1728, 0], sizes = [64, 1024], strides = [1, 1]} : vector<4096x1024xf32> to vector<64x1024xf32>
    %mul3A_143 = vector.broadcast %slice3A_141 : vector<1x1024xf32> to vector<64x1024xf32>
    %mul3A_144 = arith.mulf %mul3A_143, %slice3A_142 : vector<64x1024xf32>
    %add3A_145 = arith.addf %add3A_140, %mul3A_144 : vector<64x1024xf32>
    %slice3A_146 = vector.extract_strided_slice %transpose3A_9 {offsets = [28, 0], sizes = [1, 1024], strides = [1, 1]} : vector<128x1024xf32> to vector<1x1024xf32>
    %slice3A_147 = vector.extract_strided_slice %dot_general3A_5 {offsets = [1792, 0], sizes = [64, 1024], strides = [1, 1]} : vector<4096x1024xf32> to vector<64x1024xf32>
    %mul3A_148 = vector.broadcast %slice3A_146 : vector<1x1024xf32> to vector<64x1024xf32>
    %mul3A_149 = arith.mulf %mul3A_148, %slice3A_147 : vector<64x1024xf32>
    %add3A_150 = arith.addf %add3A_145, %mul3A_149 : vector<64x1024xf32>
    %slice3A_151 = vector.extract_strided_slice %transpose3A_9 {offsets = [29, 0], sizes = [1, 1024], strides = [1, 1]} : vector<128x1024xf32> to vector<1x1024xf32>
    %slice3A_152 = vector.extract_strided_slice %dot_general3A_5 {offsets = [1856, 0], sizes = [64, 1024], strides = [1, 1]} : vector<4096x1024xf32> to vector<64x1024xf32>
    %mul3A_153 = vector.broadcast %slice3A_151 : vector<1x1024xf32> to vector<64x1024xf32>
    %mul3A_154 = arith.mulf %mul3A_153, %slice3A_152 : vector<64x1024xf32>
    %add3A_155 = arith.addf %add3A_150, %mul3A_154 : vector<64x1024xf32>
    %slice3A_156 = vector.extract_strided_slice %transpose3A_9 {offsets = [30, 0], sizes = [1, 1024], strides = [1, 1]} : vector<128x1024xf32> to vector<1x1024xf32>
    %slice3A_157 = vector.extract_strided_slice %dot_general3A_5 {offsets = [1920, 0], sizes = [64, 1024], strides = [1, 1]} : vector<4096x1024xf32> to vector<64x1024xf32>
    %mul3A_158 = vector.broadcast %slice3A_156 : vector<1x1024xf32> to vector<64x1024xf32>
    %mul3A_159 = arith.mulf %mul3A_158, %slice3A_157 : vector<64x1024xf32>
    %add3A_160 = arith.addf %add3A_155, %mul3A_159 : vector<64x1024xf32>
    %slice3A_161 = vector.extract_strided_slice %transpose3A_9 {offsets = [31, 0], sizes = [1, 1024], strides = [1, 1]} : vector<128x1024xf32> to vector<1x1024xf32>
    %slice3A_162 = vector.extract_strided_slice %dot_general3A_5 {offsets = [1984, 0], sizes = [64, 1024], strides = [1, 1]} : vector<4096x1024xf32> to vector<64x1024xf32>
    %mul3A_163 = vector.broadcast %slice3A_161 : vector<1x1024xf32> to vector<64x1024xf32>
    %mul3A_164 = arith.mulf %mul3A_163, %slice3A_162 : vector<64x1024xf32>
    %add3A_165 = arith.addf %add3A_160, %mul3A_164 : vector<64x1024xf32>
    %slice3A_166 = vector.extract_strided_slice %transpose3A_9 {offsets = [32, 0], sizes = [1, 1024], strides = [1, 1]} : vector<128x1024xf32> to vector<1x1024xf32>
    %slice3A_167 = vector.extract_strided_slice %dot_general3A_5 {offsets = [2048, 0], sizes = [64, 1024], strides = [1, 1]} : vector<4096x1024xf32> to vector<64x1024xf32>
    %mul3A_168 = vector.broadcast %slice3A_166 : vector<1x1024xf32> to vector<64x1024xf32>
    %mul3A_169 = arith.mulf %mul3A_168, %slice3A_167 : vector<64x1024xf32>
    %add3A_170 = arith.addf %add3A_165, %mul3A_169 : vector<64x1024xf32>
    %slice3A_171 = vector.extract_strided_slice %transpose3A_9 {offsets = [33, 0], sizes = [1, 1024], strides = [1, 1]} : vector<128x1024xf32> to vector<1x1024xf32>
    %slice3A_172 = vector.extract_strided_slice %dot_general3A_5 {offsets = [2112, 0], sizes = [64, 1024], strides = [1, 1]} : vector<4096x1024xf32> to vector<64x1024xf32>
    %mul3A_173 = vector.broadcast %slice3A_171 : vector<1x1024xf32> to vector<64x1024xf32>
    %mul3A_174 = arith.mulf %mul3A_173, %slice3A_172 : vector<64x1024xf32>
    %add3A_175 = arith.addf %add3A_170, %mul3A_174 : vector<64x1024xf32>
    %slice3A_176 = vector.extract_strided_slice %transpose3A_9 {offsets = [34, 0], sizes = [1, 1024], strides = [1, 1]} : vector<128x1024xf32> to vector<1x1024xf32>
    %slice3A_177 = vector.extract_strided_slice %dot_general3A_5 {offsets = [2176, 0], sizes = [64, 1024], strides = [1, 1]} : vector<4096x1024xf32> to vector<64x1024xf32>
    %mul3A_178 = vector.broadcast %slice3A_176 : vector<1x1024xf32> to vector<64x1024xf32>
    %mul3A_179 = arith.mulf %mul3A_178, %slice3A_177 : vector<64x1024xf32>
    %add3A_180 = arith.addf %add3A_175, %mul3A_179 : vector<64x1024xf32>
    %slice3A_181 = vector.extract_strided_slice %transpose3A_9 {offsets = [35, 0], sizes = [1, 1024], strides = [1, 1]} : vector<128x1024xf32> to vector<1x1024xf32>
    %slice3A_182 = vector.extract_strided_slice %dot_general3A_5 {offsets = [2240, 0], sizes = [64, 1024], strides = [1, 1]} : vector<4096x1024xf32> to vector<64x1024xf32>
    %mul3A_183 = vector.broadcast %slice3A_181 : vector<1x1024xf32> to vector<64x1024xf32>
    %mul3A_184 = arith.mulf %mul3A_183, %slice3A_182 : vector<64x1024xf32>
    %add3A_185 = arith.addf %add3A_180, %mul3A_184 : vector<64x1024xf32>
    %slice3A_186 = vector.extract_strided_slice %transpose3A_9 {offsets = [36, 0], sizes = [1, 1024], strides = [1, 1]} : vector<128x1024xf32> to vector<1x1024xf32>
    %slice3A_187 = vector.extract_strided_slice %dot_general3A_5 {offsets = [2304, 0], sizes = [64, 1024], strides = [1, 1]} : vector<4096x1024xf32> to vector<64x1024xf32>
    %mul3A_188 = vector.broadcast %slice3A_186 : vector<1x1024xf32> to vector<64x1024xf32>
    %mul3A_189 = arith.mulf %mul3A_188, %slice3A_187 : vector<64x1024xf32>
    %add3A_190 = arith.addf %add3A_185, %mul3A_189 : vector<64x1024xf32>
    %slice3A_191 = vector.extract_strided_slice %transpose3A_9 {offsets = [37, 0], sizes = [1, 1024], strides = [1, 1]} : vector<128x1024xf32> to vector<1x1024xf32>
    %slice3A_192 = vector.extract_strided_slice %dot_general3A_5 {offsets = [2368, 0], sizes = [64, 1024], strides = [1, 1]} : vector<4096x1024xf32> to vector<64x1024xf32>
    %mul3A_193 = vector.broadcast %slice3A_191 : vector<1x1024xf32> to vector<64x1024xf32>
    %mul3A_194 = arith.mulf %mul3A_193, %slice3A_192 : vector<64x1024xf32>
    %add3A_195 = arith.addf %add3A_190, %mul3A_194 : vector<64x1024xf32>
    %slice3A_196 = vector.extract_strided_slice %transpose3A_9 {offsets = [38, 0], sizes = [1, 1024], strides = [1, 1]} : vector<128x1024xf32> to vector<1x1024xf32>
    %slice3A_197 = vector.extract_strided_slice %dot_general3A_5 {offsets = [2432, 0], sizes = [64, 1024], strides = [1, 1]} : vector<4096x1024xf32> to vector<64x1024xf32>
    %mul3A_198 = vector.broadcast %slice3A_196 : vector<1x1024xf32> to vector<64x1024xf32>
    %mul3A_199 = arith.mulf %mul3A_198, %slice3A_197 : vector<64x1024xf32>
    %add3A_200 = arith.addf %add3A_195, %mul3A_199 : vector<64x1024xf32>
    %slice3A_201 = vector.extract_strided_slice %transpose3A_9 {offsets = [39, 0], sizes = [1, 1024], strides = [1, 1]} : vector<128x1024xf32> to vector<1x1024xf32>
    %slice3A_202 = vector.extract_strided_slice %dot_general3A_5 {offsets = [2496, 0], sizes = [64, 1024], strides = [1, 1]} : vector<4096x1024xf32> to vector<64x1024xf32>
    %mul3A_203 = vector.broadcast %slice3A_201 : vector<1x1024xf32> to vector<64x1024xf32>
    %mul3A_204 = arith.mulf %mul3A_203, %slice3A_202 : vector<64x1024xf32>
    %add3A_205 = arith.addf %add3A_200, %mul3A_204 : vector<64x1024xf32>
    %slice3A_206 = vector.extract_strided_slice %transpose3A_9 {offsets = [40, 0], sizes = [1, 1024], strides = [1, 1]} : vector<128x1024xf32> to vector<1x1024xf32>
    %slice3A_207 = vector.extract_strided_slice %dot_general3A_5 {offsets = [2560, 0], sizes = [64, 1024], strides = [1, 1]} : vector<4096x1024xf32> to vector<64x1024xf32>
    %mul3A_208 = vector.broadcast %slice3A_206 : vector<1x1024xf32> to vector<64x1024xf32>
    %mul3A_209 = arith.mulf %mul3A_208, %slice3A_207 : vector<64x1024xf32>
    %add3A_210 = arith.addf %add3A_205, %mul3A_209 : vector<64x1024xf32>
    %slice3A_211 = vector.extract_strided_slice %transpose3A_9 {offsets = [41, 0], sizes = [1, 1024], strides = [1, 1]} : vector<128x1024xf32> to vector<1x1024xf32>
    %slice3A_212 = vector.extract_strided_slice %dot_general3A_5 {offsets = [2624, 0], sizes = [64, 1024], strides = [1, 1]} : vector<4096x1024xf32> to vector<64x1024xf32>
    %mul3A_213 = vector.broadcast %slice3A_211 : vector<1x1024xf32> to vector<64x1024xf32>
    %mul3A_214 = arith.mulf %mul3A_213, %slice3A_212 : vector<64x1024xf32>
    %add3A_215 = arith.addf %add3A_210, %mul3A_214 : vector<64x1024xf32>
    %slice3A_216 = vector.extract_strided_slice %transpose3A_9 {offsets = [42, 0], sizes = [1, 1024], strides = [1, 1]} : vector<128x1024xf32> to vector<1x1024xf32>
    %slice3A_217 = vector.extract_strided_slice %dot_general3A_5 {offsets = [2688, 0], sizes = [64, 1024], strides = [1, 1]} : vector<4096x1024xf32> to vector<64x1024xf32>
    %mul3A_218 = vector.broadcast %slice3A_216 : vector<1x1024xf32> to vector<64x1024xf32>
    %mul3A_219 = arith.mulf %mul3A_218, %slice3A_217 : vector<64x1024xf32>
    %add3A_220 = arith.addf %add3A_215, %mul3A_219 : vector<64x1024xf32>
    %slice3A_221 = vector.extract_strided_slice %transpose3A_9 {offsets = [43, 0], sizes = [1, 1024], strides = [1, 1]} : vector<128x1024xf32> to vector<1x1024xf32>
    %slice3A_222 = vector.extract_strided_slice %dot_general3A_5 {offsets = [2752, 0], sizes = [64, 1024], strides = [1, 1]} : vector<4096x1024xf32> to vector<64x1024xf32>
    %mul3A_223 = vector.broadcast %slice3A_221 : vector<1x1024xf32> to vector<64x1024xf32>
    %mul3A_224 = arith.mulf %mul3A_223, %slice3A_222 : vector<64x1024xf32>
    %add3A_225 = arith.addf %add3A_220, %mul3A_224 : vector<64x1024xf32>
    %slice3A_226 = vector.extract_strided_slice %transpose3A_9 {offsets = [44, 0], sizes = [1, 1024], strides = [1, 1]} : vector<128x1024xf32> to vector<1x1024xf32>
    %slice3A_227 = vector.extract_strided_slice %dot_general3A_5 {offsets = [2816, 0], sizes = [64, 1024], strides = [1, 1]} : vector<4096x1024xf32> to vector<64x1024xf32>
    %mul3A_228 = vector.broadcast %slice3A_226 : vector<1x1024xf32> to vector<64x1024xf32>
    %mul3A_229 = arith.mulf %mul3A_228, %slice3A_227 : vector<64x1024xf32>
    %add3A_230 = arith.addf %add3A_225, %mul3A_229 : vector<64x1024xf32>
    %slice3A_231 = vector.extract_strided_slice %transpose3A_9 {offsets = [45, 0], sizes = [1, 1024], strides = [1, 1]} : vector<128x1024xf32> to vector<1x1024xf32>
    %slice3A_232 = vector.extract_strided_slice %dot_general3A_5 {offsets = [2880, 0], sizes = [64, 1024], strides = [1, 1]} : vector<4096x1024xf32> to vector<64x1024xf32>
    %mul3A_233 = vector.broadcast %slice3A_231 : vector<1x1024xf32> to vector<64x1024xf32>
    %mul3A_234 = arith.mulf %mul3A_233, %slice3A_232 : vector<64x1024xf32>
    %add3A_235 = arith.addf %add3A_230, %mul3A_234 : vector<64x1024xf32>
    %slice3A_236 = vector.extract_strided_slice %transpose3A_9 {offsets = [46, 0], sizes = [1, 1024], strides = [1, 1]} : vector<128x1024xf32> to vector<1x1024xf32>
    %slice3A_237 = vector.extract_strided_slice %dot_general3A_5 {offsets = [2944, 0], sizes = [64, 1024], strides = [1, 1]} : vector<4096x1024xf32> to vector<64x1024xf32>
    %mul3A_238 = vector.broadcast %slice3A_236 : vector<1x1024xf32> to vector<64x1024xf32>
    %mul3A_239 = arith.mulf %mul3A_238, %slice3A_237 : vector<64x1024xf32>
    %add3A_240 = arith.addf %add3A_235, %mul3A_239 : vector<64x1024xf32>
    %slice3A_241 = vector.extract_strided_slice %transpose3A_9 {offsets = [47, 0], sizes = [1, 1024], strides = [1, 1]} : vector<128x1024xf32> to vector<1x1024xf32>
    %slice3A_242 = vector.extract_strided_slice %dot_general3A_5 {offsets = [3008, 0], sizes = [64, 1024], strides = [1, 1]} : vector<4096x1024xf32> to vector<64x1024xf32>
    %mul3A_243 = vector.broadcast %slice3A_241 : vector<1x1024xf32> to vector<64x1024xf32>
    %mul3A_244 = arith.mulf %mul3A_243, %slice3A_242 : vector<64x1024xf32>
    %add3A_245 = arith.addf %add3A_240, %mul3A_244 : vector<64x1024xf32>
    %slice3A_246 = vector.extract_strided_slice %transpose3A_9 {offsets = [48, 0], sizes = [1, 1024], strides = [1, 1]} : vector<128x1024xf32> to vector<1x1024xf32>
    %slice3A_247 = vector.extract_strided_slice %dot_general3A_5 {offsets = [3072, 0], sizes = [64, 1024], strides = [1, 1]} : vector<4096x1024xf32> to vector<64x1024xf32>
    %mul3A_248 = vector.broadcast %slice3A_246 : vector<1x1024xf32> to vector<64x1024xf32>
    %mul3A_249 = arith.mulf %mul3A_248, %slice3A_247 : vector<64x1024xf32>
    %add3A_250 = arith.addf %add3A_245, %mul3A_249 : vector<64x1024xf32>
    %slice3A_251 = vector.extract_strided_slice %transpose3A_9 {offsets = [49, 0], sizes = [1, 1024], strides = [1, 1]} : vector<128x1024xf32> to vector<1x1024xf32>
    %slice3A_252 = vector.extract_strided_slice %dot_general3A_5 {offsets = [3136, 0], sizes = [64, 1024], strides = [1, 1]} : vector<4096x1024xf32> to vector<64x1024xf32>
    %mul3A_253 = vector.broadcast %slice3A_251 : vector<1x1024xf32> to vector<64x1024xf32>
    %mul3A_254 = arith.mulf %mul3A_253, %slice3A_252 : vector<64x1024xf32>
    %add3A_255 = arith.addf %add3A_250, %mul3A_254 : vector<64x1024xf32>
    %slice3A_256 = vector.extract_strided_slice %transpose3A_9 {offsets = [50, 0], sizes = [1, 1024], strides = [1, 1]} : vector<128x1024xf32> to vector<1x1024xf32>
    %slice3A_257 = vector.extract_strided_slice %dot_general3A_5 {offsets = [3200, 0], sizes = [64, 1024], strides = [1, 1]} : vector<4096x1024xf32> to vector<64x1024xf32>
    %mul3A_258 = vector.broadcast %slice3A_256 : vector<1x1024xf32> to vector<64x1024xf32>
    %mul3A_259 = arith.mulf %mul3A_258, %slice3A_257 : vector<64x1024xf32>
    %add3A_260 = arith.addf %add3A_255, %mul3A_259 : vector<64x1024xf32>
    %slice3A_261 = vector.extract_strided_slice %transpose3A_9 {offsets = [51, 0], sizes = [1, 1024], strides = [1, 1]} : vector<128x1024xf32> to vector<1x1024xf32>
    %slice3A_262 = vector.extract_strided_slice %dot_general3A_5 {offsets = [3264, 0], sizes = [64, 1024], strides = [1, 1]} : vector<4096x1024xf32> to vector<64x1024xf32>
    %mul3A_263 = vector.broadcast %slice3A_261 : vector<1x1024xf32> to vector<64x1024xf32>
    %mul3A_264 = arith.mulf %mul3A_263, %slice3A_262 : vector<64x1024xf32>
    %add3A_265 = arith.addf %add3A_260, %mul3A_264 : vector<64x1024xf32>
    %slice3A_266 = vector.extract_strided_slice %transpose3A_9 {offsets = [52, 0], sizes = [1, 1024], strides = [1, 1]} : vector<128x1024xf32> to vector<1x1024xf32>
    %slice3A_267 = vector.extract_strided_slice %dot_general3A_5 {offsets = [3328, 0], sizes = [64, 1024], strides = [1, 1]} : vector<4096x1024xf32> to vector<64x1024xf32>
    %mul3A_268 = vector.broadcast %slice3A_266 : vector<1x1024xf32> to vector<64x1024xf32>
    %mul3A_269 = arith.mulf %mul3A_268, %slice3A_267 : vector<64x1024xf32>
    %add3A_270 = arith.addf %add3A_265, %mul3A_269 : vector<64x1024xf32>
    %slice3A_271 = vector.extract_strided_slice %transpose3A_9 {offsets = [53, 0], sizes = [1, 1024], strides = [1, 1]} : vector<128x1024xf32> to vector<1x1024xf32>
    %slice3A_272 = vector.extract_strided_slice %dot_general3A_5 {offsets = [3392, 0], sizes = [64, 1024], strides = [1, 1]} : vector<4096x1024xf32> to vector<64x1024xf32>
    %mul3A_273 = vector.broadcast %slice3A_271 : vector<1x1024xf32> to vector<64x1024xf32>
    %mul3A_274 = arith.mulf %mul3A_273, %slice3A_272 : vector<64x1024xf32>
    %add3A_275 = arith.addf %add3A_270, %mul3A_274 : vector<64x1024xf32>
    %slice3A_276 = vector.extract_strided_slice %transpose3A_9 {offsets = [54, 0], sizes = [1, 1024], strides = [1, 1]} : vector<128x1024xf32> to vector<1x1024xf32>
    %slice3A_277 = vector.extract_strided_slice %dot_general3A_5 {offsets = [3456, 0], sizes = [64, 1024], strides = [1, 1]} : vector<4096x1024xf32> to vector<64x1024xf32>
    %mul3A_278 = vector.broadcast %slice3A_276 : vector<1x1024xf32> to vector<64x1024xf32>
    %mul3A_279 = arith.mulf %mul3A_278, %slice3A_277 : vector<64x1024xf32>
    %add3A_280 = arith.addf %add3A_275, %mul3A_279 : vector<64x1024xf32>
    %slice3A_281 = vector.extract_strided_slice %transpose3A_9 {offsets = [55, 0], sizes = [1, 1024], strides = [1, 1]} : vector<128x1024xf32> to vector<1x1024xf32>
    %slice3A_282 = vector.extract_strided_slice %dot_general3A_5 {offsets = [3520, 0], sizes = [64, 1024], strides = [1, 1]} : vector<4096x1024xf32> to vector<64x1024xf32>
    %mul3A_283 = vector.broadcast %slice3A_281 : vector<1x1024xf32> to vector<64x1024xf32>
    %mul3A_284 = arith.mulf %mul3A_283, %slice3A_282 : vector<64x1024xf32>
    %add3A_285 = arith.addf %add3A_280, %mul3A_284 : vector<64x1024xf32>
    %slice3A_286 = vector.extract_strided_slice %transpose3A_9 {offsets = [56, 0], sizes = [1, 1024], strides = [1, 1]} : vector<128x1024xf32> to vector<1x1024xf32>
    %slice3A_287 = vector.extract_strided_slice %dot_general3A_5 {offsets = [3584, 0], sizes = [64, 1024], strides = [1, 1]} : vector<4096x1024xf32> to vector<64x1024xf32>
    %mul3A_288 = vector.broadcast %slice3A_286 : vector<1x1024xf32> to vector<64x1024xf32>
    %mul3A_289 = arith.mulf %mul3A_288, %slice3A_287 : vector<64x1024xf32>
    %add3A_290 = arith.addf %add3A_285, %mul3A_289 : vector<64x1024xf32>
    %slice3A_291 = vector.extract_strided_slice %transpose3A_9 {offsets = [57, 0], sizes = [1, 1024], strides = [1, 1]} : vector<128x1024xf32> to vector<1x1024xf32>
    %slice3A_292 = vector.extract_strided_slice %dot_general3A_5 {offsets = [3648, 0], sizes = [64, 1024], strides = [1, 1]} : vector<4096x1024xf32> to vector<64x1024xf32>
    %mul3A_293 = vector.broadcast %slice3A_291 : vector<1x1024xf32> to vector<64x1024xf32>
    %mul3A_294 = arith.mulf %mul3A_293, %slice3A_292 : vector<64x1024xf32>
    %add3A_295 = arith.addf %add3A_290, %mul3A_294 : vector<64x1024xf32>
    %slice3A_296 = vector.extract_strided_slice %transpose3A_9 {offsets = [58, 0], sizes = [1, 1024], strides = [1, 1]} : vector<128x1024xf32> to vector<1x1024xf32>
    %slice3A_297 = vector.extract_strided_slice %dot_general3A_5 {offsets = [3712, 0], sizes = [64, 1024], strides = [1, 1]} : vector<4096x1024xf32> to vector<64x1024xf32>
    %mul3A_298 = vector.broadcast %slice3A_296 : vector<1x1024xf32> to vector<64x1024xf32>
    %mul3A_299 = arith.mulf %mul3A_298, %slice3A_297 : vector<64x1024xf32>
    %add3A_300 = arith.addf %add3A_295, %mul3A_299 : vector<64x1024xf32>
    %slice3A_301 = vector.extract_strided_slice %transpose3A_9 {offsets = [59, 0], sizes = [1, 1024], strides = [1, 1]} : vector<128x1024xf32> to vector<1x1024xf32>
    %slice3A_302 = vector.extract_strided_slice %dot_general3A_5 {offsets = [3776, 0], sizes = [64, 1024], strides = [1, 1]} : vector<4096x1024xf32> to vector<64x1024xf32>
    %mul3A_303 = vector.broadcast %slice3A_301 : vector<1x1024xf32> to vector<64x1024xf32>
    %mul3A_304 = arith.mulf %mul3A_303, %slice3A_302 : vector<64x1024xf32>
    %add3A_305 = arith.addf %add3A_300, %mul3A_304 : vector<64x1024xf32>
    %slice3A_306 = vector.extract_strided_slice %transpose3A_9 {offsets = [60, 0], sizes = [1, 1024], strides = [1, 1]} : vector<128x1024xf32> to vector<1x1024xf32>
    %slice3A_307 = vector.extract_strided_slice %dot_general3A_5 {offsets = [3840, 0], sizes = [64, 1024], strides = [1, 1]} : vector<4096x1024xf32> to vector<64x1024xf32>
    %mul3A_308 = vector.broadcast %slice3A_306 : vector<1x1024xf32> to vector<64x1024xf32>
    %mul3A_309 = arith.mulf %mul3A_308, %slice3A_307 : vector<64x1024xf32>
    %add3A_310 = arith.addf %add3A_305, %mul3A_309 : vector<64x1024xf32>
    %slice3A_311 = vector.extract_strided_slice %transpose3A_9 {offsets = [61, 0], sizes = [1, 1024], strides = [1, 1]} : vector<128x1024xf32> to vector<1x1024xf32>
    %slice3A_312 = vector.extract_strided_slice %dot_general3A_5 {offsets = [3904, 0], sizes = [64, 1024], strides = [1, 1]} : vector<4096x1024xf32> to vector<64x1024xf32>
    %mul3A_313 = vector.broadcast %slice3A_311 : vector<1x1024xf32> to vector<64x1024xf32>
    %mul3A_314 = arith.mulf %mul3A_313, %slice3A_312 : vector<64x1024xf32>
    %add3A_315 = arith.addf %add3A_310, %mul3A_314 : vector<64x1024xf32>
    %slice3A_316 = vector.extract_strided_slice %transpose3A_9 {offsets = [62, 0], sizes = [1, 1024], strides = [1, 1]} : vector<128x1024xf32> to vector<1x1024xf32>
    %slice3A_317 = vector.extract_strided_slice %dot_general3A_5 {offsets = [3968, 0], sizes = [64, 1024], strides = [1, 1]} : vector<4096x1024xf32> to vector<64x1024xf32>
    %mul3A_318 = vector.broadcast %slice3A_316 : vector<1x1024xf32> to vector<64x1024xf32>
    %mul3A_319 = arith.mulf %mul3A_318, %slice3A_317 : vector<64x1024xf32>
    %add3A_320 = arith.addf %add3A_315, %mul3A_319 : vector<64x1024xf32>
    %slice3A_321 = vector.extract_strided_slice %transpose3A_9 {offsets = [63, 0], sizes = [1, 1024], strides = [1, 1]} : vector<128x1024xf32> to vector<1x1024xf32>
    %slice3A_322 = vector.extract_strided_slice %dot_general3A_5 {offsets = [4032, 0], sizes = [64, 1024], strides = [1, 1]} : vector<4096x1024xf32> to vector<64x1024xf32>
    %mul3A_323 = vector.broadcast %slice3A_321 : vector<1x1024xf32> to vector<64x1024xf32>
    %mul3A_324 = arith.mulf %mul3A_323, %slice3A_322 : vector<64x1024xf32>
    %add3A_325 = arith.addf %add3A_320, %mul3A_324 : vector<64x1024xf32>
    %transpose3A_326 = tpu.transpose %add3A_325, [1, 0] : vector<64x1024xf32> -> vector<1024x64xf32>
    %broadcast_in_dim3A = arith.constant 0.000000e+00 : f32
    %broadcast_in_dim3A_327 = vector.broadcast %broadcast_in_dim3A : f32 to vector<1024x64xf32>
    %concatenate3A = tpu.concatenate %transpose3A_326, %broadcast_in_dim3A_327 in 1 : vector<1024x64xf32>, vector<1024x64xf32> -> vector<1024x128xf32>
    %get3A_328 = arith.constant 0 : index
    %get3A_329 = arith.constant 0 : index
    %get3A_330 = vector.load %arg2[%get3A_328, %get3A_329] : memref<1024x128xf32, #tpu.memory_space<vmem>>, vector<1024x128xf32>
    %get3A_331 = arith.constant 0 : index
    %get3A_332 = arith.constant 0 : index
    %get3A_333 = vector.load %arg4[%get3A_331, %get3A_332] : memref<128x128xf32, #tpu.memory_space<vmem>>, vector<128x128xf32>
    %dot_general3A_334 = arith.constant dense<0.000000e+00> : vector<1024x128xf32>
    %dot_general3A_335 = tpu.matmul %get3A_330, %get3A_333, %dot_general3A_334 {dimension_numbers = #tpu.dot_dimension_numbers<[1], [0], [0], [1], [0, 0, 1, 1], [], []>, transpose_lhs_hint = false} : vector<1024x128xf32>, vector<128x128xf32>, vector<1024x128xf32> -> vector<1024x128xf32>
    %add3A_336 = arith.addf %concatenate3A, %dot_general3A_335 : vector<1024x128xf32>
    %swap3A = arith.constant 0 : index
    %swap3A_337 = arith.constant 0 : index
    %swap3A_338 = vector.load %arg5[%swap3A, %swap3A_337] : memref<1024x128xf32, #tpu.memory_space<vmem>>, vector<1024x128xf32>
    tpu.vector_store %arg5[%swap3A, %swap3A_337], %add3A_336 {strides = array<i32>} : memref<1024x128xf32, #tpu.memory_space<vmem>>, vector<1024x128xf32>,
    return
  }
  func.func @transform_0(%arg0: i32) -> (i32, i32) {
    %add3A = arith.constant 0 : i32
    %add3A_0 = arith.addi %arg0, %add3A : i32
    %c0_i32 = arith.constant 0 : i32
    %c0_i32_1 = arith.constant 0 : i32
    return %add3A_0, %c0_i32 : i32, i32
  }
  func.func @transform_1(%arg0: i32) -> (i32, i32) {
    %c0_i32 = arith.constant 0 : i32
    %c0_i32_0 = arith.constant 0 : i32
    return %arg0, %c0_i32 : i32, i32
  }
  func.func @transform_2(%arg0: i32) -> (i32, i32) {
    %c0_i32 = arith.constant 0 : i32
    %c0_i32_0 = arith.constant 0 : i32
    %c0_i32_1 = arith.constant 0 : i32
    return %c0_i32, %c0_i32_0 : i32, i32
  }
  func.func @transform_3(%arg0: i32) -> (i32, i32) {
    %c0_i32 = arith.constant 0 : i32
    %c0_i32_0 = arith.constant 0 : i32
    %c0_i32_1 = arith.constant 0 : i32
    return %c0_i32, %c0_i32_0 : i32, i32
  }
  func.func @transform_4(%arg0: i32) -> (i32, i32) {
    %c0_i32 = arith.constant 0 : i32
    %c0_i32_0 = arith.constant 0 : i32
    return %arg0, %c0_i32 : i32, i32
  }
}

module attributes {stable_mosaic.version = 14 : i64} {
  func.func @_msg_body(%arg0: i32, %arg1: memref<1024x64xf32, #tpu.memory_space<vmem>>, %arg2: memref<1024x128xf32, #tpu.memory_space<vmem>>, %arg3: memref<4096x64xbf16, #tpu.memory_space<vmem>>, %arg4: memref<128x128xf32, #tpu.memory_space<vmem>>, %arg5: memref<1024x128xf32, #tpu.memory_space<vmem>>) attributes {dimension_semantics = [#tpu.dimension_semantics<arbitrary>], iteration_bounds = array<i64: 80>, scalar_prefetch = 0 : i64, scratch_operands = 0 : i64, tpu.core_type = #tpu.core_type<tc>, window_params = [{transform_indices = @transform_0, window_bounds = array<i64: 1024, 64>}, {transform_indices = @transform_1, window_bounds = array<i64: 1024, 128>}, {pipeline_mode = #tpu.pipeline_mode<synchronous>, transform_indices = @transform_2, window_bounds = array<i64: 4096, 64>}, {pipeline_mode = #tpu.pipeline_mode<synchronous>, transform_indices = @transform_3, window_bounds = array<i64: 128, 128>}, {transform_indices = @transform_4, window_bounds = array<i64: 1024, 128>}]} {
    %get3A = arith.constant 0 : index
    %get3A_0 = arith.constant 0 : index
    %get3A_1 = vector.load %arg1[%get3A, %get3A_0] : memref<1024x64xf32, #tpu.memory_space<vmem>>, vector<1024x64xf32>
    %transpose3A = tpu.transpose %get3A_1, [1, 0] : vector<1024x64xf32> -> vector<64x1024xf32>
    %convert_element_type3A = arith.truncf %transpose3A : vector<64x1024xf32> to vector<64x1024xbf16>
    %get3A_2 = arith.constant 0 : index
    %get3A_3 = arith.constant 0 : index
    %get3A_4 = vector.load %arg3[%get3A_2, %get3A_3] : memref<4096x64xbf16, #tpu.memory_space<vmem>>, vector<4096x64xbf16>
    %dot_general3A = arith.constant dense<0.000000e+00> : vector<4096x1024xf32>
    %dot_general3A_5 = tpu.matmul %get3A_4, %convert_element_type3A, %dot_general3A {dimension_numbers = #tpu.dot_dimension_numbers<[1], [0], [0], [1], [0, 0, 1, 1], [], []>, transpose_lhs_hint = false} : vector<4096x64xbf16>, vector<64x1024xbf16>, vector<4096x1024xf32> -> vector<4096x1024xf32>
    %get3A_6 = arith.constant 0 : index
    %get3A_7 = arith.constant 0 : index
    %get3A_8 = vector.load %arg2[%get3A_6, %get3A_7] : memref<1024x128xf32, #tpu.memory_space<vmem>>, vector<1024x128xf32>
    %transpose3A_9 = tpu.transpose %get3A_8, [1, 0] : vector<1024x128xf32> -> vector<128x1024xf32>
    %slice3A = vector.extract_strided_slice %transpose3A_9 {offsets = [0, 0], sizes = [1, 1024], strides = [1, 1]} : vector<128x1024xf32> to vector<1x1024xf32>
    %slice3A_10 = vector.extract_strided_slice %dot_general3A_5 {offsets = [0, 0], sizes = [64, 1024], strides = [1, 1]} : vector<4096x1024xf32> to vector<64x1024xf32>
    %mul3A = vector.broadcast %slice3A : vector<1x1024xf32> to vector<64x1024xf32>
    %mul3A_11 = arith.mulf %mul3A, %slice3A_10 : vector<64x1024xf32>
    %slice3A_12 = vector.extract_strided_slice %transpose3A_9 {offsets = [1, 0], sizes = [1, 1024], strides = [1, 1]} : vector<128x1024xf32> to vector<1x1024xf32>
    %slice3A_13 = vector.extract_strided_slice %dot_general3A_5 {offsets = [64, 0], sizes = [64, 1024], strides = [1, 1]} : vector<4096x1024xf32> to vector<64x1024xf32>
    %mul3A_14 = vector.broadcast %slice3A_12 : vector<1x1024xf32> to vector<64x1024xf32>
    %mul3A_15 = arith.mulf %mul3A_14, %slice3A_13 : vector<64x1024xf32>
    %add3A = arith.addf %mul3A_11, %mul3A_15 : vector<64x1024xf32>
    %slice3A_16 = vector.extract_strided_slice %transpose3A_9 {offsets = [2, 0], sizes = [1, 1024], strides = [1, 1]} : vector<128x1024xf32> to vector<1x1024xf32>
    %slice3A_17 = vector.extract_strided_slice %dot_general3A_5 {offsets = [128, 0], sizes = [64, 1024], strides = [1, 1]} : vector<4096x1024xf32> to vector<64x1024xf32>
    %mul3A_18 = vector.broadcast %slice3A_16 : vector<1x1024xf32> to vector<64x1024xf32>
    %mul3A_19 = arith.mulf %mul3A_18, %slice3A_17 : vector<64x1024xf32>
    %add3A_20 = arith.addf %add3A, %mul3A_19 : vector<64x1024xf32>
    %slice3A_21 = vector.extract_strided_slice %transpose3A_9 {offsets = [3, 0], sizes = [1, 1024], strides = [1, 1]} : vector<128x1024xf32> to vector<1x1024xf32>
    %slice3A_22 = vector.extract_strided_slice %dot_general3A_5 {offsets = [192, 0], sizes = [64, 1024], strides = [1, 1]} : vector<4096x1024xf32> to vector<64x1024xf32>
    %mul3A_23 = vector.broadcast %slice3A_21 : vector<1x1024xf32> to vector<64x1024xf32>
    %mul3A_24 = arith.mulf %mul3A_23, %slice3A_22 : vector<64x1024xf32>
    %add3A_25 = arith.addf %add3A_20, %mul3A_24 : vector<64x1024xf32>
    %slice3A_26 = vector.extract_strided_slice %transpose3A_9 {offsets = [4, 0], sizes = [1, 1024], strides = [1, 1]} : vector<128x1024xf32> to vector<1x1024xf32>
    %slice3A_27 = vector.extract_strided_slice %dot_general3A_5 {offsets = [256, 0], sizes = [64, 1024], strides = [1, 1]} : vector<4096x1024xf32> to vector<64x1024xf32>
    %mul3A_28 = vector.broadcast %slice3A_26 : vector<1x1024xf32> to vector<64x1024xf32>
    %mul3A_29 = arith.mulf %mul3A_28, %slice3A_27 : vector<64x1024xf32>
    %add3A_30 = arith.addf %add3A_25, %mul3A_29 : vector<64x1024xf32>
    %slice3A_31 = vector.extract_strided_slice %transpose3A_9 {offsets = [5, 0], sizes = [1, 1024], strides = [1, 1]} : vector<128x1024xf32> to vector<1x1024xf32>
    %slice3A_32 = vector.extract_strided_slice %dot_general3A_5 {offsets = [320, 0], sizes = [64, 1024], strides = [1, 1]} : vector<4096x1024xf32> to vector<64x1024xf32>
    %mul3A_33 = vector.broadcast %slice3A_31 : vector<1x1024xf32> to vector<64x1024xf32>
    %mul3A_34 = arith.mulf %mul3A_33, %slice3A_32 : vector<64x1024xf32>
    %add3A_35 = arith.addf %add3A_30, %mul3A_34 : vector<64x1024xf32>
    %slice3A_36 = vector.extract_strided_slice %transpose3A_9 {offsets = [6, 0], sizes = [1, 1024], strides = [1, 1]} : vector<128x1024xf32> to vector<1x1024xf32>
    %slice3A_37 = vector.extract_strided_slice %dot_general3A_5 {offsets = [384, 0], sizes = [64, 1024], strides = [1, 1]} : vector<4096x1024xf32> to vector<64x1024xf32>
    %mul3A_38 = vector.broadcast %slice3A_36 : vector<1x1024xf32> to vector<64x1024xf32>
    %mul3A_39 = arith.mulf %mul3A_38, %slice3A_37 : vector<64x1024xf32>
    %add3A_40 = arith.addf %add3A_35, %mul3A_39 : vector<64x1024xf32>
    %slice3A_41 = vector.extract_strided_slice %transpose3A_9 {offsets = [7, 0], sizes = [1, 1024], strides = [1, 1]} : vector<128x1024xf32> to vector<1x1024xf32>
    %slice3A_42 = vector.extract_strided_slice %dot_general3A_5 {offsets = [448, 0], sizes = [64, 1024], strides = [1, 1]} : vector<4096x1024xf32> to vector<64x1024xf32>
    %mul3A_43 = vector.broadcast %slice3A_41 : vector<1x1024xf32> to vector<64x1024xf32>
    %mul3A_44 = arith.mulf %mul3A_43, %slice3A_42 : vector<64x1024xf32>
    %add3A_45 = arith.addf %add3A_40, %mul3A_44 : vector<64x1024xf32>
    %slice3A_46 = vector.extract_strided_slice %transpose3A_9 {offsets = [8, 0], sizes = [1, 1024], strides = [1, 1]} : vector<128x1024xf32> to vector<1x1024xf32>
    %slice3A_47 = vector.extract_strided_slice %dot_general3A_5 {offsets = [512, 0], sizes = [64, 1024], strides = [1, 1]} : vector<4096x1024xf32> to vector<64x1024xf32>
    %mul3A_48 = vector.broadcast %slice3A_46 : vector<1x1024xf32> to vector<64x1024xf32>
    %mul3A_49 = arith.mulf %mul3A_48, %slice3A_47 : vector<64x1024xf32>
    %add3A_50 = arith.addf %add3A_45, %mul3A_49 : vector<64x1024xf32>
    %slice3A_51 = vector.extract_strided_slice %transpose3A_9 {offsets = [9, 0], sizes = [1, 1024], strides = [1, 1]} : vector<128x1024xf32> to vector<1x1024xf32>
    %slice3A_52 = vector.extract_strided_slice %dot_general3A_5 {offsets = [576, 0], sizes = [64, 1024], strides = [1, 1]} : vector<4096x1024xf32> to vector<64x1024xf32>
    %mul3A_53 = vector.broadcast %slice3A_51 : vector<1x1024xf32> to vector<64x1024xf32>
    %mul3A_54 = arith.mulf %mul3A_53, %slice3A_52 : vector<64x1024xf32>
    %add3A_55 = arith.addf %add3A_50, %mul3A_54 : vector<64x1024xf32>
    %slice3A_56 = vector.extract_strided_slice %transpose3A_9 {offsets = [10, 0], sizes = [1, 1024], strides = [1, 1]} : vector<128x1024xf32> to vector<1x1024xf32>
    %slice3A_57 = vector.extract_strided_slice %dot_general3A_5 {offsets = [640, 0], sizes = [64, 1024], strides = [1, 1]} : vector<4096x1024xf32> to vector<64x1024xf32>
    %mul3A_58 = vector.broadcast %slice3A_56 : vector<1x1024xf32> to vector<64x1024xf32>
    %mul3A_59 = arith.mulf %mul3A_58, %slice3A_57 : vector<64x1024xf32>
    %add3A_60 = arith.addf %add3A_55, %mul3A_59 : vector<64x1024xf32>
    %slice3A_61 = vector.extract_strided_slice %transpose3A_9 {offsets = [11, 0], sizes = [1, 1024], strides = [1, 1]} : vector<128x1024xf32> to vector<1x1024xf32>
    %slice3A_62 = vector.extract_strided_slice %dot_general3A_5 {offsets = [704, 0], sizes = [64, 1024], strides = [1, 1]} : vector<4096x1024xf32> to vector<64x1024xf32>
    %mul3A_63 = vector.broadcast %slice3A_61 : vector<1x1024xf32> to vector<64x1024xf32>
    %mul3A_64 = arith.mulf %mul3A_63, %slice3A_62 : vector<64x1024xf32>
    %add3A_65 = arith.addf %add3A_60, %mul3A_64 : vector<64x1024xf32>
    %slice3A_66 = vector.extract_strided_slice %transpose3A_9 {offsets = [12, 0], sizes = [1, 1024], strides = [1, 1]} : vector<128x1024xf32> to vector<1x1024xf32>
    %slice3A_67 = vector.extract_strided_slice %dot_general3A_5 {offsets = [768, 0], sizes = [64, 1024], strides = [1, 1]} : vector<4096x1024xf32> to vector<64x1024xf32>
    %mul3A_68 = vector.broadcast %slice3A_66 : vector<1x1024xf32> to vector<64x1024xf32>
    %mul3A_69 = arith.mulf %mul3A_68, %slice3A_67 : vector<64x1024xf32>
    %add3A_70 = arith.addf %add3A_65, %mul3A_69 : vector<64x1024xf32>
    %slice3A_71 = vector.extract_strided_slice %transpose3A_9 {offsets = [13, 0], sizes = [1, 1024], strides = [1, 1]} : vector<128x1024xf32> to vector<1x1024xf32>
    %slice3A_72 = vector.extract_strided_slice %dot_general3A_5 {offsets = [832, 0], sizes = [64, 1024], strides = [1, 1]} : vector<4096x1024xf32> to vector<64x1024xf32>
    %mul3A_73 = vector.broadcast %slice3A_71 : vector<1x1024xf32> to vector<64x1024xf32>
    %mul3A_74 = arith.mulf %mul3A_73, %slice3A_72 : vector<64x1024xf32>
    %add3A_75 = arith.addf %add3A_70, %mul3A_74 : vector<64x1024xf32>
    %slice3A_76 = vector.extract_strided_slice %transpose3A_9 {offsets = [14, 0], sizes = [1, 1024], strides = [1, 1]} : vector<128x1024xf32> to vector<1x1024xf32>
    %slice3A_77 = vector.extract_strided_slice %dot_general3A_5 {offsets = [896, 0], sizes = [64, 1024], strides = [1, 1]} : vector<4096x1024xf32> to vector<64x1024xf32>
    %mul3A_78 = vector.broadcast %slice3A_76 : vector<1x1024xf32> to vector<64x1024xf32>
    %mul3A_79 = arith.mulf %mul3A_78, %slice3A_77 : vector<64x1024xf32>
    %add3A_80 = arith.addf %add3A_75, %mul3A_79 : vector<64x1024xf32>
    %slice3A_81 = vector.extract_strided_slice %transpose3A_9 {offsets = [15, 0], sizes = [1, 1024], strides = [1, 1]} : vector<128x1024xf32> to vector<1x1024xf32>
    %slice3A_82 = vector.extract_strided_slice %dot_general3A_5 {offsets = [960, 0], sizes = [64, 1024], strides = [1, 1]} : vector<4096x1024xf32> to vector<64x1024xf32>
    %mul3A_83 = vector.broadcast %slice3A_81 : vector<1x1024xf32> to vector<64x1024xf32>
    %mul3A_84 = arith.mulf %mul3A_83, %slice3A_82 : vector<64x1024xf32>
    %add3A_85 = arith.addf %add3A_80, %mul3A_84 : vector<64x1024xf32>
    %slice3A_86 = vector.extract_strided_slice %transpose3A_9 {offsets = [16, 0], sizes = [1, 1024], strides = [1, 1]} : vector<128x1024xf32> to vector<1x1024xf32>
    %slice3A_87 = vector.extract_strided_slice %dot_general3A_5 {offsets = [1024, 0], sizes = [64, 1024], strides = [1, 1]} : vector<4096x1024xf32> to vector<64x1024xf32>
    %mul3A_88 = vector.broadcast %slice3A_86 : vector<1x1024xf32> to vector<64x1024xf32>
    %mul3A_89 = arith.mulf %mul3A_88, %slice3A_87 : vector<64x1024xf32>
    %add3A_90 = arith.addf %add3A_85, %mul3A_89 : vector<64x1024xf32>
    %slice3A_91 = vector.extract_strided_slice %transpose3A_9 {offsets = [17, 0], sizes = [1, 1024], strides = [1, 1]} : vector<128x1024xf32> to vector<1x1024xf32>
    %slice3A_92 = vector.extract_strided_slice %dot_general3A_5 {offsets = [1088, 0], sizes = [64, 1024], strides = [1, 1]} : vector<4096x1024xf32> to vector<64x1024xf32>
    %mul3A_93 = vector.broadcast %slice3A_91 : vector<1x1024xf32> to vector<64x1024xf32>
    %mul3A_94 = arith.mulf %mul3A_93, %slice3A_92 : vector<64x1024xf32>
    %add3A_95 = arith.addf %add3A_90, %mul3A_94 : vector<64x1024xf32>
    %slice3A_96 = vector.extract_strided_slice %transpose3A_9 {offsets = [18, 0], sizes = [1, 1024], strides = [1, 1]} : vector<128x1024xf32> to vector<1x1024xf32>
    %slice3A_97 = vector.extract_strided_slice %dot_general3A_5 {offsets = [1152, 0], sizes = [64, 1024], strides = [1, 1]} : vector<4096x1024xf32> to vector<64x1024xf32>
    %mul3A_98 = vector.broadcast %slice3A_96 : vector<1x1024xf32> to vector<64x1024xf32>
    %mul3A_99 = arith.mulf %mul3A_98, %slice3A_97 : vector<64x1024xf32>
    %add3A_100 = arith.addf %add3A_95, %mul3A_99 : vector<64x1024xf32>
    %slice3A_101 = vector.extract_strided_slice %transpose3A_9 {offsets = [19, 0], sizes = [1, 1024], strides = [1, 1]} : vector<128x1024xf32> to vector<1x1024xf32>
    %slice3A_102 = vector.extract_strided_slice %dot_general3A_5 {offsets = [1216, 0], sizes = [64, 1024], strides = [1, 1]} : vector<4096x1024xf32> to vector<64x1024xf32>
    %mul3A_103 = vector.broadcast %slice3A_101 : vector<1x1024xf32> to vector<64x1024xf32>
    %mul3A_104 = arith.mulf %mul3A_103, %slice3A_102 : vector<64x1024xf32>
    %add3A_105 = arith.addf %add3A_100, %mul3A_104 : vector<64x1024xf32>
    %slice3A_106 = vector.extract_strided_slice %transpose3A_9 {offsets = [20, 0], sizes = [1, 1024], strides = [1, 1]} : vector<128x1024xf32> to vector<1x1024xf32>
    %slice3A_107 = vector.extract_strided_slice %dot_general3A_5 {offsets = [1280, 0], sizes = [64, 1024], strides = [1, 1]} : vector<4096x1024xf32> to vector<64x1024xf32>
    %mul3A_108 = vector.broadcast %slice3A_106 : vector<1x1024xf32> to vector<64x1024xf32>
    %mul3A_109 = arith.mulf %mul3A_108, %slice3A_107 : vector<64x1024xf32>
    %add3A_110 = arith.addf %add3A_105, %mul3A_109 : vector<64x1024xf32>
    %slice3A_111 = vector.extract_strided_slice %transpose3A_9 {offsets = [21, 0], sizes = [1, 1024], strides = [1, 1]} : vector<128x1024xf32> to vector<1x1024xf32>
    %slice3A_112 = vector.extract_strided_slice %dot_general3A_5 {offsets = [1344, 0], sizes = [64, 1024], strides = [1, 1]} : vector<4096x1024xf32> to vector<64x1024xf32>
    %mul3A_113 = vector.broadcast %slice3A_111 : vector<1x1024xf32> to vector<64x1024xf32>
    %mul3A_114 = arith.mulf %mul3A_113, %slice3A_112 : vector<64x1024xf32>
    %add3A_115 = arith.addf %add3A_110, %mul3A_114 : vector<64x1024xf32>
    %slice3A_116 = vector.extract_strided_slice %transpose3A_9 {offsets = [22, 0], sizes = [1, 1024], strides = [1, 1]} : vector<128x1024xf32> to vector<1x1024xf32>
    %slice3A_117 = vector.extract_strided_slice %dot_general3A_5 {offsets = [1408, 0], sizes = [64, 1024], strides = [1, 1]} : vector<4096x1024xf32> to vector<64x1024xf32>
    %mul3A_118 = vector.broadcast %slice3A_116 : vector<1x1024xf32> to vector<64x1024xf32>
    %mul3A_119 = arith.mulf %mul3A_118, %slice3A_117 : vector<64x1024xf32>
    %add3A_120 = arith.addf %add3A_115, %mul3A_119 : vector<64x1024xf32>
    %slice3A_121 = vector.extract_strided_slice %transpose3A_9 {offsets = [23, 0], sizes = [1, 1024], strides = [1, 1]} : vector<128x1024xf32> to vector<1x1024xf32>
    %slice3A_122 = vector.extract_strided_slice %dot_general3A_5 {offsets = [1472, 0], sizes = [64, 1024], strides = [1, 1]} : vector<4096x1024xf32> to vector<64x1024xf32>
    %mul3A_123 = vector.broadcast %slice3A_121 : vector<1x1024xf32> to vector<64x1024xf32>
    %mul3A_124 = arith.mulf %mul3A_123, %slice3A_122 : vector<64x1024xf32>
    %add3A_125 = arith.addf %add3A_120, %mul3A_124 : vector<64x1024xf32>
    %slice3A_126 = vector.extract_strided_slice %transpose3A_9 {offsets = [24, 0], sizes = [1, 1024], strides = [1, 1]} : vector<128x1024xf32> to vector<1x1024xf32>
    %slice3A_127 = vector.extract_strided_slice %dot_general3A_5 {offsets = [1536, 0], sizes = [64, 1024], strides = [1, 1]} : vector<4096x1024xf32> to vector<64x1024xf32>
    %mul3A_128 = vector.broadcast %slice3A_126 : vector<1x1024xf32> to vector<64x1024xf32>
    %mul3A_129 = arith.mulf %mul3A_128, %slice3A_127 : vector<64x1024xf32>
    %add3A_130 = arith.addf %add3A_125, %mul3A_129 : vector<64x1024xf32>
    %slice3A_131 = vector.extract_strided_slice %transpose3A_9 {offsets = [25, 0], sizes = [1, 1024], strides = [1, 1]} : vector<128x1024xf32> to vector<1x1024xf32>
    %slice3A_132 = vector.extract_strided_slice %dot_general3A_5 {offsets = [1600, 0], sizes = [64, 1024], strides = [1, 1]} : vector<4096x1024xf32> to vector<64x1024xf32>
    %mul3A_133 = vector.broadcast %slice3A_131 : vector<1x1024xf32> to vector<64x1024xf32>
    %mul3A_134 = arith.mulf %mul3A_133, %slice3A_132 : vector<64x1024xf32>
    %add3A_135 = arith.addf %add3A_130, %mul3A_134 : vector<64x1024xf32>
    %slice3A_136 = vector.extract_strided_slice %transpose3A_9 {offsets = [26, 0], sizes = [1, 1024], strides = [1, 1]} : vector<128x1024xf32> to vector<1x1024xf32>
    %slice3A_137 = vector.extract_strided_slice %dot_general3A_5 {offsets = [1664, 0], sizes = [64, 1024], strides = [1, 1]} : vector<4096x1024xf32> to vector<64x1024xf32>
    %mul3A_138 = vector.broadcast %slice3A_136 : vector<1x1024xf32> to vector<64x1024xf32>
    %mul3A_139 = arith.mulf %mul3A_138, %slice3A_137 : vector<64x1024xf32>
    %add3A_140 = arith.addf %add3A_135, %mul3A_139 : vector<64x1024xf32>
    %slice3A_141 = vector.extract_strided_slice %transpose3A_9 {offsets = [27, 0], sizes = [1, 1024], strides = [1, 1]} : vector<128x1024xf32> to vector<1x1024xf32>
    %slice3A_142 = vector.extract_strided_slice %dot_general3A_5 {offsets = [1728, 0], sizes = [64, 1024], strides = [1, 1]} : vector<4096x1024xf32> to vector<64x1024xf32>
    %mul3A_143 = vector.broadcast %slice3A_141 : vector<1x1024xf32> to vector<64x1024xf32>
    %mul3A_144 = arith.mulf %mul3A_143, %slice3A_142 : vector<64x1024xf32>
    %add3A_145 = arith.addf %add3A_140, %mul3A_144 : vector<64x1024xf32>
    %slice3A_146 = vector.extract_strided_slice %transpose3A_9 {offsets = [28, 0], sizes = [1, 1024], strides = [1, 1]} : vector<128x1024xf32> to vector<1x1024xf32>
    %slice3A_147 = vector.extract_strided_slice %dot_general3A_5 {offsets = [1792, 0], sizes = [64, 1024], strides = [1, 1]} : vector<4096x1024xf32> to vector<64x1024xf32>
    %mul3A_148 = vector.broadcast %slice3A_146 : vector<1x1024xf32> to vector<64x1024xf32>
    %mul3A_149 = arith.mulf %mul3A_148, %slice3A_147 : vector<64x1024xf32>
    %add3A_150 = arith.addf %add3A_145, %mul3A_149 : vector<64x1024xf32>
    %slice3A_151 = vector.extract_strided_slice %transpose3A_9 {offsets = [29, 0], sizes = [1, 1024], strides = [1, 1]} : vector<128x1024xf32> to vector<1x1024xf32>
    %slice3A_152 = vector.extract_strided_slice %dot_general3A_5 {offsets = [1856, 0], sizes = [64, 1024], strides = [1, 1]} : vector<4096x1024xf32> to vector<64x1024xf32>
    %mul3A_153 = vector.broadcast %slice3A_151 : vector<1x1024xf32> to vector<64x1024xf32>
    %mul3A_154 = arith.mulf %mul3A_153, %slice3A_152 : vector<64x1024xf32>
    %add3A_155 = arith.addf %add3A_150, %mul3A_154 : vector<64x1024xf32>
    %slice3A_156 = vector.extract_strided_slice %transpose3A_9 {offsets = [30, 0], sizes = [1, 1024], strides = [1, 1]} : vector<128x1024xf32> to vector<1x1024xf32>
    %slice3A_157 = vector.extract_strided_slice %dot_general3A_5 {offsets = [1920, 0], sizes = [64, 1024], strides = [1, 1]} : vector<4096x1024xf32> to vector<64x1024xf32>
    %mul3A_158 = vector.broadcast %slice3A_156 : vector<1x1024xf32> to vector<64x1024xf32>
    %mul3A_159 = arith.mulf %mul3A_158, %slice3A_157 : vector<64x1024xf32>
    %add3A_160 = arith.addf %add3A_155, %mul3A_159 : vector<64x1024xf32>
    %slice3A_161 = vector.extract_strided_slice %transpose3A_9 {offsets = [31, 0], sizes = [1, 1024], strides = [1, 1]} : vector<128x1024xf32> to vector<1x1024xf32>
    %slice3A_162 = vector.extract_strided_slice %dot_general3A_5 {offsets = [1984, 0], sizes = [64, 1024], strides = [1, 1]} : vector<4096x1024xf32> to vector<64x1024xf32>
    %mul3A_163 = vector.broadcast %slice3A_161 : vector<1x1024xf32> to vector<64x1024xf32>
    %mul3A_164 = arith.mulf %mul3A_163, %slice3A_162 : vector<64x1024xf32>
    %add3A_165 = arith.addf %add3A_160, %mul3A_164 : vector<64x1024xf32>
    %slice3A_166 = vector.extract_strided_slice %transpose3A_9 {offsets = [32, 0], sizes = [1, 1024], strides = [1, 1]} : vector<128x1024xf32> to vector<1x1024xf32>
    %slice3A_167 = vector.extract_strided_slice %dot_general3A_5 {offsets = [2048, 0], sizes = [64, 1024], strides = [1, 1]} : vector<4096x1024xf32> to vector<64x1024xf32>
    %mul3A_168 = vector.broadcast %slice3A_166 : vector<1x1024xf32> to vector<64x1024xf32>
    %mul3A_169 = arith.mulf %mul3A_168, %slice3A_167 : vector<64x1024xf32>
    %add3A_170 = arith.addf %add3A_165, %mul3A_169 : vector<64x1024xf32>
    %slice3A_171 = vector.extract_strided_slice %transpose3A_9 {offsets = [33, 0], sizes = [1, 1024], strides = [1, 1]} : vector<128x1024xf32> to vector<1x1024xf32>
    %slice3A_172 = vector.extract_strided_slice %dot_general3A_5 {offsets = [2112, 0], sizes = [64, 1024], strides = [1, 1]} : vector<4096x1024xf32> to vector<64x1024xf32>
    %mul3A_173 = vector.broadcast %slice3A_171 : vector<1x1024xf32> to vector<64x1024xf32>
    %mul3A_174 = arith.mulf %mul3A_173, %slice3A_172 : vector<64x1024xf32>
    %add3A_175 = arith.addf %add3A_170, %mul3A_174 : vector<64x1024xf32>
    %slice3A_176 = vector.extract_strided_slice %transpose3A_9 {offsets = [34, 0], sizes = [1, 1024], strides = [1, 1]} : vector<128x1024xf32> to vector<1x1024xf32>
    %slice3A_177 = vector.extract_strided_slice %dot_general3A_5 {offsets = [2176, 0], sizes = [64, 1024], strides = [1, 1]} : vector<4096x1024xf32> to vector<64x1024xf32>
    %mul3A_178 = vector.broadcast %slice3A_176 : vector<1x1024xf32> to vector<64x1024xf32>
    %mul3A_179 = arith.mulf %mul3A_178, %slice3A_177 : vector<64x1024xf32>
    %add3A_180 = arith.addf %add3A_175, %mul3A_179 : vector<64x1024xf32>
    %slice3A_181 = vector.extract_strided_slice %transpose3A_9 {offsets = [35, 0], sizes = [1, 1024], strides = [1, 1]} : vector<128x1024xf32> to vector<1x1024xf32>
    %slice3A_182 = vector.extract_strided_slice %dot_general3A_5 {offsets = [2240, 0], sizes = [64, 1024], strides = [1, 1]} : vector<4096x1024xf32> to vector<64x1024xf32>
    %mul3A_183 = vector.broadcast %slice3A_181 : vector<1x1024xf32> to vector<64x1024xf32>
    %mul3A_184 = arith.mulf %mul3A_183, %slice3A_182 : vector<64x1024xf32>
    %add3A_185 = arith.addf %add3A_180, %mul3A_184 : vector<64x1024xf32>
    %slice3A_186 = vector.extract_strided_slice %transpose3A_9 {offsets = [36, 0], sizes = [1, 1024], strides = [1, 1]} : vector<128x1024xf32> to vector<1x1024xf32>
    %slice3A_187 = vector.extract_strided_slice %dot_general3A_5 {offsets = [2304, 0], sizes = [64, 1024], strides = [1, 1]} : vector<4096x1024xf32> to vector<64x1024xf32>
    %mul3A_188 = vector.broadcast %slice3A_186 : vector<1x1024xf32> to vector<64x1024xf32>
    %mul3A_189 = arith.mulf %mul3A_188, %slice3A_187 : vector<64x1024xf32>
    %add3A_190 = arith.addf %add3A_185, %mul3A_189 : vector<64x1024xf32>
    %slice3A_191 = vector.extract_strided_slice %transpose3A_9 {offsets = [37, 0], sizes = [1, 1024], strides = [1, 1]} : vector<128x1024xf32> to vector<1x1024xf32>
    %slice3A_192 = vector.extract_strided_slice %dot_general3A_5 {offsets = [2368, 0], sizes = [64, 1024], strides = [1, 1]} : vector<4096x1024xf32> to vector<64x1024xf32>
    %mul3A_193 = vector.broadcast %slice3A_191 : vector<1x1024xf32> to vector<64x1024xf32>
    %mul3A_194 = arith.mulf %mul3A_193, %slice3A_192 : vector<64x1024xf32>
    %add3A_195 = arith.addf %add3A_190, %mul3A_194 : vector<64x1024xf32>
    %slice3A_196 = vector.extract_strided_slice %transpose3A_9 {offsets = [38, 0], sizes = [1, 1024], strides = [1, 1]} : vector<128x1024xf32> to vector<1x1024xf32>
    %slice3A_197 = vector.extract_strided_slice %dot_general3A_5 {offsets = [2432, 0], sizes = [64, 1024], strides = [1, 1]} : vector<4096x1024xf32> to vector<64x1024xf32>
    %mul3A_198 = vector.broadcast %slice3A_196 : vector<1x1024xf32> to vector<64x1024xf32>
    %mul3A_199 = arith.mulf %mul3A_198, %slice3A_197 : vector<64x1024xf32>
    %add3A_200 = arith.addf %add3A_195, %mul3A_199 : vector<64x1024xf32>
    %slice3A_201 = vector.extract_strided_slice %transpose3A_9 {offsets = [39, 0], sizes = [1, 1024], strides = [1, 1]} : vector<128x1024xf32> to vector<1x1024xf32>
    %slice3A_202 = vector.extract_strided_slice %dot_general3A_5 {offsets = [2496, 0], sizes = [64, 1024], strides = [1, 1]} : vector<4096x1024xf32> to vector<64x1024xf32>
    %mul3A_203 = vector.broadcast %slice3A_201 : vector<1x1024xf32> to vector<64x1024xf32>
    %mul3A_204 = arith.mulf %mul3A_203, %slice3A_202 : vector<64x1024xf32>
    %add3A_205 = arith.addf %add3A_200, %mul3A_204 : vector<64x1024xf32>
    %slice3A_206 = vector.extract_strided_slice %transpose3A_9 {offsets = [40, 0], sizes = [1, 1024], strides = [1, 1]} : vector<128x1024xf32> to vector<1x1024xf32>
    %slice3A_207 = vector.extract_strided_slice %dot_general3A_5 {offsets = [2560, 0], sizes = [64, 1024], strides = [1, 1]} : vector<4096x1024xf32> to vector<64x1024xf32>
    %mul3A_208 = vector.broadcast %slice3A_206 : vector<1x1024xf32> to vector<64x1024xf32>
    %mul3A_209 = arith.mulf %mul3A_208, %slice3A_207 : vector<64x1024xf32>
    %add3A_210 = arith.addf %add3A_205, %mul3A_209 : vector<64x1024xf32>
    %slice3A_211 = vector.extract_strided_slice %transpose3A_9 {offsets = [41, 0], sizes = [1, 1024], strides = [1, 1]} : vector<128x1024xf32> to vector<1x1024xf32>
    %slice3A_212 = vector.extract_strided_slice %dot_general3A_5 {offsets = [2624, 0], sizes = [64, 1024], strides = [1, 1]} : vector<4096x1024xf32> to vector<64x1024xf32>
    %mul3A_213 = vector.broadcast %slice3A_211 : vector<1x1024xf32> to vector<64x1024xf32>
    %mul3A_214 = arith.mulf %mul3A_213, %slice3A_212 : vector<64x1024xf32>
    %add3A_215 = arith.addf %add3A_210, %mul3A_214 : vector<64x1024xf32>
    %slice3A_216 = vector.extract_strided_slice %transpose3A_9 {offsets = [42, 0], sizes = [1, 1024], strides = [1, 1]} : vector<128x1024xf32> to vector<1x1024xf32>
    %slice3A_217 = vector.extract_strided_slice %dot_general3A_5 {offsets = [2688, 0], sizes = [64, 1024], strides = [1, 1]} : vector<4096x1024xf32> to vector<64x1024xf32>
    %mul3A_218 = vector.broadcast %slice3A_216 : vector<1x1024xf32> to vector<64x1024xf32>
    %mul3A_219 = arith.mulf %mul3A_218, %slice3A_217 : vector<64x1024xf32>
    %add3A_220 = arith.addf %add3A_215, %mul3A_219 : vector<64x1024xf32>
    %slice3A_221 = vector.extract_strided_slice %transpose3A_9 {offsets = [43, 0], sizes = [1, 1024], strides = [1, 1]} : vector<128x1024xf32> to vector<1x1024xf32>
    %slice3A_222 = vector.extract_strided_slice %dot_general3A_5 {offsets = [2752, 0], sizes = [64, 1024], strides = [1, 1]} : vector<4096x1024xf32> to vector<64x1024xf32>
    %mul3A_223 = vector.broadcast %slice3A_221 : vector<1x1024xf32> to vector<64x1024xf32>
    %mul3A_224 = arith.mulf %mul3A_223, %slice3A_222 : vector<64x1024xf32>
    %add3A_225 = arith.addf %add3A_220, %mul3A_224 : vector<64x1024xf32>
    %slice3A_226 = vector.extract_strided_slice %transpose3A_9 {offsets = [44, 0], sizes = [1, 1024], strides = [1, 1]} : vector<128x1024xf32> to vector<1x1024xf32>
    %slice3A_227 = vector.extract_strided_slice %dot_general3A_5 {offsets = [2816, 0], sizes = [64, 1024], strides = [1, 1]} : vector<4096x1024xf32> to vector<64x1024xf32>
    %mul3A_228 = vector.broadcast %slice3A_226 : vector<1x1024xf32> to vector<64x1024xf32>
    %mul3A_229 = arith.mulf %mul3A_228, %slice3A_227 : vector<64x1024xf32>
    %add3A_230 = arith.addf %add3A_225, %mul3A_229 : vector<64x1024xf32>
    %slice3A_231 = vector.extract_strided_slice %transpose3A_9 {offsets = [45, 0], sizes = [1, 1024], strides = [1, 1]} : vector<128x1024xf32> to vector<1x1024xf32>
    %slice3A_232 = vector.extract_strided_slice %dot_general3A_5 {offsets = [2880, 0], sizes = [64, 1024], strides = [1, 1]} : vector<4096x1024xf32> to vector<64x1024xf32>
    %mul3A_233 = vector.broadcast %slice3A_231 : vector<1x1024xf32> to vector<64x1024xf32>
    %mul3A_234 = arith.mulf %mul3A_233, %slice3A_232 : vector<64x1024xf32>
    %add3A_235 = arith.addf %add3A_230, %mul3A_234 : vector<64x1024xf32>
    %slice3A_236 = vector.extract_strided_slice %transpose3A_9 {offsets = [46, 0], sizes = [1, 1024], strides = [1, 1]} : vector<128x1024xf32> to vector<1x1024xf32>
    %slice3A_237 = vector.extract_strided_slice %dot_general3A_5 {offsets = [2944, 0], sizes = [64, 1024], strides = [1, 1]} : vector<4096x1024xf32> to vector<64x1024xf32>
    %mul3A_238 = vector.broadcast %slice3A_236 : vector<1x1024xf32> to vector<64x1024xf32>
    %mul3A_239 = arith.mulf %mul3A_238, %slice3A_237 : vector<64x1024xf32>
    %add3A_240 = arith.addf %add3A_235, %mul3A_239 : vector<64x1024xf32>
    %slice3A_241 = vector.extract_strided_slice %transpose3A_9 {offsets = [47, 0], sizes = [1, 1024], strides = [1, 1]} : vector<128x1024xf32> to vector<1x1024xf32>
    %slice3A_242 = vector.extract_strided_slice %dot_general3A_5 {offsets = [3008, 0], sizes = [64, 1024], strides = [1, 1]} : vector<4096x1024xf32> to vector<64x1024xf32>
    %mul3A_243 = vector.broadcast %slice3A_241 : vector<1x1024xf32> to vector<64x1024xf32>
    %mul3A_244 = arith.mulf %mul3A_243, %slice3A_242 : vector<64x1024xf32>
    %add3A_245 = arith.addf %add3A_240, %mul3A_244 : vector<64x1024xf32>
    %slice3A_246 = vector.extract_strided_slice %transpose3A_9 {offsets = [48, 0], sizes = [1, 1024], strides = [1, 1]} : vector<128x1024xf32> to vector<1x1024xf32>
    %slice3A_247 = vector.extract_strided_slice %dot_general3A_5 {offsets = [3072, 0], sizes = [64, 1024], strides = [1, 1]} : vector<4096x1024xf32> to vector<64x1024xf32>
    %mul3A_248 = vector.broadcast %slice3A_246 : vector<1x1024xf32> to vector<64x1024xf32>
    %mul3A_249 = arith.mulf %mul3A_248, %slice3A_247 : vector<64x1024xf32>
    %add3A_250 = arith.addf %add3A_245, %mul3A_249 : vector<64x1024xf32>
    %slice3A_251 = vector.extract_strided_slice %transpose3A_9 {offsets = [49, 0], sizes = [1, 1024], strides = [1, 1]} : vector<128x1024xf32> to vector<1x1024xf32>
    %slice3A_252 = vector.extract_strided_slice %dot_general3A_5 {offsets = [3136, 0], sizes = [64, 1024], strides = [1, 1]} : vector<4096x1024xf32> to vector<64x1024xf32>
    %mul3A_253 = vector.broadcast %slice3A_251 : vector<1x1024xf32> to vector<64x1024xf32>
    %mul3A_254 = arith.mulf %mul3A_253, %slice3A_252 : vector<64x1024xf32>
    %add3A_255 = arith.addf %add3A_250, %mul3A_254 : vector<64x1024xf32>
    %slice3A_256 = vector.extract_strided_slice %transpose3A_9 {offsets = [50, 0], sizes = [1, 1024], strides = [1, 1]} : vector<128x1024xf32> to vector<1x1024xf32>
    %slice3A_257 = vector.extract_strided_slice %dot_general3A_5 {offsets = [3200, 0], sizes = [64, 1024], strides = [1, 1]} : vector<4096x1024xf32> to vector<64x1024xf32>
    %mul3A_258 = vector.broadcast %slice3A_256 : vector<1x1024xf32> to vector<64x1024xf32>
    %mul3A_259 = arith.mulf %mul3A_258, %slice3A_257 : vector<64x1024xf32>
    %add3A_260 = arith.addf %add3A_255, %mul3A_259 : vector<64x1024xf32>
    %slice3A_261 = vector.extract_strided_slice %transpose3A_9 {offsets = [51, 0], sizes = [1, 1024], strides = [1, 1]} : vector<128x1024xf32> to vector<1x1024xf32>
    %slice3A_262 = vector.extract_strided_slice %dot_general3A_5 {offsets = [3264, 0], sizes = [64, 1024], strides = [1, 1]} : vector<4096x1024xf32> to vector<64x1024xf32>
    %mul3A_263 = vector.broadcast %slice3A_261 : vector<1x1024xf32> to vector<64x1024xf32>
    %mul3A_264 = arith.mulf %mul3A_263, %slice3A_262 : vector<64x1024xf32>
    %add3A_265 = arith.addf %add3A_260, %mul3A_264 : vector<64x1024xf32>
    %slice3A_266 = vector.extract_strided_slice %transpose3A_9 {offsets = [52, 0], sizes = [1, 1024], strides = [1, 1]} : vector<128x1024xf32> to vector<1x1024xf32>
    %slice3A_267 = vector.extract_strided_slice %dot_general3A_5 {offsets = [3328, 0], sizes = [64, 1024], strides = [1, 1]} : vector<4096x1024xf32> to vector<64x1024xf32>
    %mul3A_268 = vector.broadcast %slice3A_266 : vector<1x1024xf32> to vector<64x1024xf32>
    %mul3A_269 = arith.mulf %mul3A_268, %slice3A_267 : vector<64x1024xf32>
    %add3A_270 = arith.addf %add3A_265, %mul3A_269 : vector<64x1024xf32>
    %slice3A_271 = vector.extract_strided_slice %transpose3A_9 {offsets = [53, 0], sizes = [1, 1024], strides = [1, 1]} : vector<128x1024xf32> to vector<1x1024xf32>
    %slice3A_272 = vector.extract_strided_slice %dot_general3A_5 {offsets = [3392, 0], sizes = [64, 1024], strides = [1, 1]} : vector<4096x1024xf32> to vector<64x1024xf32>
    %mul3A_273 = vector.broadcast %slice3A_271 : vector<1x1024xf32> to vector<64x1024xf32>
    %mul3A_274 = arith.mulf %mul3A_273, %slice3A_272 : vector<64x1024xf32>
    %add3A_275 = arith.addf %add3A_270, %mul3A_274 : vector<64x1024xf32>
    %slice3A_276 = vector.extract_strided_slice %transpose3A_9 {offsets = [54, 0], sizes = [1, 1024], strides = [1, 1]} : vector<128x1024xf32> to vector<1x1024xf32>
    %slice3A_277 = vector.extract_strided_slice %dot_general3A_5 {offsets = [3456, 0], sizes = [64, 1024], strides = [1, 1]} : vector<4096x1024xf32> to vector<64x1024xf32>
    %mul3A_278 = vector.broadcast %slice3A_276 : vector<1x1024xf32> to vector<64x1024xf32>
    %mul3A_279 = arith.mulf %mul3A_278, %slice3A_277 : vector<64x1024xf32>
    %add3A_280 = arith.addf %add3A_275, %mul3A_279 : vector<64x1024xf32>
    %slice3A_281 = vector.extract_strided_slice %transpose3A_9 {offsets = [55, 0], sizes = [1, 1024], strides = [1, 1]} : vector<128x1024xf32> to vector<1x1024xf32>
    %slice3A_282 = vector.extract_strided_slice %dot_general3A_5 {offsets = [3520, 0], sizes = [64, 1024], strides = [1, 1]} : vector<4096x1024xf32> to vector<64x1024xf32>
    %mul3A_283 = vector.broadcast %slice3A_281 : vector<1x1024xf32> to vector<64x1024xf32>
    %mul3A_284 = arith.mulf %mul3A_283, %slice3A_282 : vector<64x1024xf32>
    %add3A_285 = arith.addf %add3A_280, %mul3A_284 : vector<64x1024xf32>
    %slice3A_286 = vector.extract_strided_slice %transpose3A_9 {offsets = [56, 0], sizes = [1, 1024], strides = [1, 1]} : vector<128x1024xf32> to vector<1x1024xf32>
    %slice3A_287 = vector.extract_strided_slice %dot_general3A_5 {offsets = [3584, 0], sizes = [64, 1024], strides = [1, 1]} : vector<4096x1024xf32> to vector<64x1024xf32>
    %mul3A_288 = vector.broadcast %slice3A_286 : vector<1x1024xf32> to vector<64x1024xf32>
    %mul3A_289 = arith.mulf %mul3A_288, %slice3A_287 : vector<64x1024xf32>
    %add3A_290 = arith.addf %add3A_285, %mul3A_289 : vector<64x1024xf32>
    %slice3A_291 = vector.extract_strided_slice %transpose3A_9 {offsets = [57, 0], sizes = [1, 1024], strides = [1, 1]} : vector<128x1024xf32> to vector<1x1024xf32>
    %slice3A_292 = vector.extract_strided_slice %dot_general3A_5 {offsets = [3648, 0], sizes = [64, 1024], strides = [1, 1]} : vector<4096x1024xf32> to vector<64x1024xf32>
    %mul3A_293 = vector.broadcast %slice3A_291 : vector<1x1024xf32> to vector<64x1024xf32>
    %mul3A_294 = arith.mulf %mul3A_293, %slice3A_292 : vector<64x1024xf32>
    %add3A_295 = arith.addf %add3A_290, %mul3A_294 : vector<64x1024xf32>
    %slice3A_296 = vector.extract_strided_slice %transpose3A_9 {offsets = [58, 0], sizes = [1, 1024], strides = [1, 1]} : vector<128x1024xf32> to vector<1x1024xf32>
    %slice3A_297 = vector.extract_strided_slice %dot_general3A_5 {offsets = [3712, 0], sizes = [64, 1024], strides = [1, 1]} : vector<4096x1024xf32> to vector<64x1024xf32>
    %mul3A_298 = vector.broadcast %slice3A_296 : vector<1x1024xf32> to vector<64x1024xf32>
    %mul3A_299 = arith.mulf %mul3A_298, %slice3A_297 : vector<64x1024xf32>
    %add3A_300 = arith.addf %add3A_295, %mul3A_299 : vector<64x1024xf32>
    %slice3A_301 = vector.extract_strided_slice %transpose3A_9 {offsets = [59, 0], sizes = [1, 1024], strides = [1, 1]} : vector<128x1024xf32> to vector<1x1024xf32>
    %slice3A_302 = vector.extract_strided_slice %dot_general3A_5 {offsets = [3776, 0], sizes = [64, 1024], strides = [1, 1]} : vector<4096x1024xf32> to vector<64x1024xf32>
    %mul3A_303 = vector.broadcast %slice3A_301 : vector<1x1024xf32> to vector<64x1024xf32>
    %mul3A_304 = arith.mulf %mul3A_303, %slice3A_302 : vector<64x1024xf32>
    %add3A_305 = arith.addf %add3A_300, %mul3A_304 : vector<64x1024xf32>
    %slice3A_306 = vector.extract_strided_slice %transpose3A_9 {offsets = [60, 0], sizes = [1, 1024], strides = [1, 1]} : vector<128x1024xf32> to vector<1x1024xf32>
    %slice3A_307 = vector.extract_strided_slice %dot_general3A_5 {offsets = [3840, 0], sizes = [64, 1024], strides = [1, 1]} : vector<4096x1024xf32> to vector<64x1024xf32>
    %mul3A_308 = vector.broadcast %slice3A_306 : vector<1x1024xf32> to vector<64x1024xf32>
    %mul3A_309 = arith.mulf %mul3A_308, %slice3A_307 : vector<64x1024xf32>
    %add3A_310 = arith.addf %add3A_305, %mul3A_309 : vector<64x1024xf32>
    %slice3A_311 = vector.extract_strided_slice %transpose3A_9 {offsets = [61, 0], sizes = [1, 1024], strides = [1, 1]} : vector<128x1024xf32> to vector<1x1024xf32>
    %slice3A_312 = vector.extract_strided_slice %dot_general3A_5 {offsets = [3904, 0], sizes = [64, 1024], strides = [1, 1]} : vector<4096x1024xf32> to vector<64x1024xf32>
    %mul3A_313 = vector.broadcast %slice3A_311 : vector<1x1024xf32> to vector<64x1024xf32>
    %mul3A_314 = arith.mulf %mul3A_313, %slice3A_312 : vector<64x1024xf32>
    %add3A_315 = arith.addf %add3A_310, %mul3A_314 : vector<64x1024xf32>
    %slice3A_316 = vector.extract_strided_slice %transpose3A_9 {offsets = [62, 0], sizes = [1, 1024], strides = [1, 1]} : vector<128x1024xf32> to vector<1x1024xf32>
    %slice3A_317 = vector.extract_strided_slice %dot_general3A_5 {offsets = [3968, 0], sizes = [64, 1024], strides = [1, 1]} : vector<4096x1024xf32> to vector<64x1024xf32>
    %mul3A_318 = vector.broadcast %slice3A_316 : vector<1x1024xf32> to vector<64x1024xf32>
    %mul3A_319 = arith.mulf %mul3A_318, %slice3A_317 : vector<64x1024xf32>
    %add3A_320 = arith.addf %add3A_315, %mul3A_319 : vector<64x1024xf32>
    %slice3A_321 = vector.extract_strided_slice %transpose3A_9 {offsets = [63, 0], sizes = [1, 1024], strides = [1, 1]} : vector<128x1024xf32> to vector<1x1024xf32>
    %slice3A_322 = vector.extract_strided_slice %dot_general3A_5 {offsets = [4032, 0], sizes = [64, 1024], strides = [1, 1]} : vector<4096x1024xf32> to vector<64x1024xf32>
    %mul3A_323 = vector.broadcast %slice3A_321 : vector<1x1024xf32> to vector<64x1024xf32>
    %mul3A_324 = arith.mulf %mul3A_323, %slice3A_322 : vector<64x1024xf32>
    %add3A_325 = arith.addf %add3A_320, %mul3A_324 : vector<64x1024xf32>
    %transpose3A_326 = tpu.transpose %add3A_325, [1, 0] : vector<64x1024xf32> -> vector<1024x64xf32>
    %broadcast_in_dim3A = arith.constant 0.000000e+00 : f32
    %broadcast_in_dim3A_327 = vector.broadcast %broadcast_in_dim3A : f32 to vector<1024x64xf32>
    %concatenate3A = tpu.concatenate %transpose3A_326, %broadcast_in_dim3A_327 in 1 : vector<1024x64xf32>, vector<1024x64xf32> -> vector<1024x128xf32>
    %get3A_328 = arith.constant 0 : index
    %get3A_329 = arith.constant 0 : index
    %get3A_330 = vector.load %arg2[%get3A_328, %get3A_329] : memref<1024x128xf32, #tpu.memory_space<vmem>>, vector<1024x128xf32>
    %get3A_331 = arith.constant 0 : index
    %get3A_332 = arith.constant 0 : index
    %get3A_333 = vector.load %arg4[%get3A_331, %get3A_332] : memref<128x128xf32, #tpu.memory_space<vmem>>, vector<128x128xf32>
    %dot_general3A_334 = arith.constant dense<0.000000e+00> : vector<1024x128xf32>
    %dot_general3A_335 = tpu.matmul %get3A_330, %get3A_333, %dot_general3A_334 {dimension_numbers = #tpu.dot_dimension_numbers<[1], [0], [0], [1], [0, 0, 1, 1], [], []>, transpose_lhs_hint = false} : vector<1024x128xf32>, vector<128x128xf32>, vector<1024x128xf32> -> vector<1024x128xf32>
    %add3A_336 = arith.addf %concatenate3A, %dot_general3A_335 : vector<1024x128xf32>
    %swap3A = arith.constant 0 : index
    %swap3A_337 = arith.constant 0 : index
    %swap3A_338 = vector.load %arg5[%swap3A, %swap3A_337] : memref<1024x128xf32, #tpu.memory_space<vmem>>, vector<1024x128xf32>
    tpu.vector_store %arg5[%swap3A, %swap3A_337], %add3A_336 {strides = array<i32>} : memref<1024x128xf32, #tpu.memory_space<vmem>>, vector<1024x128xf32>,
    return
  }
  func.func @transform_0(%arg0: i32) -> (i32, i32) {
    %add3A = arith.constant 80 : i32
    %add3A_0 = arith.addi %arg0, %add3A : i32
    %c0_i32 = arith.constant 0 : i32
    %c0_i32_1 = arith.constant 0 : i32
    return %add3A_0, %c0_i32 : i32, i32
  }
  func.func @transform_1(%arg0: i32) -> (i32, i32) {
    %c0_i32 = arith.constant 0 : i32
    %c0_i32_0 = arith.constant 0 : i32
    return %arg0, %c0_i32 : i32, i32
  }
  func.func @transform_2(%arg0: i32) -> (i32, i32) {
    %c0_i32 = arith.constant 0 : i32
    %c0_i32_0 = arith.constant 0 : i32
    %c0_i32_1 = arith.constant 0 : i32
    return %c0_i32, %c0_i32_0 : i32, i32
  }
  func.func @transform_3(%arg0: i32) -> (i32, i32) {
    %c0_i32 = arith.constant 0 : i32
    %c0_i32_0 = arith.constant 0 : i32
    %c0_i32_1 = arith.constant 0 : i32
    return %c0_i32, %c0_i32_0 : i32, i32
  }
  func.func @transform_4(%arg0: i32) -> (i32, i32) {
    %c0_i32 = arith.constant 0 : i32
    %c0_i32_0 = arith.constant 0 : i32
    return %arg0, %c0_i32 : i32, i32
  }
}

module attributes {stable_mosaic.version = 14 : i64} {
  func.func @_update_body(%arg0: i32, %arg1: memref<2x1280x128xf32, #tpu.memory_space<vmem>>, %arg2: memref<2x1280x128xf32, #tpu.memory_space<vmem>>, %arg3: memref<2x1280x128xf32, #tpu.memory_space<vmem>>, %arg4: memref<1280x128xf32, #tpu.memory_space<vmem>>, %arg5: memref<128x128xf32, #tpu.memory_space<vmem>>, %arg6: memref<1x128xf32, #tpu.memory_space<vmem>>, %arg7: memref<128x128xf32, #tpu.memory_space<vmem>>, %arg8: memref<128x128xf32, #tpu.memory_space<vmem>>, %arg9: memref<1x128xf32, #tpu.memory_space<vmem>>, %arg10: memref<1x128xf32, #tpu.memory_space<vmem>>, %arg11: memref<1280x128xf32, #tpu.memory_space<vmem>>, %arg12: memref<1280x128xf32, #tpu.memory_space<vmem>>, %arg13: memref<1280x128xf32, #tpu.memory_space<vmem>>) attributes {dimension_semantics = [#tpu.dimension_semantics<arbitrary>], iteration_bounds = array<i64: 8>, scalar_prefetch = 0 : i64, scratch_operands = 0 : i64, tpu.core_type = #tpu.core_type<tc>, window_params = [{transform_indices = @transform_0, window_bounds = array<i64: 2, 1280, 128>}, {transform_indices = @transform_1, window_bounds = array<i64: 2, 1280, 128>}, {transform_indices = @transform_2, window_bounds = array<i64: 2, 1280, 128>}, {transform_indices = @transform_3, window_bounds = array<i64: 1280, 128>}, {pipeline_mode = #tpu.pipeline_mode<synchronous>, transform_indices = @transform_4, window_bounds = array<i64: 128, 128>}, {pipeline_mode = #tpu.pipeline_mode<synchronous>, transform_indices = @transform_5, window_bounds = array<i64: 1, 128>}, {pipeline_mode = #tpu.pipeline_mode<synchronous>, transform_indices = @transform_6, window_bounds = array<i64: 128, 128>}, {pipeline_mode = #tpu.pipeline_mode<synchronous>, transform_indices = @transform_7, window_bounds = array<i64: 128, 128>}, {pipeline_mode = #tpu.pipeline_mode<synchronous>, transform_indices = @transform_8, window_bounds = array<i64: 1, 128>}, {pipeline_mode = #tpu.pipeline_mode<synchronous>, transform_indices = @transform_9, window_bounds = array<i64: 1, 128>}, {transform_indices = @transform_10, window_bounds = array<i64: 1280, 128>}, {transform_indices = @transform_11, window_bounds = array<i64: 1280, 128>}, {transform_indices = @transform_12, window_bounds = array<i64: 1280, 128>}]} {
    %get3A = arith.constant 0 : index
    %get3A_0 = arith.constant 0 : index
    %get3A_1 = arith.constant 0 : index
    %get3A_2 = vector.load %arg1[%get3A, %get3A_0, %get3A_1] : memref<2x1280x128xf32, #tpu.memory_space<vmem>>, vector<1x1280x128xf32>
    %get3A_3 = vector.shape_cast %get3A_2 : vector<1x1280x128xf32> to vector<1280x128xf32>
    %get3A_4 = arith.constant 1 : index
    %get3A_5 = arith.constant 0 : index
    %get3A_6 = arith.constant 0 : index
    %get3A_7 = vector.load %arg1[%get3A_4, %get3A_5, %get3A_6] : memref<2x1280x128xf32, #tpu.memory_space<vmem>>, vector<1x1280x128xf32>
    %get3A_8 = vector.shape_cast %get3A_7 : vector<1x1280x128xf32> to vector<1280x128xf32>
    %add3A = arith.addf %get3A_3, %get3A_8 : vector<1280x128xf32>
    %get3A_9 = arith.constant 0 : index
    %get3A_10 = arith.constant 0 : index
    %get3A_11 = arith.constant 0 : index
    %get3A_12 = vector.load %arg2[%get3A_9, %get3A_10, %get3A_11] : memref<2x1280x128xf32, #tpu.memory_space<vmem>>, vector<1x1280x128xf32>
    %get3A_13 = vector.shape_cast %get3A_12 : vector<1x1280x128xf32> to vector<1280x128xf32>
    %get3A_14 = arith.constant 1 : index
    %get3A_15 = arith.constant 0 : index
    %get3A_16 = arith.constant 0 : index
    %get3A_17 = vector.load %arg2[%get3A_14, %get3A_15, %get3A_16] : memref<2x1280x128xf32, #tpu.memory_space<vmem>>, vector<1x1280x128xf32>
    %get3A_18 = vector.shape_cast %get3A_17 : vector<1x1280x128xf32> to vector<1280x128xf32>
    %add3A_19 = arith.addf %get3A_13, %get3A_18 : vector<1280x128xf32>
    %add3A_20 = arith.addf %add3A, %add3A_19 : vector<1280x128xf32>
    %get3A_21 = arith.constant 0 : index
    %get3A_22 = arith.constant 0 : index
    %get3A_23 = arith.constant 0 : index
    %get3A_24 = vector.load %arg3[%get3A_21, %get3A_22, %get3A_23] : memref<2x1280x128xf32, #tpu.memory_space<vmem>>, vector<1x1280x1xf32>
    %get3A_25 = vector.shape_cast %get3A_24 : vector<1x1280x1xf32> to vector<1280x1xf32>
    %get3A_26 = arith.constant 1 : index
    %get3A_27 = arith.constant 0 : index
    %get3A_28 = arith.constant 0 : index
    %get3A_29 = vector.load %arg3[%get3A_26, %get3A_27, %get3A_28] : memref<2x1280x128xf32, #tpu.memory_space<vmem>>, vector<1x1280x1xf32>
    %get3A_30 = vector.shape_cast %get3A_29 : vector<1x1280x1xf32> to vector<1280x1xf32>
    %add3A_31 = arith.addf %get3A_25, %get3A_30 : vector<1280x1xf32>
    %max3A = arith.constant 1.000000e+00 : f32
    %max3A_32 = vector.broadcast %max3A : f32 to vector<1280x1xf32>
    %max3A_33 = arith.maximumf %add3A_31, %max3A_32 : vector<1280x1xf32>
    %div3A = vector.broadcast %max3A_33 : vector<1280x1xf32> to vector<1280x128xf32>
    %div3A_34 = arith.divf %add3A_20, %div3A : vector<1280x128xf32>
    %get3A_35 = arith.constant 0 : index
    %get3A_36 = arith.constant 0 : index
    %get3A_37 = vector.load %arg10[%get3A_35, %get3A_36] : memref<1x128xf32, #tpu.memory_space<vmem>>, vector<1x128xf32>
    %add3A_38 = vector.broadcast %get3A_37 : vector<1x128xf32> to vector<1280x128xf32>
    %add3A_39 = arith.addf %div3A_34, %add3A_38 : vector<1280x128xf32>
    %max3A_40 = arith.constant 0.000000e+00 : f32
    %max3A_41 = vector.broadcast %max3A_40 : f32 to vector<1280x128xf32>
    %max3A_42 = arith.maximumf %add3A_39, %max3A_41 : vector<1280x128xf32>
    %get3A_43 = arith.constant 0 : index
    %get3A_44 = arith.constant 0 : index
    %get3A_45 = vector.load %arg4[%get3A_43, %get3A_44] : memref<1280x128xf32, #tpu.memory_space<vmem>>, vector<1280x128xf32>
    %get3A_46 = arith.constant 0 : index
    %get3A_47 = arith.constant 0 : index
    %get3A_48 = vector.load %arg5[%get3A_46, %get3A_47] : memref<128x128xf32, #tpu.memory_space<vmem>>, vector<128x128xf32>
    %dot_general3A = arith.constant dense<0.000000e+00> : vector<1280x128xf32>
    %dot_general3A_49 = tpu.matmul %get3A_45, %get3A_48, %dot_general3A {dimension_numbers = #tpu.dot_dimension_numbers<[1], [0], [0], [1], [0, 0, 1, 1], [], []>, transpose_lhs_hint = false} : vector<1280x128xf32>, vector<128x128xf32>, vector<1280x128xf32> -> vector<1280x128xf32>
    %get3A_50 = arith.constant 0 : index
    %get3A_51 = arith.constant 0 : index
    %get3A_52 = vector.load %arg6[%get3A_50, %get3A_51] : memref<1x128xf32, #tpu.memory_space<vmem>>, vector<1x128xf32>
    %add3A_53 = vector.broadcast %get3A_52 : vector<1x128xf32> to vector<1280x128xf32>
    %add3A_54 = arith.addf %dot_general3A_49, %add3A_53 : vector<1280x128xf32>
    %max3A_55 = arith.constant 0.000000e+00 : f32
    %max3A_56 = vector.broadcast %max3A_55 : f32 to vector<1280x128xf32>
    %max3A_57 = arith.maximumf %add3A_54, %max3A_56 : vector<1280x128xf32>
    %get3A_58 = arith.constant 0 : index
    %get3A_59 = arith.constant 0 : index
    %get3A_60 = vector.load %arg7[%get3A_58, %get3A_59] : memref<128x128xf32, #tpu.memory_space<vmem>>, vector<128x128xf32>
    %dot_general3A_61 = arith.constant dense<0.000000e+00> : vector<1280x128xf32>
    %dot_general3A_62 = tpu.matmul %max3A_57, %get3A_60, %dot_general3A_61 {dimension_numbers = #tpu.dot_dimension_numbers<[1], [0], [0], [1], [0, 0, 1, 1], [], []>, transpose_lhs_hint = false} : vector<1280x128xf32>, vector<128x128xf32>, vector<1280x128xf32> -> vector<1280x128xf32>
    %get3A_63 = arith.constant 0 : index
    %get3A_64 = arith.constant 0 : index
    %get3A_65 = vector.load %arg8[%get3A_63, %get3A_64] : memref<128x128xf32, #tpu.memory_space<vmem>>, vector<128x128xf32>
    %dot_general3A_66 = arith.constant dense<0.000000e+00> : vector<1280x128xf32>
    %dot_general3A_67 = tpu.matmul %max3A_42, %get3A_65, %dot_general3A_66 {dimension_numbers = #tpu.dot_dimension_numbers<[1], [0], [0], [1], [0, 0, 1, 1], [], []>, transpose_lhs_hint = false} : vector<1280x128xf32>, vector<128x128xf32>, vector<1280x128xf32> -> vector<1280x128xf32>
    %add3A_68 = arith.addf %dot_general3A_62, %dot_general3A_67 : vector<1280x128xf32>
    %get3A_69 = arith.constant 0 : index
    %get3A_70 = arith.constant 0 : index
    %get3A_71 = vector.load %arg9[%get3A_69, %get3A_70] : memref<1x128xf32, #tpu.memory_space<vmem>>, vector<1x128xf32>
    %add3A_72 = vector.broadcast %get3A_71 : vector<1x128xf32> to vector<1280x128xf32>
    %add3A_73 = arith.addf %add3A_68, %add3A_72 : vector<1280x128xf32>
    %max3A_74 = arith.constant 0.000000e+00 : f32
    %max3A_75 = vector.broadcast %max3A_74 : f32 to vector<1280x128xf32>
    %max3A_76 = arith.maximumf %add3A_73, %max3A_75 : vector<1280x128xf32>
    %get3A_77 = arith.constant 0 : index
    %get3A_78 = arith.constant 0 : index
    %get3A_79 = vector.load %arg4[%get3A_77, %get3A_78] : memref<1280x128xf32, #tpu.memory_space<vmem>>, vector<1280x128xf32>
    %add3A_80 = arith.addf %max3A_76, %get3A_79 : vector<1280x128xf32>
    %swap3A = arith.constant 0 : index
    %swap3A_81 = arith.constant 0 : index
    %swap3A_82 = vector.load %arg11[%swap3A, %swap3A_81] : memref<1280x128xf32, #tpu.memory_space<vmem>>, vector<1280x128xf32>
    tpu.vector_store %arg11[%swap3A, %swap3A_81], %add3A_80 {strides = array<i32>} : memref<1280x128xf32, #tpu.memory_space<vmem>>, vector<1280x128xf32>,
    %swap3A_83 = arith.constant 0 : index
    %swap3A_84 = arith.constant 0 : index
    %swap3A_85 = vector.load %arg12[%swap3A_83, %swap3A_84] : memref<1280x128xf32, #tpu.memory_space<vmem>>, vector<1280x128xf32>
    tpu.vector_store %arg12[%swap3A_83, %swap3A_84], %max3A_57 {strides = array<i32>} : memref<1280x128xf32, #tpu.memory_space<vmem>>, vector<1280x128xf32>,
    %max3A_86 = arith.constant 0.000000e+00 : f32
    %max3A_87 = vector.broadcast %max3A_86 : f32 to vector<1280x128xf32>
    %max3A_88 = arith.maximumf %add3A_80, %max3A_87 : vector<1280x128xf32>
    %swap3A_89 = arith.constant 0 : index
    %swap3A_90 = arith.constant 0 : index
    %swap3A_91 = vector.load %arg13[%swap3A_89, %swap3A_90] : memref<1280x128xf32, #tpu.memory_space<vmem>>, vector<1280x128xf32>
    tpu.vector_store %arg13[%swap3A_89, %swap3A_90], %max3A_88 {strides = array<i32>} : memref<1280x128xf32, #tpu.memory_space<vmem>>, vector<1280x128xf32>,
    return
  }
  func.func @transform_0(%arg0: i32) -> (i32, i32, i32) {
    %c0_i32 = arith.constant 0 : i32
    %c0_i32_0 = arith.constant 0 : i32
    %c0_i32_1 = arith.constant 0 : i32
    return %c0_i32, %arg0, %c0_i32_0 : i32, i32, i32
  }
  func.func @transform_1(%arg0: i32) -> (i32, i32, i32) {
    %c0_i32 = arith.constant 0 : i32
    %c0_i32_0 = arith.constant 0 : i32
    %c0_i32_1 = arith.constant 0 : i32
    return %c0_i32, %arg0, %c0_i32_0 : i32, i32, i32
  }
  func.func @transform_2(%arg0: i32) -> (i32, i32, i32) {
    %c0_i32 = arith.constant 0 : i32
    %c0_i32_0 = arith.constant 0 : i32
    %c0_i32_1 = arith.constant 0 : i32
    return %c0_i32, %arg0, %c0_i32_0 : i32, i32, i32
  }
  func.func @transform_3(%arg0: i32) -> (i32, i32) {
    %c0_i32 = arith.constant 0 : i32
    %c0_i32_0 = arith.constant 0 : i32
    return %arg0, %c0_i32 : i32, i32
  }
  func.func @transform_4(%arg0: i32) -> (i32, i32) {
    %c0_i32 = arith.constant 0 : i32
    %c0_i32_0 = arith.constant 0 : i32
    %c0_i32_1 = arith.constant 0 : i32
    return %c0_i32, %c0_i32_0 : i32, i32
  }
  func.func @transform_5(%arg0: i32) -> (i32, i32) {
    %c0_i32 = arith.constant 0 : i32
    %c0_i32_0 = arith.constant 0 : i32
    %c0_i32_1 = arith.constant 0 : i32
    return %c0_i32, %c0_i32_0 : i32, i32
  }
  func.func @transform_6(%arg0: i32) -> (i32, i32) {
    %c0_i32 = arith.constant 0 : i32
    %c0_i32_0 = arith.constant 0 : i32
    %c0_i32_1 = arith.constant 0 : i32
    return %c0_i32, %c0_i32_0 : i32, i32
  }
  func.func @transform_7(%arg0: i32) -> (i32, i32) {
    %c0_i32 = arith.constant 0 : i32
    %c0_i32_0 = arith.constant 0 : i32
    %c0_i32_1 = arith.constant 0 : i32
    return %c0_i32, %c0_i32_0 : i32, i32
  }
  func.func @transform_8(%arg0: i32) -> (i32, i32) {
    %c0_i32 = arith.constant 0 : i32
    %c0_i32_0 = arith.constant 0 : i32
    %c0_i32_1 = arith.constant 0 : i32
    return %c0_i32, %c0_i32_0 : i32, i32
  }
  func.func @transform_9(%arg0: i32) -> (i32, i32) {
    %c0_i32 = arith.constant 0 : i32
    %c0_i32_0 = arith.constant 0 : i32
    %c0_i32_1 = arith.constant 0 : i32
    return %c0_i32, %c0_i32_0 : i32, i32
  }
  func.func @transform_10(%arg0: i32) -> (i32, i32) {
    %c0_i32 = arith.constant 0 : i32
    %c0_i32_0 = arith.constant 0 : i32
    return %arg0, %c0_i32 : i32, i32
  }
  func.func @transform_11(%arg0: i32) -> (i32, i32) {
    %c0_i32 = arith.constant 0 : i32
    %c0_i32_0 = arith.constant 0 : i32
    return %arg0, %c0_i32 : i32, i32
  }
  func.func @transform_12(%arg0: i32) -> (i32, i32) {
    %c0_i32 = arith.constant 0 : i32
    %c0_i32_0 = arith.constant 0 : i32
    return %arg0, %c0_i32 : i32, i32
  }
}

module attributes {stable_mosaic.version = 14 : i64} {
  func.func @_update_body(%arg0: i32, %arg1: memref<2x1280x128xf32, #tpu.memory_space<vmem>>, %arg2: memref<2x1280x128xf32, #tpu.memory_space<vmem>>, %arg3: memref<2x1280x128xf32, #tpu.memory_space<vmem>>, %arg4: memref<1280x128xf32, #tpu.memory_space<vmem>>, %arg5: memref<128x128xf32, #tpu.memory_space<vmem>>, %arg6: memref<1x128xf32, #tpu.memory_space<vmem>>, %arg7: memref<128x128xf32, #tpu.memory_space<vmem>>, %arg8: memref<128x128xf32, #tpu.memory_space<vmem>>, %arg9: memref<1x128xf32, #tpu.memory_space<vmem>>, %arg10: memref<1x128xf32, #tpu.memory_space<vmem>>, %arg11: memref<1280x128xf32, #tpu.memory_space<vmem>>, %arg12: memref<1280x128xf32, #tpu.memory_space<vmem>>, %arg13: memref<1280x128xf32, #tpu.memory_space<vmem>>) attributes {dimension_semantics = [#tpu.dimension_semantics<arbitrary>], iteration_bounds = array<i64: 8>, scalar_prefetch = 0 : i64, scratch_operands = 0 : i64, tpu.core_type = #tpu.core_type<tc>, window_params = [{transform_indices = @transform_0, window_bounds = array<i64: 2, 1280, 128>}, {transform_indices = @transform_1, window_bounds = array<i64: 2, 1280, 128>}, {transform_indices = @transform_2, window_bounds = array<i64: 2, 1280, 128>}, {transform_indices = @transform_3, window_bounds = array<i64: 1280, 128>}, {pipeline_mode = #tpu.pipeline_mode<synchronous>, transform_indices = @transform_4, window_bounds = array<i64: 128, 128>}, {pipeline_mode = #tpu.pipeline_mode<synchronous>, transform_indices = @transform_5, window_bounds = array<i64: 1, 128>}, {pipeline_mode = #tpu.pipeline_mode<synchronous>, transform_indices = @transform_6, window_bounds = array<i64: 128, 128>}, {pipeline_mode = #tpu.pipeline_mode<synchronous>, transform_indices = @transform_7, window_bounds = array<i64: 128, 128>}, {pipeline_mode = #tpu.pipeline_mode<synchronous>, transform_indices = @transform_8, window_bounds = array<i64: 1, 128>}, {pipeline_mode = #tpu.pipeline_mode<synchronous>, transform_indices = @transform_9, window_bounds = array<i64: 1, 128>}, {transform_indices = @transform_10, window_bounds = array<i64: 1280, 128>}, {transform_indices = @transform_11, window_bounds = array<i64: 1280, 128>}, {transform_indices = @transform_12, window_bounds = array<i64: 1280, 128>}]} {
    %get3A = arith.constant 0 : index
    %get3A_0 = arith.constant 0 : index
    %get3A_1 = arith.constant 0 : index
    %get3A_2 = vector.load %arg1[%get3A, %get3A_0, %get3A_1] : memref<2x1280x128xf32, #tpu.memory_space<vmem>>, vector<1x1280x128xf32>
    %get3A_3 = vector.shape_cast %get3A_2 : vector<1x1280x128xf32> to vector<1280x128xf32>
    %get3A_4 = arith.constant 1 : index
    %get3A_5 = arith.constant 0 : index
    %get3A_6 = arith.constant 0 : index
    %get3A_7 = vector.load %arg1[%get3A_4, %get3A_5, %get3A_6] : memref<2x1280x128xf32, #tpu.memory_space<vmem>>, vector<1x1280x128xf32>
    %get3A_8 = vector.shape_cast %get3A_7 : vector<1x1280x128xf32> to vector<1280x128xf32>
    %add3A = arith.addf %get3A_3, %get3A_8 : vector<1280x128xf32>
    %get3A_9 = arith.constant 0 : index
    %get3A_10 = arith.constant 0 : index
    %get3A_11 = arith.constant 0 : index
    %get3A_12 = vector.load %arg2[%get3A_9, %get3A_10, %get3A_11] : memref<2x1280x128xf32, #tpu.memory_space<vmem>>, vector<1x1280x128xf32>
    %get3A_13 = vector.shape_cast %get3A_12 : vector<1x1280x128xf32> to vector<1280x128xf32>
    %get3A_14 = arith.constant 1 : index
    %get3A_15 = arith.constant 0 : index
    %get3A_16 = arith.constant 0 : index
    %get3A_17 = vector.load %arg2[%get3A_14, %get3A_15, %get3A_16] : memref<2x1280x128xf32, #tpu.memory_space<vmem>>, vector<1x1280x128xf32>
    %get3A_18 = vector.shape_cast %get3A_17 : vector<1x1280x128xf32> to vector<1280x128xf32>
    %add3A_19 = arith.addf %get3A_13, %get3A_18 : vector<1280x128xf32>
    %add3A_20 = arith.addf %add3A, %add3A_19 : vector<1280x128xf32>
    %get3A_21 = arith.constant 0 : index
    %get3A_22 = arith.constant 0 : index
    %get3A_23 = arith.constant 0 : index
    %get3A_24 = vector.load %arg3[%get3A_21, %get3A_22, %get3A_23] : memref<2x1280x128xf32, #tpu.memory_space<vmem>>, vector<1x1280x1xf32>
    %get3A_25 = vector.shape_cast %get3A_24 : vector<1x1280x1xf32> to vector<1280x1xf32>
    %get3A_26 = arith.constant 1 : index
    %get3A_27 = arith.constant 0 : index
    %get3A_28 = arith.constant 0 : index
    %get3A_29 = vector.load %arg3[%get3A_26, %get3A_27, %get3A_28] : memref<2x1280x128xf32, #tpu.memory_space<vmem>>, vector<1x1280x1xf32>
    %get3A_30 = vector.shape_cast %get3A_29 : vector<1x1280x1xf32> to vector<1280x1xf32>
    %add3A_31 = arith.addf %get3A_25, %get3A_30 : vector<1280x1xf32>
    %max3A = arith.constant 1.000000e+00 : f32
    %max3A_32 = vector.broadcast %max3A : f32 to vector<1280x1xf32>
    %max3A_33 = arith.maximumf %add3A_31, %max3A_32 : vector<1280x1xf32>
    %div3A = vector.broadcast %max3A_33 : vector<1280x1xf32> to vector<1280x128xf32>
    %div3A_34 = arith.divf %add3A_20, %div3A : vector<1280x128xf32>
    %get3A_35 = arith.constant 0 : index
    %get3A_36 = arith.constant 0 : index
    %get3A_37 = vector.load %arg10[%get3A_35, %get3A_36] : memref<1x128xf32, #tpu.memory_space<vmem>>, vector<1x128xf32>
    %add3A_38 = vector.broadcast %get3A_37 : vector<1x128xf32> to vector<1280x128xf32>
    %add3A_39 = arith.addf %div3A_34, %add3A_38 : vector<1280x128xf32>
    %max3A_40 = arith.constant 0.000000e+00 : f32
    %max3A_41 = vector.broadcast %max3A_40 : f32 to vector<1280x128xf32>
    %max3A_42 = arith.maximumf %add3A_39, %max3A_41 : vector<1280x128xf32>
    %get3A_43 = arith.constant 0 : index
    %get3A_44 = arith.constant 0 : index
    %get3A_45 = vector.load %arg4[%get3A_43, %get3A_44] : memref<1280x128xf32, #tpu.memory_space<vmem>>, vector<1280x128xf32>
    %get3A_46 = arith.constant 0 : index
    %get3A_47 = arith.constant 0 : index
    %get3A_48 = vector.load %arg5[%get3A_46, %get3A_47] : memref<128x128xf32, #tpu.memory_space<vmem>>, vector<128x128xf32>
    %dot_general3A = arith.constant dense<0.000000e+00> : vector<1280x128xf32>
    %dot_general3A_49 = tpu.matmul %get3A_45, %get3A_48, %dot_general3A {dimension_numbers = #tpu.dot_dimension_numbers<[1], [0], [0], [1], [0, 0, 1, 1], [], []>, transpose_lhs_hint = false} : vector<1280x128xf32>, vector<128x128xf32>, vector<1280x128xf32> -> vector<1280x128xf32>
    %get3A_50 = arith.constant 0 : index
    %get3A_51 = arith.constant 0 : index
    %get3A_52 = vector.load %arg6[%get3A_50, %get3A_51] : memref<1x128xf32, #tpu.memory_space<vmem>>, vector<1x128xf32>
    %add3A_53 = vector.broadcast %get3A_52 : vector<1x128xf32> to vector<1280x128xf32>
    %add3A_54 = arith.addf %dot_general3A_49, %add3A_53 : vector<1280x128xf32>
    %max3A_55 = arith.constant 0.000000e+00 : f32
    %max3A_56 = vector.broadcast %max3A_55 : f32 to vector<1280x128xf32>
    %max3A_57 = arith.maximumf %add3A_54, %max3A_56 : vector<1280x128xf32>
    %get3A_58 = arith.constant 0 : index
    %get3A_59 = arith.constant 0 : index
    %get3A_60 = vector.load %arg7[%get3A_58, %get3A_59] : memref<128x128xf32, #tpu.memory_space<vmem>>, vector<128x128xf32>
    %dot_general3A_61 = arith.constant dense<0.000000e+00> : vector<1280x128xf32>
    %dot_general3A_62 = tpu.matmul %max3A_57, %get3A_60, %dot_general3A_61 {dimension_numbers = #tpu.dot_dimension_numbers<[1], [0], [0], [1], [0, 0, 1, 1], [], []>, transpose_lhs_hint = false} : vector<1280x128xf32>, vector<128x128xf32>, vector<1280x128xf32> -> vector<1280x128xf32>
    %get3A_63 = arith.constant 0 : index
    %get3A_64 = arith.constant 0 : index
    %get3A_65 = vector.load %arg8[%get3A_63, %get3A_64] : memref<128x128xf32, #tpu.memory_space<vmem>>, vector<128x128xf32>
    %dot_general3A_66 = arith.constant dense<0.000000e+00> : vector<1280x128xf32>
    %dot_general3A_67 = tpu.matmul %max3A_42, %get3A_65, %dot_general3A_66 {dimension_numbers = #tpu.dot_dimension_numbers<[1], [0], [0], [1], [0, 0, 1, 1], [], []>, transpose_lhs_hint = false} : vector<1280x128xf32>, vector<128x128xf32>, vector<1280x128xf32> -> vector<1280x128xf32>
    %add3A_68 = arith.addf %dot_general3A_62, %dot_general3A_67 : vector<1280x128xf32>
    %get3A_69 = arith.constant 0 : index
    %get3A_70 = arith.constant 0 : index
    %get3A_71 = vector.load %arg9[%get3A_69, %get3A_70] : memref<1x128xf32, #tpu.memory_space<vmem>>, vector<1x128xf32>
    %add3A_72 = vector.broadcast %get3A_71 : vector<1x128xf32> to vector<1280x128xf32>
    %add3A_73 = arith.addf %add3A_68, %add3A_72 : vector<1280x128xf32>
    %max3A_74 = arith.constant 0.000000e+00 : f32
    %max3A_75 = vector.broadcast %max3A_74 : f32 to vector<1280x128xf32>
    %max3A_76 = arith.maximumf %add3A_73, %max3A_75 : vector<1280x128xf32>
    %get3A_77 = arith.constant 0 : index
    %get3A_78 = arith.constant 0 : index
    %get3A_79 = vector.load %arg4[%get3A_77, %get3A_78] : memref<1280x128xf32, #tpu.memory_space<vmem>>, vector<1280x128xf32>
    %add3A_80 = arith.addf %max3A_76, %get3A_79 : vector<1280x128xf32>
    %swap3A = arith.constant 0 : index
    %swap3A_81 = arith.constant 0 : index
    %swap3A_82 = vector.load %arg11[%swap3A, %swap3A_81] : memref<1280x128xf32, #tpu.memory_space<vmem>>, vector<1280x128xf32>
    tpu.vector_store %arg11[%swap3A, %swap3A_81], %add3A_80 {strides = array<i32>} : memref<1280x128xf32, #tpu.memory_space<vmem>>, vector<1280x128xf32>,
    %swap3A_83 = arith.constant 0 : index
    %swap3A_84 = arith.constant 0 : index
    %swap3A_85 = vector.load %arg12[%swap3A_83, %swap3A_84] : memref<1280x128xf32, #tpu.memory_space<vmem>>, vector<1280x128xf32>
    tpu.vector_store %arg12[%swap3A_83, %swap3A_84], %max3A_57 {strides = array<i32>} : memref<1280x128xf32, #tpu.memory_space<vmem>>, vector<1280x128xf32>,
    %max3A_86 = arith.constant 0.000000e+00 : f32
    %max3A_87 = vector.broadcast %max3A_86 : f32 to vector<1280x128xf32>
    %max3A_88 = arith.maximumf %add3A_80, %max3A_87 : vector<1280x128xf32>
    %swap3A_89 = arith.constant 0 : index
    %swap3A_90 = arith.constant 0 : index
    %swap3A_91 = vector.load %arg13[%swap3A_89, %swap3A_90] : memref<1280x128xf32, #tpu.memory_space<vmem>>, vector<1280x128xf32>
    tpu.vector_store %arg13[%swap3A_89, %swap3A_90], %max3A_88 {strides = array<i32>} : memref<1280x128xf32, #tpu.memory_space<vmem>>, vector<1280x128xf32>,
    return
  }
  func.func @transform_0(%arg0: i32) -> (i32, i32, i32) {
    %c0_i32 = arith.constant 0 : i32
    %c0_i32_0 = arith.constant 0 : i32
    %c0_i32_1 = arith.constant 0 : i32
    return %c0_i32, %arg0, %c0_i32_0 : i32, i32, i32
  }
  func.func @transform_1(%arg0: i32) -> (i32, i32, i32) {
    %c0_i32 = arith.constant 0 : i32
    %c0_i32_0 = arith.constant 0 : i32
    %c0_i32_1 = arith.constant 0 : i32
    return %c0_i32, %arg0, %c0_i32_0 : i32, i32, i32
  }
  func.func @transform_2(%arg0: i32) -> (i32, i32, i32) {
    %c0_i32 = arith.constant 0 : i32
    %c0_i32_0 = arith.constant 0 : i32
    %c0_i32_1 = arith.constant 0 : i32
    return %c0_i32, %arg0, %c0_i32_0 : i32, i32, i32
  }
  func.func @transform_3(%arg0: i32) -> (i32, i32) {
    %c0_i32 = arith.constant 0 : i32
    %c0_i32_0 = arith.constant 0 : i32
    return %arg0, %c0_i32 : i32, i32
  }
  func.func @transform_4(%arg0: i32) -> (i32, i32) {
    %c0_i32 = arith.constant 0 : i32
    %c0_i32_0 = arith.constant 0 : i32
    %c0_i32_1 = arith.constant 0 : i32
    return %c0_i32, %c0_i32_0 : i32, i32
  }
  func.func @transform_5(%arg0: i32) -> (i32, i32) {
    %c0_i32 = arith.constant 0 : i32
    %c0_i32_0 = arith.constant 0 : i32
    %c0_i32_1 = arith.constant 0 : i32
    return %c0_i32, %c0_i32_0 : i32, i32
  }
  func.func @transform_6(%arg0: i32) -> (i32, i32) {
    %c0_i32 = arith.constant 0 : i32
    %c0_i32_0 = arith.constant 0 : i32
    %c0_i32_1 = arith.constant 0 : i32
    return %c0_i32, %c0_i32_0 : i32, i32
  }
  func.func @transform_7(%arg0: i32) -> (i32, i32) {
    %c0_i32 = arith.constant 0 : i32
    %c0_i32_0 = arith.constant 0 : i32
    %c0_i32_1 = arith.constant 0 : i32
    return %c0_i32, %c0_i32_0 : i32, i32
  }
  func.func @transform_8(%arg0: i32) -> (i32, i32) {
    %c0_i32 = arith.constant 0 : i32
    %c0_i32_0 = arith.constant 0 : i32
    %c0_i32_1 = arith.constant 0 : i32
    return %c0_i32, %c0_i32_0 : i32, i32
  }
  func.func @transform_9(%arg0: i32) -> (i32, i32) {
    %c0_i32 = arith.constant 0 : i32
    %c0_i32_0 = arith.constant 0 : i32
    %c0_i32_1 = arith.constant 0 : i32
    return %c0_i32, %c0_i32_0 : i32, i32
  }
  func.func @transform_10(%arg0: i32) -> (i32, i32) {
    %c0_i32 = arith.constant 0 : i32
    %c0_i32_0 = arith.constant 0 : i32
    return %arg0, %c0_i32 : i32, i32
  }
  func.func @transform_11(%arg0: i32) -> (i32, i32) {
    %c0_i32 = arith.constant 0 : i32
    %c0_i32_0 = arith.constant 0 : i32
    return %arg0, %c0_i32 : i32, i32
  }
  func.func @transform_12(%arg0: i32) -> (i32, i32) {
    %c0_i32 = arith.constant 0 : i32
    %c0_i32_0 = arith.constant 0 : i32
    return %arg0, %c0_i32 : i32, i32
  }
}

</mosaic_0001>

<sc_bundles>
// kernel: kernel.19.cloned.1.call-start
scs
__scs_entry_jumppad:
0x0: {  	(pc) =	sbr.rel $0x88, $3  }
0x1: {  	(tag) =	ssettag $0x0;
	lr =	simm.s32 $0x1  }
0x2: {  	[smem:$0x3F93] =	sst lr;
	_ =	strace $0xD0000000  }
0x3: {  	_ = 	snop  }
0x4: {  	_ = 	snop  }
0x5: {  	_ = 	snop  }
0x6: {  	_ = 	snop  }
0x7: {  	_ = 	snop  }
__scs_overlays_trampoline_lowered:
0x8: {  	[smem:$0x3FA2] =	sst s0  }
0x9: {  	[smem:$0x3FA3] =	sst s1  }
0xa: {  	[smem:$0x3FA4] =	sst s2  }
0xb: {  	[smem:$0x3FA5] =	sst s3  }
0xc: {  	[smem:$0x3FA6] =	sst s4  }
0xd: {  	[smem:$0x3FA7] =	sst s5  }
0xe: {  	[smem:$0x3FA8] =	sst s6  }
0xf: {  	[smem:$0x3FA9] =	sst s7  }
0x10: {  	[smem:$0x3FAA] =	sst s8  }
0x11: {  	[smem:$0x3FAB] =	sst s9;
	s0 =	simm.s32 @!p0 $0x0  }
0x12: {  	s1 =	sld [smem:$0x3F91];
	s0 =	simm.s32 @p0 $0x1  }
0x13: {  	[smem:$0x3FAC] =	sst s0;
	s0 =	simm.s32 @!p1 $0x0  }
0x14: {  	s2 =	sld [smem:$0x3F90];
	s0 =	simm.s32 @p1 $0x1  }
0x15: {  	[smem:$0x3FAD] =	sst s0;
	s0 =	simm.s32 @!p2 $0x0  }
0x16: {  	s3 =	sld [smem:$0x3FDB];
	s0 =	simm.s32 @p2 $0x1  }
0x17: {  	s4 =	simm.s32 $0x1BF5;
	[smem:$0x3FAF] =	sst s0  }
0x18: {  	s0 =	sld [smem:$0x3F92];
	_ =	swait.ge [sflag:s4], $0x0  }
0x19: {  	s7 =	sld [smem:$0x3F93]  }
0x1a: {  	s8 =	sadd.s32 $0xFFFFE003, lr  }
0x1b: {  	s9 =	sadd.s32 $0xFFFFFEF7, lr;
	s5 =	simm.s32 $0xFFFFFFFF;
	p2 =	slt.u32 s8, $0xFFFFF086  }
0x1c: {  	p1 =	slt.u32 s9, $0xF7A;
	s5 =	simm.s32 @!p2 $0x0  }
0x1d: {  	s5 =	simm.s32 @p1 $0x1;
	p0 =	seq.s32 s7, s2  }
0x1e: {  	s7 =	smul.u32 @!p0 $0xF7A, s2;
	p2 =	seq.s32 @!p0 s5, $0x0  }
0x1f: {  	s9 =	smul.u32 $0xF7A, s1;
	s8 =	simm.s32 @!p0 $0x1BF5;
	p2 =	por !p2, p0  }
0x20: {  	[sflag:s8] =	ssyncset.s32 @!p0 $0xFFFFF086;
	s6 =	sadd.s32 @!p0 s3, s7;
	s7 =	simm.s32 @!p0 $0x108  }
0x21: {  	s3 =	sadd.s32 s3, s9;
	s6 =	sadd.s32 @!p0 $0x88, s6;
	s7 =	simm.s32 @p2 $0x1082  }
0x22: {  	[simem:s7], [sflag:s8] =	dma.local @!p0 [hbm:s6], $0xF7A  }
0x23: {  	s9 =	sor.u32 $0xD0000000, s2;
	s6 =	simm.s32 $0x108;
	_ =	swait.ge @!p0 [sflag:s8], $0x0  }
0x24: {  	s3 =	sadd.s32 $0x88, s3;
	s6 =	simm.s32 @!p1 $0x1082;
	[sflag:s4] =	ssyncset.s32 $0xFFFFF086  }
0x25: {  	[simem:s6], [sflag:s4] =	dma.local [hbm:s3], $0xF7A  }
0x26: {  	[smem:$0x3F93] =	sst s1;
	(tag) =	ssettag s2;
	_ =	strace s9  }
0x27: {  	s1 =	sld [smem:$0x3FA3]  }
0x28: {  	s2 =	sld [smem:$0x3FA4]  }
0x29: {  	s4 =	sld [smem:$0x3FA6]  }
0x2a: {  	p0 =	seq.s32 s5, $0x0;
	s5 =	sld [smem:$0x3FA7]  }
0x2b: {  	s6 =	sld [smem:$0x3FA8]  }
0x2c: {  	s7 =	sld [smem:$0x3FA9]  }
0x2d: {  	s3 =	simm.s32 $0x108;
	s8 =	sld [smem:$0x3FAA]  }
0x2e: {  	s3 =	simm.s32 @!p0 $0x1082;
	s9 =	sld [smem:$0x3FAB]  }
0x2f: {  	lr =	sadd.s32 s0, s3;
	s0 =	sld [smem:$0x3FA2]  }
0x30: {  	s3 =	sld [smem:$0x3FA5]  }
0x31: {  	[smem:$0x3FAE] =	sst s10  }
0x32: {  	s10 =	sld [smem:$0x3FAC];
	_ =	sdelay $0x3  }
0x33: {  	p0 =	seq.s32 s10, $0x1;
	s10 =	sld [smem:$0x3FAE];
	_ =	sdelay $0x3  }
0x34: {  	[smem:$0x3FAE] =	sst s10  }
0x35: {  	s10 =	sld [smem:$0x3FAD];
	_ =	sdelay $0x3  }
0x36: {  	p1 =	seq.s32 s10, $0x1;
	s10 =	sld [smem:$0x3FAE];
	_ =	sdelay $0x3  }
0x37: {  	[smem:$0x3FAE] =	sst s10  }
0x38: {  	s10 =	sld [smem:$0x3FAF]  }
0x39: {  	_ = 	snop;
	(pc) =	sbr.ind lr, $3  }
0x3a: {  	_ = 	snop  }
0x3b: {  	_ = 	snop  }
0x3c: {  	p2 =	seq.s32 s10, $0x1;
	s10 =	sld [smem:$0x3FAE]  }
0x3d: {  	_ =	shalt  }
0x3e: {  	_ =	shalt  }
0x3f: {  	_ =	shalt  }
0x40: {  	_ =	shalt  }
0x41: {  	_ =	shalt  }
0x42: {  	_ =	shalt  }
0x43: {  	_ =	shalt  }
0x44: {  	_ =	shalt  }
0x45: {  	_ =	shalt  }
0x46: {  	_ =	shalt  }
0x47: {  	_ =	shalt  }
0x48: {  	_ =	shalt  }
0x49: {  	_ =	shalt  }
0x4a: {  	_ =	shalt  }
0x4b: {  	_ =	shalt  }
0x4c: {  	_ =	shalt  }
0x4d: {  	_ =	shalt  }
0x4e: {  	_ =	shalt  }
0x4f: {  	_ =	shalt  }
0x50: {  	_ =	shalt  }
0x51: {  	_ =	shalt  }
0x52: {  	_ =	shalt  }
0x53: {  	_ =	shalt  }
0x54: {  	_ =	shalt  }
0x55: {  	_ =	shalt  }
0x56: {  	_ =	shalt  }
0x57: {  	_ =	shalt  }
0x58: {  	_ =	shalt  }
0x59: {  	_ =	shalt  }
0x5a: {  	_ =	shalt  }
0x5b: {  	_ =	shalt  }
0x5c: {  	_ =	shalt  }
0x5d: {  	_ =	shalt  }
0x5e: {  	_ =	shalt  }
0x5f: {  	_ =	shalt  }
0x60: {  	_ =	shalt  }
0x61: {  	_ =	shalt  }
0x62: {  	_ =	shalt  }
0x63: {  	_ =	shalt  }
0x64: {  	_ =	shalt  }
0x65: {  	_ =	shalt  }
0x66: {  	_ =	shalt  }
0x67: {  	_ =	shalt  }
0x68: {  	_ =	shalt  }
0x69: {  	_ =	shalt  }
0x6a: {  	_ =	shalt  }
0x6b: {  	_ =	shalt  }
0x6c: {  	_ =	shalt  }
0x6d: {  	_ =	shalt  }
0x6e: {  	_ =	shalt  }
0x6f: {  	_ =	shalt  }
0x70: {  	_ =	shalt  }
0x71: {  	_ =	shalt  }
0x72: {  	_ =	shalt  }
0x73: {  	_ =	shalt  }
0x74: {  	_ =	shalt  }
0x75: {  	_ =	shalt  }
0x76: {  	_ =	shalt  }
0x77: {  	_ =	shalt  }
0x78: {  	_ =	shalt  }
0x79: {  	_ =	shalt  }
0x7a: {  	_ =	shalt  }
0x7b: {  	_ =	shalt  }
0x7c: {  	_ =	shalt  }
0x7d: {  	_ =	shalt  }
0x7e: {  	_ =	shalt  }
0x7f: {  	_ =	shalt  }
0x80: {  	_ =	shalt  }
0x81: {  	_ =	shalt  }
0x82: {  	_ =	shalt  }
0x83: {  	_ =	shalt  }
0x84: {  	_ =	shalt  }
0x85: {  	_ =	shalt  }
0x86: {  	_ =	shalt  }
0x87: {  	_ =	shalt  }
.Lfunc_end0:
.L_simem_size_0:
called_computation_lowered:
.L_overlay_start_0:
0x88: {  	s2 =	sld [smem:$0x3FD9]  }
0x89: {  	s3 =	sld [smem:$0x3FFE];
	_ =	sdelay $0x1  }
0x8a: {  	s1 =	srdreg.scid  }
0x8b: {  	s0 =	sand.u32 $0x1, s1  }
0x8c: {  	s17 =	sshll.u32 s0, $0xA;
	s2 =	sadd.s32 s3, s2  }
0x8d: {  	s2 =	sadd.s32 s2, s17  }
0x8e: {  	[smem:$0x3FBA] =	sst s2  }
0x8f: {  	_ = 	snop  }
0x90: {  	(tm) =	ssettm $0x1  }
0x91: {  	s18 =	sld [smem:$0x3FFB];
	_ =	sdelay $0x3  }
0x92: {  	_ =	strace s18  }
0x93: {  	s2 =	sld [smem:$0x3FFC];
	_ =	sdelay $0x3  }
0x94: {  	_ =	strace s2  }
0x95: {  	s2 =	sld [smem:$0x3FFD];
	_ =	sdelay $0x3  }
0x96: {  	_ =	strace s2  }
0x97: {  	_ =	strace $0x8FFFFFFF  }
0x98: {  	s19 =	sld [smem:$0x3FDB];
	_ =	sdelay $0x1  }
0x99: {  	s20 =	simm.s32 $_scs_section_size  }
0x9a: {  	s4 =	simm.s32 $_size__tile_overlayer_lowered;
	s5 =	simm.s32 $_tile_overlayer_lowered  }
0x9b: {  	s6 =	simm.s32 $0x1BFF;
	s21 =	sshll.u32 s5, $0x1;
	s3 =	sadd.s32 s20, s19  }
0x9c: {  	s22 =	simm.s32 $0x0;
	s4 =	sshll.u32 s4, $0x1;
	s5 =	sadd.s32 s21, s3  }
0x9d: {  	[timem:s22], [sflag:s6] =	dma.local [hbm:s5], s4  }
0x9e: {  	_ =	swait.ge [sflag:s6], s4  }
0x9f: {  	s4 =	ssub.s32 $0x0, s4;
	[sflag:s6] =	ssyncset.done $0x0  }
0xa0: {  	[sflag:s6] =	ssyncadd.s32 s4;
	_ =	sdelay $0x1  }
0xa1: {  	s23 =	simm.s32 $0x1B8B  }
0xa2: {  	_ =	swait.ge [sflag:s23], $0x1  }
0xa3: {  	[sflag:s23] =	ssyncset.done $0x0  }
0xa4: {  	[sflag:s23] =	ssyncadd.s32 $0xFFFFFFFF  }
0xa5: {  	s4 =	sld [smem:$0x0]  }
0xa6: {  	s5 =	sand.u32 $0xFFFFFFFE, s1  }
0xa7: {  	p0 =	sne.s32 s1, s5  }
0xa8: {  	s5 =	sshll.u32 @p0 s5, $0xE  }
0xa9: {  	s5 =	sadd.s32 @p0 $0x11B8D, s5;
	s6 =	sshll.u32 @p0 s4, $0x11  }
0xaa: {  	s5 =	sor.u32 @p0 s6, s5  }
0xab: {  	[sflag:s5] =	ssyncadd.remote.s32 @p0 $0x1;
	_ =	sdelay $0x1  }
0xac: {  	s5 =	simm.s32 @p0 $0x1B8D  }
0xad: {  	_ =	swait.eq @p0 [sflag:s5], $0x1  }
0xae: {  	[sflag:s5] =	ssyncadd.s32 @p0 $0xFFFFFFFF  }
0xaf: {  	s6 =	sshll.u32 @!p0 s1, $0xE  }
0xb0: {  	s6 =	sor.u32 @!p0 $0x4000, s6;
	s5 =	simm.s32 @!p0 $0x1B8D  }
0xb1: {  	s4 =	sshll.u32 @!p0 s4, $0x11;
	s6 =	sadd.s32 @!p0 $0x11B8D, s6;
	_ =	swait.eq @!p0 [sflag:s5], $0x1  }
0xb2: {  	s4 =	sor.u32 @!p0 s4, s6;
	[sflag:s5] =	ssyncadd.s32 @!p0 $0xFFFFFFFF  }
0xb3: {  	s25 =	simm.s32 $0x1B8E;
	s24 =	sld [smem:$0x3FFE];
	[sflag:s4] =	ssyncadd.remote.s32 @!p0 $0x1  }
0xb4: {  	s26 =	simm.s32 $execute0_lowered;
	[smem:$0x3FD2] =	sst s25  }
0xb5: {  	s5 =	sshll.u32 s26, $0x1;
	_ =	strace $0x8000004C;
	[dreg:$0x1] =	wrdreg $0xFFFFFFFF  }
0xb6: {  	s28 =	simm.s32 $_size_execute0_lowered;
	s3 =	sadd.s32 s3, s5;
	[dreg:$0x0] =	wrdreg $0x0  }
0xb7: {  	s5 =	sshll.u32 s28, $0x1;
	[dreg:$0x2] =	wrdreg s3  }
0xb8: {  	[dreg:$0x3] =	wrdreg s5  }
0xb9: {  	[dreg:$0x4] =	wrdreg $0xC0  }
0xba: {  	_ =	task [dreg:s22], $0x5FFFF  }
0xbb: {  	[dreg:$0x1] =	wrdreg $0xFFFFFFFF  }
0xbc: {  	[dreg:$0x0] =	wrdreg $0x60  }
0xbd: {  	[dreg:$0x2] =	wrdreg s24  }
0xbe: {  	[dreg:$0x3] =	wrdreg $0x54000  }
0xbf: {  	[dreg:$0x4] =	wrdreg $0x9  }
0xc0: {  	_ =	task.clear_ibuf [dreg:s22], $0x5FFFF;
	_ =	strace $0x9000004C  }
0xc1: {  	s29 =	simm.s32 $0x9;
	_ =	strace $0x8000004E  }
0xc2: {  	_ =	swait.ge [sflag:s29], $0x1  }
0xc3: {  	[sflag:s29] =	ssyncadd.s32 $0xFFFFFFFF  }
0xc4: {  	_ =	strace $0x9000004E  }
0xc5: {  	_ =	sfence  }
0xc6: {  	s30 =	sld [smem:$0x0];
	_ =	sdelay $0x2  }
0xc7: {  	s31 =	sshll.u32 s1, $0xD;
	s1 =	sshrl.u32 s1, $0x2  }
0xc8: {  	s4 =	sand.u32 $0x4000, s31;
	s1 =	sadd.s32 s1, s30  }
0xc9: {  	s0 =	sor.u32 s4, s0;
	s1 =	sshll.u32 s1, $0x11  }
0xca: {  	s0 =	sor.u32 s1, s0  }
0xcb: {  	s0 =	sadd.s32 $0x8F2B, s0  }
0xcc: {  	[sflag:s0] =	ssyncadd.remote.s32 $0x1  }
0xcd: {  	_ =	sfence.sel $0xFFFF  }
0xce: {  	[dreg:$0x0] =	wrdreg $0xFFFFFFFF;
	(pc) =	sbr.abs _section_cstart, $3  }
0xcf: {  	[dreg:$0x1] =	wrdreg $0xFFFFFFFF  }
0xd0: {  	_ =	task.clear_ibuf [dreg:s22], $0x2FFFF;
	_ =	strace $0x9FFFFFFF  }
0xd1: {  	(tm) =	ssettm $0x7FFFFFFF  }
tec
execute0_lowered:
.L_overlay_start_1:
0x0: {  	(tag) =	ssettag $0x1  }
0x1: {  	s5 =	rddreg [dreg:$0x0]  }
0x2: {  	s0 =	srdreg.scid;
	s1 =	stileid.u32  }
0x3: {  	s2 =	rddreg [dreg:$0x1];
	s8 =	smul.u32 $0x14000, s1  }
0x4: {  	s3 =	simm.s32 $0x0;
	s13 =	simm.s32 $0x80;
	s11 =	smul.u32 $0x50000, s1  }
0x5: {  	s6 =	sand.u32 $0x1, s0;
	s0 =	rddreg [dreg:$0x2];
	s30 =	smul.u32 $0x280, s1  }
0x6: {  	s14 =	simm.s32 $0x0;
	[smem:$0x7FF] =	sst s3;
	s7 =	smul.u32 $0x2800, s6  }
0x7: {  	s4 =	sadd.s32 $0x2E6400, s5;
	s29 =	sshll.u32 s1, $0x6;
	s9 =	smul.u32 $0x140000, s6  }
0x8: {  	_ =	strace $0x8000004D;
	s6 =	ssub.s32 $0x2, s6;
	s25 =	sshrl.u32 s8, $0x3  }
0x9: {  	s26 =	sshrl.u32 s6, $0x1;
	s28 =	sshrl.u32 s11, $0x2;
	s11 =	simm.s32 $0x1  }
0xa: {  	s10 =	sadd.s32 s7, s5;
	s8 =	sadd.s32 s8, s9;
	s7 =	sadd.s32 s25, s5  }
0xb: {  	s9 =	ssub.s32 s6, s26;
	s12 =	sadd.s32 s28, s2;
	s6 =	sor.u32 $0x1C01, s29  }
0xc: {  	s8 =	sshrl.u32 s8, $0x3;
	s31 =	sadd.s32 s30, s10;
	s10 =	sshrl.u32 s12, $0x3  }
0xd: {  	s12 =	simm.s32 $0x1400;
	s8 =	sadd.s32 s8, s5;
	s5 =	sadd.s32 $0x2BE400, s7  }
0xe: {  	s7 =	sadd.s32 $0x2E6C00, s8;
	s8 =	smax.u32 s9, $0x1;
	s9 =	sadd.s32 $0x2B9400, s31  }
.LBB2_1:
0xf: {  	[spmem:s10], [sflag:s6] =	dma.local [hbm:s5], $0x2800  }
0x10: {  	_ =	swait.ge [sflag:s11], $0x2800  }
0x11: {  	[sflag:s11] =	ssyncset.done $0x0  }
0x12: {  	[sflag:s11] =	ssyncadd.s32 $0xFFFFD800  }
0x13: {  	[tilespmem:s12], [sflag:$0x1] =	stream.linear.gather [hbm4b:s4+s3], $0x4000, $0x38;
	[tilespmem:$0x19400] =	vst v63  }
0x14: {  	_ =	swait.ge [sflag:s11], $0x4000  }
0x15: {  	[sflag:s11] =	ssyncset.done $0x0  }
0x16: {  	s15 =	sadd.s32 $0x0, s9;
	[sflag:s11] =	ssyncadd.s32 $0xFFFFC000  }
0x17: {  	[tilespmem:s3], [sflag:$0x1] =	stream.linear.gather [hbm4b:s15+s3], $0x80, $0x38;
	[tilespmem:$0x19400] =	vst v63  }
0x18: {  	_ =	swait.ge [sflag:s11], $0x80  }
0x19: {  	s16 =	simm.s32 $0x0;
	s15 =	simm.s32 $0x10;
	[sflag:s11] =	ssyncset.done $0x0  }
.LBB2_2:
0x1a: {  	s17 =	sadd.s32 s15, s9  }
0x1b: {  	[sflag:s11] =	ssyncadd.s32 $0xFFFFFF80;
	s16 =	sadd.s32 $0x80, s16;
	p0 =	sne.s32 s15, $0x270  }
0x1c: {  	[tilespmem:s16], [sflag:$0x1] =	stream.linear.gather [hbm4b:s17+s3], $0x80, $0x38;
	[tilespmem:$0x19400] =	vst v63  }
.Ltmp0:
0x1d: {  	_ = 	snop;
	(pc) =	sbr.rel @p0 .LBB2_2-.Ltmp0, $4  }
0x1e: {  	_ = 	snop  }
0x1f: {  	s15 =	sadd.s32 $0x10, s15  }
0x20: {  	_ =	swait.ge [sflag:s11], $0x80  }
0x21: {  	[sflag:s11] =	ssyncset.done $0x0  }
0x22: {  	[sflag:s11] =	ssyncadd.s32 $0xFFFFFF80  }
0x23: {  	s15 =	simm.s32 $0x0;
	[bflag:$0x0] =	sbarrier.arrive $0xFFFF  }
0x24: {  	[spmem:s2] =	stream.indirect.scatter.add.f32 [tilespmem:s12], [sflag:$0x1], $0x80, s15, s13, $0xb8;
	[tilespmem:$0x19400] =	vst v63  }
0x25: {  	_ =	swait.ge [sflag:s11], $0x4000  }
0x26: {  	s15 =	simm.s32 $0x200;
	[sflag:s11] =	ssyncset.done $0x0  }
.LBB2_4:
0x27: {  	s16 =	sshra.s32 s15, $0x2;
	[sflag:s11] =	ssyncadd.s32 $0xFFFFC000;
	p0 =	sne.s32 s15, $0x4E00  }
0x28: {  	[spmem:s2] =	stream.indirect.scatter.add.f32 [tilespmem:s12], [sflag:$0x1], $0x80, s16, s13, $0xb8;
	[tilespmem:$0x19400] =	vst v63  }
.Ltmp1:
0x29: {  	_ = 	snop;
	(pc) =	sbr.rel @p0 .LBB2_4-.Ltmp1, $4  }
0x2a: {  	_ = 	snop  }
0x2b: {  	s15 =	sadd.s32 $0x200, s15  }
0x2c: {  	_ =	swait.ge [sflag:s11], $0x4000  }
0x2d: {  	[sflag:s11] =	ssyncset.done $0x0  }
0x2e: {  	s14 =	sadd.s32 $0x1, s14  }
0x2f: {  	[sflag:s11] =	ssyncadd.s32 $0xFFFFC000;
	p0 =	sne.s32 s14, s8  }
.Ltmp2:
0x30: {  	[bflag:$0x0] =	sbarrier.arrive $0xFFFF;
	(pc) =	sbr.rel @p0 .LBB2_1-.Ltmp2, $4  }
0x31: {  	[hbm:s7], [sflag:s6] =	dma.local [spmem:s10], $0x2800  }
0x32: {  	_ =	swait.ge [sflag:s11], $0x2800  }
0x33: {  	[sflag:s11] =	ssyncset.done $0x0  }
0x34: {  	[sflag:s11] =	ssyncadd.s32 $0xFFFFD800  }
0x35: {  	_ =	sfence.sel $0x180000  }
0x36: {  	[bflag:$0x0] =	sbarrier.arrive $0xFFFF  }
0x37: {  	p0 =	sne.s32 s1, $0x0;
	_ =	strace $0x9000004D  }
0x38: {  	s0 =	sadd.s32 @!p0 $0x100000, s0;
	[bflag:$0x2] =	sbarrier.arrive $0xFFFF  }
0x39: {  	[sflag:s0] =	ssyncadd.tile.s32 @!p0 $0x1;
	_ =	shalt  }
.Lfunc_end2:
_tile_overlayer_lowered:
.L_overlay_start_2:
0x3a: {  	(tag) =	ssettag $0x2  }
0x3b: {  	s0 =	rddreg [dreg:$0x0];
	s2 =	stileid.u32  }
0x3c: {  	s1 =	rddreg [dreg:$0x1];
	p0 =	sne.s32 s2, $0x0  }
0x3d: {  	s3 =	rddreg [dreg:$0x2];
	[bflag:$0x3] =	sbarrier.arrive $0xFFFF;
	s2 =	simm.s32 @!p0 $0x1C01  }
0x3e: {  	[timem:s3], [sflag:s2] =	dma.local @!p0 [hbm:s0], s1  }
0x3f: {  	s0 =	simm.s32 @!p0 $0x1  }
0x40: {  	_ =	swait.ge @!p0 [sflag:s0], s1  }
0x41: {  	s1 =	ssub.s32 @!p0 $0x0, s1;
	[sflag:s0] =	ssyncset.done @!p0 $0x0  }
0x42: {  	[sflag:s0] =	ssyncadd.s32 @!p0 s1  }
0x43: {  	[bflag:$0x3] =	sbarrier.arrive $0xFFFF  }
0x44: {  	_ =	shalt  }

// kernel: kernel.22.cloned.1.call-start
scs
__scs_entry_jumppad:
0x0: {  	(pc) =	sbr.rel $0x88, $3  }
0x1: {  	(tag) =	ssettag $0x0;
	lr =	simm.s32 $0x1  }
0x2: {  	[smem:$0x3F93] =	sst lr;
	_ =	strace $0xD0000000  }
0x3: {  	_ = 	snop  }
0x4: {  	_ = 	snop  }
0x5: {  	_ = 	snop  }
0x6: {  	_ = 	snop  }
0x7: {  	_ = 	snop  }
__scs_overlays_trampoline_lowered:
0x8: {  	[smem:$0x3FA2] =	sst s0  }
0x9: {  	[smem:$0x3FA3] =	sst s1  }
0xa: {  	[smem:$0x3FA4] =	sst s2  }
0xb: {  	[smem:$0x3FA5] =	sst s3  }
0xc: {  	[smem:$0x3FA6] =	sst s4  }
0xd: {  	[smem:$0x3FA7] =	sst s5  }
0xe: {  	[smem:$0x3FA8] =	sst s6  }
0xf: {  	[smem:$0x3FA9] =	sst s7  }
0x10: {  	[smem:$0x3FAA] =	sst s8  }
0x11: {  	[smem:$0x3FAB] =	sst s9;
	s0 =	simm.s32 @!p0 $0x0  }
0x12: {  	s1 =	sld [smem:$0x3F91];
	s0 =	simm.s32 @p0 $0x1  }
0x13: {  	[smem:$0x3FAC] =	sst s0;
	s0 =	simm.s32 @!p1 $0x0  }
0x14: {  	s2 =	sld [smem:$0x3F90];
	s0 =	simm.s32 @p1 $0x1  }
0x15: {  	[smem:$0x3FAD] =	sst s0;
	s0 =	simm.s32 @!p2 $0x0  }
0x16: {  	s3 =	sld [smem:$0x3FDB];
	s0 =	simm.s32 @p2 $0x1  }
0x17: {  	s4 =	simm.s32 $0x1BF5;
	[smem:$0x3FAF] =	sst s0  }
0x18: {  	s0 =	sld [smem:$0x3F92];
	_ =	swait.ge [sflag:s4], $0x0  }
0x19: {  	s7 =	sld [smem:$0x3F93]  }
0x1a: {  	s8 =	sadd.s32 $0xFFFFE003, lr  }
0x1b: {  	s9 =	sadd.s32 $0xFFFFFEF7, lr;
	s5 =	simm.s32 $0xFFFFFFFF;
	p2 =	slt.u32 s8, $0xFFFFF086  }
0x1c: {  	p1 =	slt.u32 s9, $0xF7A;
	s5 =	simm.s32 @!p2 $0x0  }
0x1d: {  	s5 =	simm.s32 @p1 $0x1;
	p0 =	seq.s32 s7, s2  }
0x1e: {  	s7 =	smul.u32 @!p0 $0xF7A, s2;
	p2 =	seq.s32 @!p0 s5, $0x0  }
0x1f: {  	s9 =	smul.u32 $0xF7A, s1;
	s8 =	simm.s32 @!p0 $0x1BF5;
	p2 =	por !p2, p0  }
0x20: {  	[sflag:s8] =	ssyncset.s32 @!p0 $0xFFFFF086;
	s6 =	sadd.s32 @!p0 s3, s7;
	s7 =	simm.s32 @!p0 $0x108  }
0x21: {  	s3 =	sadd.s32 s3, s9;
	s6 =	sadd.s32 @!p0 $0x88, s6;
	s7 =	simm.s32 @p2 $0x1082  }
0x22: {  	[simem:s7], [sflag:s8] =	dma.local @!p0 [hbm:s6], $0xF7A  }
0x23: {  	s9 =	sor.u32 $0xD0000000, s2;
	s6 =	simm.s32 $0x108;
	_ =	swait.ge @!p0 [sflag:s8], $0x0  }
0x24: {  	s3 =	sadd.s32 $0x88, s3;
	s6 =	simm.s32 @!p1 $0x1082;
	[sflag:s4] =	ssyncset.s32 $0xFFFFF086  }
0x25: {  	[simem:s6], [sflag:s4] =	dma.local [hbm:s3], $0xF7A  }
0x26: {  	[smem:$0x3F93] =	sst s1;
	(tag) =	ssettag s2;
	_ =	strace s9  }
0x27: {  	s1 =	sld [smem:$0x3FA3]  }
0x28: {  	s2 =	sld [smem:$0x3FA4]  }
0x29: {  	s4 =	sld [smem:$0x3FA6]  }
0x2a: {  	p0 =	seq.s32 s5, $0x0;
	s5 =	sld [smem:$0x3FA7]  }
0x2b: {  	s6 =	sld [smem:$0x3FA8]  }
0x2c: {  	s7 =	sld [smem:$0x3FA9]  }
0x2d: {  	s3 =	simm.s32 $0x108;
	s8 =	sld [smem:$0x3FAA]  }
0x2e: {  	s3 =	simm.s32 @!p0 $0x1082;
	s9 =	sld [smem:$0x3FAB]  }
0x2f: {  	lr =	sadd.s32 s0, s3;
	s0 =	sld [smem:$0x3FA2]  }
0x30: {  	s3 =	sld [smem:$0x3FA5]  }
0x31: {  	[smem:$0x3FAE] =	sst s10  }
0x32: {  	s10 =	sld [smem:$0x3FAC];
	_ =	sdelay $0x3  }
0x33: {  	p0 =	seq.s32 s10, $0x1;
	s10 =	sld [smem:$0x3FAE];
	_ =	sdelay $0x3  }
0x34: {  	[smem:$0x3FAE] =	sst s10  }
0x35: {  	s10 =	sld [smem:$0x3FAD];
	_ =	sdelay $0x3  }
0x36: {  	p1 =	seq.s32 s10, $0x1;
	s10 =	sld [smem:$0x3FAE];
	_ =	sdelay $0x3  }
0x37: {  	[smem:$0x3FAE] =	sst s10  }
0x38: {  	s10 =	sld [smem:$0x3FAF]  }
0x39: {  	_ = 	snop;
	(pc) =	sbr.ind lr, $3  }
0x3a: {  	_ = 	snop  }
0x3b: {  	_ = 	snop  }
0x3c: {  	p2 =	seq.s32 s10, $0x1;
	s10 =	sld [smem:$0x3FAE]  }
0x3d: {  	_ =	shalt  }
0x3e: {  	_ =	shalt  }
0x3f: {  	_ =	shalt  }
0x40: {  	_ =	shalt  }
0x41: {  	_ =	shalt  }
0x42: {  	_ =	shalt  }
0x43: {  	_ =	shalt  }
0x44: {  	_ =	shalt  }
0x45: {  	_ =	shalt  }
0x46: {  	_ =	shalt  }
0x47: {  	_ =	shalt  }
0x48: {  	_ =	shalt  }
0x49: {  	_ =	shalt  }
0x4a: {  	_ =	shalt  }
0x4b: {  	_ =	shalt  }
0x4c: {  	_ =	shalt  }
0x4d: {  	_ =	shalt  }
0x4e: {  	_ =	shalt  }
0x4f: {  	_ =	shalt  }
0x50: {  	_ =	shalt  }
0x51: {  	_ =	shalt  }
0x52: {  	_ =	shalt  }
0x53: {  	_ =	shalt  }
0x54: {  	_ =	shalt  }
0x55: {  	_ =	shalt  }
0x56: {  	_ =	shalt  }
0x57: {  	_ =	shalt  }
0x58: {  	_ =	shalt  }
0x59: {  	_ =	shalt  }
0x5a: {  	_ =	shalt  }
0x5b: {  	_ =	shalt  }
0x5c: {  	_ =	shalt  }
0x5d: {  	_ =	shalt  }
0x5e: {  	_ =	shalt  }
0x5f: {  	_ =	shalt  }
0x60: {  	_ =	shalt  }
0x61: {  	_ =	shalt  }
0x62: {  	_ =	shalt  }
0x63: {  	_ =	shalt  }
0x64: {  	_ =	shalt  }
0x65: {  	_ =	shalt  }
0x66: {  	_ =	shalt  }
0x67: {  	_ =	shalt  }
0x68: {  	_ =	shalt  }
0x69: {  	_ =	shalt  }
0x6a: {  	_ =	shalt  }
0x6b: {  	_ =	shalt  }
0x6c: {  	_ =	shalt  }
0x6d: {  	_ =	shalt  }
0x6e: {  	_ =	shalt  }
0x6f: {  	_ =	shalt  }
0x70: {  	_ =	shalt  }
0x71: {  	_ =	shalt  }
0x72: {  	_ =	shalt  }
0x73: {  	_ =	shalt  }
0x74: {  	_ =	shalt  }
0x75: {  	_ =	shalt  }
0x76: {  	_ =	shalt  }
0x77: {  	_ =	shalt  }
0x78: {  	_ =	shalt  }
0x79: {  	_ =	shalt  }
0x7a: {  	_ =	shalt  }
0x7b: {  	_ =	shalt  }
0x7c: {  	_ =	shalt  }
0x7d: {  	_ =	shalt  }
0x7e: {  	_ =	shalt  }
0x7f: {  	_ =	shalt  }
0x80: {  	_ =	shalt  }
0x81: {  	_ =	shalt  }
0x82: {  	_ =	shalt  }
0x83: {  	_ =	shalt  }
0x84: {  	_ =	shalt  }
0x85: {  	_ =	shalt  }
0x86: {  	_ =	shalt  }
0x87: {  	_ =	shalt  }
.Lfunc_end0:
.L_simem_size_0:
called_computation.1_lowered:
.L_overlay_start_0:
0x88: {  	s2 =	sld [smem:$0x3FD9]  }
0x89: {  	s3 =	sld [smem:$0x3FFE];
	_ =	sdelay $0x1  }
0x8a: {  	s1 =	srdreg.scid  }
0x8b: {  	s0 =	sand.u32 $0x1, s1  }
0x8c: {  	s16 =	sshll.u32 s0, $0xA;
	s2 =	sadd.s32 s3, s2  }
0x8d: {  	s2 =	sadd.s32 s2, s16  }
0x8e: {  	[smem:$0x3FBA] =	sst s2  }
0x8f: {  	_ = 	snop  }
0x90: {  	(tm) =	ssettm $0x1  }
0x91: {  	s17 =	sld [smem:$0x3FFB];
	_ =	sdelay $0x3  }
0x92: {  	_ =	strace s17  }
0x93: {  	s2 =	sld [smem:$0x3FFC];
	_ =	sdelay $0x3  }
0x94: {  	_ =	strace s2  }
0x95: {  	s2 =	sld [smem:$0x3FFD];
	_ =	sdelay $0x3  }
0x96: {  	_ =	strace s2  }
0x97: {  	_ =	strace $0x8FFFFFFF  }
0x98: {  	s18 =	sld [smem:$0x3FDB];
	_ =	sdelay $0x1  }
0x99: {  	s19 =	simm.s32 $_scs_section_size  }
0x9a: {  	s4 =	simm.s32 $_size__tile_overlayer_lowered;
	s5 =	simm.s32 $_tile_overlayer_lowered  }
0x9b: {  	s22 =	simm.s32 $0x1BFF;
	s21 =	sshll.u32 s5, $0x1;
	s2 =	sadd.s32 s19, s18  }
0x9c: {  	s6 =	simm.s32 $0x0;
	s20 =	sshll.u32 s4, $0x1;
	s4 =	sadd.s32 s21, s2  }
0x9d: {  	[timem:s6], [sflag:s22] =	dma.local [hbm:s4], s20  }
0x9e: {  	_ =	swait.ge [sflag:s22], s20  }
0x9f: {  	s3 =	ssub.s32 $0x0, s20;
	[sflag:s22] =	ssyncset.done $0x0  }
0xa0: {  	[sflag:s22] =	ssyncadd.s32 s3;
	_ =	sdelay $0x1  }
0xa1: {  	s23 =	simm.s32 $0x1B8B  }
0xa2: {  	_ =	swait.ge [sflag:s23], $0x1  }
0xa3: {  	[sflag:s23] =	ssyncset.done $0x0  }
0xa4: {  	s25 =	simm.s32 $0x1B8E;
	s24 =	sld [smem:$0x3FFE];
	[sflag:s23] =	ssyncadd.s32 $0xFFFFFFFF  }
0xa5: {  	s26 =	simm.s32 $execute0_lowered;
	[smem:$0x3FD2] =	sst s25  }
0xa6: {  	s4 =	sshll.u32 s26, $0x1;
	_ =	strace $0x80000046;
	[dreg:$0x1] =	wrdreg $0xFFFFFFFF  }
0xa7: {  	s28 =	simm.s32 $_size_execute0_lowered;
	s2 =	sadd.s32 s2, s4;
	[dreg:$0x0] =	wrdreg $0x0  }
0xa8: {  	s4 =	sshll.u32 s28, $0x1;
	[dreg:$0x2] =	wrdreg s2  }
0xa9: {  	[dreg:$0x3] =	wrdreg s4  }
0xaa: {  	[dreg:$0x4] =	wrdreg $0xC0  }
0xab: {  	_ =	task [dreg:s6], $0x5FFFF  }
0xac: {  	[dreg:$0x1] =	wrdreg $0xFFFFFFFF  }
0xad: {  	[dreg:$0x0] =	wrdreg $0x60  }
0xae: {  	[dreg:$0x2] =	wrdreg s24  }
0xaf: {  	[dreg:$0x3] =	wrdreg $0xB  }
0xb0: {  	_ =	task.clear_ibuf [dreg:s6], $0x4FFFF;
	_ =	strace $0x90000046  }
0xb1: {  	s29 =	simm.s32 $0xB;
	_ =	strace $0x80000048  }
0xb2: {  	_ =	swait.ge [sflag:s29], $0x1  }
0xb3: {  	[sflag:s29] =	ssyncadd.s32 $0xFFFFFFFF  }
0xb4: {  	_ =	strace $0x90000048  }
0xb5: {  	_ =	sfence  }
0xb6: {  	s30 =	sld [smem:$0x0];
	_ =	sdelay $0x2  }
0xb7: {  	s31 =	sshll.u32 s1, $0xD;
	s1 =	sshrl.u32 s1, $0x2  }
0xb8: {  	s3 =	sand.u32 $0x4000, s31;
	s1 =	sadd.s32 s1, s30  }
0xb9: {  	s0 =	sor.u32 s3, s0;
	s1 =	sshll.u32 s1, $0x11  }
0xba: {  	s0 =	sor.u32 s1, s0  }
0xbb: {  	s0 =	sadd.s32 $0x8F2B, s0  }
0xbc: {  	[sflag:s0] =	ssyncadd.remote.s32 $0x1  }
0xbd: {  	_ =	sfence.sel $0xFFFF  }
0xbe: {  	[dreg:$0x0] =	wrdreg $0xFFFFFFFF;
	(pc) =	sbr.abs _section_cstart, $3  }
0xbf: {  	[dreg:$0x1] =	wrdreg $0xFFFFFFFF  }
0xc0: {  	_ =	task.clear_ibuf [dreg:s6], $0x2FFFF;
	_ =	strace $0x9FFFFFFF  }
0xc1: {  	(tm) =	ssettm $0x7FFFFFFF  }
tec
execute0_lowered:
.L_overlay_start_1:
0x0: {  	(tag) =	ssettag $0x1  }
0x1: {  	s0 =	srdreg.scid  }
0x2: {  	s4 =	rddreg [dreg:$0x0];
	s1 =	stileid.u32;
	s2 =	simm.s32 $0x0  }
0x3: {  	s12 =	simm.s32 $0xA00;
	s13 =	simm.s32 $0x4A00;
	s14 =	simm.s32 $0x1  }
0x4: {  	s15 =	simm.s32 $0x2;
	s16 =	simm.s32 $0x0;
	s26 =	smul.u32 $0x14, s1  }
0x5: {  	s6 =	sand.u32 $0x1, s0;
	s0 =	rddreg [dreg:$0x1];
	s31 =	smul.u32 $0xA000, s1  }
0x6: {  	[smem:$0x7FF] =	sst s2;
	s3 =	sshll.u32 s6, $0x4;
	s10 =	smul.u32 $0x140, s6  }
0x7: {  	s11 =	sadd.s32 $0x34400, s4;
	s30 =	smul.u32 $0xA0000, s6;
	s3 =	sor.u32 s1, s3  }
0x8: {  	_ =	strace $0x80000047;
	s7 =	ssub.s32 $0x2, s6;
	s5 =	smul.u32 $0x140, s3  }
0x9: {  	s9 =	sshrl.u32 s7, $0x1;
	s8 =	smul.u32 $0xA000, s3;
	s3 =	sadd.s32 $0xC400, s4  }
0xa: {  	s7 =	ssub.s32 s7, s9;
	s29 =	sadd.s32 s26, s10;
	s9 =	sadd.s32 s30, s11  }
0xb: {  	s10 =	simm.s32 $0x3;
	s9 =	sadd.s32 s31, s9;
	s5 =	sadd.s32 s5, s4  }
0xc: {  	s28 =	sadd.s32 s11, s8;
	s8 =	sshll.u32 s29, $0xB;
	s4 =	sadd.s32 $0x7400, s5  }
0xd: {  	s5 =	smax.u32 s7, $0x1;
	s6 =	sadd.s32 $0x9000, s28;
	s8 =	sadd.s32 s8, s11  }
0xe: {  	s7 =	sadd.s32 $0x9800, s28;
	s11 =	simm.s32 $0x80;
	s8 =	sadd.s32 $0x800, s8  }
.LBB2_1:
0xf: {  	[tilespmem:s2], [sflag:$0x3] =	stream.linear.gather [hbm4b:s4+s2], $0xA00, $0x38;
	[tilespmem:$0x8A00] =	vst v63  }
0x10: {  	_ =	swait.ge [sflag:s10], $0xA00  }
0x11: {  	[sflag:s10] =	ssyncset.done $0x0  }
0x12: {  	[sflag:s10] =	ssyncadd.s32 $0xFFFFF600  }
0x13: {  	[tilespmem:s12], [sflag:$0x1] =	stream.indirect.gather [hbm4b:s3+s11], $0x80, s2, s11, $0xb8;
	[tilespmem:$0x8A00] =	vst v63  }
0x14: {  	_ = 	snop  }
0x15: {  	[tilespmem:s13], [sflag:$0x2] =	stream.indirect.gather [hbm4b:s3+s11], $0x80, s11, s11, $0xb8;
	[tilespmem:$0x8A00] =	vst v63  }
0x16: {  	_ =	swait.ge [sflag:s14], $0x4000  }
0x17: {  	[sflag:s14] =	ssyncset.done $0x0  }
0x18: {  	s17 =	sadd.s32 $0x0, s9;
	[sflag:s14] =	ssyncadd.s32 $0xFFFFC000  }
0x19: {  	[hbm4b:s17+s2] =	stream.linear.scatter [tilespmem:s12], [sflag:$0x3], $0x4000, $0x38;
	[tilespmem:$0x8A00] =	vst v63  }
0x1a: {  	_ =	swait.ge [sflag:s10], $0x4000  }
0x1b: {  	[sflag:s10] =	ssyncset.done $0x0  }
0x1c: {  	s30 =	simm.s32 $0x100;
	[sflag:s10] =	ssyncadd.s32 $0xFFFFC000  }
0x1d: {  	[tilespmem:s12], [sflag:$0x1] =	stream.indirect.gather [hbm4b:s3+s11], $0x80, s30, s11, $0xb8;
	[tilespmem:$0x8A00] =	vst v63  }
0x1e: {  	_ =	swait.ge [sflag:s15], $0x4000  }
0x1f: {  	[sflag:s15] =	ssyncset.done $0x0  }
0x20: {  	s31 =	sadd.s32 $0x0, s8;
	[sflag:s15] =	ssyncadd.s32 $0xFFFFC000  }
0x21: {  	[hbm4b:s31+s2] =	stream.linear.scatter [tilespmem:s13], [sflag:$0x3], $0x4000, $0x38;
	[tilespmem:$0x8A00] =	vst v63  }
0x22: {  	_ =	swait.ge [sflag:s10], $0x4000  }
0x23: {  	s18 =	simm.s32 $0x1000;
	[sflag:s10] =	ssyncset.done $0x0  }
0x24: {  	s19 =	simm.s32 $0x280;
	s17 =	simm.s32 $0x180;
	[sflag:s10] =	ssyncadd.s32 $0xFFFFC000  }
.LBB2_2:
0x25: {  	[tilespmem:s13], [sflag:$0x2] =	stream.indirect.gather [hbm4b:s3+s11], $0x80, s17, s11, $0xb8;
	[tilespmem:$0x8A00] =	vst v63  }
0x26: {  	s20 =	smov.u32 s18;
	s17 =	smov.u32 s19  }
0x27: {  	p0 =	sne.s32 s18, $0x8000;
	s18 =	sadd.s32 $0x1000, s18;
	_ =	swait.ge [sflag:s14], $0x4000  }
0x28: {  	[sflag:s14] =	ssyncset.done $0x0  }
0x29: {  	s21 =	sadd.s32 s20, s9;
	[sflag:s14] =	ssyncadd.s32 $0xFFFFC000  }
0x2a: {  	[hbm4b:s21+s2] =	stream.linear.scatter [tilespmem:s12], [sflag:$0x3], $0x4000, $0x38;
	[tilespmem:$0x8A00] =	vst v63  }
0x2b: {  	_ =	swait.ge [sflag:s10], $0x4000  }
0x2c: {  	[sflag:s10] =	ssyncset.done $0x0  }
0x2d: {  	s21 =	sadd.s32 $0xFFFFFF80, s19;
	[sflag:s10] =	ssyncadd.s32 $0xFFFFC000  }
0x2e: {  	[tilespmem:s12], [sflag:$0x1] =	stream.indirect.gather [hbm4b:s3+s11], $0x80, s21, s11, $0xb8;
	[tilespmem:$0x8A00] =	vst v63  }
0x2f: {  	_ =	swait.ge [sflag:s15], $0x4000  }
0x30: {  	[sflag:s15] =	ssyncset.done $0x0  }
.Ltmp0:
0x31: {  	s20 =	sadd.s32 s20, s8;
	[sflag:s15] =	ssyncadd.s32 $0xFFFFC000;
	(pc) =	sbr.rel @p0 .LBB2_2-.Ltmp0, $4  }
0x32: {  	[hbm4b:s20+s2] =	stream.linear.scatter [tilespmem:s13], [sflag:$0x3], $0x4000, $0x38;
	[tilespmem:$0x8A00] =	vst v63  }
0x33: {  	_ =	swait.ge [sflag:s10], $0x4000  }
0x34: {  	[sflag:s10] =	ssyncset.done $0x0  }
0x35: {  	s19 =	sadd.s32 $0x100, s19;
	[sflag:s10] =	ssyncadd.s32 $0xFFFFC000  }
0x36: {  	[tilespmem:s13], [sflag:$0x2] =	stream.indirect.gather [hbm4b:s3+s11], $0x80, s17, s11, $0xb8;
	[tilespmem:$0x8A00] =	vst v63  }
0x37: {  	_ =	swait.ge [sflag:s14], $0x4000  }
0x38: {  	[sflag:s14] =	ssyncset.done $0x0  }
0x39: {  	[sflag:s14] =	ssyncadd.s32 $0xFFFFC000  }
0x3a: {  	[hbm4b:s6+s2] =	stream.linear.scatter [tilespmem:s12], [sflag:$0x3], $0x4000, $0x38;
	[tilespmem:$0x8A00] =	vst v63  }
0x3b: {  	_ =	swait.ge [sflag:s10], $0x4000  }
0x3c: {  	[sflag:s10] =	ssyncset.done $0x0  }
0x3d: {  	[sflag:s10] =	ssyncadd.s32 $0xFFFFC000  }
0x3e: {  	s16 =	sadd.s32 $0x1, s16;
	_ =	swait.ge [sflag:s15], $0x4000  }
0x3f: {  	p0 =	sne.s32 s16, s5;
	[sflag:s15] =	ssyncset.done $0x0  }
.Ltmp1:
0x40: {  	[sflag:s15] =	ssyncadd.s32 $0xFFFFC000;
	(pc) =	sbr.rel @p0 .LBB2_1-.Ltmp1, $4  }
0x41: {  	[hbm4b:s7+s2] =	stream.linear.scatter [tilespmem:s13], [sflag:$0x3], $0x4000, $0x38;
	[tilespmem:$0x8A00] =	vst v63  }
0x42: {  	_ =	swait.ge [sflag:s10], $0x4000  }
0x43: {  	[sflag:s10] =	ssyncset.done $0x0  }
0x44: {  	[sflag:s10] =	ssyncadd.s32 $0xFFFFC000  }
0x45: {  	_ =	sfence.sel $0x180000  }
0x46: {  	[bflag:$0x0] =	sbarrier.arrive $0xFFFF  }
0x47: {  	p0 =	sne.s32 s1, $0x0;
	_ =	strace $0x90000047  }
0x48: {  	s0 =	sadd.s32 @!p0 $0x100000, s0;
	[bflag:$0x2] =	sbarrier.arrive $0xFFFF  }
0x49: {  	[sflag:s0] =	ssyncadd.tile.s32 @!p0 $0x1;
	_ =	shalt  }
.Lfunc_end2:
_tile_overlayer_lowered:
.L_overlay_start_2:
0x4a: {  	(tag) =	ssettag $0x2  }
0x4b: {  	s0 =	rddreg [dreg:$0x0];
	s2 =	stileid.u32  }
0x4c: {  	s1 =	rddreg [dreg:$0x1];
	p0 =	sne.s32 s2, $0x0  }
0x4d: {  	s3 =	rddreg [dreg:$0x2];
	[bflag:$0x3] =	sbarrier.arrive $0xFFFF;
	s2 =	simm.s32 @!p0 $0x1C03  }
0x4e: {  	[timem:s3], [sflag:s2] =	dma.local @!p0 [hbm:s0], s1  }
0x4f: {  	s0 =	simm.s32 @!p0 $0x3  }
0x50: {  	_ =	swait.ge @!p0 [sflag:s0], s1  }
0x51: {  	s1 =	ssub.s32 @!p0 $0x0, s1;
	[sflag:s0] =	ssyncset.done @!p0 $0x0  }
0x52: {  	[sflag:s0] =	ssyncadd.s32 @!p0 s1  }
0x53: {  	[bflag:$0x3] =	sbarrier.arrive $0xFFFF  }
0x54: {  	_ =	shalt  }

// kernel: kernel.25.cloned.1.call-start
scs
__scs_entry_jumppad:
0x0: {  	(pc) =	sbr.rel $0x88, $3  }
0x1: {  	(tag) =	ssettag $0x0;
	lr =	simm.s32 $0x1  }
0x2: {  	[smem:$0x3F93] =	sst lr;
	_ =	strace $0xD0000000  }
0x3: {  	_ = 	snop  }
0x4: {  	_ = 	snop  }
0x5: {  	_ = 	snop  }
0x6: {  	_ = 	snop  }
0x7: {  	_ = 	snop  }
__scs_overlays_trampoline_lowered:
0x8: {  	[smem:$0x3FA2] =	sst s0  }
0x9: {  	[smem:$0x3FA3] =	sst s1  }
0xa: {  	[smem:$0x3FA4] =	sst s2  }
0xb: {  	[smem:$0x3FA5] =	sst s3  }
0xc: {  	[smem:$0x3FA6] =	sst s4  }
0xd: {  	[smem:$0x3FA7] =	sst s5  }
0xe: {  	[smem:$0x3FA8] =	sst s6  }
0xf: {  	[smem:$0x3FA9] =	sst s7  }
0x10: {  	[smem:$0x3FAA] =	sst s8  }
0x11: {  	[smem:$0x3FAB] =	sst s9;
	s0 =	simm.s32 @!p0 $0x0  }
0x12: {  	s1 =	sld [smem:$0x3F91];
	s0 =	simm.s32 @p0 $0x1  }
0x13: {  	[smem:$0x3FAC] =	sst s0;
	s0 =	simm.s32 @!p1 $0x0  }
0x14: {  	s2 =	sld [smem:$0x3F90];
	s0 =	simm.s32 @p1 $0x1  }
0x15: {  	[smem:$0x3FAD] =	sst s0;
	s0 =	simm.s32 @!p2 $0x0  }
0x16: {  	s3 =	sld [smem:$0x3FDB];
	s0 =	simm.s32 @p2 $0x1  }
0x17: {  	s4 =	simm.s32 $0x1BF5;
	[smem:$0x3FAF] =	sst s0  }
0x18: {  	s0 =	sld [smem:$0x3F92];
	_ =	swait.ge [sflag:s4], $0x0  }
0x19: {  	s7 =	sld [smem:$0x3F93]  }
0x1a: {  	s8 =	sadd.s32 $0xFFFFE003, lr  }
0x1b: {  	s9 =	sadd.s32 $0xFFFFFEF7, lr;
	s5 =	simm.s32 $0xFFFFFFFF;
	p2 =	slt.u32 s8, $0xFFFFF086  }
0x1c: {  	p1 =	slt.u32 s9, $0xF7A;
	s5 =	simm.s32 @!p2 $0x0  }
0x1d: {  	s5 =	simm.s32 @p1 $0x1;
	p0 =	seq.s32 s7, s2  }
0x1e: {  	s7 =	smul.u32 @!p0 $0xF7A, s2;
	p2 =	seq.s32 @!p0 s5, $0x0  }
0x1f: {  	s9 =	smul.u32 $0xF7A, s1;
	s8 =	simm.s32 @!p0 $0x1BF5;
	p2 =	por !p2, p0  }
0x20: {  	[sflag:s8] =	ssyncset.s32 @!p0 $0xFFFFF086;
	s6 =	sadd.s32 @!p0 s3, s7;
	s7 =	simm.s32 @!p0 $0x108  }
0x21: {  	s3 =	sadd.s32 s3, s9;
	s6 =	sadd.s32 @!p0 $0x88, s6;
	s7 =	simm.s32 @p2 $0x1082  }
0x22: {  	[simem:s7], [sflag:s8] =	dma.local @!p0 [hbm:s6], $0xF7A  }
0x23: {  	s9 =	sor.u32 $0xD0000000, s2;
	s6 =	simm.s32 $0x108;
	_ =	swait.ge @!p0 [sflag:s8], $0x0  }
0x24: {  	s3 =	sadd.s32 $0x88, s3;
	s6 =	simm.s32 @!p1 $0x1082;
	[sflag:s4] =	ssyncset.s32 $0xFFFFF086  }
0x25: {  	[simem:s6], [sflag:s4] =	dma.local [hbm:s3], $0xF7A  }
0x26: {  	[smem:$0x3F93] =	sst s1;
	(tag) =	ssettag s2;
	_ =	strace s9  }
0x27: {  	s1 =	sld [smem:$0x3FA3]  }
0x28: {  	s2 =	sld [smem:$0x3FA4]  }
0x29: {  	s4 =	sld [smem:$0x3FA6]  }
0x2a: {  	p0 =	seq.s32 s5, $0x0;
	s5 =	sld [smem:$0x3FA7]  }
0x2b: {  	s6 =	sld [smem:$0x3FA8]  }
0x2c: {  	s7 =	sld [smem:$0x3FA9]  }
0x2d: {  	s3 =	simm.s32 $0x108;
	s8 =	sld [smem:$0x3FAA]  }
0x2e: {  	s3 =	simm.s32 @!p0 $0x1082;
	s9 =	sld [smem:$0x3FAB]  }
0x2f: {  	lr =	sadd.s32 s0, s3;
	s0 =	sld [smem:$0x3FA2]  }
0x30: {  	s3 =	sld [smem:$0x3FA5]  }
0x31: {  	[smem:$0x3FAE] =	sst s10  }
0x32: {  	s10 =	sld [smem:$0x3FAC];
	_ =	sdelay $0x3  }
0x33: {  	p0 =	seq.s32 s10, $0x1;
	s10 =	sld [smem:$0x3FAE];
	_ =	sdelay $0x3  }
0x34: {  	[smem:$0x3FAE] =	sst s10  }
0x35: {  	s10 =	sld [smem:$0x3FAD];
	_ =	sdelay $0x3  }
0x36: {  	p1 =	seq.s32 s10, $0x1;
	s10 =	sld [smem:$0x3FAE];
	_ =	sdelay $0x3  }
0x37: {  	[smem:$0x3FAE] =	sst s10  }
0x38: {  	s10 =	sld [smem:$0x3FAF]  }
0x39: {  	_ = 	snop;
	(pc) =	sbr.ind lr, $3  }
0x3a: {  	_ = 	snop  }
0x3b: {  	_ = 	snop  }
0x3c: {  	p2 =	seq.s32 s10, $0x1;
	s10 =	sld [smem:$0x3FAE]  }
0x3d: {  	_ =	shalt  }
0x3e: {  	_ =	shalt  }
0x3f: {  	_ =	shalt  }
0x40: {  	_ =	shalt  }
0x41: {  	_ =	shalt  }
0x42: {  	_ =	shalt  }
0x43: {  	_ =	shalt  }
0x44: {  	_ =	shalt  }
0x45: {  	_ =	shalt  }
0x46: {  	_ =	shalt  }
0x47: {  	_ =	shalt  }
0x48: {  	_ =	shalt  }
0x49: {  	_ =	shalt  }
0x4a: {  	_ =	shalt  }
0x4b: {  	_ =	shalt  }
0x4c: {  	_ =	shalt  }
0x4d: {  	_ =	shalt  }
0x4e: {  	_ =	shalt  }
0x4f: {  	_ =	shalt  }
0x50: {  	_ =	shalt  }
0x51: {  	_ =	shalt  }
0x52: {  	_ =	shalt  }
0x53: {  	_ =	shalt  }
0x54: {  	_ =	shalt  }
0x55: {  	_ =	shalt  }
0x56: {  	_ =	shalt  }
0x57: {  	_ =	shalt  }
0x58: {  	_ =	shalt  }
0x59: {  	_ =	shalt  }
0x5a: {  	_ =	shalt  }
0x5b: {  	_ =	shalt  }
0x5c: {  	_ =	shalt  }
0x5d: {  	_ =	shalt  }
0x5e: {  	_ =	shalt  }
0x5f: {  	_ =	shalt  }
0x60: {  	_ =	shalt  }
0x61: {  	_ =	shalt  }
0x62: {  	_ =	shalt  }
0x63: {  	_ =	shalt  }
0x64: {  	_ =	shalt  }
0x65: {  	_ =	shalt  }
0x66: {  	_ =	shalt  }
0x67: {  	_ =	shalt  }
0x68: {  	_ =	shalt  }
0x69: {  	_ =	shalt  }
0x6a: {  	_ =	shalt  }
0x6b: {  	_ =	shalt  }
0x6c: {  	_ =	shalt  }
0x6d: {  	_ =	shalt  }
0x6e: {  	_ =	shalt  }
0x6f: {  	_ =	shalt  }
0x70: {  	_ =	shalt  }
0x71: {  	_ =	shalt  }
0x72: {  	_ =	shalt  }
0x73: {  	_ =	shalt  }
0x74: {  	_ =	shalt  }
0x75: {  	_ =	shalt  }
0x76: {  	_ =	shalt  }
0x77: {  	_ =	shalt  }
0x78: {  	_ =	shalt  }
0x79: {  	_ =	shalt  }
0x7a: {  	_ =	shalt  }
0x7b: {  	_ =	shalt  }
0x7c: {  	_ =	shalt  }
0x7d: {  	_ =	shalt  }
0x7e: {  	_ =	shalt  }
0x7f: {  	_ =	shalt  }
0x80: {  	_ =	shalt  }
0x81: {  	_ =	shalt  }
0x82: {  	_ =	shalt  }
0x83: {  	_ =	shalt  }
0x84: {  	_ =	shalt  }
0x85: {  	_ =	shalt  }
0x86: {  	_ =	shalt  }
0x87: {  	_ =	shalt  }
.Lfunc_end0:
.L_simem_size_0:
called_computation.2_lowered:
.L_overlay_start_0:
0x88: {  	s2 =	sld [smem:$0x3FD9]  }
0x89: {  	s3 =	sld [smem:$0x3FFE];
	_ =	sdelay $0x1  }
0x8a: {  	s1 =	srdreg.scid  }
0x8b: {  	s0 =	sand.u32 $0x1, s1  }
0x8c: {  	s17 =	sshll.u32 s0, $0xA;
	s2 =	sadd.s32 s3, s2  }
0x8d: {  	s2 =	sadd.s32 s2, s17  }
0x8e: {  	[smem:$0x3FBA] =	sst s2  }
0x8f: {  	_ = 	snop  }
0x90: {  	(tm) =	ssettm $0x1  }
0x91: {  	s18 =	sld [smem:$0x3FFB];
	_ =	sdelay $0x3  }
0x92: {  	_ =	strace s18  }
0x93: {  	s2 =	sld [smem:$0x3FFC];
	_ =	sdelay $0x3  }
0x94: {  	_ =	strace s2  }
0x95: {  	s2 =	sld [smem:$0x3FFD];
	_ =	sdelay $0x3  }
0x96: {  	_ =	strace s2  }
0x97: {  	_ =	strace $0x8FFFFFFF  }
0x98: {  	s19 =	sld [smem:$0x3FDB];
	_ =	sdelay $0x1  }
0x99: {  	s20 =	simm.s32 $_scs_section_size  }
0x9a: {  	s4 =	simm.s32 $_size__tile_overlayer_lowered;
	s5 =	simm.s32 $_tile_overlayer_lowered  }
0x9b: {  	s6 =	simm.s32 $0x1BFF;
	s21 =	sshll.u32 s5, $0x1;
	s3 =	sadd.s32 s20, s19  }
0x9c: {  	s22 =	simm.s32 $0x0;
	s4 =	sshll.u32 s4, $0x1;
	s5 =	sadd.s32 s21, s3  }
0x9d: {  	[timem:s22], [sflag:s6] =	dma.local [hbm:s5], s4  }
0x9e: {  	_ =	swait.ge [sflag:s6], s4  }
0x9f: {  	s4 =	ssub.s32 $0x0, s4;
	[sflag:s6] =	ssyncset.done $0x0  }
0xa0: {  	[sflag:s6] =	ssyncadd.s32 s4;
	_ =	sdelay $0x1  }
0xa1: {  	s23 =	simm.s32 $0x1B8B  }
0xa2: {  	_ =	swait.ge [sflag:s23], $0x1  }
0xa3: {  	[sflag:s23] =	ssyncset.done $0x0  }
0xa4: {  	[sflag:s23] =	ssyncadd.s32 $0xFFFFFFFF  }
0xa5: {  	s4 =	sld [smem:$0x0]  }
0xa6: {  	s5 =	sand.u32 $0xFFFFFFFE, s1  }
0xa7: {  	p0 =	sne.s32 s1, s5  }
0xa8: {  	s5 =	sshll.u32 @p0 s5, $0xE  }
0xa9: {  	s5 =	sadd.s32 @p0 $0x11B8D, s5;
	s6 =	sshll.u32 @p0 s4, $0x11  }
0xaa: {  	s5 =	sor.u32 @p0 s6, s5  }
0xab: {  	[sflag:s5] =	ssyncadd.remote.s32 @p0 $0x1;
	_ =	sdelay $0x1  }
0xac: {  	s5 =	simm.s32 @p0 $0x1B8D  }
0xad: {  	_ =	swait.eq @p0 [sflag:s5], $0x1  }
0xae: {  	[sflag:s5] =	ssyncadd.s32 @p0 $0xFFFFFFFF  }
0xaf: {  	s6 =	sshll.u32 @!p0 s1, $0xE  }
0xb0: {  	s6 =	sor.u32 @!p0 $0x4000, s6;
	s5 =	simm.s32 @!p0 $0x1B8D  }
0xb1: {  	s4 =	sshll.u32 @!p0 s4, $0x11;
	s6 =	sadd.s32 @!p0 $0x11B8D, s6;
	_ =	swait.eq @!p0 [sflag:s5], $0x1  }
0xb2: {  	s4 =	sor.u32 @!p0 s4, s6;
	[sflag:s5] =	ssyncadd.s32 @!p0 $0xFFFFFFFF  }
0xb3: {  	s25 =	simm.s32 $0x1B8E;
	s24 =	sld [smem:$0x3FFE];
	[sflag:s4] =	ssyncadd.remote.s32 @!p0 $0x1  }
0xb4: {  	s26 =	simm.s32 $execute0_lowered;
	[smem:$0x3FD2] =	sst s25  }
0xb5: {  	s5 =	sshll.u32 s26, $0x1;
	_ =	strace $0x80000049;
	[dreg:$0x1] =	wrdreg $0xFFFFFFFF  }
0xb6: {  	s28 =	simm.s32 $_size_execute0_lowered;
	s3 =	sadd.s32 s3, s5;
	[dreg:$0x0] =	wrdreg $0x0  }
0xb7: {  	s5 =	sshll.u32 s28, $0x1;
	[dreg:$0x2] =	wrdreg s3  }
0xb8: {  	[dreg:$0x3] =	wrdreg s5  }
0xb9: {  	[dreg:$0x4] =	wrdreg $0xC0  }
0xba: {  	_ =	task [dreg:s22], $0x5FFFF  }
0xbb: {  	[dreg:$0x1] =	wrdreg $0xFFFFFFFF  }
0xbc: {  	[dreg:$0x0] =	wrdreg $0x60  }
0xbd: {  	[dreg:$0x2] =	wrdreg s24  }
0xbe: {  	[dreg:$0x3] =	wrdreg $0xA  }
0xbf: {  	_ =	task.clear_ibuf [dreg:s22], $0x4FFFF;
	_ =	strace $0x90000049  }
0xc0: {  	s29 =	simm.s32 $0xA;
	_ =	strace $0x8000004B  }
0xc1: {  	_ =	swait.ge [sflag:s29], $0x1  }
0xc2: {  	[sflag:s29] =	ssyncadd.s32 $0xFFFFFFFF  }
0xc3: {  	_ =	strace $0x9000004B  }
0xc4: {  	_ =	sfence  }
0xc5: {  	s30 =	sld [smem:$0x0];
	_ =	sdelay $0x2  }
0xc6: {  	s31 =	sshll.u32 s1, $0xD;
	s1 =	sshrl.u32 s1, $0x2  }
0xc7: {  	s4 =	sand.u32 $0x4000, s31;
	s1 =	sadd.s32 s1, s30  }
0xc8: {  	s0 =	sor.u32 s4, s0;
	s1 =	sshll.u32 s1, $0x11  }
0xc9: {  	s0 =	sor.u32 s1, s0  }
0xca: {  	s0 =	sadd.s32 $0x8F2B, s0  }
0xcb: {  	[sflag:s0] =	ssyncadd.remote.s32 $0x1  }
0xcc: {  	_ =	sfence.sel $0xFFFF  }
0xcd: {  	[dreg:$0x0] =	wrdreg $0xFFFFFFFF;
	(pc) =	sbr.abs _section_cstart, $3  }
0xce: {  	[dreg:$0x1] =	wrdreg $0xFFFFFFFF  }
0xcf: {  	_ =	task.clear_ibuf [dreg:s22], $0x2FFFF;
	_ =	strace $0x9FFFFFFF  }
0xd0: {  	(tm) =	ssettm $0x7FFFFFFF  }
0xd1: {  	_ =	shalt  }
tec
execute0_lowered:
.L_overlay_start_1:
0x0: {  	(tag) =	ssettag $0x1  }
0x1: {  	s0 =	srdreg.scid  }
0x2: {  	s4 =	rddreg [dreg:$0x0];
	s1 =	stileid.u32;
	s2 =	simm.s32 $0x0  }
0x3: {  	s12 =	simm.s32 $0xA00;
	s13 =	simm.s32 $0x4A00;
	s14 =	simm.s32 $0x1  }
0x4: {  	s15 =	simm.s32 $0x2;
	s16 =	simm.s32 $0x0;
	s26 =	smul.u32 $0x14, s1  }
0x5: {  	s6 =	sand.u32 $0x1, s0;
	s0 =	rddreg [dreg:$0x1];
	s31 =	smul.u32 $0xA000, s1  }
0x6: {  	[smem:$0x7FF] =	sst s2;
	s3 =	sshll.u32 s6, $0x4;
	s10 =	smul.u32 $0x140, s6  }
0x7: {  	s11 =	sadd.s32 $0x179400, s4;
	s30 =	smul.u32 $0xA0000, s6;
	s3 =	sor.u32 s1, s3  }
0x8: {  	_ =	strace $0x8000004A;
	s7 =	ssub.s32 $0x2, s6;
	s5 =	smul.u32 $0x140, s3  }
0x9: {  	s9 =	sshrl.u32 s7, $0x1;
	s8 =	smul.u32 $0xA000, s3;
	s3 =	sadd.s32 $0xC400, s4  }
0xa: {  	s7 =	ssub.s32 s7, s9;
	s29 =	sadd.s32 s26, s10;
	s9 =	sadd.s32 s30, s11  }
0xb: {  	s10 =	simm.s32 $0x3;
	s9 =	sadd.s32 s31, s9;
	s5 =	sadd.s32 s5, s4  }
0xc: {  	s28 =	sadd.s32 s11, s8;
	s8 =	sshll.u32 s29, $0xB;
	s4 =	sadd.s32 $0x174400, s5  }
0xd: {  	s5 =	smax.u32 s7, $0x1;
	s6 =	sadd.s32 $0x9000, s28;
	s8 =	sadd.s32 s8, s11  }
0xe: {  	s7 =	sadd.s32 $0x9800, s28;
	s11 =	simm.s32 $0x80;
	s8 =	sadd.s32 $0x800, s8  }
.LBB2_1:
0xf: {  	[tilespmem:s2], [sflag:$0x3] =	stream.linear.gather [hbm4b:s4+s2], $0xA00, $0x38;
	[tilespmem:$0x8A00] =	vst v63  }
0x10: {  	_ =	swait.ge [sflag:s10], $0xA00  }
0x11: {  	[sflag:s10] =	ssyncset.done $0x0  }
0x12: {  	[sflag:s10] =	ssyncadd.s32 $0xFFFFF600  }
0x13: {  	[tilespmem:s12], [sflag:$0x1] =	stream.indirect.gather [hbm4b:s3+s11], $0x80, s2, s11, $0xb8;
	[tilespmem:$0x8A00] =	vst v63  }
0x14: {  	_ = 	snop  }
0x15: {  	[tilespmem:s13], [sflag:$0x2] =	stream.indirect.gather [hbm4b:s3+s11], $0x80, s11, s11, $0xb8;
	[tilespmem:$0x8A00] =	vst v63  }
0x16: {  	_ =	swait.ge [sflag:s14], $0x4000  }
0x17: {  	[sflag:s14] =	ssyncset.done $0x0  }
0x18: {  	s17 =	sadd.s32 $0x0, s9;
	[sflag:s14] =	ssyncadd.s32 $0xFFFFC000  }
0x19: {  	[hbm4b:s17+s2] =	stream.linear.scatter [tilespmem:s12], [sflag:$0x3], $0x4000, $0x38;
	[tilespmem:$0x8A00] =	vst v63  }
0x1a: {  	_ =	swait.ge [sflag:s10], $0x4000  }
0x1b: {  	[sflag:s10] =	ssyncset.done $0x0  }
0x1c: {  	s30 =	simm.s32 $0x100;
	[sflag:s10] =	ssyncadd.s32 $0xFFFFC000  }
0x1d: {  	[tilespmem:s12], [sflag:$0x1] =	stream.indirect.gather [hbm4b:s3+s11], $0x80, s30, s11, $0xb8;
	[tilespmem:$0x8A00] =	vst v63  }
0x1e: {  	_ =	swait.ge [sflag:s15], $0x4000  }
0x1f: {  	[sflag:s15] =	ssyncset.done $0x0  }
0x20: {  	s31 =	sadd.s32 $0x0, s8;
	[sflag:s15] =	ssyncadd.s32 $0xFFFFC000  }
0x21: {  	[hbm4b:s31+s2] =	stream.linear.scatter [tilespmem:s13], [sflag:$0x3], $0x4000, $0x38;
	[tilespmem:$0x8A00] =	vst v63  }
0x22: {  	_ =	swait.ge [sflag:s10], $0x4000  }
0x23: {  	s18 =	simm.s32 $0x1000;
	[sflag:s10] =	ssyncset.done $0x0  }
0x24: {  	s19 =	simm.s32 $0x280;
	s17 =	simm.s32 $0x180;
	[sflag:s10] =	ssyncadd.s32 $0xFFFFC000  }
.LBB2_2:
0x25: {  	[tilespmem:s13], [sflag:$0x2] =	stream.indirect.gather [hbm4b:s3+s11], $0x80, s17, s11, $0xb8;
	[tilespmem:$0x8A00] =	vst v63  }
0x26: {  	s20 =	smov.u32 s18;
	s17 =	smov.u32 s19  }
0x27: {  	p0 =	sne.s32 s18, $0x8000;
	s18 =	sadd.s32 $0x1000, s18;
	_ =	swait.ge [sflag:s14], $0x4000  }
0x28: {  	[sflag:s14] =	ssyncset.done $0x0  }
0x29: {  	s21 =	sadd.s32 s20, s9;
	[sflag:s14] =	ssyncadd.s32 $0xFFFFC000  }
0x2a: {  	[hbm4b:s21+s2] =	stream.linear.scatter [tilespmem:s12], [sflag:$0x3], $0x4000, $0x38;
	[tilespmem:$0x8A00] =	vst v63  }
0x2b: {  	_ =	swait.ge [sflag:s10], $0x4000  }
0x2c: {  	[sflag:s10] =	ssyncset.done $0x0  }
0x2d: {  	s21 =	sadd.s32 $0xFFFFFF80, s19;
	[sflag:s10] =	ssyncadd.s32 $0xFFFFC000  }
0x2e: {  	[tilespmem:s12], [sflag:$0x1] =	stream.indirect.gather [hbm4b:s3+s11], $0x80, s21, s11, $0xb8;
	[tilespmem:$0x8A00] =	vst v63  }
0x2f: {  	_ =	swait.ge [sflag:s15], $0x4000  }
0x30: {  	[sflag:s15] =	ssyncset.done $0x0  }
.Ltmp0:
0x31: {  	s20 =	sadd.s32 s20, s8;
	[sflag:s15] =	ssyncadd.s32 $0xFFFFC000;
	(pc) =	sbr.rel @p0 .LBB2_2-.Ltmp0, $4  }
0x32: {  	[hbm4b:s20+s2] =	stream.linear.scatter [tilespmem:s13], [sflag:$0x3], $0x4000, $0x38;
	[tilespmem:$0x8A00] =	vst v63  }
0x33: {  	_ =	swait.ge [sflag:s10], $0x4000  }
0x34: {  	[sflag:s10] =	ssyncset.done $0x0  }
0x35: {  	s19 =	sadd.s32 $0x100, s19;
	[sflag:s10] =	ssyncadd.s32 $0xFFFFC000  }
0x36: {  	[tilespmem:s13], [sflag:$0x2] =	stream.indirect.gather [hbm4b:s3+s11], $0x80, s17, s11, $0xb8;
	[tilespmem:$0x8A00] =	vst v63  }
0x37: {  	_ =	swait.ge [sflag:s14], $0x4000  }
0x38: {  	[sflag:s14] =	ssyncset.done $0x0  }
0x39: {  	[sflag:s14] =	ssyncadd.s32 $0xFFFFC000  }
0x3a: {  	[hbm4b:s6+s2] =	stream.linear.scatter [tilespmem:s12], [sflag:$0x3], $0x4000, $0x38;
	[tilespmem:$0x8A00] =	vst v63  }
0x3b: {  	_ =	swait.ge [sflag:s10], $0x4000  }
0x3c: {  	[sflag:s10] =	ssyncset.done $0x0  }
0x3d: {  	[sflag:s10] =	ssyncadd.s32 $0xFFFFC000  }
0x3e: {  	s16 =	sadd.s32 $0x1, s16;
	_ =	swait.ge [sflag:s15], $0x4000  }
0x3f: {  	p0 =	sne.s32 s16, s5;
	[sflag:s15] =	ssyncset.done $0x0  }
.Ltmp1:
0x40: {  	[sflag:s15] =	ssyncadd.s32 $0xFFFFC000;
	(pc) =	sbr.rel @p0 .LBB2_1-.Ltmp1, $4  }
0x41: {  	[hbm4b:s7+s2] =	stream.linear.scatter [tilespmem:s13], [sflag:$0x3], $0x4000, $0x38;
	[tilespmem:$0x8A00] =	vst v63  }
0x42: {  	_ =	swait.ge [sflag:s10], $0x4000  }
0x43: {  	[sflag:s10] =	ssyncset.done $0x0  }
0x44: {  	[sflag:s10] =	ssyncadd.s32 $0xFFFFC000  }
0x45: {  	_ =	sfence.sel $0x180000  }
0x46: {  	[bflag:$0x0] =	sbarrier.arrive $0xFFFF  }
0x47: {  	p0 =	sne.s32 s1, $0x0;
	_ =	strace $0x9000004A  }
0x48: {  	s0 =	sadd.s32 @!p0 $0x100000, s0;
	[bflag:$0x2] =	sbarrier.arrive $0xFFFF  }
0x49: {  	[sflag:s0] =	ssyncadd.tile.s32 @!p0 $0x1;
	_ =	shalt  }
.Lfunc_end2:
_tile_overlayer_lowered:
.L_overlay_start_2:
0x4a: {  	(tag) =	ssettag $0x2  }
0x4b: {  	s0 =	rddreg [dreg:$0x0];
	s2 =	stileid.u32  }
0x4c: {  	s1 =	rddreg [dreg:$0x1];
	p0 =	sne.s32 s2, $0x0  }
0x4d: {  	s3 =	rddreg [dreg:$0x2];
	[bflag:$0x3] =	sbarrier.arrive $0xFFFF;
	s2 =	simm.s32 @!p0 $0x1C03  }
0x4e: {  	[timem:s3], [sflag:s2] =	dma.local @!p0 [hbm:s0], s1  }
0x4f: {  	s0 =	simm.s32 @!p0 $0x3  }
0x50: {  	_ =	swait.ge @!p0 [sflag:s0], s1  }
0x51: {  	s1 =	ssub.s32 @!p0 $0x0, s1;
	[sflag:s0] =	ssyncset.done @!p0 $0x0  }
0x52: {  	[sflag:s0] =	ssyncadd.s32 @!p0 s1  }
0x53: {  	[bflag:$0x3] =	sbarrier.arrive $0xFFFF  }
0x54: {  	_ =	shalt  }

// kernel: kernel.28.cloned.1.call-start
scs
__scs_entry_jumppad:
0x0: {  	(pc) =	sbr.rel $0x88, $3  }
0x1: {  	(tag) =	ssettag $0x0;
	lr =	simm.s32 $0x1  }
0x2: {  	[smem:$0x3F93] =	sst lr;
	_ =	strace $0xD0000000  }
0x3: {  	_ = 	snop  }
0x4: {  	_ = 	snop  }
0x5: {  	_ = 	snop  }
0x6: {  	_ = 	snop  }
0x7: {  	_ = 	snop  }
__scs_overlays_trampoline_lowered:
0x8: {  	[smem:$0x3FA2] =	sst s0  }
0x9: {  	[smem:$0x3FA3] =	sst s1  }
0xa: {  	[smem:$0x3FA4] =	sst s2  }
0xb: {  	[smem:$0x3FA5] =	sst s3  }
0xc: {  	[smem:$0x3FA6] =	sst s4  }
0xd: {  	[smem:$0x3FA7] =	sst s5  }
0xe: {  	[smem:$0x3FA8] =	sst s6  }
0xf: {  	[smem:$0x3FA9] =	sst s7  }
0x10: {  	[smem:$0x3FAA] =	sst s8  }
0x11: {  	[smem:$0x3FAB] =	sst s9;
	s0 =	simm.s32 @!p0 $0x0  }
0x12: {  	s1 =	sld [smem:$0x3F91];
	s0 =	simm.s32 @p0 $0x1  }
0x13: {  	[smem:$0x3FAC] =	sst s0;
	s0 =	simm.s32 @!p1 $0x0  }
0x14: {  	s2 =	sld [smem:$0x3F90];
	s0 =	simm.s32 @p1 $0x1  }
0x15: {  	[smem:$0x3FAD] =	sst s0;
	s0 =	simm.s32 @!p2 $0x0  }
0x16: {  	s3 =	sld [smem:$0x3FDB];
	s0 =	simm.s32 @p2 $0x1  }
0x17: {  	s4 =	simm.s32 $0x1BF5;
	[smem:$0x3FAF] =	sst s0  }
0x18: {  	s0 =	sld [smem:$0x3F92];
	_ =	swait.ge [sflag:s4], $0x0  }
0x19: {  	s7 =	sld [smem:$0x3F93]  }
0x1a: {  	s8 =	sadd.s32 $0xFFFFE003, lr  }
0x1b: {  	s9 =	sadd.s32 $0xFFFFFEF7, lr;
	s5 =	simm.s32 $0xFFFFFFFF;
	p2 =	slt.u32 s8, $0xFFFFF086  }
0x1c: {  	p1 =	slt.u32 s9, $0xF7A;
	s5 =	simm.s32 @!p2 $0x0  }
0x1d: {  	s5 =	simm.s32 @p1 $0x1;
	p0 =	seq.s32 s7, s2  }
0x1e: {  	s7 =	smul.u32 @!p0 $0xF7A, s2;
	p2 =	seq.s32 @!p0 s5, $0x0  }
0x1f: {  	s9 =	smul.u32 $0xF7A, s1;
	s8 =	simm.s32 @!p0 $0x1BF5;
	p2 =	por !p2, p0  }
0x20: {  	[sflag:s8] =	ssyncset.s32 @!p0 $0xFFFFF086;
	s6 =	sadd.s32 @!p0 s3, s7;
	s7 =	simm.s32 @!p0 $0x108  }
0x21: {  	s3 =	sadd.s32 s3, s9;
	s6 =	sadd.s32 @!p0 $0x88, s6;
	s7 =	simm.s32 @p2 $0x1082  }
0x22: {  	[simem:s7], [sflag:s8] =	dma.local @!p0 [hbm:s6], $0xF7A  }
0x23: {  	s9 =	sor.u32 $0xD0000000, s2;
	s6 =	simm.s32 $0x108;
	_ =	swait.ge @!p0 [sflag:s8], $0x0  }
0x24: {  	s3 =	sadd.s32 $0x88, s3;
	s6 =	simm.s32 @!p1 $0x1082;
	[sflag:s4] =	ssyncset.s32 $0xFFFFF086  }
0x25: {  	[simem:s6], [sflag:s4] =	dma.local [hbm:s3], $0xF7A  }
0x26: {  	[smem:$0x3F93] =	sst s1;
	(tag) =	ssettag s2;
	_ =	strace s9  }
0x27: {  	s1 =	sld [smem:$0x3FA3]  }
0x28: {  	s2 =	sld [smem:$0x3FA4]  }
0x29: {  	s4 =	sld [smem:$0x3FA6]  }
0x2a: {  	p0 =	seq.s32 s5, $0x0;
	s5 =	sld [smem:$0x3FA7]  }
0x2b: {  	s6 =	sld [smem:$0x3FA8]  }
0x2c: {  	s7 =	sld [smem:$0x3FA9]  }
0x2d: {  	s3 =	simm.s32 $0x108;
	s8 =	sld [smem:$0x3FAA]  }
0x2e: {  	s3 =	simm.s32 @!p0 $0x1082;
	s9 =	sld [smem:$0x3FAB]  }
0x2f: {  	lr =	sadd.s32 s0, s3;
	s0 =	sld [smem:$0x3FA2]  }
0x30: {  	s3 =	sld [smem:$0x3FA5]  }
0x31: {  	[smem:$0x3FAE] =	sst s10  }
0x32: {  	s10 =	sld [smem:$0x3FAC];
	_ =	sdelay $0x3  }
0x33: {  	p0 =	seq.s32 s10, $0x1;
	s10 =	sld [smem:$0x3FAE];
	_ =	sdelay $0x3  }
0x34: {  	[smem:$0x3FAE] =	sst s10  }
0x35: {  	s10 =	sld [smem:$0x3FAD];
	_ =	sdelay $0x3  }
0x36: {  	p1 =	seq.s32 s10, $0x1;
	s10 =	sld [smem:$0x3FAE];
	_ =	sdelay $0x3  }
0x37: {  	[smem:$0x3FAE] =	sst s10  }
0x38: {  	s10 =	sld [smem:$0x3FAF]  }
0x39: {  	_ = 	snop;
	(pc) =	sbr.ind lr, $3  }
0x3a: {  	_ = 	snop  }
0x3b: {  	_ = 	snop  }
0x3c: {  	p2 =	seq.s32 s10, $0x1;
	s10 =	sld [smem:$0x3FAE]  }
0x3d: {  	_ =	shalt  }
0x3e: {  	_ =	shalt  }
0x3f: {  	_ =	shalt  }
0x40: {  	_ =	shalt  }
0x41: {  	_ =	shalt  }
0x42: {  	_ =	shalt  }
0x43: {  	_ =	shalt  }
0x44: {  	_ =	shalt  }
0x45: {  	_ =	shalt  }
0x46: {  	_ =	shalt  }
0x47: {  	_ =	shalt  }
0x48: {  	_ =	shalt  }
0x49: {  	_ =	shalt  }
0x4a: {  	_ =	shalt  }
0x4b: {  	_ =	shalt  }
0x4c: {  	_ =	shalt  }
0x4d: {  	_ =	shalt  }
0x4e: {  	_ =	shalt  }
0x4f: {  	_ =	shalt  }
0x50: {  	_ =	shalt  }
0x51: {  	_ =	shalt  }
0x52: {  	_ =	shalt  }
0x53: {  	_ =	shalt  }
0x54: {  	_ =	shalt  }
0x55: {  	_ =	shalt  }
0x56: {  	_ =	shalt  }
0x57: {  	_ =	shalt  }
0x58: {  	_ =	shalt  }
0x59: {  	_ =	shalt  }
0x5a: {  	_ =	shalt  }
0x5b: {  	_ =	shalt  }
0x5c: {  	_ =	shalt  }
0x5d: {  	_ =	shalt  }
0x5e: {  	_ =	shalt  }
0x5f: {  	_ =	shalt  }
0x60: {  	_ =	shalt  }
0x61: {  	_ =	shalt  }
0x62: {  	_ =	shalt  }
0x63: {  	_ =	shalt  }
0x64: {  	_ =	shalt  }
0x65: {  	_ =	shalt  }
0x66: {  	_ =	shalt  }
0x67: {  	_ =	shalt  }
0x68: {  	_ =	shalt  }
0x69: {  	_ =	shalt  }
0x6a: {  	_ =	shalt  }
0x6b: {  	_ =	shalt  }
0x6c: {  	_ =	shalt  }
0x6d: {  	_ =	shalt  }
0x6e: {  	_ =	shalt  }
0x6f: {  	_ =	shalt  }
0x70: {  	_ =	shalt  }
0x71: {  	_ =	shalt  }
0x72: {  	_ =	shalt  }
0x73: {  	_ =	shalt  }
0x74: {  	_ =	shalt  }
0x75: {  	_ =	shalt  }
0x76: {  	_ =	shalt  }
0x77: {  	_ =	shalt  }
0x78: {  	_ =	shalt  }
0x79: {  	_ =	shalt  }
0x7a: {  	_ =	shalt  }
0x7b: {  	_ =	shalt  }
0x7c: {  	_ =	shalt  }
0x7d: {  	_ =	shalt  }
0x7e: {  	_ =	shalt  }
0x7f: {  	_ =	shalt  }
0x80: {  	_ =	shalt  }
0x81: {  	_ =	shalt  }
0x82: {  	_ =	shalt  }
0x83: {  	_ =	shalt  }
0x84: {  	_ =	shalt  }
0x85: {  	_ =	shalt  }
0x86: {  	_ =	shalt  }
0x87: {  	_ =	shalt  }
.Lfunc_end0:
.L_simem_size_0:
called_computation.3_lowered:
.L_overlay_start_0:
0x88: {  	s2 =	sld [smem:$0x3FD9]  }
0x89: {  	s3 =	sld [smem:$0x3FFE];
	_ =	sdelay $0x1  }
0x8a: {  	s1 =	srdreg.scid  }
0x8b: {  	s0 =	sand.u32 $0x1, s1  }
0x8c: {  	s17 =	sshll.u32 s0, $0xA;
	s2 =	sadd.s32 s3, s2  }
0x8d: {  	s2 =	sadd.s32 s2, s17  }
0x8e: {  	[smem:$0x3FBA] =	sst s2  }
0x8f: {  	_ = 	snop  }
0x90: {  	(tm) =	ssettm $0x1  }
0x91: {  	s18 =	sld [smem:$0x3FFB];
	_ =	sdelay $0x3  }
0x92: {  	_ =	strace s18  }
0x93: {  	s2 =	sld [smem:$0x3FFC];
	_ =	sdelay $0x3  }
0x94: {  	_ =	strace s2  }
0x95: {  	s2 =	sld [smem:$0x3FFD];
	_ =	sdelay $0x3  }
0x96: {  	_ =	strace s2  }
0x97: {  	_ =	strace $0x8FFFFFFF  }
0x98: {  	s19 =	sld [smem:$0x3FDB];
	_ =	sdelay $0x1  }
0x99: {  	s20 =	simm.s32 $_scs_section_size  }
0x9a: {  	s4 =	simm.s32 $_size__tile_overlayer_lowered;
	s5 =	simm.s32 $_tile_overlayer_lowered  }
0x9b: {  	s6 =	simm.s32 $0x1BFF;
	s21 =	sshll.u32 s5, $0x1;
	s3 =	sadd.s32 s20, s19  }
0x9c: {  	s22 =	simm.s32 $0x0;
	s4 =	sshll.u32 s4, $0x1;
	s5 =	sadd.s32 s21, s3  }
0x9d: {  	[timem:s22], [sflag:s6] =	dma.local [hbm:s5], s4  }
0x9e: {  	_ =	swait.ge [sflag:s6], s4  }
0x9f: {  	s4 =	ssub.s32 $0x0, s4;
	[sflag:s6] =	ssyncset.done $0x0  }
0xa0: {  	[sflag:s6] =	ssyncadd.s32 s4;
	_ =	sdelay $0x1  }
0xa1: {  	s23 =	simm.s32 $0x1B8B  }
0xa2: {  	_ =	swait.ge [sflag:s23], $0x1  }
0xa3: {  	[sflag:s23] =	ssyncset.done $0x0  }
0xa4: {  	[sflag:s23] =	ssyncadd.s32 $0xFFFFFFFF  }
0xa5: {  	s4 =	sld [smem:$0x0]  }
0xa6: {  	s5 =	sand.u32 $0xFFFFFFFE, s1  }
0xa7: {  	p0 =	sne.s32 s1, s5  }
0xa8: {  	s5 =	sshll.u32 @p0 s5, $0xE  }
0xa9: {  	s5 =	sadd.s32 @p0 $0x11B8D, s5;
	s6 =	sshll.u32 @p0 s4, $0x11  }
0xaa: {  	s5 =	sor.u32 @p0 s6, s5  }
0xab: {  	[sflag:s5] =	ssyncadd.remote.s32 @p0 $0x1;
	_ =	sdelay $0x1  }
0xac: {  	s5 =	simm.s32 @p0 $0x1B8D  }
0xad: {  	_ =	swait.eq @p0 [sflag:s5], $0x1  }
0xae: {  	[sflag:s5] =	ssyncadd.s32 @p0 $0xFFFFFFFF  }
0xaf: {  	s6 =	sshll.u32 @!p0 s1, $0xE  }
0xb0: {  	s6 =	sor.u32 @!p0 $0x4000, s6;
	s5 =	simm.s32 @!p0 $0x1B8D  }
0xb1: {  	s4 =	sshll.u32 @!p0 s4, $0x11;
	s6 =	sadd.s32 @!p0 $0x11B8D, s6;
	_ =	swait.eq @!p0 [sflag:s5], $0x1  }
0xb2: {  	s4 =	sor.u32 @!p0 s4, s6;
	[sflag:s5] =	ssyncadd.s32 @!p0 $0xFFFFFFFF  }
0xb3: {  	s25 =	simm.s32 $0x1B8E;
	s24 =	sld [smem:$0x3FFE];
	[sflag:s4] =	ssyncadd.remote.s32 @!p0 $0x1  }
0xb4: {  	s26 =	simm.s32 $execute0_lowered;
	[smem:$0x3FD2] =	sst s25  }
0xb5: {  	s5 =	sshll.u32 s26, $0x1;
	_ =	strace $0x8000004F;
	[dreg:$0x1] =	wrdreg $0xFFFFFFFF  }
0xb6: {  	s28 =	simm.s32 $_size_execute0_lowered;
	s3 =	sadd.s32 s3, s5;
	[dreg:$0x0] =	wrdreg $0x0  }
0xb7: {  	s5 =	sshll.u32 s28, $0x1;
	[dreg:$0x2] =	wrdreg s3  }
0xb8: {  	[dreg:$0x3] =	wrdreg s5  }
0xb9: {  	[dreg:$0x4] =	wrdreg $0xC0  }
0xba: {  	_ =	task [dreg:s22], $0x5FFFF  }
0xbb: {  	[dreg:$0x1] =	wrdreg $0xFFFFFFFF  }
0xbc: {  	[dreg:$0x0] =	wrdreg $0x60  }
0xbd: {  	[dreg:$0x2] =	wrdreg s24  }
0xbe: {  	[dreg:$0x3] =	wrdreg $0x4C000  }
0xbf: {  	[dreg:$0x4] =	wrdreg $0xB  }
0xc0: {  	_ =	task.clear_ibuf [dreg:s22], $0x5FFFF;
	_ =	strace $0x9000004F  }
0xc1: {  	s29 =	simm.s32 $0xB;
	_ =	strace $0x80000051  }
0xc2: {  	_ =	swait.ge [sflag:s29], $0x1  }
0xc3: {  	[sflag:s29] =	ssyncadd.s32 $0xFFFFFFFF  }
0xc4: {  	_ =	strace $0x90000051  }
0xc5: {  	_ =	sfence  }
0xc6: {  	s30 =	sld [smem:$0x0];
	_ =	sdelay $0x2  }
0xc7: {  	s31 =	sshll.u32 s1, $0xD;
	s1 =	sshrl.u32 s1, $0x2  }
0xc8: {  	s4 =	sand.u32 $0x4000, s31;
	s1 =	sadd.s32 s1, s30  }
0xc9: {  	s0 =	sor.u32 s4, s0;
	s1 =	sshll.u32 s1, $0x11  }
0xca: {  	s0 =	sor.u32 s1, s0  }
0xcb: {  	s0 =	sadd.s32 $0x8F2B, s0  }
0xcc: {  	[sflag:s0] =	ssyncadd.remote.s32 $0x1  }
0xcd: {  	_ =	sfence.sel $0xFFFF  }
0xce: {  	[dreg:$0x0] =	wrdreg $0xFFFFFFFF;
	(pc) =	sbr.abs _section_cstart, $3  }
0xcf: {  	[dreg:$0x1] =	wrdreg $0xFFFFFFFF  }
0xd0: {  	_ =	task.clear_ibuf [dreg:s22], $0x2FFFF;
	_ =	strace $0x9FFFFFFF  }
0xd1: {  	(tm) =	ssettm $0x7FFFFFFF  }
tec
execute0_lowered:
.L_overlay_start_1:
0x0: {  	(tag) =	ssettag $0x1  }
0x1: {  	s1 =	stileid.u32  }
0x2: {  	s8 =	smul.u32 $0x14000, s1  }
0x3: {  	s0 =	srdreg.scid;
	s25 =	smul.u32 $0x50000, s1  }
0x4: {  	s4 =	rddreg [dreg:$0x0];
	s28 =	smul.u32 $0x140, s1  }
0x5: {  	s2 =	rddreg [dreg:$0x1];
	s5 =	sand.u32 $0x1, s0;
	s13 =	smul.u32 $0xA000, s1  }
0x6: {  	s3 =	simm.s32 $0x0;
	s0 =	rddreg [dreg:$0x2];
	s6 =	smul.u32 $0xA0000, s5  }
0x7: {  	s14 =	simm.s32 $0x0;
	[smem:$0x7FF] =	sst s3;
	s7 =	smul.u32 $0x1400, s5  }
0x8: {  	s29 =	sshll.u32 s1, $0x6;
	s9 =	smul.u32 $0x140000, s5;
	s5 =	ssub.s32 $0x2, s5  }
0x9: {  	_ =	strace $0x80000050;
	s24 =	sshrl.u32 s8, $0x3;
	s26 =	sshrl.u32 s5, $0x1  }
0xa: {  	s10 =	sadd.s32 s6, s4;
	s7 =	sadd.s32 s7, s4;
	s8 =	sadd.s32 s8, s9  }
0xb: {  	s6 =	sadd.s32 s24, s4;
	s9 =	sshrl.u32 s25, $0x2;
	s11 =	ssub.s32 s5, s26  }
0xc: {  	s5 =	sor.u32 $0x1C01, s29;
	s8 =	sshrl.u32 s8, $0x3;
	s12 =	sadd.s32 s9, s2  }
0xd: {  	s30 =	sadd.s32 s28, s7;
	s7 =	smax.u32 s11, $0x1;
	s31 =	sadd.s32 s13, s10  }
0xe: {  	s11 =	simm.s32 $0x1;
	s13 =	simm.s32 $0x80;
	s8 =	sadd.s32 s8, s4  }
0xf: {  	s4 =	sadd.s32 $0x2BE400, s6;
	s9 =	sadd.s32 $0x336C00, s31;
	s10 =	sshrl.u32 s12, $0x3  }
0x10: {  	s12 =	simm.s32 $0xC00;
	s6 =	sadd.s32 $0x476C00, s8;
	s8 =	sadd.s32 $0x9C00, s30  }
.LBB2_1:
0x11: {  	[spmem:s10], [sflag:s5] =	dma.local [hbm:s4], $0x2800  }
0x12: {  	_ =	swait.ge [sflag:s11], $0x2800  }
0x13: {  	[sflag:s11] =	ssyncset.done $0x0  }
0x14: {  	s15 =	sadd.s32 $0x0, s8;
	[sflag:s11] =	ssyncadd.s32 $0xFFFFD800  }
0x15: {  	[tilespmem:s3], [sflag:$0x1] =	stream.linear.gather [hbm4b:s15+s3], $0x80, $0x38;
	[tilespmem:$0x18C00] =	vst v63  }
0x16: {  	_ =	swait.ge [sflag:s11], $0x80  }
0x17: {  	s16 =	simm.s32 $0x0;
	s15 =	simm.s32 $0x10;
	[sflag:s11] =	ssyncset.done $0x0  }
.LBB2_2:
0x18: {  	s17 =	sadd.s32 s15, s8  }
0x19: {  	[sflag:s11] =	ssyncadd.s32 $0xFFFFFF80;
	s16 =	sadd.s32 $0x80, s16;
	p0 =	sne.s32 s15, $0x130  }
0x1a: {  	[tilespmem:s16], [sflag:$0x1] =	stream.linear.gather [hbm4b:s17+s3], $0x80, $0x38;
	[tilespmem:$0x18C00] =	vst v63  }
.Ltmp0:
0x1b: {  	_ = 	snop;
	(pc) =	sbr.rel @p0 .LBB2_2-.Ltmp0, $4  }
0x1c: {  	_ = 	snop  }
0x1d: {  	s15 =	sadd.s32 $0x10, s15  }
0x1e: {  	_ =	swait.ge [sflag:s11], $0x80  }
0x1f: {  	[sflag:s11] =	ssyncset.done $0x0  }
0x20: {  	[sflag:s11] =	ssyncadd.s32 $0xFFFFFF80  }
0x21: {  	[bflag:$0x0] =	sbarrier.arrive $0xFFFF  }
0x22: {  	[tilespmem:s12], [sflag:$0x1] =	stream.linear.gather [hbm4b:s9+s3], $0x4000, $0x38;
	[tilespmem:$0x18C00] =	vst v63  }
0x23: {  	_ =	swait.ge [sflag:s11], $0x4000  }
0x24: {  	[sflag:s11] =	ssyncset.done $0x0  }
0x25: {  	s15 =	simm.s32 $0x0;
	[sflag:s11] =	ssyncadd.s32 $0xFFFFC000  }
0x26: {  	[spmem:s2] =	stream.indirect.scatter.add.f32 [tilespmem:s12], [sflag:$0x1], $0x80, s15, s13, $0xb8;
	[tilespmem:$0x18C00] =	vst v63  }
0x27: {  	_ =	swait.ge [sflag:s11], $0x4000  }
0x28: {  	s16 =	smov.u32 s9;
	s15 =	simm.s32 $0x200;
	[sflag:s11] =	ssyncset.done $0x0  }
.LBB2_4:
0x29: {  	p0 =	sne.s32 s15, $0x2600;
	[sflag:s11] =	ssyncadd.s32 $0xFFFFC000;
	s16 =	sadd.s32 $0x800, s16  }
0x2a: {  	[tilespmem:s12], [sflag:$0x1] =	stream.linear.gather [hbm4b:s16+s3], $0x4000, $0x38;
	[tilespmem:$0x18C00] =	vst v63  }
0x2b: {  	s17 =	smov.u32 s15;
	s15 =	sadd.s32 $0x200, s15;
	_ =	swait.ge [sflag:s11], $0x4000  }
.Ltmp1:
0x2c: {  	[sflag:s11] =	ssyncset.done $0x0;
	(pc) =	sbr.rel @p0 .LBB2_4-.Ltmp1, $4  }
0x2d: {  	s17 =	sshra.s32 s17, $0x2;
	[sflag:s11] =	ssyncadd.s32 $0xFFFFC000  }
0x2e: {  	[spmem:s2] =	stream.indirect.scatter.add.f32 [tilespmem:s12], [sflag:$0x1], $0x80, s17, s13, $0xb8;
	[tilespmem:$0x18C00] =	vst v63  }
0x2f: {  	_ =	swait.ge [sflag:s11], $0x4000  }
0x30: {  	[sflag:s11] =	ssyncset.done $0x0  }
0x31: {  	s14 =	sadd.s32 $0x1, s14  }
0x32: {  	[sflag:s11] =	ssyncadd.s32 $0xFFFFC000;
	p0 =	sne.s32 s14, s7  }
.Ltmp2:
0x33: {  	[bflag:$0x0] =	sbarrier.arrive $0xFFFF;
	(pc) =	sbr.rel @p0 .LBB2_1-.Ltmp2, $4  }
0x34: {  	[hbm:s6], [sflag:s5] =	dma.local [spmem:s10], $0x2800  }
0x35: {  	_ =	swait.ge [sflag:s11], $0x2800  }
0x36: {  	[sflag:s11] =	ssyncset.done $0x0  }
0x37: {  	[sflag:s11] =	ssyncadd.s32 $0xFFFFD800  }
0x38: {  	_ =	sfence.sel $0x180000  }
0x39: {  	[bflag:$0x0] =	sbarrier.arrive $0xFFFF  }
0x3a: {  	p0 =	sne.s32 s1, $0x0;
	_ =	strace $0x90000050  }
0x3b: {  	s0 =	sadd.s32 @!p0 $0x100000, s0;
	[bflag:$0x2] =	sbarrier.arrive $0xFFFF  }
0x3c: {  	[sflag:s0] =	ssyncadd.tile.s32 @!p0 $0x1;
	_ =	shalt  }
.Lfunc_end2:
_tile_overlayer_lowered:
.L_overlay_start_2:
0x3d: {  	(tag) =	ssettag $0x2  }
0x3e: {  	s0 =	rddreg [dreg:$0x0];
	s2 =	stileid.u32  }
0x3f: {  	s1 =	rddreg [dreg:$0x1];
	p0 =	sne.s32 s2, $0x0  }
0x40: {  	s3 =	rddreg [dreg:$0x2];
	[bflag:$0x3] =	sbarrier.arrive $0xFFFF;
	s2 =	simm.s32 @!p0 $0x1C01  }
0x41: {  	[timem:s3], [sflag:s2] =	dma.local @!p0 [hbm:s0], s1  }
0x42: {  	s0 =	simm.s32 @!p0 $0x1  }
0x43: {  	_ =	swait.ge @!p0 [sflag:s0], s1  }
0x44: {  	s1 =	ssub.s32 @!p0 $0x0, s1;
	[sflag:s0] =	ssyncset.done @!p0 $0x0  }
0x45: {  	[sflag:s0] =	ssyncadd.s32 @!p0 s1  }
0x46: {  	[bflag:$0x3] =	sbarrier.arrive $0xFFFF  }
0x47: {  	_ =	shalt  }

// kernel: kernel.31.cloned.1.call-start
scs
__scs_entry_jumppad:
0x0: {  	(pc) =	sbr.rel $0x88, $3  }
0x1: {  	(tag) =	ssettag $0x0;
	lr =	simm.s32 $0x1  }
0x2: {  	[smem:$0x3F93] =	sst lr;
	_ =	strace $0xD0000000  }
0x3: {  	_ = 	snop  }
0x4: {  	_ = 	snop  }
0x5: {  	_ = 	snop  }
0x6: {  	_ = 	snop  }
0x7: {  	_ = 	snop  }
__scs_overlays_trampoline_lowered:
0x8: {  	[smem:$0x3FA2] =	sst s0  }
0x9: {  	[smem:$0x3FA3] =	sst s1  }
0xa: {  	[smem:$0x3FA4] =	sst s2  }
0xb: {  	[smem:$0x3FA5] =	sst s3  }
0xc: {  	[smem:$0x3FA6] =	sst s4  }
0xd: {  	[smem:$0x3FA7] =	sst s5  }
0xe: {  	[smem:$0x3FA8] =	sst s6  }
0xf: {  	[smem:$0x3FA9] =	sst s7  }
0x10: {  	[smem:$0x3FAA] =	sst s8  }
0x11: {  	[smem:$0x3FAB] =	sst s9;
	s0 =	simm.s32 @!p0 $0x0  }
0x12: {  	s1 =	sld [smem:$0x3F91];
	s0 =	simm.s32 @p0 $0x1  }
0x13: {  	[smem:$0x3FAC] =	sst s0;
	s0 =	simm.s32 @!p1 $0x0  }
0x14: {  	s2 =	sld [smem:$0x3F90];
	s0 =	simm.s32 @p1 $0x1  }
0x15: {  	[smem:$0x3FAD] =	sst s0;
	s0 =	simm.s32 @!p2 $0x0  }
0x16: {  	s3 =	sld [smem:$0x3FDB];
	s0 =	simm.s32 @p2 $0x1  }
0x17: {  	s4 =	simm.s32 $0x1BF5;
	[smem:$0x3FAF] =	sst s0  }
0x18: {  	s0 =	sld [smem:$0x3F92];
	_ =	swait.ge [sflag:s4], $0x0  }
0x19: {  	s7 =	sld [smem:$0x3F93]  }
0x1a: {  	s8 =	sadd.s32 $0xFFFFE003, lr  }
0x1b: {  	s9 =	sadd.s32 $0xFFFFFEF7, lr;
	s5 =	simm.s32 $0xFFFFFFFF;
	p2 =	slt.u32 s8, $0xFFFFF086  }
0x1c: {  	p1 =	slt.u32 s9, $0xF7A;
	s5 =	simm.s32 @!p2 $0x0  }
0x1d: {  	s5 =	simm.s32 @p1 $0x1;
	p0 =	seq.s32 s7, s2  }
0x1e: {  	s7 =	smul.u32 @!p0 $0xF7A, s2;
	p2 =	seq.s32 @!p0 s5, $0x0  }
0x1f: {  	s9 =	smul.u32 $0xF7A, s1;
	s8 =	simm.s32 @!p0 $0x1BF5;
	p2 =	por !p2, p0  }
0x20: {  	[sflag:s8] =	ssyncset.s32 @!p0 $0xFFFFF086;
	s6 =	sadd.s32 @!p0 s3, s7;
	s7 =	simm.s32 @!p0 $0x108  }
0x21: {  	s3 =	sadd.s32 s3, s9;
	s6 =	sadd.s32 @!p0 $0x88, s6;
	s7 =	simm.s32 @p2 $0x1082  }
0x22: {  	[simem:s7], [sflag:s8] =	dma.local @!p0 [hbm:s6], $0xF7A  }
0x23: {  	s9 =	sor.u32 $0xD0000000, s2;
	s6 =	simm.s32 $0x108;
	_ =	swait.ge @!p0 [sflag:s8], $0x0  }
0x24: {  	s3 =	sadd.s32 $0x88, s3;
	s6 =	simm.s32 @!p1 $0x1082;
	[sflag:s4] =	ssyncset.s32 $0xFFFFF086  }
0x25: {  	[simem:s6], [sflag:s4] =	dma.local [hbm:s3], $0xF7A  }
0x26: {  	[smem:$0x3F93] =	sst s1;
	(tag) =	ssettag s2;
	_ =	strace s9  }
0x27: {  	s1 =	sld [smem:$0x3FA3]  }
0x28: {  	s2 =	sld [smem:$0x3FA4]  }
0x29: {  	s4 =	sld [smem:$0x3FA6]  }
0x2a: {  	p0 =	seq.s32 s5, $0x0;
	s5 =	sld [smem:$0x3FA7]  }
0x2b: {  	s6 =	sld [smem:$0x3FA8]  }
0x2c: {  	s7 =	sld [smem:$0x3FA9]  }
0x2d: {  	s3 =	simm.s32 $0x108;
	s8 =	sld [smem:$0x3FAA]  }
0x2e: {  	s3 =	simm.s32 @!p0 $0x1082;
	s9 =	sld [smem:$0x3FAB]  }
0x2f: {  	lr =	sadd.s32 s0, s3;
	s0 =	sld [smem:$0x3FA2]  }
0x30: {  	s3 =	sld [smem:$0x3FA5]  }
0x31: {  	[smem:$0x3FAE] =	sst s10  }
0x32: {  	s10 =	sld [smem:$0x3FAC];
	_ =	sdelay $0x3  }
0x33: {  	p0 =	seq.s32 s10, $0x1;
	s10 =	sld [smem:$0x3FAE];
	_ =	sdelay $0x3  }
0x34: {  	[smem:$0x3FAE] =	sst s10  }
0x35: {  	s10 =	sld [smem:$0x3FAD];
	_ =	sdelay $0x3  }
0x36: {  	p1 =	seq.s32 s10, $0x1;
	s10 =	sld [smem:$0x3FAE];
	_ =	sdelay $0x3  }
0x37: {  	[smem:$0x3FAE] =	sst s10  }
0x38: {  	s10 =	sld [smem:$0x3FAF]  }
0x39: {  	_ = 	snop;
	(pc) =	sbr.ind lr, $3  }
0x3a: {  	_ = 	snop  }
0x3b: {  	_ = 	snop  }
0x3c: {  	p2 =	seq.s32 s10, $0x1;
	s10 =	sld [smem:$0x3FAE]  }
0x3d: {  	_ =	shalt  }
0x3e: {  	_ =	shalt  }
0x3f: {  	_ =	shalt  }
0x40: {  	_ =	shalt  }
0x41: {  	_ =	shalt  }
0x42: {  	_ =	shalt  }
0x43: {  	_ =	shalt  }
0x44: {  	_ =	shalt  }
0x45: {  	_ =	shalt  }
0x46: {  	_ =	shalt  }
0x47: {  	_ =	shalt  }
0x48: {  	_ =	shalt  }
0x49: {  	_ =	shalt  }
0x4a: {  	_ =	shalt  }
0x4b: {  	_ =	shalt  }
0x4c: {  	_ =	shalt  }
0x4d: {  	_ =	shalt  }
0x4e: {  	_ =	shalt  }
0x4f: {  	_ =	shalt  }
0x50: {  	_ =	shalt  }
0x51: {  	_ =	shalt  }
0x52: {  	_ =	shalt  }
0x53: {  	_ =	shalt  }
0x54: {  	_ =	shalt  }
0x55: {  	_ =	shalt  }
0x56: {  	_ =	shalt  }
0x57: {  	_ =	shalt  }
0x58: {  	_ =	shalt  }
0x59: {  	_ =	shalt  }
0x5a: {  	_ =	shalt  }
0x5b: {  	_ =	shalt  }
0x5c: {  	_ =	shalt  }
0x5d: {  	_ =	shalt  }
0x5e: {  	_ =	shalt  }
0x5f: {  	_ =	shalt  }
0x60: {  	_ =	shalt  }
0x61: {  	_ =	shalt  }
0x62: {  	_ =	shalt  }
0x63: {  	_ =	shalt  }
0x64: {  	_ =	shalt  }
0x65: {  	_ =	shalt  }
0x66: {  	_ =	shalt  }
0x67: {  	_ =	shalt  }
0x68: {  	_ =	shalt  }
0x69: {  	_ =	shalt  }
0x6a: {  	_ =	shalt  }
0x6b: {  	_ =	shalt  }
0x6c: {  	_ =	shalt  }
0x6d: {  	_ =	shalt  }
0x6e: {  	_ =	shalt  }
0x6f: {  	_ =	shalt  }
0x70: {  	_ =	shalt  }
0x71: {  	_ =	shalt  }
0x72: {  	_ =	shalt  }
0x73: {  	_ =	shalt  }
0x74: {  	_ =	shalt  }
0x75: {  	_ =	shalt  }
0x76: {  	_ =	shalt  }
0x77: {  	_ =	shalt  }
0x78: {  	_ =	shalt  }
0x79: {  	_ =	shalt  }
0x7a: {  	_ =	shalt  }
0x7b: {  	_ =	shalt  }
0x7c: {  	_ =	shalt  }
0x7d: {  	_ =	shalt  }
0x7e: {  	_ =	shalt  }
0x7f: {  	_ =	shalt  }
0x80: {  	_ =	shalt  }
0x81: {  	_ =	shalt  }
0x82: {  	_ =	shalt  }
0x83: {  	_ =	shalt  }
0x84: {  	_ =	shalt  }
0x85: {  	_ =	shalt  }
0x86: {  	_ =	shalt  }
0x87: {  	_ =	shalt  }
.Lfunc_end0:
.L_simem_size_0:
called_computation.4_lowered:
.L_overlay_start_0:
0x88: {  	s2 =	sld [smem:$0x3FD9]  }
0x89: {  	s3 =	sld [smem:$0x3FFE];
	_ =	sdelay $0x1  }
0x8a: {  	s1 =	srdreg.scid  }
0x8b: {  	s0 =	sand.u32 $0x1, s1  }
0x8c: {  	s17 =	sshll.u32 s0, $0xA;
	s2 =	sadd.s32 s3, s2  }
0x8d: {  	s2 =	sadd.s32 s2, s17  }
0x8e: {  	[smem:$0x3FBA] =	sst s2  }
0x8f: {  	_ = 	snop  }
0x90: {  	(tm) =	ssettm $0x1  }
0x91: {  	s18 =	sld [smem:$0x3FFB];
	_ =	sdelay $0x3  }
0x92: {  	_ =	strace s18  }
0x93: {  	s2 =	sld [smem:$0x3FFC];
	_ =	sdelay $0x3  }
0x94: {  	_ =	strace s2  }
0x95: {  	s2 =	sld [smem:$0x3FFD];
	_ =	sdelay $0x3  }
0x96: {  	_ =	strace s2  }
0x97: {  	_ =	strace $0x8FFFFFFF  }
0x98: {  	s19 =	sld [smem:$0x3FDB];
	_ =	sdelay $0x1  }
0x99: {  	s20 =	simm.s32 $_scs_section_size  }
0x9a: {  	s4 =	simm.s32 $_size__tile_overlayer_lowered;
	s5 =	simm.s32 $_tile_overlayer_lowered  }
0x9b: {  	s6 =	simm.s32 $0x1BFF;
	s21 =	sshll.u32 s5, $0x1;
	s3 =	sadd.s32 s20, s19  }
0x9c: {  	s22 =	simm.s32 $0x0;
	s4 =	sshll.u32 s4, $0x1;
	s5 =	sadd.s32 s21, s3  }
0x9d: {  	[timem:s22], [sflag:s6] =	dma.local [hbm:s5], s4  }
0x9e: {  	_ =	swait.ge [sflag:s6], s4  }
0x9f: {  	s4 =	ssub.s32 $0x0, s4;
	[sflag:s6] =	ssyncset.done $0x0  }
0xa0: {  	[sflag:s6] =	ssyncadd.s32 s4;
	_ =	sdelay $0x1  }
0xa1: {  	s23 =	simm.s32 $0x1B8B  }
0xa2: {  	_ =	swait.ge [sflag:s23], $0x1  }
0xa3: {  	[sflag:s23] =	ssyncset.done $0x0  }
0xa4: {  	[sflag:s23] =	ssyncadd.s32 $0xFFFFFFFF  }
0xa5: {  	s4 =	sld [smem:$0x0]  }
0xa6: {  	s5 =	sand.u32 $0xFFFFFFFE, s1  }
0xa7: {  	p0 =	sne.s32 s1, s5  }
0xa8: {  	s5 =	sshll.u32 @p0 s5, $0xE  }
0xa9: {  	s5 =	sadd.s32 @p0 $0x11B8D, s5;
	s6 =	sshll.u32 @p0 s4, $0x11  }
0xaa: {  	s5 =	sor.u32 @p0 s6, s5  }
0xab: {  	[sflag:s5] =	ssyncadd.remote.s32 @p0 $0x1;
	_ =	sdelay $0x1  }
0xac: {  	s5 =	simm.s32 @p0 $0x1B8D  }
0xad: {  	_ =	swait.eq @p0 [sflag:s5], $0x1  }
0xae: {  	[sflag:s5] =	ssyncadd.s32 @p0 $0xFFFFFFFF  }
0xaf: {  	s6 =	sshll.u32 @!p0 s1, $0xE  }
0xb0: {  	s6 =	sor.u32 @!p0 $0x4000, s6;
	s5 =	simm.s32 @!p0 $0x1B8D  }
0xb1: {  	s4 =	sshll.u32 @!p0 s4, $0x11;
	s6 =	sadd.s32 @!p0 $0x11B8D, s6;
	_ =	swait.eq @!p0 [sflag:s5], $0x1  }
0xb2: {  	s4 =	sor.u32 @!p0 s4, s6;
	[sflag:s5] =	ssyncadd.s32 @!p0 $0xFFFFFFFF  }
0xb3: {  	s25 =	simm.s32 $0x1B8E;
	s24 =	sld [smem:$0x3FFE];
	[sflag:s4] =	ssyncadd.remote.s32 @!p0 $0x1  }
0xb4: {  	s26 =	simm.s32 $execute0_lowered;
	[smem:$0x3FD2] =	sst s25  }
0xb5: {  	s5 =	sshll.u32 s26, $0x1;
	_ =	strace $0x80000052;
	[dreg:$0x1] =	wrdreg $0xFFFFFFFF  }
0xb6: {  	s28 =	simm.s32 $_size_execute0_lowered;
	s3 =	sadd.s32 s3, s5;
	[dreg:$0x0] =	wrdreg $0x0  }
0xb7: {  	s5 =	sshll.u32 s28, $0x1;
	[dreg:$0x2] =	wrdreg s3  }
0xb8: {  	[dreg:$0x3] =	wrdreg s5  }
0xb9: {  	[dreg:$0x4] =	wrdreg $0xC0  }
0xba: {  	_ =	task [dreg:s22], $0x5FFFF  }
0xbb: {  	[dreg:$0x1] =	wrdreg $0xFFFFFFFF  }
0xbc: {  	[dreg:$0x0] =	wrdreg $0x60  }
0xbd: {  	[dreg:$0x2] =	wrdreg s24  }
0xbe: {  	[dreg:$0x3] =	wrdreg $0x4C000  }
0xbf: {  	[dreg:$0x4] =	wrdreg $0xA  }
0xc0: {  	_ =	task.clear_ibuf [dreg:s22], $0x5FFFF;
	_ =	strace $0x90000052  }
0xc1: {  	s29 =	simm.s32 $0xA;
	_ =	strace $0x80000054  }
0xc2: {  	_ =	swait.ge [sflag:s29], $0x1  }
0xc3: {  	[sflag:s29] =	ssyncadd.s32 $0xFFFFFFFF  }
0xc4: {  	_ =	strace $0x90000054  }
0xc5: {  	_ =	sfence  }
0xc6: {  	s30 =	sld [smem:$0x0];
	_ =	sdelay $0x2  }
0xc7: {  	s31 =	sshll.u32 s1, $0xD;
	s1 =	sshrl.u32 s1, $0x2  }
0xc8: {  	s4 =	sand.u32 $0x4000, s31;
	s1 =	sadd.s32 s1, s30  }
0xc9: {  	s0 =	sor.u32 s4, s0;
	s1 =	sshll.u32 s1, $0x11  }
0xca: {  	s0 =	sor.u32 s1, s0  }
0xcb: {  	s0 =	sadd.s32 $0x8F2B, s0  }
0xcc: {  	[sflag:s0] =	ssyncadd.remote.s32 $0x1  }
0xcd: {  	_ =	sfence.sel $0xFFFF  }
0xce: {  	[dreg:$0x0] =	wrdreg $0xFFFFFFFF;
	(pc) =	sbr.abs _section_cstart, $3  }
0xcf: {  	[dreg:$0x1] =	wrdreg $0xFFFFFFFF  }
0xd0: {  	_ =	task.clear_ibuf [dreg:s22], $0x2FFFF;
	_ =	strace $0x9FFFFFFF  }
0xd1: {  	(tm) =	ssettm $0x7FFFFFFF  }
tec
execute0_lowered:
.L_overlay_start_1:
0x0: {  	(tag) =	ssettag $0x1  }
0x1: {  	s1 =	stileid.u32  }
0x2: {  	s8 =	smul.u32 $0x14000, s1  }
0x3: {  	s0 =	srdreg.scid;
	s25 =	smul.u32 $0x50000, s1  }
0x4: {  	s4 =	rddreg [dreg:$0x0];
	s28 =	smul.u32 $0x140, s1  }
0x5: {  	s2 =	rddreg [dreg:$0x1];
	s5 =	sand.u32 $0x1, s0;
	s13 =	smul.u32 $0xA000, s1  }
0x6: {  	s3 =	simm.s32 $0x0;
	s0 =	rddreg [dreg:$0x2];
	s6 =	smul.u32 $0xA0000, s5  }
0x7: {  	s14 =	simm.s32 $0x0;
	[smem:$0x7FF] =	sst s3;
	s7 =	smul.u32 $0x1400, s5  }
0x8: {  	s29 =	sshll.u32 s1, $0x6;
	s9 =	smul.u32 $0x140000, s5;
	s5 =	ssub.s32 $0x2, s5  }
0x9: {  	_ =	strace $0x80000053;
	s24 =	sshrl.u32 s8, $0x3;
	s26 =	sshrl.u32 s5, $0x1  }
0xa: {  	s10 =	sadd.s32 s6, s4;
	s7 =	sadd.s32 s7, s4;
	s8 =	sadd.s32 s8, s9  }
0xb: {  	s6 =	sadd.s32 s24, s4;
	s9 =	sshrl.u32 s25, $0x2;
	s11 =	ssub.s32 s5, s26  }
0xc: {  	s5 =	sor.u32 $0x1C01, s29;
	s8 =	sshrl.u32 s8, $0x3;
	s12 =	sadd.s32 s9, s2  }
0xd: {  	s30 =	sadd.s32 s28, s7;
	s7 =	smax.u32 s11, $0x1;
	s31 =	sadd.s32 s13, s10  }
0xe: {  	s11 =	simm.s32 $0x1;
	s8 =	sadd.s32 s8, s4;
	s4 =	sadd.s32 $0x2BE400, s6  }
0xf: {  	s9 =	sadd.s32 $0x34400, s31;
	s10 =	sshrl.u32 s12, $0x3;
	s12 =	simm.s32 $0xC00  }
0x10: {  	s13 =	simm.s32 $0x80;
	s6 =	sadd.s32 $0x4C6C00, s8;
	s8 =	sadd.s32 $0x176C00, s30  }
.LBB2_1:
0x11: {  	[spmem:s10], [sflag:s5] =	dma.local [hbm:s4], $0x2800  }
0x12: {  	_ =	swait.ge [sflag:s11], $0x2800  }
0x13: {  	[sflag:s11] =	ssyncset.done $0x0  }
0x14: {  	s15 =	sadd.s32 $0x0, s8;
	[sflag:s11] =	ssyncadd.s32 $0xFFFFD800  }
0x15: {  	[tilespmem:s3], [sflag:$0x1] =	stream.linear.gather [hbm4b:s15+s3], $0x80, $0x38;
	[tilespmem:$0x18C00] =	vst v63  }
0x16: {  	_ =	swait.ge [sflag:s11], $0x80  }
0x17: {  	s16 =	simm.s32 $0x0;
	s15 =	simm.s32 $0x10;
	[sflag:s11] =	ssyncset.done $0x0  }
.LBB2_2:
0x18: {  	s17 =	sadd.s32 s15, s8  }
0x19: {  	[sflag:s11] =	ssyncadd.s32 $0xFFFFFF80;
	s16 =	sadd.s32 $0x80, s16;
	p0 =	sne.s32 s15, $0x130  }
0x1a: {  	[tilespmem:s16], [sflag:$0x1] =	stream.linear.gather [hbm4b:s17+s3], $0x80, $0x38;
	[tilespmem:$0x18C00] =	vst v63  }
.Ltmp0:
0x1b: {  	_ = 	snop;
	(pc) =	sbr.rel @p0 .LBB2_2-.Ltmp0, $4  }
0x1c: {  	_ = 	snop  }
0x1d: {  	s15 =	sadd.s32 $0x10, s15  }
0x1e: {  	_ =	swait.ge [sflag:s11], $0x80  }
0x1f: {  	[sflag:s11] =	ssyncset.done $0x0  }
0x20: {  	[sflag:s11] =	ssyncadd.s32 $0xFFFFFF80  }
0x21: {  	[bflag:$0x0] =	sbarrier.arrive $0xFFFF  }
0x22: {  	[tilespmem:s12], [sflag:$0x1] =	stream.linear.gather [hbm4b:s9+s3], $0x4000, $0x38;
	[tilespmem:$0x18C00] =	vst v63  }
0x23: {  	_ =	swait.ge [sflag:s11], $0x4000  }
0x24: {  	[sflag:s11] =	ssyncset.done $0x0  }
0x25: {  	s15 =	simm.s32 $0x0;
	[sflag:s11] =	ssyncadd.s32 $0xFFFFC000  }
0x26: {  	[spmem:s2] =	stream.indirect.scatter.add.f32 [tilespmem:s12], [sflag:$0x1], $0x80, s15, s13, $0xb8;
	[tilespmem:$0x18C00] =	vst v63  }
0x27: {  	_ =	swait.ge [sflag:s11], $0x4000  }
0x28: {  	s16 =	smov.u32 s9;
	s15 =	simm.s32 $0x200;
	[sflag:s11] =	ssyncset.done $0x0  }
.LBB2_4:
0x29: {  	p0 =	sne.s32 s15, $0x2600;
	[sflag:s11] =	ssyncadd.s32 $0xFFFFC000;
	s16 =	sadd.s32 $0x800, s16  }
0x2a: {  	[tilespmem:s12], [sflag:$0x1] =	stream.linear.gather [hbm4b:s16+s3], $0x4000, $0x38;
	[tilespmem:$0x18C00] =	vst v63  }
0x2b: {  	s17 =	smov.u32 s15;
	s15 =	sadd.s32 $0x200, s15;
	_ =	swait.ge [sflag:s11], $0x4000  }
.Ltmp1:
0x2c: {  	[sflag:s11] =	ssyncset.done $0x0;
	(pc) =	sbr.rel @p0 .LBB2_4-.Ltmp1, $4  }
0x2d: {  	s17 =	sshra.s32 s17, $0x2;
	[sflag:s11] =	ssyncadd.s32 $0xFFFFC000  }
0x2e: {  	[spmem:s2] =	stream.indirect.scatter.add.f32 [tilespmem:s12], [sflag:$0x1], $0x80, s17, s13, $0xb8;
	[tilespmem:$0x18C00] =	vst v63  }
0x2f: {  	_ =	swait.ge [sflag:s11], $0x4000  }
0x30: {  	[sflag:s11] =	ssyncset.done $0x0  }
0x31: {  	s14 =	sadd.s32 $0x1, s14  }
0x32: {  	[sflag:s11] =	ssyncadd.s32 $0xFFFFC000;
	p0 =	sne.s32 s14, s7  }
.Ltmp2:
0x33: {  	[bflag:$0x0] =	sbarrier.arrive $0xFFFF;
	(pc) =	sbr.rel @p0 .LBB2_1-.Ltmp2, $4  }
0x34: {  	[hbm:s6], [sflag:s5] =	dma.local [spmem:s10], $0x2800  }
0x35: {  	_ =	swait.ge [sflag:s11], $0x2800  }
0x36: {  	[sflag:s11] =	ssyncset.done $0x0  }
0x37: {  	[sflag:s11] =	ssyncadd.s32 $0xFFFFD800  }
0x38: {  	_ =	sfence.sel $0x180000  }
0x39: {  	[bflag:$0x0] =	sbarrier.arrive $0xFFFF  }
0x3a: {  	p0 =	sne.s32 s1, $0x0;
	_ =	strace $0x90000053  }
0x3b: {  	s0 =	sadd.s32 @!p0 $0x100000, s0;
	[bflag:$0x2] =	sbarrier.arrive $0xFFFF  }
0x3c: {  	[sflag:s0] =	ssyncadd.tile.s32 @!p0 $0x1;
	_ =	shalt  }
.Lfunc_end2:
_tile_overlayer_lowered:
.L_overlay_start_2:
0x3d: {  	(tag) =	ssettag $0x2  }
0x3e: {  	s0 =	rddreg [dreg:$0x0];
	s2 =	stileid.u32  }
0x3f: {  	s1 =	rddreg [dreg:$0x1];
	p0 =	sne.s32 s2, $0x0  }
0x40: {  	s3 =	rddreg [dreg:$0x2];
	[bflag:$0x3] =	sbarrier.arrive $0xFFFF;
	s2 =	simm.s32 @!p0 $0x1C01  }
0x41: {  	[timem:s3], [sflag:s2] =	dma.local @!p0 [hbm:s0], s1  }
0x42: {  	s0 =	simm.s32 @!p0 $0x1  }
0x43: {  	_ =	swait.ge @!p0 [sflag:s0], s1  }
0x44: {  	s1 =	ssub.s32 @!p0 $0x0, s1;
	[sflag:s0] =	ssyncset.done @!p0 $0x0  }
0x45: {  	[sflag:s0] =	ssyncadd.s32 @!p0 s1  }
0x46: {  	[bflag:$0x3] =	sbarrier.arrive $0xFFFF  }
0x47: {  	_ =	shalt  }

// kernel: kernel.34.cloned.1.call-start
scs
__scs_entry_jumppad:
0x0: {  	(pc) =	sbr.rel $0x88, $3  }
0x1: {  	(tag) =	ssettag $0x0;
	lr =	simm.s32 $0x1  }
0x2: {  	[smem:$0x3F93] =	sst lr;
	_ =	strace $0xD0000000  }
0x3: {  	_ = 	snop  }
0x4: {  	_ = 	snop  }
0x5: {  	_ = 	snop  }
0x6: {  	_ = 	snop  }
0x7: {  	_ = 	snop  }
__scs_overlays_trampoline_lowered:
0x8: {  	[smem:$0x3FA2] =	sst s0  }
0x9: {  	[smem:$0x3FA3] =	sst s1  }
0xa: {  	[smem:$0x3FA4] =	sst s2  }
0xb: {  	[smem:$0x3FA5] =	sst s3  }
0xc: {  	[smem:$0x3FA6] =	sst s4  }
0xd: {  	[smem:$0x3FA7] =	sst s5  }
0xe: {  	[smem:$0x3FA8] =	sst s6  }
0xf: {  	[smem:$0x3FA9] =	sst s7  }
0x10: {  	[smem:$0x3FAA] =	sst s8  }
0x11: {  	[smem:$0x3FAB] =	sst s9;
	s0 =	simm.s32 @!p0 $0x0  }
0x12: {  	s1 =	sld [smem:$0x3F91];
	s0 =	simm.s32 @p0 $0x1  }
0x13: {  	[smem:$0x3FAC] =	sst s0;
	s0 =	simm.s32 @!p1 $0x0  }
0x14: {  	s2 =	sld [smem:$0x3F90];
	s0 =	simm.s32 @p1 $0x1  }
0x15: {  	[smem:$0x3FAD] =	sst s0;
	s0 =	simm.s32 @!p2 $0x0  }
0x16: {  	s3 =	sld [smem:$0x3FDB];
	s0 =	simm.s32 @p2 $0x1  }
0x17: {  	s4 =	simm.s32 $0x1BF5;
	[smem:$0x3FAF] =	sst s0  }
0x18: {  	s0 =	sld [smem:$0x3F92];
	_ =	swait.ge [sflag:s4], $0x0  }
0x19: {  	s7 =	sld [smem:$0x3F93]  }
0x1a: {  	s8 =	sadd.s32 $0xFFFFE003, lr  }
0x1b: {  	s9 =	sadd.s32 $0xFFFFFEF7, lr;
	s5 =	simm.s32 $0xFFFFFFFF;
	p2 =	slt.u32 s8, $0xFFFFF086  }
0x1c: {  	p1 =	slt.u32 s9, $0xF7A;
	s5 =	simm.s32 @!p2 $0x0  }
0x1d: {  	s5 =	simm.s32 @p1 $0x1;
	p0 =	seq.s32 s7, s2  }
0x1e: {  	s7 =	smul.u32 @!p0 $0xF7A, s2;
	p2 =	seq.s32 @!p0 s5, $0x0  }
0x1f: {  	s9 =	smul.u32 $0xF7A, s1;
	s8 =	simm.s32 @!p0 $0x1BF5;
	p2 =	por !p2, p0  }
0x20: {  	[sflag:s8] =	ssyncset.s32 @!p0 $0xFFFFF086;
	s6 =	sadd.s32 @!p0 s3, s7;
	s7 =	simm.s32 @!p0 $0x108  }
0x21: {  	s3 =	sadd.s32 s3, s9;
	s6 =	sadd.s32 @!p0 $0x88, s6;
	s7 =	simm.s32 @p2 $0x1082  }
0x22: {  	[simem:s7], [sflag:s8] =	dma.local @!p0 [hbm:s6], $0xF7A  }
0x23: {  	s9 =	sor.u32 $0xD0000000, s2;
	s6 =	simm.s32 $0x108;
	_ =	swait.ge @!p0 [sflag:s8], $0x0  }
0x24: {  	s3 =	sadd.s32 $0x88, s3;
	s6 =	simm.s32 @!p1 $0x1082;
	[sflag:s4] =	ssyncset.s32 $0xFFFFF086  }
0x25: {  	[simem:s6], [sflag:s4] =	dma.local [hbm:s3], $0xF7A  }
0x26: {  	[smem:$0x3F93] =	sst s1;
	(tag) =	ssettag s2;
	_ =	strace s9  }
0x27: {  	s1 =	sld [smem:$0x3FA3]  }
0x28: {  	s2 =	sld [smem:$0x3FA4]  }
0x29: {  	s4 =	sld [smem:$0x3FA6]  }
0x2a: {  	p0 =	seq.s32 s5, $0x0;
	s5 =	sld [smem:$0x3FA7]  }
0x2b: {  	s6 =	sld [smem:$0x3FA8]  }
0x2c: {  	s7 =	sld [smem:$0x3FA9]  }
0x2d: {  	s3 =	simm.s32 $0x108;
	s8 =	sld [smem:$0x3FAA]  }
0x2e: {  	s3 =	simm.s32 @!p0 $0x1082;
	s9 =	sld [smem:$0x3FAB]  }
0x2f: {  	lr =	sadd.s32 s0, s3;
	s0 =	sld [smem:$0x3FA2]  }
0x30: {  	s3 =	sld [smem:$0x3FA5]  }
0x31: {  	[smem:$0x3FAE] =	sst s10  }
0x32: {  	s10 =	sld [smem:$0x3FAC];
	_ =	sdelay $0x3  }
0x33: {  	p0 =	seq.s32 s10, $0x1;
	s10 =	sld [smem:$0x3FAE];
	_ =	sdelay $0x3  }
0x34: {  	[smem:$0x3FAE] =	sst s10  }
0x35: {  	s10 =	sld [smem:$0x3FAD];
	_ =	sdelay $0x3  }
0x36: {  	p1 =	seq.s32 s10, $0x1;
	s10 =	sld [smem:$0x3FAE];
	_ =	sdelay $0x3  }
0x37: {  	[smem:$0x3FAE] =	sst s10  }
0x38: {  	s10 =	sld [smem:$0x3FAF]  }
0x39: {  	_ = 	snop;
	(pc) =	sbr.ind lr, $3  }
0x3a: {  	_ = 	snop  }
0x3b: {  	_ = 	snop  }
0x3c: {  	p2 =	seq.s32 s10, $0x1;
	s10 =	sld [smem:$0x3FAE]  }
0x3d: {  	_ =	shalt  }
0x3e: {  	_ =	shalt  }
0x3f: {  	_ =	shalt  }
0x40: {  	_ =	shalt  }
0x41: {  	_ =	shalt  }
0x42: {  	_ =	shalt  }
0x43: {  	_ =	shalt  }
0x44: {  	_ =	shalt  }
0x45: {  	_ =	shalt  }
0x46: {  	_ =	shalt  }
0x47: {  	_ =	shalt  }
0x48: {  	_ =	shalt  }
0x49: {  	_ =	shalt  }
0x4a: {  	_ =	shalt  }
0x4b: {  	_ =	shalt  }
0x4c: {  	_ =	shalt  }
0x4d: {  	_ =	shalt  }
0x4e: {  	_ =	shalt  }
0x4f: {  	_ =	shalt  }
0x50: {  	_ =	shalt  }
0x51: {  	_ =	shalt  }
0x52: {  	_ =	shalt  }
0x53: {  	_ =	shalt  }
0x54: {  	_ =	shalt  }
0x55: {  	_ =	shalt  }
0x56: {  	_ =	shalt  }
0x57: {  	_ =	shalt  }
0x58: {  	_ =	shalt  }
0x59: {  	_ =	shalt  }
0x5a: {  	_ =	shalt  }
0x5b: {  	_ =	shalt  }
0x5c: {  	_ =	shalt  }
0x5d: {  	_ =	shalt  }
0x5e: {  	_ =	shalt  }
0x5f: {  	_ =	shalt  }
0x60: {  	_ =	shalt  }
0x61: {  	_ =	shalt  }
0x62: {  	_ =	shalt  }
0x63: {  	_ =	shalt  }
0x64: {  	_ =	shalt  }
0x65: {  	_ =	shalt  }
0x66: {  	_ =	shalt  }
0x67: {  	_ =	shalt  }
0x68: {  	_ =	shalt  }
0x69: {  	_ =	shalt  }
0x6a: {  	_ =	shalt  }
0x6b: {  	_ =	shalt  }
0x6c: {  	_ =	shalt  }
0x6d: {  	_ =	shalt  }
0x6e: {  	_ =	shalt  }
0x6f: {  	_ =	shalt  }
0x70: {  	_ =	shalt  }
0x71: {  	_ =	shalt  }
0x72: {  	_ =	shalt  }
0x73: {  	_ =	shalt  }
0x74: {  	_ =	shalt  }
0x75: {  	_ =	shalt  }
0x76: {  	_ =	shalt  }
0x77: {  	_ =	shalt  }
0x78: {  	_ =	shalt  }
0x79: {  	_ =	shalt  }
0x7a: {  	_ =	shalt  }
0x7b: {  	_ =	shalt  }
0x7c: {  	_ =	shalt  }
0x7d: {  	_ =	shalt  }
0x7e: {  	_ =	shalt  }
0x7f: {  	_ =	shalt  }
0x80: {  	_ =	shalt  }
0x81: {  	_ =	shalt  }
0x82: {  	_ =	shalt  }
0x83: {  	_ =	shalt  }
0x84: {  	_ =	shalt  }
0x85: {  	_ =	shalt  }
0x86: {  	_ =	shalt  }
0x87: {  	_ =	shalt  }
.Lfunc_end0:
.L_simem_size_0:
called_computation.5_lowered:
.L_overlay_start_0:
0x88: {  	s2 =	sld [smem:$0x3FD9]  }
0x89: {  	s3 =	sld [smem:$0x3FFE];
	_ =	sdelay $0x1  }
0x8a: {  	s1 =	srdreg.scid  }
0x8b: {  	s0 =	sand.u32 $0x1, s1  }
0x8c: {  	s16 =	sshll.u32 s0, $0xA;
	s2 =	sadd.s32 s3, s2  }
0x8d: {  	s2 =	sadd.s32 s2, s16  }
0x8e: {  	[smem:$0x3FBA] =	sst s2  }
0x8f: {  	_ = 	snop  }
0x90: {  	(tm) =	ssettm $0x1  }
0x91: {  	s17 =	sld [smem:$0x3FFB];
	_ =	sdelay $0x3  }
0x92: {  	_ =	strace s17  }
0x93: {  	s2 =	sld [smem:$0x3FFC];
	_ =	sdelay $0x3  }
0x94: {  	_ =	strace s2  }
0x95: {  	s2 =	sld [smem:$0x3FFD];
	_ =	sdelay $0x3  }
0x96: {  	_ =	strace s2  }
0x97: {  	_ =	strace $0x8FFFFFFF  }
0x98: {  	s18 =	sld [smem:$0x3FDB];
	_ =	sdelay $0x1  }
0x99: {  	s19 =	simm.s32 $_scs_section_size  }
0x9a: {  	s4 =	simm.s32 $_size__tile_overlayer_lowered;
	s5 =	simm.s32 $_tile_overlayer_lowered  }
0x9b: {  	s22 =	simm.s32 $0x1BFF;
	s21 =	sshll.u32 s5, $0x1;
	s2 =	sadd.s32 s19, s18  }
0x9c: {  	s6 =	simm.s32 $0x0;
	s20 =	sshll.u32 s4, $0x1;
	s4 =	sadd.s32 s21, s2  }
0x9d: {  	[timem:s6], [sflag:s22] =	dma.local [hbm:s4], s20  }
0x9e: {  	_ =	swait.ge [sflag:s22], s20  }
0x9f: {  	s3 =	ssub.s32 $0x0, s20;
	[sflag:s22] =	ssyncset.done $0x0  }
0xa0: {  	[sflag:s22] =	ssyncadd.s32 s3;
	_ =	sdelay $0x1  }
0xa1: {  	s23 =	simm.s32 $0x1B8B  }
0xa2: {  	_ =	swait.ge [sflag:s23], $0x1  }
0xa3: {  	[sflag:s23] =	ssyncset.done $0x0  }
0xa4: {  	s25 =	simm.s32 $0x1B8E;
	s24 =	sld [smem:$0x3FFE];
	[sflag:s23] =	ssyncadd.s32 $0xFFFFFFFF  }
0xa5: {  	s26 =	simm.s32 $execute0_lowered;
	[smem:$0x3FD2] =	sst s25  }
0xa6: {  	s4 =	sshll.u32 s26, $0x1;
	_ =	strace $0x80000055;
	[dreg:$0x1] =	wrdreg $0xFFFFFFFF  }
0xa7: {  	s28 =	simm.s32 $_size_execute0_lowered;
	s2 =	sadd.s32 s2, s4;
	[dreg:$0x0] =	wrdreg $0x0  }
0xa8: {  	s4 =	sshll.u32 s28, $0x1;
	[dreg:$0x2] =	wrdreg s2  }
0xa9: {  	[dreg:$0x3] =	wrdreg s4  }
0xaa: {  	[dreg:$0x4] =	wrdreg $0xC0  }
0xab: {  	_ =	task [dreg:s6], $0x5FFFF  }
0xac: {  	[dreg:$0x1] =	wrdreg $0xFFFFFFFF  }
0xad: {  	[dreg:$0x0] =	wrdreg $0x60  }
0xae: {  	[dreg:$0x2] =	wrdreg s24  }
0xaf: {  	[dreg:$0x3] =	wrdreg $0xA  }
0xb0: {  	_ =	task.clear_ibuf [dreg:s6], $0x4FFFF;
	_ =	strace $0x90000055  }
0xb1: {  	s29 =	simm.s32 $0xA;
	_ =	strace $0x80000057  }
0xb2: {  	_ =	swait.ge [sflag:s29], $0x1  }
0xb3: {  	[sflag:s29] =	ssyncadd.s32 $0xFFFFFFFF  }
0xb4: {  	_ =	strace $0x90000057  }
0xb5: {  	_ =	sfence  }
0xb6: {  	s30 =	sld [smem:$0x0];
	_ =	sdelay $0x2  }
0xb7: {  	s31 =	sshll.u32 s1, $0xD;
	s1 =	sshrl.u32 s1, $0x2  }
0xb8: {  	s3 =	sand.u32 $0x4000, s31;
	s1 =	sadd.s32 s1, s30  }
0xb9: {  	s0 =	sor.u32 s3, s0;
	s1 =	sshll.u32 s1, $0x11  }
0xba: {  	s0 =	sor.u32 s1, s0  }
0xbb: {  	s0 =	sadd.s32 $0x8F2B, s0  }
0xbc: {  	[sflag:s0] =	ssyncadd.remote.s32 $0x1  }
0xbd: {  	_ =	sfence.sel $0xFFFF  }
0xbe: {  	[dreg:$0x0] =	wrdreg $0xFFFFFFFF;
	(pc) =	sbr.abs _section_cstart, $3  }
0xbf: {  	[dreg:$0x1] =	wrdreg $0xFFFFFFFF  }
0xc0: {  	_ =	task.clear_ibuf [dreg:s6], $0x2FFFF;
	_ =	strace $0x9FFFFFFF  }
0xc1: {  	(tm) =	ssettm $0x7FFFFFFF  }
tec
execute0_lowered:
.L_overlay_start_1:
0x0: {  	(tag) =	ssettag $0x1  }
0x1: {  	s0 =	srdreg.scid  }
0x2: {  	s4 =	rddreg [dreg:$0x0];
	s1 =	stileid.u32;
	s2 =	simm.s32 $0x0  }
0x3: {  	s12 =	simm.s32 $0xA00;
	s13 =	simm.s32 $0x4A00;
	s14 =	simm.s32 $0x1  }
0x4: {  	s15 =	simm.s32 $0x2;
	s16 =	simm.s32 $0x0;
	s26 =	smul.u32 $0x14, s1  }
0x5: {  	s6 =	sand.u32 $0x1, s0;
	s0 =	rddreg [dreg:$0x1];
	s31 =	smul.u32 $0xA000, s1  }
0x6: {  	[smem:$0x7FF] =	sst s2;
	s3 =	sshll.u32 s6, $0x4;
	s10 =	smul.u32 $0x140, s6  }
0x7: {  	s11 =	sadd.s32 $0x179400, s4;
	s30 =	smul.u32 $0xA0000, s6;
	s3 =	sor.u32 s1, s3  }
0x8: {  	_ =	strace $0x80000056;
	s7 =	ssub.s32 $0x2, s6;
	s5 =	smul.u32 $0x140, s3  }
0x9: {  	s9 =	sshrl.u32 s7, $0x1;
	s8 =	smul.u32 $0xA000, s3;
	s3 =	sadd.s32 $0x518A00, s4  }
0xa: {  	s7 =	ssub.s32 s7, s9;
	s29 =	sadd.s32 s26, s10;
	s9 =	sadd.s32 s30, s11  }
0xb: {  	s10 =	simm.s32 $0x3;
	s9 =	sadd.s32 s31, s9;
	s5 =	sadd.s32 s5, s4  }
0xc: {  	s28 =	sadd.s32 s11, s8;
	s8 =	sshll.u32 s29, $0xB;
	s4 =	sadd.s32 $0x7400, s5  }
0xd: {  	s5 =	smax.u32 s7, $0x1;
	s6 =	sadd.s32 $0x9000, s28;
	s8 =	sadd.s32 s8, s11  }
0xe: {  	s7 =	sadd.s32 $0x9800, s28;
	s11 =	simm.s32 $0x80;
	s8 =	sadd.s32 $0x800, s8  }
.LBB2_1:
0xf: {  	[tilespmem:s2], [sflag:$0x3] =	stream.linear.gather [hbm4b:s4+s2], $0xA00, $0x38;
	[tilespmem:$0x8A00] =	vst v63  }
0x10: {  	_ =	swait.ge [sflag:s10], $0xA00  }
0x11: {  	[sflag:s10] =	ssyncset.done $0x0  }
0x12: {  	[sflag:s10] =	ssyncadd.s32 $0xFFFFF600  }
0x13: {  	[tilespmem:s12], [sflag:$0x1] =	stream.indirect.gather [hbm4b:s3+s11], $0x80, s2, s11, $0xb8;
	[tilespmem:$0x8A00] =	vst v63  }
0x14: {  	_ = 	snop  }
0x15: {  	[tilespmem:s13], [sflag:$0x2] =	stream.indirect.gather [hbm4b:s3+s11], $0x80, s11, s11, $0xb8;
	[tilespmem:$0x8A00] =	vst v63  }
0x16: {  	_ =	swait.ge [sflag:s14], $0x4000  }
0x17: {  	[sflag:s14] =	ssyncset.done $0x0  }
0x18: {  	s17 =	sadd.s32 $0x0, s9;
	[sflag:s14] =	ssyncadd.s32 $0xFFFFC000  }
0x19: {  	[hbm4b:s17+s2] =	stream.linear.scatter [tilespmem:s12], [sflag:$0x3], $0x4000, $0x38;
	[tilespmem:$0x8A00] =	vst v63  }
0x1a: {  	_ =	swait.ge [sflag:s10], $0x4000  }
0x1b: {  	[sflag:s10] =	ssyncset.done $0x0  }
0x1c: {  	s30 =	simm.s32 $0x100;
	[sflag:s10] =	ssyncadd.s32 $0xFFFFC000  }
0x1d: {  	[tilespmem:s12], [sflag:$0x1] =	stream.indirect.gather [hbm4b:s3+s11], $0x80, s30, s11, $0xb8;
	[tilespmem:$0x8A00] =	vst v63  }
0x1e: {  	_ =	swait.ge [sflag:s15], $0x4000  }
0x1f: {  	[sflag:s15] =	ssyncset.done $0x0  }
0x20: {  	s31 =	sadd.s32 $0x0, s8;
	[sflag:s15] =	ssyncadd.s32 $0xFFFFC000  }
0x21: {  	[hbm4b:s31+s2] =	stream.linear.scatter [tilespmem:s13], [sflag:$0x3], $0x4000, $0x38;
	[tilespmem:$0x8A00] =	vst v63  }
0x22: {  	_ =	swait.ge [sflag:s10], $0x4000  }
0x23: {  	s18 =	simm.s32 $0x1000;
	[sflag:s10] =	ssyncset.done $0x0  }
0x24: {  	s19 =	simm.s32 $0x280;
	s17 =	simm.s32 $0x180;
	[sflag:s10] =	ssyncadd.s32 $0xFFFFC000  }
.LBB2_2:
0x25: {  	[tilespmem:s13], [sflag:$0x2] =	stream.indirect.gather [hbm4b:s3+s11], $0x80, s17, s11, $0xb8;
	[tilespmem:$0x8A00] =	vst v63  }
0x26: {  	s20 =	smov.u32 s18;
	s17 =	smov.u32 s19  }
0x27: {  	p0 =	sne.s32 s18, $0x8000;
	s18 =	sadd.s32 $0x1000, s18;
	_ =	swait.ge [sflag:s14], $0x4000  }
0x28: {  	[sflag:s14] =	ssyncset.done $0x0  }
0x29: {  	s21 =	sadd.s32 s20, s9;
	[sflag:s14] =	ssyncadd.s32 $0xFFFFC000  }
0x2a: {  	[hbm4b:s21+s2] =	stream.linear.scatter [tilespmem:s12], [sflag:$0x3], $0x4000, $0x38;
	[tilespmem:$0x8A00] =	vst v63  }
0x2b: {  	_ =	swait.ge [sflag:s10], $0x4000  }
0x2c: {  	[sflag:s10] =	ssyncset.done $0x0  }
0x2d: {  	s21 =	sadd.s32 $0xFFFFFF80, s19;
	[sflag:s10] =	ssyncadd.s32 $0xFFFFC000  }
0x2e: {  	[tilespmem:s12], [sflag:$0x1] =	stream.indirect.gather [hbm4b:s3+s11], $0x80, s21, s11, $0xb8;
	[tilespmem:$0x8A00] =	vst v63  }
0x2f: {  	_ =	swait.ge [sflag:s15], $0x4000  }
0x30: {  	[sflag:s15] =	ssyncset.done $0x0  }
.Ltmp0:
0x31: {  	s20 =	sadd.s32 s20, s8;
	[sflag:s15] =	ssyncadd.s32 $0xFFFFC000;
	(pc) =	sbr.rel @p0 .LBB2_2-.Ltmp0, $4  }
0x32: {  	[hbm4b:s20+s2] =	stream.linear.scatter [tilespmem:s13], [sflag:$0x3], $0x4000, $0x38;
	[tilespmem:$0x8A00] =	vst v63  }
0x33: {  	_ =	swait.ge [sflag:s10], $0x4000  }
0x34: {  	[sflag:s10] =	ssyncset.done $0x0  }
0x35: {  	s19 =	sadd.s32 $0x100, s19;
	[sflag:s10] =	ssyncadd.s32 $0xFFFFC000  }
0x36: {  	[tilespmem:s13], [sflag:$0x2] =	stream.indirect.gather [hbm4b:s3+s11], $0x80, s17, s11, $0xb8;
	[tilespmem:$0x8A00] =	vst v63  }
0x37: {  	_ =	swait.ge [sflag:s14], $0x4000  }
0x38: {  	[sflag:s14] =	ssyncset.done $0x0  }
0x39: {  	[sflag:s14] =	ssyncadd.s32 $0xFFFFC000  }
0x3a: {  	[hbm4b:s6+s2] =	stream.linear.scatter [tilespmem:s12], [sflag:$0x3], $0x4000, $0x38;
	[tilespmem:$0x8A00] =	vst v63  }
0x3b: {  	_ =	swait.ge [sflag:s10], $0x4000  }
0x3c: {  	[sflag:s10] =	ssyncset.done $0x0  }
0x3d: {  	[sflag:s10] =	ssyncadd.s32 $0xFFFFC000  }
0x3e: {  	s16 =	sadd.s32 $0x1, s16;
	_ =	swait.ge [sflag:s15], $0x4000  }
0x3f: {  	p0 =	sne.s32 s16, s5;
	[sflag:s15] =	ssyncset.done $0x0  }
.Ltmp1:
0x40: {  	[sflag:s15] =	ssyncadd.s32 $0xFFFFC000;
	(pc) =	sbr.rel @p0 .LBB2_1-.Ltmp1, $4  }
0x41: {  	[hbm4b:s7+s2] =	stream.linear.scatter [tilespmem:s13], [sflag:$0x3], $0x4000, $0x38;
	[tilespmem:$0x8A00] =	vst v63  }
0x42: {  	_ =	swait.ge [sflag:s10], $0x4000  }
0x43: {  	[sflag:s10] =	ssyncset.done $0x0  }
0x44: {  	[sflag:s10] =	ssyncadd.s32 $0xFFFFC000  }
0x45: {  	_ =	sfence.sel $0x180000  }
0x46: {  	[bflag:$0x0] =	sbarrier.arrive $0xFFFF  }
0x47: {  	p0 =	sne.s32 s1, $0x0;
	_ =	strace $0x90000056  }
0x48: {  	s0 =	sadd.s32 @!p0 $0x100000, s0;
	[bflag:$0x2] =	sbarrier.arrive $0xFFFF  }
0x49: {  	[sflag:s0] =	ssyncadd.tile.s32 @!p0 $0x1;
	_ =	shalt  }
.Lfunc_end2:
_tile_overlayer_lowered:
.L_overlay_start_2:
0x4a: {  	(tag) =	ssettag $0x2  }
0x4b: {  	s0 =	rddreg [dreg:$0x0];
	s2 =	stileid.u32  }
0x4c: {  	s1 =	rddreg [dreg:$0x1];
	p0 =	sne.s32 s2, $0x0  }
0x4d: {  	s3 =	rddreg [dreg:$0x2];
	[bflag:$0x3] =	sbarrier.arrive $0xFFFF;
	s2 =	simm.s32 @!p0 $0x1C03  }
0x4e: {  	[timem:s3], [sflag:s2] =	dma.local @!p0 [hbm:s0], s1  }
0x4f: {  	s0 =	simm.s32 @!p0 $0x3  }
0x50: {  	_ =	swait.ge @!p0 [sflag:s0], s1  }
0x51: {  	s1 =	ssub.s32 @!p0 $0x0, s1;
	[sflag:s0] =	ssyncset.done @!p0 $0x0  }
0x52: {  	[sflag:s0] =	ssyncadd.s32 @!p0 s1  }
0x53: {  	[bflag:$0x3] =	sbarrier.arrive $0xFFFF  }
0x54: {  	_ =	shalt  }

// kernel: kernel.37.cloned.1.call-start
scs
__scs_entry_jumppad:
0x0: {  	(pc) =	sbr.rel $0x88, $3  }
0x1: {  	(tag) =	ssettag $0x0;
	lr =	simm.s32 $0x1  }
0x2: {  	[smem:$0x3F93] =	sst lr;
	_ =	strace $0xD0000000  }
0x3: {  	_ = 	snop  }
0x4: {  	_ = 	snop  }
0x5: {  	_ = 	snop  }
0x6: {  	_ = 	snop  }
0x7: {  	_ = 	snop  }
__scs_overlays_trampoline_lowered:
0x8: {  	[smem:$0x3FA2] =	sst s0  }
0x9: {  	[smem:$0x3FA3] =	sst s1  }
0xa: {  	[smem:$0x3FA4] =	sst s2  }
0xb: {  	[smem:$0x3FA5] =	sst s3  }
0xc: {  	[smem:$0x3FA6] =	sst s4  }
0xd: {  	[smem:$0x3FA7] =	sst s5  }
0xe: {  	[smem:$0x3FA8] =	sst s6  }
0xf: {  	[smem:$0x3FA9] =	sst s7  }
0x10: {  	[smem:$0x3FAA] =	sst s8  }
0x11: {  	[smem:$0x3FAB] =	sst s9;
	s0 =	simm.s32 @!p0 $0x0  }
0x12: {  	s1 =	sld [smem:$0x3F91];
	s0 =	simm.s32 @p0 $0x1  }
0x13: {  	[smem:$0x3FAC] =	sst s0;
	s0 =	simm.s32 @!p1 $0x0  }
0x14: {  	s2 =	sld [smem:$0x3F90];
	s0 =	simm.s32 @p1 $0x1  }
0x15: {  	[smem:$0x3FAD] =	sst s0;
	s0 =	simm.s32 @!p2 $0x0  }
0x16: {  	s3 =	sld [smem:$0x3FDB];
	s0 =	simm.s32 @p2 $0x1  }
0x17: {  	s4 =	simm.s32 $0x1BF5;
	[smem:$0x3FAF] =	sst s0  }
0x18: {  	s0 =	sld [smem:$0x3F92];
	_ =	swait.ge [sflag:s4], $0x0  }
0x19: {  	s7 =	sld [smem:$0x3F93]  }
0x1a: {  	s8 =	sadd.s32 $0xFFFFE003, lr  }
0x1b: {  	s9 =	sadd.s32 $0xFFFFFEF7, lr;
	s5 =	simm.s32 $0xFFFFFFFF;
	p2 =	slt.u32 s8, $0xFFFFF086  }
0x1c: {  	p1 =	slt.u32 s9, $0xF7A;
	s5 =	simm.s32 @!p2 $0x0  }
0x1d: {  	s5 =	simm.s32 @p1 $0x1;
	p0 =	seq.s32 s7, s2  }
0x1e: {  	s7 =	smul.u32 @!p0 $0xF7A, s2;
	p2 =	seq.s32 @!p0 s5, $0x0  }
0x1f: {  	s9 =	smul.u32 $0xF7A, s1;
	s8 =	simm.s32 @!p0 $0x1BF5;
	p2 =	por !p2, p0  }
0x20: {  	[sflag:s8] =	ssyncset.s32 @!p0 $0xFFFFF086;
	s6 =	sadd.s32 @!p0 s3, s7;
	s7 =	simm.s32 @!p0 $0x108  }
0x21: {  	s3 =	sadd.s32 s3, s9;
	s6 =	sadd.s32 @!p0 $0x88, s6;
	s7 =	simm.s32 @p2 $0x1082  }
0x22: {  	[simem:s7], [sflag:s8] =	dma.local @!p0 [hbm:s6], $0xF7A  }
0x23: {  	s9 =	sor.u32 $0xD0000000, s2;
	s6 =	simm.s32 $0x108;
	_ =	swait.ge @!p0 [sflag:s8], $0x0  }
0x24: {  	s3 =	sadd.s32 $0x88, s3;
	s6 =	simm.s32 @!p1 $0x1082;
	[sflag:s4] =	ssyncset.s32 $0xFFFFF086  }
0x25: {  	[simem:s6], [sflag:s4] =	dma.local [hbm:s3], $0xF7A  }
0x26: {  	[smem:$0x3F93] =	sst s1;
	(tag) =	ssettag s2;
	_ =	strace s9  }
0x27: {  	s1 =	sld [smem:$0x3FA3]  }
0x28: {  	s2 =	sld [smem:$0x3FA4]  }
0x29: {  	s4 =	sld [smem:$0x3FA6]  }
0x2a: {  	p0 =	seq.s32 s5, $0x0;
	s5 =	sld [smem:$0x3FA7]  }
0x2b: {  	s6 =	sld [smem:$0x3FA8]  }
0x2c: {  	s7 =	sld [smem:$0x3FA9]  }
0x2d: {  	s3 =	simm.s32 $0x108;
	s8 =	sld [smem:$0x3FAA]  }
0x2e: {  	s3 =	simm.s32 @!p0 $0x1082;
	s9 =	sld [smem:$0x3FAB]  }
0x2f: {  	lr =	sadd.s32 s0, s3;
	s0 =	sld [smem:$0x3FA2]  }
0x30: {  	s3 =	sld [smem:$0x3FA5]  }
0x31: {  	[smem:$0x3FAE] =	sst s10  }
0x32: {  	s10 =	sld [smem:$0x3FAC];
	_ =	sdelay $0x3  }
0x33: {  	p0 =	seq.s32 s10, $0x1;
	s10 =	sld [smem:$0x3FAE];
	_ =	sdelay $0x3  }
0x34: {  	[smem:$0x3FAE] =	sst s10  }
0x35: {  	s10 =	sld [smem:$0x3FAD];
	_ =	sdelay $0x3  }
0x36: {  	p1 =	seq.s32 s10, $0x1;
	s10 =	sld [smem:$0x3FAE];
	_ =	sdelay $0x3  }
0x37: {  	[smem:$0x3FAE] =	sst s10  }
0x38: {  	s10 =	sld [smem:$0x3FAF]  }
0x39: {  	_ = 	snop;
	(pc) =	sbr.ind lr, $3  }
0x3a: {  	_ = 	snop  }
0x3b: {  	_ = 	snop  }
0x3c: {  	p2 =	seq.s32 s10, $0x1;
	s10 =	sld [smem:$0x3FAE]  }
0x3d: {  	_ =	shalt  }
0x3e: {  	_ =	shalt  }
0x3f: {  	_ =	shalt  }
0x40: {  	_ =	shalt  }
0x41: {  	_ =	shalt  }
0x42: {  	_ =	shalt  }
0x43: {  	_ =	shalt  }
0x44: {  	_ =	shalt  }
0x45: {  	_ =	shalt  }
0x46: {  	_ =	shalt  }
0x47: {  	_ =	shalt  }
0x48: {  	_ =	shalt  }
0x49: {  	_ =	shalt  }
0x4a: {  	_ =	shalt  }
0x4b: {  	_ =	shalt  }
0x4c: {  	_ =	shalt  }
0x4d: {  	_ =	shalt  }
0x4e: {  	_ =	shalt  }
0x4f: {  	_ =	shalt  }
0x50: {  	_ =	shalt  }
0x51: {  	_ =	shalt  }
0x52: {  	_ =	shalt  }
0x53: {  	_ =	shalt  }
0x54: {  	_ =	shalt  }
0x55: {  	_ =	shalt  }
0x56: {  	_ =	shalt  }
0x57: {  	_ =	shalt  }
0x58: {  	_ =	shalt  }
0x59: {  	_ =	shalt  }
0x5a: {  	_ =	shalt  }
0x5b: {  	_ =	shalt  }
0x5c: {  	_ =	shalt  }
0x5d: {  	_ =	shalt  }
0x5e: {  	_ =	shalt  }
0x5f: {  	_ =	shalt  }
0x60: {  	_ =	shalt  }
0x61: {  	_ =	shalt  }
0x62: {  	_ =	shalt  }
0x63: {  	_ =	shalt  }
0x64: {  	_ =	shalt  }
0x65: {  	_ =	shalt  }
0x66: {  	_ =	shalt  }
0x67: {  	_ =	shalt  }
0x68: {  	_ =	shalt  }
0x69: {  	_ =	shalt  }
0x6a: {  	_ =	shalt  }
0x6b: {  	_ =	shalt  }
0x6c: {  	_ =	shalt  }
0x6d: {  	_ =	shalt  }
0x6e: {  	_ =	shalt  }
0x6f: {  	_ =	shalt  }
0x70: {  	_ =	shalt  }
0x71: {  	_ =	shalt  }
0x72: {  	_ =	shalt  }
0x73: {  	_ =	shalt  }
0x74: {  	_ =	shalt  }
0x75: {  	_ =	shalt  }
0x76: {  	_ =	shalt  }
0x77: {  	_ =	shalt  }
0x78: {  	_ =	shalt  }
0x79: {  	_ =	shalt  }
0x7a: {  	_ =	shalt  }
0x7b: {  	_ =	shalt  }
0x7c: {  	_ =	shalt  }
0x7d: {  	_ =	shalt  }
0x7e: {  	_ =	shalt  }
0x7f: {  	_ =	shalt  }
0x80: {  	_ =	shalt  }
0x81: {  	_ =	shalt  }
0x82: {  	_ =	shalt  }
0x83: {  	_ =	shalt  }
0x84: {  	_ =	shalt  }
0x85: {  	_ =	shalt  }
0x86: {  	_ =	shalt  }
0x87: {  	_ =	shalt  }
.Lfunc_end0:
.L_simem_size_0:
called_computation.6_lowered:
.L_overlay_start_0:
0x88: {  	s2 =	sld [smem:$0x3FD9]  }
0x89: {  	s3 =	sld [smem:$0x3FFE];
	_ =	sdelay $0x1  }
0x8a: {  	s1 =	srdreg.scid  }
0x8b: {  	s0 =	sand.u32 $0x1, s1  }
0x8c: {  	s17 =	sshll.u32 s0, $0xA;
	s2 =	sadd.s32 s3, s2  }
0x8d: {  	s2 =	sadd.s32 s2, s17  }
0x8e: {  	[smem:$0x3FBA] =	sst s2  }
0x8f: {  	_ = 	snop  }
0x90: {  	(tm) =	ssettm $0x1  }
0x91: {  	s18 =	sld [smem:$0x3FFB];
	_ =	sdelay $0x3  }
0x92: {  	_ =	strace s18  }
0x93: {  	s2 =	sld [smem:$0x3FFC];
	_ =	sdelay $0x3  }
0x94: {  	_ =	strace s2  }
0x95: {  	s2 =	sld [smem:$0x3FFD];
	_ =	sdelay $0x3  }
0x96: {  	_ =	strace s2  }
0x97: {  	_ =	strace $0x8FFFFFFF  }
0x98: {  	s19 =	sld [smem:$0x3FDB];
	_ =	sdelay $0x1  }
0x99: {  	s20 =	simm.s32 $_scs_section_size  }
0x9a: {  	s4 =	simm.s32 $_size__tile_overlayer_lowered;
	s5 =	simm.s32 $_tile_overlayer_lowered  }
0x9b: {  	s6 =	simm.s32 $0x1BFF;
	s21 =	sshll.u32 s5, $0x1;
	s3 =	sadd.s32 s20, s19  }
0x9c: {  	s22 =	simm.s32 $0x0;
	s4 =	sshll.u32 s4, $0x1;
	s5 =	sadd.s32 s21, s3  }
0x9d: {  	[timem:s22], [sflag:s6] =	dma.local [hbm:s5], s4  }
0x9e: {  	_ =	swait.ge [sflag:s6], s4  }
0x9f: {  	s4 =	ssub.s32 $0x0, s4;
	[sflag:s6] =	ssyncset.done $0x0  }
0xa0: {  	[sflag:s6] =	ssyncadd.s32 s4;
	_ =	sdelay $0x1  }
0xa1: {  	s23 =	simm.s32 $0x1B8B  }
0xa2: {  	_ =	swait.ge [sflag:s23], $0x1  }
0xa3: {  	[sflag:s23] =	ssyncset.done $0x0  }
0xa4: {  	[sflag:s23] =	ssyncadd.s32 $0xFFFFFFFF  }
0xa5: {  	s4 =	sld [smem:$0x0]  }
0xa6: {  	s5 =	sand.u32 $0xFFFFFFFE, s1  }
0xa7: {  	p0 =	sne.s32 s1, s5  }
0xa8: {  	s5 =	sshll.u32 @p0 s5, $0xE  }
0xa9: {  	s5 =	sadd.s32 @p0 $0x11B8D, s5;
	s6 =	sshll.u32 @p0 s4, $0x11  }
0xaa: {  	s5 =	sor.u32 @p0 s6, s5  }
0xab: {  	[sflag:s5] =	ssyncadd.remote.s32 @p0 $0x1;
	_ =	sdelay $0x1  }
0xac: {  	s5 =	simm.s32 @p0 $0x1B8D  }
0xad: {  	_ =	swait.eq @p0 [sflag:s5], $0x1  }
0xae: {  	[sflag:s5] =	ssyncadd.s32 @p0 $0xFFFFFFFF  }
0xaf: {  	s6 =	sshll.u32 @!p0 s1, $0xE  }
0xb0: {  	s6 =	sor.u32 @!p0 $0x4000, s6;
	s5 =	simm.s32 @!p0 $0x1B8D  }
0xb1: {  	s4 =	sshll.u32 @!p0 s4, $0x11;
	s6 =	sadd.s32 @!p0 $0x11B8D, s6;
	_ =	swait.eq @!p0 [sflag:s5], $0x1  }
0xb2: {  	s4 =	sor.u32 @!p0 s4, s6;
	[sflag:s5] =	ssyncadd.s32 @!p0 $0xFFFFFFFF  }
0xb3: {  	s25 =	simm.s32 $0x1B8E;
	s24 =	sld [smem:$0x3FFE];
	[sflag:s4] =	ssyncadd.remote.s32 @!p0 $0x1  }
0xb4: {  	s26 =	simm.s32 $execute0_lowered;
	[smem:$0x3FD2] =	sst s25  }
0xb5: {  	s5 =	sshll.u32 s26, $0x1;
	_ =	strace $0x80000058;
	[dreg:$0x1] =	wrdreg $0xFFFFFFFF  }
0xb6: {  	s28 =	simm.s32 $_size_execute0_lowered;
	s3 =	sadd.s32 s3, s5;
	[dreg:$0x0] =	wrdreg $0x0  }
0xb7: {  	s5 =	sshll.u32 s28, $0x1;
	[dreg:$0x2] =	wrdreg s3  }
0xb8: {  	[dreg:$0x3] =	wrdreg s5  }
0xb9: {  	[dreg:$0x4] =	wrdreg $0xC0  }
0xba: {  	_ =	task [dreg:s22], $0x5FFFF  }
0xbb: {  	[dreg:$0x1] =	wrdreg $0xFFFFFFFF  }
0xbc: {  	[dreg:$0x0] =	wrdreg $0x60  }
0xbd: {  	[dreg:$0x2] =	wrdreg s24  }
0xbe: {  	[dreg:$0x3] =	wrdreg $0x9  }
0xbf: {  	_ =	task.clear_ibuf [dreg:s22], $0x4FFFF;
	_ =	strace $0x90000058  }
0xc0: {  	s29 =	simm.s32 $0x9;
	_ =	strace $0x8000005A  }
0xc1: {  	_ =	swait.ge [sflag:s29], $0x1  }
0xc2: {  	[sflag:s29] =	ssyncadd.s32 $0xFFFFFFFF  }
0xc3: {  	_ =	strace $0x9000005A  }
0xc4: {  	_ =	sfence  }
0xc5: {  	s30 =	sld [smem:$0x0];
	_ =	sdelay $0x2  }
0xc6: {  	s31 =	sshll.u32 s1, $0xD;
	s1 =	sshrl.u32 s1, $0x2  }
0xc7: {  	s4 =	sand.u32 $0x4000, s31;
	s1 =	sadd.s32 s1, s30  }
0xc8: {  	s0 =	sor.u32 s4, s0;
	s1 =	sshll.u32 s1, $0x11  }
0xc9: {  	s0 =	sor.u32 s1, s0  }
0xca: {  	s0 =	sadd.s32 $0x8F2B, s0  }
0xcb: {  	[sflag:s0] =	ssyncadd.remote.s32 $0x1  }
0xcc: {  	_ =	sfence.sel $0xFFFF  }
0xcd: {  	[dreg:$0x0] =	wrdreg $0xFFFFFFFF;
	(pc) =	sbr.abs _section_cstart, $3  }
0xce: {  	[dreg:$0x1] =	wrdreg $0xFFFFFFFF  }
0xcf: {  	_ =	task.clear_ibuf [dreg:s22], $0x2FFFF;
	_ =	strace $0x9FFFFFFF  }
0xd0: {  	(tm) =	ssettm $0x7FFFFFFF  }
0xd1: {  	_ =	shalt  }
tec
execute0_lowered:
.L_overlay_start_1:
0x0: {  	(tag) =	ssettag $0x1  }
0x1: {  	s0 =	srdreg.scid  }
0x2: {  	s4 =	rddreg [dreg:$0x0];
	s1 =	stileid.u32;
	s2 =	simm.s32 $0x0  }
0x3: {  	s12 =	simm.s32 $0xA00;
	s13 =	simm.s32 $0x4A00;
	s14 =	simm.s32 $0x1  }
0x4: {  	s15 =	simm.s32 $0x2;
	s16 =	simm.s32 $0x0;
	s26 =	smul.u32 $0x14, s1  }
0x5: {  	s6 =	sand.u32 $0x1, s0;
	s0 =	rddreg [dreg:$0x1];
	s31 =	smul.u32 $0xA000, s1  }
0x6: {  	[smem:$0x7FF] =	sst s2;
	s3 =	sshll.u32 s6, $0x4;
	s10 =	smul.u32 $0x140, s6  }
0x7: {  	s11 =	sadd.s32 $0xC400, s4;
	s30 =	smul.u32 $0xA0000, s6;
	s3 =	sor.u32 s1, s3  }
0x8: {  	_ =	strace $0x80000059;
	s7 =	ssub.s32 $0x2, s6;
	s5 =	smul.u32 $0x140, s3  }
0x9: {  	s9 =	sshrl.u32 s7, $0x1;
	s8 =	smul.u32 $0xA000, s3;
	s3 =	sadd.s32 $0x518A00, s4  }
0xa: {  	s7 =	ssub.s32 s7, s9;
	s29 =	sadd.s32 s26, s10;
	s9 =	sadd.s32 s30, s11  }
0xb: {  	s10 =	simm.s32 $0x3;
	s9 =	sadd.s32 s31, s9;
	s5 =	sadd.s32 s5, s4  }
0xc: {  	s28 =	sadd.s32 s11, s8;
	s8 =	sshll.u32 s29, $0xB;
	s4 =	sadd.s32 $0x174400, s5  }
0xd: {  	s5 =	smax.u32 s7, $0x1;
	s6 =	sadd.s32 $0x9000, s28;
	s8 =	sadd.s32 s8, s11  }
0xe: {  	s7 =	sadd.s32 $0x9800, s28;
	s11 =	simm.s32 $0x80;
	s8 =	sadd.s32 $0x800, s8  }
.LBB2_1:
0xf: {  	[tilespmem:s2], [sflag:$0x3] =	stream.linear.gather [hbm4b:s4+s2], $0xA00, $0x38;
	[tilespmem:$0x8A00] =	vst v63  }
0x10: {  	_ =	swait.ge [sflag:s10], $0xA00  }
0x11: {  	[sflag:s10] =	ssyncset.done $0x0  }
0x12: {  	[sflag:s10] =	ssyncadd.s32 $0xFFFFF600  }
0x13: {  	[tilespmem:s12], [sflag:$0x1] =	stream.indirect.gather [hbm4b:s3+s11], $0x80, s2, s11, $0xb8;
	[tilespmem:$0x8A00] =	vst v63  }
0x14: {  	_ = 	snop  }
0x15: {  	[tilespmem:s13], [sflag:$0x2] =	stream.indirect.gather [hbm4b:s3+s11], $0x80, s11, s11, $0xb8;
	[tilespmem:$0x8A00] =	vst v63  }
0x16: {  	_ =	swait.ge [sflag:s14], $0x4000  }
0x17: {  	[sflag:s14] =	ssyncset.done $0x0  }
0x18: {  	s17 =	sadd.s32 $0x0, s9;
	[sflag:s14] =	ssyncadd.s32 $0xFFFFC000  }
0x19: {  	[hbm4b:s17+s2] =	stream.linear.scatter [tilespmem:s12], [sflag:$0x3], $0x4000, $0x38;
	[tilespmem:$0x8A00] =	vst v63  }
0x1a: {  	_ =	swait.ge [sflag:s10], $0x4000  }
0x1b: {  	[sflag:s10] =	ssyncset.done $0x0  }
0x1c: {  	s30 =	simm.s32 $0x100;
	[sflag:s10] =	ssyncadd.s32 $0xFFFFC000  }
0x1d: {  	[tilespmem:s12], [sflag:$0x1] =	stream.indirect.gather [hbm4b:s3+s11], $0x80, s30, s11, $0xb8;
	[tilespmem:$0x8A00] =	vst v63  }
0x1e: {  	_ =	swait.ge [sflag:s15], $0x4000  }
0x1f: {  	[sflag:s15] =	ssyncset.done $0x0  }
0x20: {  	s31 =	sadd.s32 $0x0, s8;
	[sflag:s15] =	ssyncadd.s32 $0xFFFFC000  }
0x21: {  	[hbm4b:s31+s2] =	stream.linear.scatter [tilespmem:s13], [sflag:$0x3], $0x4000, $0x38;
	[tilespmem:$0x8A00] =	vst v63  }
0x22: {  	_ =	swait.ge [sflag:s10], $0x4000  }
0x23: {  	s18 =	simm.s32 $0x1000;
	[sflag:s10] =	ssyncset.done $0x0  }
0x24: {  	s19 =	simm.s32 $0x280;
	s17 =	simm.s32 $0x180;
	[sflag:s10] =	ssyncadd.s32 $0xFFFFC000  }
.LBB2_2:
0x25: {  	[tilespmem:s13], [sflag:$0x2] =	stream.indirect.gather [hbm4b:s3+s11], $0x80, s17, s11, $0xb8;
	[tilespmem:$0x8A00] =	vst v63  }
0x26: {  	s20 =	smov.u32 s18;
	s17 =	smov.u32 s19  }
0x27: {  	p0 =	sne.s32 s18, $0x8000;
	s18 =	sadd.s32 $0x1000, s18;
	_ =	swait.ge [sflag:s14], $0x4000  }
0x28: {  	[sflag:s14] =	ssyncset.done $0x0  }
0x29: {  	s21 =	sadd.s32 s20, s9;
	[sflag:s14] =	ssyncadd.s32 $0xFFFFC000  }
0x2a: {  	[hbm4b:s21+s2] =	stream.linear.scatter [tilespmem:s12], [sflag:$0x3], $0x4000, $0x38;
	[tilespmem:$0x8A00] =	vst v63  }
0x2b: {  	_ =	swait.ge [sflag:s10], $0x4000  }
0x2c: {  	[sflag:s10] =	ssyncset.done $0x0  }
0x2d: {  	s21 =	sadd.s32 $0xFFFFFF80, s19;
	[sflag:s10] =	ssyncadd.s32 $0xFFFFC000  }
0x2e: {  	[tilespmem:s12], [sflag:$0x1] =	stream.indirect.gather [hbm4b:s3+s11], $0x80, s21, s11, $0xb8;
	[tilespmem:$0x8A00] =	vst v63  }
0x2f: {  	_ =	swait.ge [sflag:s15], $0x4000  }
0x30: {  	[sflag:s15] =	ssyncset.done $0x0  }
.Ltmp0:
0x31: {  	s20 =	sadd.s32 s20, s8;
	[sflag:s15] =	ssyncadd.s32 $0xFFFFC000;
	(pc) =	sbr.rel @p0 .LBB2_2-.Ltmp0, $4  }
0x32: {  	[hbm4b:s20+s2] =	stream.linear.scatter [tilespmem:s13], [sflag:$0x3], $0x4000, $0x38;
	[tilespmem:$0x8A00] =	vst v63  }
0x33: {  	_ =	swait.ge [sflag:s10], $0x4000  }
0x34: {  	[sflag:s10] =	ssyncset.done $0x0  }
0x35: {  	s19 =	sadd.s32 $0x100, s19;
	[sflag:s10] =	ssyncadd.s32 $0xFFFFC000  }
0x36: {  	[tilespmem:s13], [sflag:$0x2] =	stream.indirect.gather [hbm4b:s3+s11], $0x80, s17, s11, $0xb8;
	[tilespmem:$0x8A00] =	vst v63  }
0x37: {  	_ =	swait.ge [sflag:s14], $0x4000  }
0x38: {  	[sflag:s14] =	ssyncset.done $0x0  }
0x39: {  	[sflag:s14] =	ssyncadd.s32 $0xFFFFC000  }
0x3a: {  	[hbm4b:s6+s2] =	stream.linear.scatter [tilespmem:s12], [sflag:$0x3], $0x4000, $0x38;
	[tilespmem:$0x8A00] =	vst v63  }
0x3b: {  	_ =	swait.ge [sflag:s10], $0x4000  }
0x3c: {  	[sflag:s10] =	ssyncset.done $0x0  }
0x3d: {  	[sflag:s10] =	ssyncadd.s32 $0xFFFFC000  }
0x3e: {  	s16 =	sadd.s32 $0x1, s16;
	_ =	swait.ge [sflag:s15], $0x4000  }
0x3f: {  	p0 =	sne.s32 s16, s5;
	[sflag:s15] =	ssyncset.done $0x0  }
.Ltmp1:
0x40: {  	[sflag:s15] =	ssyncadd.s32 $0xFFFFC000;
	(pc) =	sbr.rel @p0 .LBB2_1-.Ltmp1, $4  }
0x41: {  	[hbm4b:s7+s2] =	stream.linear.scatter [tilespmem:s13], [sflag:$0x3], $0x4000, $0x38;
	[tilespmem:$0x8A00] =	vst v63  }
0x42: {  	_ =	swait.ge [sflag:s10], $0x4000  }
0x43: {  	[sflag:s10] =	ssyncset.done $0x0  }
0x44: {  	[sflag:s10] =	ssyncadd.s32 $0xFFFFC000  }
0x45: {  	_ =	sfence.sel $0x180000  }
0x46: {  	[bflag:$0x0] =	sbarrier.arrive $0xFFFF  }
0x47: {  	p0 =	sne.s32 s1, $0x0;
	_ =	strace $0x90000059  }
0x48: {  	s0 =	sadd.s32 @!p0 $0x100000, s0;
	[bflag:$0x2] =	sbarrier.arrive $0xFFFF  }
0x49: {  	[sflag:s0] =	ssyncadd.tile.s32 @!p0 $0x1;
	_ =	shalt  }
.Lfunc_end2:
_tile_overlayer_lowered:
.L_overlay_start_2:
0x4a: {  	(tag) =	ssettag $0x2  }
0x4b: {  	s0 =	rddreg [dreg:$0x0];
	s2 =	stileid.u32  }
0x4c: {  	s1 =	rddreg [dreg:$0x1];
	p0 =	sne.s32 s2, $0x0  }
0x4d: {  	s3 =	rddreg [dreg:$0x2];
	[bflag:$0x3] =	sbarrier.arrive $0xFFFF;
	s2 =	simm.s32 @!p0 $0x1C03  }
0x4e: {  	[timem:s3], [sflag:s2] =	dma.local @!p0 [hbm:s0], s1  }
0x4f: {  	s0 =	simm.s32 @!p0 $0x3  }
0x50: {  	_ =	swait.ge @!p0 [sflag:s0], s1  }
0x51: {  	s1 =	ssub.s32 @!p0 $0x0, s1;
	[sflag:s0] =	ssyncset.done @!p0 $0x0  }
0x52: {  	[sflag:s0] =	ssyncadd.s32 @!p0 s1  }
0x53: {  	[bflag:$0x3] =	sbarrier.arrive $0xFFFF  }
0x54: {  	_ =	shalt  }

// kernel: kernel.40.cloned.1.call-start
scs
__scs_entry_jumppad:
0x0: {  	(pc) =	sbr.rel $0x88, $3  }
0x1: {  	(tag) =	ssettag $0x0;
	lr =	simm.s32 $0x1  }
0x2: {  	[smem:$0x3F93] =	sst lr;
	_ =	strace $0xD0000000  }
0x3: {  	_ = 	snop  }
0x4: {  	_ = 	snop  }
0x5: {  	_ = 	snop  }
0x6: {  	_ = 	snop  }
0x7: {  	_ = 	snop  }
__scs_overlays_trampoline_lowered:
0x8: {  	[smem:$0x3FA2] =	sst s0  }
0x9: {  	[smem:$0x3FA3] =	sst s1  }
0xa: {  	[smem:$0x3FA4] =	sst s2  }
0xb: {  	[smem:$0x3FA5] =	sst s3  }
0xc: {  	[smem:$0x3FA6] =	sst s4  }
0xd: {  	[smem:$0x3FA7] =	sst s5  }
0xe: {  	[smem:$0x3FA8] =	sst s6  }
0xf: {  	[smem:$0x3FA9] =	sst s7  }
0x10: {  	[smem:$0x3FAA] =	sst s8  }
0x11: {  	[smem:$0x3FAB] =	sst s9;
	s0 =	simm.s32 @!p0 $0x0  }
0x12: {  	s1 =	sld [smem:$0x3F91];
	s0 =	simm.s32 @p0 $0x1  }
0x13: {  	[smem:$0x3FAC] =	sst s0;
	s0 =	simm.s32 @!p1 $0x0  }
0x14: {  	s2 =	sld [smem:$0x3F90];
	s0 =	simm.s32 @p1 $0x1  }
0x15: {  	[smem:$0x3FAD] =	sst s0;
	s0 =	simm.s32 @!p2 $0x0  }
0x16: {  	s3 =	sld [smem:$0x3FDB];
	s0 =	simm.s32 @p2 $0x1  }
0x17: {  	s4 =	simm.s32 $0x1BF5;
	[smem:$0x3FAF] =	sst s0  }
0x18: {  	s0 =	sld [smem:$0x3F92];
	_ =	swait.ge [sflag:s4], $0x0  }
0x19: {  	s7 =	sld [smem:$0x3F93]  }
0x1a: {  	s8 =	sadd.s32 $0xFFFFE003, lr  }
0x1b: {  	s9 =	sadd.s32 $0xFFFFFEF7, lr;
	s5 =	simm.s32 $0xFFFFFFFF;
	p2 =	slt.u32 s8, $0xFFFFF086  }
0x1c: {  	p1 =	slt.u32 s9, $0xF7A;
	s5 =	simm.s32 @!p2 $0x0  }
0x1d: {  	s5 =	simm.s32 @p1 $0x1;
	p0 =	seq.s32 s7, s2  }
0x1e: {  	s7 =	smul.u32 @!p0 $0xF7A, s2;
	p2 =	seq.s32 @!p0 s5, $0x0  }
0x1f: {  	s9 =	smul.u32 $0xF7A, s1;
	s8 =	simm.s32 @!p0 $0x1BF5;
	p2 =	por !p2, p0  }
0x20: {  	[sflag:s8] =	ssyncset.s32 @!p0 $0xFFFFF086;
	s6 =	sadd.s32 @!p0 s3, s7;
	s7 =	simm.s32 @!p0 $0x108  }
0x21: {  	s3 =	sadd.s32 s3, s9;
	s6 =	sadd.s32 @!p0 $0x88, s6;
	s7 =	simm.s32 @p2 $0x1082  }
0x22: {  	[simem:s7], [sflag:s8] =	dma.local @!p0 [hbm:s6], $0xF7A  }
0x23: {  	s9 =	sor.u32 $0xD0000000, s2;
	s6 =	simm.s32 $0x108;
	_ =	swait.ge @!p0 [sflag:s8], $0x0  }
0x24: {  	s3 =	sadd.s32 $0x88, s3;
	s6 =	simm.s32 @!p1 $0x1082;
	[sflag:s4] =	ssyncset.s32 $0xFFFFF086  }
0x25: {  	[simem:s6], [sflag:s4] =	dma.local [hbm:s3], $0xF7A  }
0x26: {  	[smem:$0x3F93] =	sst s1;
	(tag) =	ssettag s2;
	_ =	strace s9  }
0x27: {  	s1 =	sld [smem:$0x3FA3]  }
0x28: {  	s2 =	sld [smem:$0x3FA4]  }
0x29: {  	s4 =	sld [smem:$0x3FA6]  }
0x2a: {  	p0 =	seq.s32 s5, $0x0;
	s5 =	sld [smem:$0x3FA7]  }
0x2b: {  	s6 =	sld [smem:$0x3FA8]  }
0x2c: {  	s7 =	sld [smem:$0x3FA9]  }
0x2d: {  	s3 =	simm.s32 $0x108;
	s8 =	sld [smem:$0x3FAA]  }
0x2e: {  	s3 =	simm.s32 @!p0 $0x1082;
	s9 =	sld [smem:$0x3FAB]  }
0x2f: {  	lr =	sadd.s32 s0, s3;
	s0 =	sld [smem:$0x3FA2]  }
0x30: {  	s3 =	sld [smem:$0x3FA5]  }
0x31: {  	[smem:$0x3FAE] =	sst s10  }
0x32: {  	s10 =	sld [smem:$0x3FAC];
	_ =	sdelay $0x3  }
0x33: {  	p0 =	seq.s32 s10, $0x1;
	s10 =	sld [smem:$0x3FAE];
	_ =	sdelay $0x3  }
0x34: {  	[smem:$0x3FAE] =	sst s10  }
0x35: {  	s10 =	sld [smem:$0x3FAD];
	_ =	sdelay $0x3  }
0x36: {  	p1 =	seq.s32 s10, $0x1;
	s10 =	sld [smem:$0x3FAE];
	_ =	sdelay $0x3  }
0x37: {  	[smem:$0x3FAE] =	sst s10  }
0x38: {  	s10 =	sld [smem:$0x3FAF]  }
0x39: {  	_ = 	snop;
	(pc) =	sbr.ind lr, $3  }
0x3a: {  	_ = 	snop  }
0x3b: {  	_ = 	snop  }
0x3c: {  	p2 =	seq.s32 s10, $0x1;
	s10 =	sld [smem:$0x3FAE]  }
0x3d: {  	_ =	shalt  }
0x3e: {  	_ =	shalt  }
0x3f: {  	_ =	shalt  }
0x40: {  	_ =	shalt  }
0x41: {  	_ =	shalt  }
0x42: {  	_ =	shalt  }
0x43: {  	_ =	shalt  }
0x44: {  	_ =	shalt  }
0x45: {  	_ =	shalt  }
0x46: {  	_ =	shalt  }
0x47: {  	_ =	shalt  }
0x48: {  	_ =	shalt  }
0x49: {  	_ =	shalt  }
0x4a: {  	_ =	shalt  }
0x4b: {  	_ =	shalt  }
0x4c: {  	_ =	shalt  }
0x4d: {  	_ =	shalt  }
0x4e: {  	_ =	shalt  }
0x4f: {  	_ =	shalt  }
0x50: {  	_ =	shalt  }
0x51: {  	_ =	shalt  }
0x52: {  	_ =	shalt  }
0x53: {  	_ =	shalt  }
0x54: {  	_ =	shalt  }
0x55: {  	_ =	shalt  }
0x56: {  	_ =	shalt  }
0x57: {  	_ =	shalt  }
0x58: {  	_ =	shalt  }
0x59: {  	_ =	shalt  }
0x5a: {  	_ =	shalt  }
0x5b: {  	_ =	shalt  }
0x5c: {  	_ =	shalt  }
0x5d: {  	_ =	shalt  }
0x5e: {  	_ =	shalt  }
0x5f: {  	_ =	shalt  }
0x60: {  	_ =	shalt  }
0x61: {  	_ =	shalt  }
0x62: {  	_ =	shalt  }
0x63: {  	_ =	shalt  }
0x64: {  	_ =	shalt  }
0x65: {  	_ =	shalt  }
0x66: {  	_ =	shalt  }
0x67: {  	_ =	shalt  }
0x68: {  	_ =	shalt  }
0x69: {  	_ =	shalt  }
0x6a: {  	_ =	shalt  }
0x6b: {  	_ =	shalt  }
0x6c: {  	_ =	shalt  }
0x6d: {  	_ =	shalt  }
0x6e: {  	_ =	shalt  }
0x6f: {  	_ =	shalt  }
0x70: {  	_ =	shalt  }
0x71: {  	_ =	shalt  }
0x72: {  	_ =	shalt  }
0x73: {  	_ =	shalt  }
0x74: {  	_ =	shalt  }
0x75: {  	_ =	shalt  }
0x76: {  	_ =	shalt  }
0x77: {  	_ =	shalt  }
0x78: {  	_ =	shalt  }
0x79: {  	_ =	shalt  }
0x7a: {  	_ =	shalt  }
0x7b: {  	_ =	shalt  }
0x7c: {  	_ =	shalt  }
0x7d: {  	_ =	shalt  }
0x7e: {  	_ =	shalt  }
0x7f: {  	_ =	shalt  }
0x80: {  	_ =	shalt  }
0x81: {  	_ =	shalt  }
0x82: {  	_ =	shalt  }
0x83: {  	_ =	shalt  }
0x84: {  	_ =	shalt  }
0x85: {  	_ =	shalt  }
0x86: {  	_ =	shalt  }
0x87: {  	_ =	shalt  }
.Lfunc_end0:
.L_simem_size_0:
called_computation.7_lowered:
.L_overlay_start_0:
0x88: {  	s2 =	sld [smem:$0x3FD9]  }
0x89: {  	s3 =	sld [smem:$0x3FFE];
	_ =	sdelay $0x1  }
0x8a: {  	s1 =	srdreg.scid  }
0x8b: {  	s0 =	sand.u32 $0x1, s1  }
0x8c: {  	s17 =	sshll.u32 s0, $0xA;
	s2 =	sadd.s32 s3, s2  }
0x8d: {  	s2 =	sadd.s32 s2, s17  }
0x8e: {  	[smem:$0x3FBA] =	sst s2  }
0x8f: {  	_ = 	snop  }
0x90: {  	(tm) =	ssettm $0x1  }
0x91: {  	s18 =	sld [smem:$0x3FFB];
	_ =	sdelay $0x3  }
0x92: {  	_ =	strace s18  }
0x93: {  	s2 =	sld [smem:$0x3FFC];
	_ =	sdelay $0x3  }
0x94: {  	_ =	strace s2  }
0x95: {  	s2 =	sld [smem:$0x3FFD];
	_ =	sdelay $0x3  }
0x96: {  	_ =	strace s2  }
0x97: {  	_ =	strace $0x8FFFFFFF  }
0x98: {  	s19 =	sld [smem:$0x3FDB];
	_ =	sdelay $0x1  }
0x99: {  	s20 =	simm.s32 $_scs_section_size  }
0x9a: {  	s4 =	simm.s32 $_size__tile_overlayer_lowered;
	s5 =	simm.s32 $_tile_overlayer_lowered  }
0x9b: {  	s6 =	simm.s32 $0x1BFF;
	s21 =	sshll.u32 s5, $0x1;
	s3 =	sadd.s32 s20, s19  }
0x9c: {  	s22 =	simm.s32 $0x0;
	s4 =	sshll.u32 s4, $0x1;
	s5 =	sadd.s32 s21, s3  }
0x9d: {  	[timem:s22], [sflag:s6] =	dma.local [hbm:s5], s4  }
0x9e: {  	_ =	swait.ge [sflag:s6], s4  }
0x9f: {  	s4 =	ssub.s32 $0x0, s4;
	[sflag:s6] =	ssyncset.done $0x0  }
0xa0: {  	[sflag:s6] =	ssyncadd.s32 s4;
	_ =	sdelay $0x1  }
0xa1: {  	s23 =	simm.s32 $0x1B8B  }
0xa2: {  	_ =	swait.ge [sflag:s23], $0x1  }
0xa3: {  	[sflag:s23] =	ssyncset.done $0x0  }
0xa4: {  	[sflag:s23] =	ssyncadd.s32 $0xFFFFFFFF  }
0xa5: {  	s4 =	sld [smem:$0x0]  }
0xa6: {  	s5 =	sand.u32 $0xFFFFFFFE, s1  }
0xa7: {  	p0 =	sne.s32 s1, s5  }
0xa8: {  	s5 =	sshll.u32 @p0 s5, $0xE  }
0xa9: {  	s5 =	sadd.s32 @p0 $0x11B8D, s5;
	s6 =	sshll.u32 @p0 s4, $0x11  }
0xaa: {  	s5 =	sor.u32 @p0 s6, s5  }
0xab: {  	[sflag:s5] =	ssyncadd.remote.s32 @p0 $0x1;
	_ =	sdelay $0x1  }
0xac: {  	s5 =	simm.s32 @p0 $0x1B8D  }
0xad: {  	_ =	swait.eq @p0 [sflag:s5], $0x1  }
0xae: {  	[sflag:s5] =	ssyncadd.s32 @p0 $0xFFFFFFFF  }
0xaf: {  	s6 =	sshll.u32 @!p0 s1, $0xE  }
0xb0: {  	s6 =	sor.u32 @!p0 $0x4000, s6;
	s5 =	simm.s32 @!p0 $0x1B8D  }
0xb1: {  	s4 =	sshll.u32 @!p0 s4, $0x11;
	s6 =	sadd.s32 @!p0 $0x11B8D, s6;
	_ =	swait.eq @!p0 [sflag:s5], $0x1  }
0xb2: {  	s4 =	sor.u32 @!p0 s4, s6;
	[sflag:s5] =	ssyncadd.s32 @!p0 $0xFFFFFFFF  }
0xb3: {  	s25 =	simm.s32 $0x1B8E;
	s24 =	sld [smem:$0x3FFE];
	[sflag:s4] =	ssyncadd.remote.s32 @!p0 $0x1  }
0xb4: {  	s26 =	simm.s32 $execute0_lowered;
	[smem:$0x3FD2] =	sst s25  }
0xb5: {  	s5 =	sshll.u32 s26, $0x1;
	_ =	strace $0x8000005B;
	[dreg:$0x1] =	wrdreg $0xFFFFFFFF  }
0xb6: {  	s28 =	simm.s32 $_size_execute0_lowered;
	s3 =	sadd.s32 s3, s5;
	[dreg:$0x0] =	wrdreg $0x0  }
0xb7: {  	s5 =	sshll.u32 s28, $0x1;
	[dreg:$0x2] =	wrdreg s3  }
0xb8: {  	[dreg:$0x3] =	wrdreg s5  }
0xb9: {  	[dreg:$0x4] =	wrdreg $0xC0  }
0xba: {  	_ =	task [dreg:s22], $0x5FFFF  }
0xbb: {  	[dreg:$0x1] =	wrdreg $0xFFFFFFFF  }
0xbc: {  	[dreg:$0x0] =	wrdreg $0x60  }
0xbd: {  	[dreg:$0x2] =	wrdreg s24  }
0xbe: {  	[dreg:$0x3] =	wrdreg $0x4C000  }
0xbf: {  	[dreg:$0x4] =	wrdreg $0xA  }
0xc0: {  	_ =	task.clear_ibuf [dreg:s22], $0x5FFFF;
	_ =	strace $0x9000005B  }
0xc1: {  	s29 =	simm.s32 $0xA;
	_ =	strace $0x8000005D  }
0xc2: {  	_ =	swait.ge [sflag:s29], $0x1  }
0xc3: {  	[sflag:s29] =	ssyncadd.s32 $0xFFFFFFFF  }
0xc4: {  	_ =	strace $0x9000005D  }
0xc5: {  	_ =	sfence  }
0xc6: {  	s30 =	sld [smem:$0x0];
	_ =	sdelay $0x2  }
0xc7: {  	s31 =	sshll.u32 s1, $0xD;
	s1 =	sshrl.u32 s1, $0x2  }
0xc8: {  	s4 =	sand.u32 $0x4000, s31;
	s1 =	sadd.s32 s1, s30  }
0xc9: {  	s0 =	sor.u32 s4, s0;
	s1 =	sshll.u32 s1, $0x11  }
0xca: {  	s0 =	sor.u32 s1, s0  }
0xcb: {  	s0 =	sadd.s32 $0x8F2B, s0  }
0xcc: {  	[sflag:s0] =	ssyncadd.remote.s32 $0x1  }
0xcd: {  	_ =	sfence.sel $0xFFFF  }
0xce: {  	[dreg:$0x0] =	wrdreg $0xFFFFFFFF;
	(pc) =	sbr.abs _section_cstart, $3  }
0xcf: {  	[dreg:$0x1] =	wrdreg $0xFFFFFFFF  }
0xd0: {  	_ =	task.clear_ibuf [dreg:s22], $0x2FFFF;
	_ =	strace $0x9FFFFFFF  }
0xd1: {  	(tm) =	ssettm $0x7FFFFFFF  }
tec
execute0_lowered:
.L_overlay_start_1:
0x0: {  	(tag) =	ssettag $0x1  }
0x1: {  	s1 =	stileid.u32  }
0x2: {  	s8 =	smul.u32 $0x14000, s1  }
0x3: {  	s0 =	srdreg.scid;
	s25 =	smul.u32 $0x50000, s1  }
0x4: {  	s4 =	rddreg [dreg:$0x0];
	s28 =	smul.u32 $0x140, s1  }
0x5: {  	s2 =	rddreg [dreg:$0x1];
	s5 =	sand.u32 $0x1, s0;
	s13 =	smul.u32 $0xA000, s1  }
0x6: {  	s3 =	simm.s32 $0x0;
	s0 =	rddreg [dreg:$0x2];
	s6 =	smul.u32 $0xA0000, s5  }
0x7: {  	s14 =	simm.s32 $0x0;
	[smem:$0x7FF] =	sst s3;
	s7 =	smul.u32 $0x1400, s5  }
0x8: {  	s29 =	sshll.u32 s1, $0x6;
	s9 =	smul.u32 $0x140000, s5;
	s5 =	ssub.s32 $0x2, s5  }
0x9: {  	_ =	strace $0x8000005C;
	s24 =	sshrl.u32 s8, $0x3;
	s26 =	sshrl.u32 s5, $0x1  }
0xa: {  	s10 =	sadd.s32 s6, s4;
	s7 =	sadd.s32 s7, s4;
	s8 =	sadd.s32 s8, s9  }
0xb: {  	s6 =	sadd.s32 s24, s4;
	s9 =	sshrl.u32 s25, $0x2;
	s11 =	ssub.s32 s5, s26  }
0xc: {  	s5 =	sor.u32 $0x1C01, s29;
	s8 =	sshrl.u32 s8, $0x3;
	s12 =	sadd.s32 s9, s2  }
0xd: {  	s30 =	sadd.s32 s28, s7;
	s7 =	smax.u32 s11, $0x1;
	s31 =	sadd.s32 s13, s10  }
0xe: {  	s11 =	simm.s32 $0x1;
	s13 =	simm.s32 $0x80;
	s8 =	sadd.s32 s8, s4  }
0xf: {  	s4 =	sadd.s32 $0x2BE400, s6;
	s9 =	sadd.s32 $0x336C00, s31;
	s10 =	sshrl.u32 s12, $0x3  }
0x10: {  	s12 =	simm.s32 $0xC00;
	s6 =	sadd.s32 $0x476C00, s8;
	s8 =	sadd.s32 $0x9C00, s30  }
.LBB2_1:
0x11: {  	[spmem:s10], [sflag:s5] =	dma.local [hbm:s4], $0x2800  }
0x12: {  	_ =	swait.ge [sflag:s11], $0x2800  }
0x13: {  	[sflag:s11] =	ssyncset.done $0x0  }
0x14: {  	s15 =	sadd.s32 $0x0, s8;
	[sflag:s11] =	ssyncadd.s32 $0xFFFFD800  }
0x15: {  	[tilespmem:s3], [sflag:$0x1] =	stream.linear.gather [hbm4b:s15+s3], $0x80, $0x38;
	[tilespmem:$0x18C00] =	vst v63  }
0x16: {  	_ =	swait.ge [sflag:s11], $0x80  }
0x17: {  	s16 =	simm.s32 $0x0;
	s15 =	simm.s32 $0x10;
	[sflag:s11] =	ssyncset.done $0x0  }
.LBB2_2:
0x18: {  	s17 =	sadd.s32 s15, s8  }
0x19: {  	[sflag:s11] =	ssyncadd.s32 $0xFFFFFF80;
	s16 =	sadd.s32 $0x80, s16;
	p0 =	sne.s32 s15, $0x130  }
0x1a: {  	[tilespmem:s16], [sflag:$0x1] =	stream.linear.gather [hbm4b:s17+s3], $0x80, $0x38;
	[tilespmem:$0x18C00] =	vst v63  }
.Ltmp0:
0x1b: {  	_ = 	snop;
	(pc) =	sbr.rel @p0 .LBB2_2-.Ltmp0, $4  }
0x1c: {  	_ = 	snop  }
0x1d: {  	s15 =	sadd.s32 $0x10, s15  }
0x1e: {  	_ =	swait.ge [sflag:s11], $0x80  }
0x1f: {  	[sflag:s11] =	ssyncset.done $0x0  }
0x20: {  	[sflag:s11] =	ssyncadd.s32 $0xFFFFFF80  }
0x21: {  	[bflag:$0x0] =	sbarrier.arrive $0xFFFF  }
0x22: {  	[tilespmem:s12], [sflag:$0x1] =	stream.linear.gather [hbm4b:s9+s3], $0x4000, $0x38;
	[tilespmem:$0x18C00] =	vst v63  }
0x23: {  	_ =	swait.ge [sflag:s11], $0x4000  }
0x24: {  	[sflag:s11] =	ssyncset.done $0x0  }
0x25: {  	s15 =	simm.s32 $0x0;
	[sflag:s11] =	ssyncadd.s32 $0xFFFFC000  }
0x26: {  	[spmem:s2] =	stream.indirect.scatter.add.f32 [tilespmem:s12], [sflag:$0x1], $0x80, s15, s13, $0xb8;
	[tilespmem:$0x18C00] =	vst v63  }
0x27: {  	_ =	swait.ge [sflag:s11], $0x4000  }
0x28: {  	s16 =	smov.u32 s9;
	s15 =	simm.s32 $0x200;
	[sflag:s11] =	ssyncset.done $0x0  }
.LBB2_4:
0x29: {  	p0 =	sne.s32 s15, $0x2600;
	[sflag:s11] =	ssyncadd.s32 $0xFFFFC000;
	s16 =	sadd.s32 $0x800, s16  }
0x2a: {  	[tilespmem:s12], [sflag:$0x1] =	stream.linear.gather [hbm4b:s16+s3], $0x4000, $0x38;
	[tilespmem:$0x18C00] =	vst v63  }
0x2b: {  	s17 =	smov.u32 s15;
	s15 =	sadd.s32 $0x200, s15;
	_ =	swait.ge [sflag:s11], $0x4000  }
.Ltmp1:
0x2c: {  	[sflag:s11] =	ssyncset.done $0x0;
	(pc) =	sbr.rel @p0 .LBB2_4-.Ltmp1, $4  }
0x2d: {  	s17 =	sshra.s32 s17, $0x2;
	[sflag:s11] =	ssyncadd.s32 $0xFFFFC000  }
0x2e: {  	[spmem:s2] =	stream.indirect.scatter.add.f32 [tilespmem:s12], [sflag:$0x1], $0x80, s17, s13, $0xb8;
	[tilespmem:$0x18C00] =	vst v63  }
0x2f: {  	_ =	swait.ge [sflag:s11], $0x4000  }
0x30: {  	[sflag:s11] =	ssyncset.done $0x0  }
0x31: {  	s14 =	sadd.s32 $0x1, s14  }
0x32: {  	[sflag:s11] =	ssyncadd.s32 $0xFFFFC000;
	p0 =	sne.s32 s14, s7  }
.Ltmp2:
0x33: {  	[bflag:$0x0] =	sbarrier.arrive $0xFFFF;
	(pc) =	sbr.rel @p0 .LBB2_1-.Ltmp2, $4  }
0x34: {  	[hbm:s6], [sflag:s5] =	dma.local [spmem:s10], $0x2800  }
0x35: {  	_ =	swait.ge [sflag:s11], $0x2800  }
0x36: {  	[sflag:s11] =	ssyncset.done $0x0  }
0x37: {  	[sflag:s11] =	ssyncadd.s32 $0xFFFFD800  }
0x38: {  	_ =	sfence.sel $0x180000  }
0x39: {  	[bflag:$0x0] =	sbarrier.arrive $0xFFFF  }
0x3a: {  	p0 =	sne.s32 s1, $0x0;
	_ =	strace $0x9000005C  }
0x3b: {  	s0 =	sadd.s32 @!p0 $0x100000, s0;
	[bflag:$0x2] =	sbarrier.arrive $0xFFFF  }
0x3c: {  	[sflag:s0] =	ssyncadd.tile.s32 @!p0 $0x1;
	_ =	shalt  }
.Lfunc_end2:
_tile_overlayer_lowered:
.L_overlay_start_2:
0x3d: {  	(tag) =	ssettag $0x2  }
0x3e: {  	s0 =	rddreg [dreg:$0x0];
	s2 =	stileid.u32  }
0x3f: {  	s1 =	rddreg [dreg:$0x1];
	p0 =	sne.s32 s2, $0x0  }
0x40: {  	s3 =	rddreg [dreg:$0x2];
	[bflag:$0x3] =	sbarrier.arrive $0xFFFF;
	s2 =	simm.s32 @!p0 $0x1C01  }
0x41: {  	[timem:s3], [sflag:s2] =	dma.local @!p0 [hbm:s0], s1  }
0x42: {  	s0 =	simm.s32 @!p0 $0x1  }
0x43: {  	_ =	swait.ge @!p0 [sflag:s0], s1  }
0x44: {  	s1 =	ssub.s32 @!p0 $0x0, s1;
	[sflag:s0] =	ssyncset.done @!p0 $0x0  }
0x45: {  	[sflag:s0] =	ssyncadd.s32 @!p0 s1  }
0x46: {  	[bflag:$0x3] =	sbarrier.arrive $0xFFFF  }
0x47: {  	_ =	shalt  }

// kernel: kernel.43.cloned.1.call-start
scs
__scs_entry_jumppad:
0x0: {  	(pc) =	sbr.rel $0x88, $3  }
0x1: {  	(tag) =	ssettag $0x0;
	lr =	simm.s32 $0x1  }
0x2: {  	[smem:$0x3F93] =	sst lr;
	_ =	strace $0xD0000000  }
0x3: {  	_ = 	snop  }
0x4: {  	_ = 	snop  }
0x5: {  	_ = 	snop  }
0x6: {  	_ = 	snop  }
0x7: {  	_ = 	snop  }
__scs_overlays_trampoline_lowered:
0x8: {  	[smem:$0x3FA2] =	sst s0  }
0x9: {  	[smem:$0x3FA3] =	sst s1  }
0xa: {  	[smem:$0x3FA4] =	sst s2  }
0xb: {  	[smem:$0x3FA5] =	sst s3  }
0xc: {  	[smem:$0x3FA6] =	sst s4  }
0xd: {  	[smem:$0x3FA7] =	sst s5  }
0xe: {  	[smem:$0x3FA8] =	sst s6  }
0xf: {  	[smem:$0x3FA9] =	sst s7  }
0x10: {  	[smem:$0x3FAA] =	sst s8  }
0x11: {  	[smem:$0x3FAB] =	sst s9;
	s0 =	simm.s32 @!p0 $0x0  }
0x12: {  	s1 =	sld [smem:$0x3F91];
	s0 =	simm.s32 @p0 $0x1  }
0x13: {  	[smem:$0x3FAC] =	sst s0;
	s0 =	simm.s32 @!p1 $0x0  }
0x14: {  	s2 =	sld [smem:$0x3F90];
	s0 =	simm.s32 @p1 $0x1  }
0x15: {  	[smem:$0x3FAD] =	sst s0;
	s0 =	simm.s32 @!p2 $0x0  }
0x16: {  	s3 =	sld [smem:$0x3FDB];
	s0 =	simm.s32 @p2 $0x1  }
0x17: {  	s4 =	simm.s32 $0x1BF5;
	[smem:$0x3FAF] =	sst s0  }
0x18: {  	s0 =	sld [smem:$0x3F92];
	_ =	swait.ge [sflag:s4], $0x0  }
0x19: {  	s7 =	sld [smem:$0x3F93]  }
0x1a: {  	s8 =	sadd.s32 $0xFFFFE003, lr  }
0x1b: {  	s9 =	sadd.s32 $0xFFFFFEF7, lr;
	s5 =	simm.s32 $0xFFFFFFFF;
	p2 =	slt.u32 s8, $0xFFFFF086  }
0x1c: {  	p1 =	slt.u32 s9, $0xF7A;
	s5 =	simm.s32 @!p2 $0x0  }
0x1d: {  	s5 =	simm.s32 @p1 $0x1;
	p0 =	seq.s32 s7, s2  }
0x1e: {  	s7 =	smul.u32 @!p0 $0xF7A, s2;
	p2 =	seq.s32 @!p0 s5, $0x0  }
0x1f: {  	s9 =	smul.u32 $0xF7A, s1;
	s8 =	simm.s32 @!p0 $0x1BF5;
	p2 =	por !p2, p0  }
0x20: {  	[sflag:s8] =	ssyncset.s32 @!p0 $0xFFFFF086;
	s6 =	sadd.s32 @!p0 s3, s7;
	s7 =	simm.s32 @!p0 $0x108  }
0x21: {  	s3 =	sadd.s32 s3, s9;
	s6 =	sadd.s32 @!p0 $0x88, s6;
	s7 =	simm.s32 @p2 $0x1082  }
0x22: {  	[simem:s7], [sflag:s8] =	dma.local @!p0 [hbm:s6], $0xF7A  }
0x23: {  	s9 =	sor.u32 $0xD0000000, s2;
	s6 =	simm.s32 $0x108;
	_ =	swait.ge @!p0 [sflag:s8], $0x0  }
0x24: {  	s3 =	sadd.s32 $0x88, s3;
	s6 =	simm.s32 @!p1 $0x1082;
	[sflag:s4] =	ssyncset.s32 $0xFFFFF086  }
0x25: {  	[simem:s6], [sflag:s4] =	dma.local [hbm:s3], $0xF7A  }
0x26: {  	[smem:$0x3F93] =	sst s1;
	(tag) =	ssettag s2;
	_ =	strace s9  }
0x27: {  	s1 =	sld [smem:$0x3FA3]  }
0x28: {  	s2 =	sld [smem:$0x3FA4]  }
0x29: {  	s4 =	sld [smem:$0x3FA6]  }
0x2a: {  	p0 =	seq.s32 s5, $0x0;
	s5 =	sld [smem:$0x3FA7]  }
0x2b: {  	s6 =	sld [smem:$0x3FA8]  }
0x2c: {  	s7 =	sld [smem:$0x3FA9]  }
0x2d: {  	s3 =	simm.s32 $0x108;
	s8 =	sld [smem:$0x3FAA]  }
0x2e: {  	s3 =	simm.s32 @!p0 $0x1082;
	s9 =	sld [smem:$0x3FAB]  }
0x2f: {  	lr =	sadd.s32 s0, s3;
	s0 =	sld [smem:$0x3FA2]  }
0x30: {  	s3 =	sld [smem:$0x3FA5]  }
0x31: {  	[smem:$0x3FAE] =	sst s10  }
0x32: {  	s10 =	sld [smem:$0x3FAC];
	_ =	sdelay $0x3  }
0x33: {  	p0 =	seq.s32 s10, $0x1;
	s10 =	sld [smem:$0x3FAE];
	_ =	sdelay $0x3  }
0x34: {  	[smem:$0x3FAE] =	sst s10  }
0x35: {  	s10 =	sld [smem:$0x3FAD];
	_ =	sdelay $0x3  }
0x36: {  	p1 =	seq.s32 s10, $0x1;
	s10 =	sld [smem:$0x3FAE];
	_ =	sdelay $0x3  }
0x37: {  	[smem:$0x3FAE] =	sst s10  }
0x38: {  	s10 =	sld [smem:$0x3FAF]  }
0x39: {  	_ = 	snop;
	(pc) =	sbr.ind lr, $3  }
0x3a: {  	_ = 	snop  }
0x3b: {  	_ = 	snop  }
0x3c: {  	p2 =	seq.s32 s10, $0x1;
	s10 =	sld [smem:$0x3FAE]  }
0x3d: {  	_ =	shalt  }
0x3e: {  	_ =	shalt  }
0x3f: {  	_ =	shalt  }
0x40: {  	_ =	shalt  }
0x41: {  	_ =	shalt  }
0x42: {  	_ =	shalt  }
0x43: {  	_ =	shalt  }
0x44: {  	_ =	shalt  }
0x45: {  	_ =	shalt  }
0x46: {  	_ =	shalt  }
0x47: {  	_ =	shalt  }
0x48: {  	_ =	shalt  }
0x49: {  	_ =	shalt  }
0x4a: {  	_ =	shalt  }
0x4b: {  	_ =	shalt  }
0x4c: {  	_ =	shalt  }
0x4d: {  	_ =	shalt  }
0x4e: {  	_ =	shalt  }
0x4f: {  	_ =	shalt  }
0x50: {  	_ =	shalt  }
0x51: {  	_ =	shalt  }
0x52: {  	_ =	shalt  }
0x53: {  	_ =	shalt  }
0x54: {  	_ =	shalt  }
0x55: {  	_ =	shalt  }
0x56: {  	_ =	shalt  }
0x57: {  	_ =	shalt  }
0x58: {  	_ =	shalt  }
0x59: {  	_ =	shalt  }
0x5a: {  	_ =	shalt  }
0x5b: {  	_ =	shalt  }
0x5c: {  	_ =	shalt  }
0x5d: {  	_ =	shalt  }
0x5e: {  	_ =	shalt  }
0x5f: {  	_ =	shalt  }
0x60: {  	_ =	shalt  }
0x61: {  	_ =	shalt  }
0x62: {  	_ =	shalt  }
0x63: {  	_ =	shalt  }
0x64: {  	_ =	shalt  }
0x65: {  	_ =	shalt  }
0x66: {  	_ =	shalt  }
0x67: {  	_ =	shalt  }
0x68: {  	_ =	shalt  }
0x69: {  	_ =	shalt  }
0x6a: {  	_ =	shalt  }
0x6b: {  	_ =	shalt  }
0x6c: {  	_ =	shalt  }
0x6d: {  	_ =	shalt  }
0x6e: {  	_ =	shalt  }
0x6f: {  	_ =	shalt  }
0x70: {  	_ =	shalt  }
0x71: {  	_ =	shalt  }
0x72: {  	_ =	shalt  }
0x73: {  	_ =	shalt  }
0x74: {  	_ =	shalt  }
0x75: {  	_ =	shalt  }
0x76: {  	_ =	shalt  }
0x77: {  	_ =	shalt  }
0x78: {  	_ =	shalt  }
0x79: {  	_ =	shalt  }
0x7a: {  	_ =	shalt  }
0x7b: {  	_ =	shalt  }
0x7c: {  	_ =	shalt  }
0x7d: {  	_ =	shalt  }
0x7e: {  	_ =	shalt  }
0x7f: {  	_ =	shalt  }
0x80: {  	_ =	shalt  }
0x81: {  	_ =	shalt  }
0x82: {  	_ =	shalt  }
0x83: {  	_ =	shalt  }
0x84: {  	_ =	shalt  }
0x85: {  	_ =	shalt  }
0x86: {  	_ =	shalt  }
0x87: {  	_ =	shalt  }
.Lfunc_end0:
.L_simem_size_0:
called_computation.8_lowered:
.L_overlay_start_0:
0x88: {  	s2 =	sld [smem:$0x3FD9]  }
0x89: {  	s3 =	sld [smem:$0x3FFE];
	_ =	sdelay $0x1  }
0x8a: {  	s1 =	srdreg.scid  }
0x8b: {  	s0 =	sand.u32 $0x1, s1  }
0x8c: {  	s17 =	sshll.u32 s0, $0xA;
	s2 =	sadd.s32 s3, s2  }
0x8d: {  	s2 =	sadd.s32 s2, s17  }
0x8e: {  	[smem:$0x3FBA] =	sst s2  }
0x8f: {  	_ = 	snop  }
0x90: {  	(tm) =	ssettm $0x1  }
0x91: {  	s18 =	sld [smem:$0x3FFB];
	_ =	sdelay $0x3  }
0x92: {  	_ =	strace s18  }
0x93: {  	s2 =	sld [smem:$0x3FFC];
	_ =	sdelay $0x3  }
0x94: {  	_ =	strace s2  }
0x95: {  	s2 =	sld [smem:$0x3FFD];
	_ =	sdelay $0x3  }
0x96: {  	_ =	strace s2  }
0x97: {  	_ =	strace $0x8FFFFFFF  }
0x98: {  	s19 =	sld [smem:$0x3FDB];
	_ =	sdelay $0x1  }
0x99: {  	s20 =	simm.s32 $_scs_section_size  }
0x9a: {  	s4 =	simm.s32 $_size__tile_overlayer_lowered;
	s5 =	simm.s32 $_tile_overlayer_lowered  }
0x9b: {  	s6 =	simm.s32 $0x1BFF;
	s21 =	sshll.u32 s5, $0x1;
	s3 =	sadd.s32 s20, s19  }
0x9c: {  	s22 =	simm.s32 $0x0;
	s4 =	sshll.u32 s4, $0x1;
	s5 =	sadd.s32 s21, s3  }
0x9d: {  	[timem:s22], [sflag:s6] =	dma.local [hbm:s5], s4  }
0x9e: {  	_ =	swait.ge [sflag:s6], s4  }
0x9f: {  	s4 =	ssub.s32 $0x0, s4;
	[sflag:s6] =	ssyncset.done $0x0  }
0xa0: {  	[sflag:s6] =	ssyncadd.s32 s4;
	_ =	sdelay $0x1  }
0xa1: {  	s23 =	simm.s32 $0x1B8B  }
0xa2: {  	_ =	swait.ge [sflag:s23], $0x1  }
0xa3: {  	[sflag:s23] =	ssyncset.done $0x0  }
0xa4: {  	[sflag:s23] =	ssyncadd.s32 $0xFFFFFFFF  }
0xa5: {  	s4 =	sld [smem:$0x0]  }
0xa6: {  	s5 =	sand.u32 $0xFFFFFFFE, s1  }
0xa7: {  	p0 =	sne.s32 s1, s5  }
0xa8: {  	s5 =	sshll.u32 @p0 s5, $0xE  }
0xa9: {  	s5 =	sadd.s32 @p0 $0x11B8D, s5;
	s6 =	sshll.u32 @p0 s4, $0x11  }
0xaa: {  	s5 =	sor.u32 @p0 s6, s5  }
0xab: {  	[sflag:s5] =	ssyncadd.remote.s32 @p0 $0x1;
	_ =	sdelay $0x1  }
0xac: {  	s5 =	simm.s32 @p0 $0x1B8D  }
0xad: {  	_ =	swait.eq @p0 [sflag:s5], $0x1  }
0xae: {  	[sflag:s5] =	ssyncadd.s32 @p0 $0xFFFFFFFF  }
0xaf: {  	s6 =	sshll.u32 @!p0 s1, $0xE  }
0xb0: {  	s6 =	sor.u32 @!p0 $0x4000, s6;
	s5 =	simm.s32 @!p0 $0x1B8D  }
0xb1: {  	s4 =	sshll.u32 @!p0 s4, $0x11;
	s6 =	sadd.s32 @!p0 $0x11B8D, s6;
	_ =	swait.eq @!p0 [sflag:s5], $0x1  }
0xb2: {  	s4 =	sor.u32 @!p0 s4, s6;
	[sflag:s5] =	ssyncadd.s32 @!p0 $0xFFFFFFFF  }
0xb3: {  	s25 =	simm.s32 $0x1B8E;
	s24 =	sld [smem:$0x3FFE];
	[sflag:s4] =	ssyncadd.remote.s32 @!p0 $0x1  }
0xb4: {  	s26 =	simm.s32 $execute0_lowered;
	[smem:$0x3FD2] =	sst s25  }
0xb5: {  	s5 =	sshll.u32 s26, $0x1;
	_ =	strace $0x8000005E;
	[dreg:$0x1] =	wrdreg $0xFFFFFFFF  }
0xb6: {  	s28 =	simm.s32 $_size_execute0_lowered;
	s3 =	sadd.s32 s3, s5;
	[dreg:$0x0] =	wrdreg $0x0  }
0xb7: {  	s5 =	sshll.u32 s28, $0x1;
	[dreg:$0x2] =	wrdreg s3  }
0xb8: {  	[dreg:$0x3] =	wrdreg s5  }
0xb9: {  	[dreg:$0x4] =	wrdreg $0xC0  }
0xba: {  	_ =	task [dreg:s22], $0x5FFFF  }
0xbb: {  	[dreg:$0x1] =	wrdreg $0xFFFFFFFF  }
0xbc: {  	[dreg:$0x0] =	wrdreg $0x60  }
0xbd: {  	[dreg:$0x2] =	wrdreg s24  }
0xbe: {  	[dreg:$0x3] =	wrdreg $0x4C000  }
0xbf: {  	[dreg:$0x4] =	wrdreg $0x9  }
0xc0: {  	_ =	task.clear_ibuf [dreg:s22], $0x5FFFF;
	_ =	strace $0x9000005E  }
0xc1: {  	s29 =	simm.s32 $0x9;
	_ =	strace $0x80000060  }
0xc2: {  	_ =	swait.ge [sflag:s29], $0x1  }
0xc3: {  	[sflag:s29] =	ssyncadd.s32 $0xFFFFFFFF  }
0xc4: {  	_ =	strace $0x90000060  }
0xc5: {  	_ =	sfence  }
0xc6: {  	s30 =	sld [smem:$0x0];
	_ =	sdelay $0x2  }
0xc7: {  	s31 =	sshll.u32 s1, $0xD;
	s1 =	sshrl.u32 s1, $0x2  }
0xc8: {  	s4 =	sand.u32 $0x4000, s31;
	s1 =	sadd.s32 s1, s30  }
0xc9: {  	s0 =	sor.u32 s4, s0;
	s1 =	sshll.u32 s1, $0x11  }
0xca: {  	s0 =	sor.u32 s1, s0  }
0xcb: {  	s0 =	sadd.s32 $0x8F2B, s0  }
0xcc: {  	[sflag:s0] =	ssyncadd.remote.s32 $0x1  }
0xcd: {  	_ =	sfence.sel $0xFFFF  }
0xce: {  	[dreg:$0x0] =	wrdreg $0xFFFFFFFF;
	(pc) =	sbr.abs _section_cstart, $3  }
0xcf: {  	[dreg:$0x1] =	wrdreg $0xFFFFFFFF  }
0xd0: {  	_ =	task.clear_ibuf [dreg:s22], $0x2FFFF;
	_ =	strace $0x9FFFFFFF  }
0xd1: {  	(tm) =	ssettm $0x7FFFFFFF  }
tec
execute0_lowered:
.L_overlay_start_1:
0x0: {  	(tag) =	ssettag $0x1  }
0x1: {  	s1 =	stileid.u32  }
0x2: {  	s8 =	smul.u32 $0x14000, s1  }
0x3: {  	s0 =	srdreg.scid;
	s25 =	smul.u32 $0x50000, s1  }
0x4: {  	s4 =	rddreg [dreg:$0x0];
	s28 =	smul.u32 $0x140, s1  }
0x5: {  	s2 =	rddreg [dreg:$0x1];
	s5 =	sand.u32 $0x1, s0;
	s13 =	smul.u32 $0xA000, s1  }
0x6: {  	s3 =	simm.s32 $0x0;
	s0 =	rddreg [dreg:$0x2];
	s6 =	smul.u32 $0xA0000, s5  }
0x7: {  	s14 =	simm.s32 $0x0;
	[smem:$0x7FF] =	sst s3;
	s7 =	smul.u32 $0x1400, s5  }
0x8: {  	s29 =	sshll.u32 s1, $0x6;
	s9 =	smul.u32 $0x140000, s5;
	s5 =	ssub.s32 $0x2, s5  }
0x9: {  	_ =	strace $0x8000005F;
	s24 =	sshrl.u32 s8, $0x3;
	s26 =	sshrl.u32 s5, $0x1  }
0xa: {  	s10 =	sadd.s32 s6, s4;
	s7 =	sadd.s32 s7, s4;
	s8 =	sadd.s32 s8, s9  }
0xb: {  	s6 =	sadd.s32 s24, s4;
	s9 =	sshrl.u32 s25, $0x2;
	s11 =	ssub.s32 s5, s26  }
0xc: {  	s5 =	sor.u32 $0x1C01, s29;
	s8 =	sshrl.u32 s8, $0x3;
	s12 =	sadd.s32 s9, s2  }
0xd: {  	s30 =	sadd.s32 s28, s7;
	s7 =	smax.u32 s11, $0x1;
	s31 =	sadd.s32 s13, s10  }
0xe: {  	s11 =	simm.s32 $0x1;
	s8 =	sadd.s32 s8, s4;
	s4 =	sadd.s32 $0x2BE400, s6  }
0xf: {  	s9 =	sadd.s32 $0x179400, s31;
	s10 =	sshrl.u32 s12, $0x3;
	s12 =	simm.s32 $0xC00  }
0x10: {  	s13 =	simm.s32 $0x80;
	s6 =	sadd.s32 $0x4C6C00, s8;
	s8 =	sadd.s32 $0x176C00, s30  }
.LBB2_1:
0x11: {  	[spmem:s10], [sflag:s5] =	dma.local [hbm:s4], $0x2800  }
0x12: {  	_ =	swait.ge [sflag:s11], $0x2800  }
0x13: {  	[sflag:s11] =	ssyncset.done $0x0  }
0x14: {  	s15 =	sadd.s32 $0x0, s8;
	[sflag:s11] =	ssyncadd.s32 $0xFFFFD800  }
0x15: {  	[tilespmem:s3], [sflag:$0x1] =	stream.linear.gather [hbm4b:s15+s3], $0x80, $0x38;
	[tilespmem:$0x18C00] =	vst v63  }
0x16: {  	_ =	swait.ge [sflag:s11], $0x80  }
0x17: {  	s16 =	simm.s32 $0x0;
	s15 =	simm.s32 $0x10;
	[sflag:s11] =	ssyncset.done $0x0  }
.LBB2_2:
0x18: {  	s17 =	sadd.s32 s15, s8  }
0x19: {  	[sflag:s11] =	ssyncadd.s32 $0xFFFFFF80;
	s16 =	sadd.s32 $0x80, s16;
	p0 =	sne.s32 s15, $0x130  }
0x1a: {  	[tilespmem:s16], [sflag:$0x1] =	stream.linear.gather [hbm4b:s17+s3], $0x80, $0x38;
	[tilespmem:$0x18C00] =	vst v63  }
.Ltmp0:
0x1b: {  	_ = 	snop;
	(pc) =	sbr.rel @p0 .LBB2_2-.Ltmp0, $4  }
0x1c: {  	_ = 	snop  }
0x1d: {  	s15 =	sadd.s32 $0x10, s15  }
0x1e: {  	_ =	swait.ge [sflag:s11], $0x80  }
0x1f: {  	[sflag:s11] =	ssyncset.done $0x0  }
0x20: {  	[sflag:s11] =	ssyncadd.s32 $0xFFFFFF80  }
0x21: {  	[bflag:$0x0] =	sbarrier.arrive $0xFFFF  }
0x22: {  	[tilespmem:s12], [sflag:$0x1] =	stream.linear.gather [hbm4b:s9+s3], $0x4000, $0x38;
	[tilespmem:$0x18C00] =	vst v63  }
0x23: {  	_ =	swait.ge [sflag:s11], $0x4000  }
0x24: {  	[sflag:s11] =	ssyncset.done $0x0  }
0x25: {  	s15 =	simm.s32 $0x0;
	[sflag:s11] =	ssyncadd.s32 $0xFFFFC000  }
0x26: {  	[spmem:s2] =	stream.indirect.scatter.add.f32 [tilespmem:s12], [sflag:$0x1], $0x80, s15, s13, $0xb8;
	[tilespmem:$0x18C00] =	vst v63  }
0x27: {  	_ =	swait.ge [sflag:s11], $0x4000  }
0x28: {  	s16 =	smov.u32 s9;
	s15 =	simm.s32 $0x200;
	[sflag:s11] =	ssyncset.done $0x0  }
.LBB2_4:
0x29: {  	p0 =	sne.s32 s15, $0x2600;
	[sflag:s11] =	ssyncadd.s32 $0xFFFFC000;
	s16 =	sadd.s32 $0x800, s16  }
0x2a: {  	[tilespmem:s12], [sflag:$0x1] =	stream.linear.gather [hbm4b:s16+s3], $0x4000, $0x38;
	[tilespmem:$0x18C00] =	vst v63  }
0x2b: {  	s17 =	smov.u32 s15;
	s15 =	sadd.s32 $0x200, s15;
	_ =	swait.ge [sflag:s11], $0x4000  }
.Ltmp1:
0x2c: {  	[sflag:s11] =	ssyncset.done $0x0;
	(pc) =	sbr.rel @p0 .LBB2_4-.Ltmp1, $4  }
0x2d: {  	s17 =	sshra.s32 s17, $0x2;
	[sflag:s11] =	ssyncadd.s32 $0xFFFFC000  }
0x2e: {  	[spmem:s2] =	stream.indirect.scatter.add.f32 [tilespmem:s12], [sflag:$0x1], $0x80, s17, s13, $0xb8;
	[tilespmem:$0x18C00] =	vst v63  }
0x2f: {  	_ =	swait.ge [sflag:s11], $0x4000  }
0x30: {  	[sflag:s11] =	ssyncset.done $0x0  }
0x31: {  	s14 =	sadd.s32 $0x1, s14  }
0x32: {  	[sflag:s11] =	ssyncadd.s32 $0xFFFFC000;
	p0 =	sne.s32 s14, s7  }
.Ltmp2:
0x33: {  	[bflag:$0x0] =	sbarrier.arrive $0xFFFF;
	(pc) =	sbr.rel @p0 .LBB2_1-.Ltmp2, $4  }
0x34: {  	[hbm:s6], [sflag:s5] =	dma.local [spmem:s10], $0x2800  }
0x35: {  	_ =	swait.ge [sflag:s11], $0x2800  }
0x36: {  	[sflag:s11] =	ssyncset.done $0x0  }
0x37: {  	[sflag:s11] =	ssyncadd.s32 $0xFFFFD800  }
0x38: {  	_ =	sfence.sel $0x180000  }
0x39: {  	[bflag:$0x0] =	sbarrier.arrive $0xFFFF  }
0x3a: {  	p0 =	sne.s32 s1, $0x0;
	_ =	strace $0x9000005F  }
0x3b: {  	s0 =	sadd.s32 @!p0 $0x100000, s0;
	[bflag:$0x2] =	sbarrier.arrive $0xFFFF  }
0x3c: {  	[sflag:s0] =	ssyncadd.tile.s32 @!p0 $0x1;
	_ =	shalt  }
.Lfunc_end2:
_tile_overlayer_lowered:
.L_overlay_start_2:
0x3d: {  	(tag) =	ssettag $0x2  }
0x3e: {  	s0 =	rddreg [dreg:$0x0];
	s2 =	stileid.u32  }
0x3f: {  	s1 =	rddreg [dreg:$0x1];
	p0 =	sne.s32 s2, $0x0  }
0x40: {  	s3 =	rddreg [dreg:$0x2];
	[bflag:$0x3] =	sbarrier.arrive $0xFFFF;
	s2 =	simm.s32 @!p0 $0x1C01  }
0x41: {  	[timem:s3], [sflag:s2] =	dma.local @!p0 [hbm:s0], s1  }
0x42: {  	s0 =	simm.s32 @!p0 $0x1  }
0x43: {  	_ =	swait.ge @!p0 [sflag:s0], s1  }
0x44: {  	s1 =	ssub.s32 @!p0 $0x0, s1;
	[sflag:s0] =	ssyncset.done @!p0 $0x0  }
0x45: {  	[sflag:s0] =	ssyncadd.s32 @!p0 s1  }
0x46: {  	[bflag:$0x3] =	sbarrier.arrive $0xFFFF  }
0x47: {  	_ =	shalt  }

</sc_bundles>
